<compile_context>
chip_gen: v7x
topology: tpu7x:2x2x1
jax: 0.10.2.dev20260603
libtpu: 0.0.44.dev20260713+nightly
codegen_flags: <defaults>
</compile_context>

<pallas_src>
import functools

import jax
import jax.numpy as jnp
from jax import lax
from jax.experimental import pallas as pl
from jax.experimental.pallas import tpu as pltpu
from jax.experimental.pallas import tpu_sc as plsc

N_ATOMS = 500000
N_TORSIONS = 2000000
NT_HALF = N_TORSIONS // 2
L = 16
C = 400
NCHUNKS = NT_HALF // C
NC = 2
NS = 16
NW = NC * NS
ITERS_PER_W = -(-NCHUNKS // NW)
NPAIRS = -(-ITERS_PER_W // 2)
NPIECE = 6000
NPIECES = (3 * N_ATOMS) // NPIECE

_PI = 3.14159265358979


def _rsqrt(y):
    i = plsc.bitcast(y, jnp.int32)
    i = jnp.int32(0x5F3759DF) - (i >> 1)
    r = plsc.bitcast(i, jnp.float32)
    for _ in range(3):
        r = r * (1.5 - 0.5 * y * r * r)
    return r


def _acos(x):
    t = jnp.abs(x)
    y = 1.0 - t
    s = y * _rsqrt(jnp.maximum(y, 1e-30))
    p = -0.0012624911
    for a in (0.0066700901, -0.0170881256, 0.0308918810, -0.0501743046,
              0.0889789874, -0.2145988016, 1.5707963050):
        p = p * t + a
    r = s * p
    return jnp.where(x >= 0, r, _PI - r)


def _torsion_sc_kernel(tors_hbm, coords_hbm, out_hbm,
                       table_sh, idx_v,
                       ga0, ga1, ga2, ga3, gb0, gb1, gb2, gb3,
                       ra0, ra1, ra2, ra3, rb0, rb1, rb2, rb3,
                       stage_v, out_v,
                       sa0, sa1, sa2, sa3, sb0, sb1, sb2, sb3):
    gidx = [[ga0, ga1, ga2, ga3], [gb0, gb1, gb2, gb3]]
    rows = [[ra0, ra1, ra2, ra3], [rb0, rb1, rb2, rb3]]
    sems = [[sa0, sa1, sa2, sa3], [sb0, sb1, sb2, sb3]]
    cid = lax.axis_index("c")
    sid = lax.axis_index("s")
    wid = sid * NC + cid

    def stage(q0, carry):
        q = sid + q0 * NS

        @pl.when(q < NPIECES)
        def _():
            pltpu.sync_copy(coords_hbm.at[pl.ds(q * NPIECE, NPIECE)], stage_v)
            pltpu.sync_copy(stage_v, table_sh.at[pl.ds(q * NPIECE, NPIECE)])

        return carry

    lax.fori_loop(0, -(-NPIECES // NS), stage, 0)
    plsc.subcore_barrier()

    def load_and_build(g, s):
        for p in range(4):
            pltpu.sync_copy(tors_hbm.at[pl.ds(p * NT_HALF + g * C, C)],
                            idx_v.at[pl.ds(p * C, C)])

        def build(b, carry):
            o = b * L
            for p in range(4):
                ap = idx_v[pl.ds(p * C + o, L)]
                for c in range(3):
                    gidx[s][p][pl.ds(c * C + o, L)] = ap + c * N_ATOMS
            return carry

        lax.fori_loop(0, C // L, build, 0)

    def fire(s):
        for p in range(4):
            pltpu.async_copy(table_sh.at[gidx[s][p]], rows[s][p], sems[s][p])

    def drain(s):
        for p in range(4):
            pltpu.make_async_copy(table_sh.at[gidx[s][p]], rows[s][p],
                                  sems[s][p]).wait()

    def compute(g, s):
        def body(b, carry):
            o = b * L
            r = [[rows[s][p][pl.ds(c * C + o, L)]
                  for c in range(3)] for p in range(4)]
            b1 = [r[1][c] - r[0][c] for c in range(3)]
            b2 = [r[2][c] - r[1][c] for c in range(3)]
            b3 = [r[3][c] - r[2][c] for c in range(3)]
            n1 = [b1[1] * b2[2] - b1[2] * b2[1],
                  b1[2] * b2[0] - b1[0] * b2[2],
                  b1[0] * b2[1] - b1[1] * b2[0]]
            n2 = [b2[1] * b3[2] - b2[2] * b3[1],
                  b2[2] * b3[0] - b2[0] * b3[2],
                  b2[0] * b3[1] - b2[1] * b3[0]]
            d = n1[0] * n2[0] + n1[1] * n2[1] + n1[2] * n2[2]
            n1sq = n1[0] * n1[0] + n1[1] * n1[1] + n1[2] * n1[2]
            n2sq = n2[0] * n2[0] + n2[1] * n2[1] + n2[2] * n2[2]
            sdot = n1[0] * b3[0] + n1[1] * b3[1] + n1[2] * b3[2]
            denom = n1sq * n2sq
            sq = denom * _rsqrt(jnp.maximum(denom, 1e-35))
            cos_raw = d / sq
            cos_cl = jnp.minimum(jnp.maximum(cos_raw, -0.999999999), 0.99999999)
            is_nan = cos_raw != cos_raw
            cos = jnp.where(is_nan, cos_raw, cos_cl)
            phi = _acos(cos)
            phi = jnp.where(is_nan, cos, phi)
            phi = jnp.where(sdot > 0, phi, -phi)
            out_v[pl.ds(o, L)] = phi
            return carry

        lax.fori_loop(0, C // L, body, 0)
        pltpu.sync_copy(out_v, out_hbm.at[pl.ds(g * C, C)])

    g0_first = wid

    @pl.when(g0_first < NCHUNKS)
    def _():
        load_and_build(g0_first, 0)
        fire(0)

    def pair(k, carry):
        g0 = wid + (2 * k) * NW
        g1 = g0 + NW
        g2 = g1 + NW

        @pl.when(g1 < NCHUNKS)
        def _():
            load_and_build(g1, 1)

        @pl.when(g0 < NCHUNKS)
        def _():
            drain(0)

        @pl.when(g1 < NCHUNKS)
        def _():
            fire(1)

        @pl.when(g0 < NCHUNKS)
        def _():
            compute(g0, 0)

        @pl.when(g2 < NCHUNKS)
        def _():
            load_and_build(g2, 0)

        @pl.when(g1 < NCHUNKS)
        def _():
            drain(1)

        @pl.when(g2 < NCHUNKS)
        def _():
            fire(0)

        @pl.when(g1 < NCHUNKS)
        def _():
            compute(g1, 1)

        return carry

    lax.fori_loop(0, NPAIRS, pair, 0)


def kernel(coords, torsions):
    coords_t = coords.T.reshape(-1)
    tors_a = torsions[:NT_HALF].T.reshape(-1)
    tors_b = torsions[NT_HALF:].T.reshape(-1)

    mesh = plsc.VectorSubcoreMesh(core_axis_name="c", subcore_axis_name="s")
    run = functools.partial(
        pl.kernel,
        mesh=mesh,
        compiler_params=pltpu.CompilerParams(needs_layout_passes=False,
                                             use_tc_tiling_on_sc=False),
        out_type=jax.ShapeDtypeStruct((NT_HALF,), jnp.float32),
        scratch_types=[
            pltpu.VMEM_SHARED((3 * N_ATOMS,), jnp.float32),
            pltpu.VMEM((4 * C,), jnp.int32),
        ] + [pltpu.VMEM((3 * C,), jnp.int32) for _ in range(8)]
          + [pltpu.VMEM((3 * C,), jnp.float32) for _ in range(8)]
          + [pltpu.VMEM((NPIECE,), jnp.float32)]
          + [pltpu.VMEM((C,), jnp.float32)]
          + [pltpu.SemaphoreType.DMA for _ in range(8)],
    )(_torsion_sc_kernel)
    out_a = run(tors_a, coords_t)
    out_b = run(tors_b, coords_t)
    return jnp.concatenate([out_a, out_b])

# --- scband reference (transcript-rebuilt; emitter-appended) ---
"""Pipeline reference for scband-torsion-5454608466123 (READ-ONLY COPY).

The authoritative reference and input builder live on the scoring server;
editing this copy changes nothing except your own understanding.
"""

import jax, jax.numpy as jnp
import numpy as np

N_ATOMS = 500000
N_TORSIONS = 2000000


def setup_inputs(seed: int = 0) -> dict:
    key = jax.random.key(seed)
    k1, k2 = jax.random.split(key)
    coords = jax.random.normal(k1, (N_ATOMS, 3), dtype=jnp.float32) * 10.0
    torsions = jax.random.randint(k2, (N_TORSIONS, 4), 0, N_ATOMS, dtype=jnp.int32)
    return {"coords": coords, "torsions": torsions}


def reference(coords, torsions):
    i = torsions[:, 0]
    j = torsions[:, 1]
    k = torsions[:, 2]
    l = torsions[:, 3]
    r_i = jnp.take(coords, i, axis=0)
    r_j = jnp.take(coords, j, axis=0)
    r_k = jnp.take(coords, k, axis=0)
    r_l = jnp.take(coords, l, axis=0)
    b1 = r_j - r_i
    b2 = r_k - r_j
    b3 = r_l - r_k
    n1 = jnp.cross(b1, b2)
    n2 = jnp.cross(b2, b3)
    n1_norm = jnp.linalg.norm(n1, axis=1)
    n2_norm = jnp.linalg.norm(n2, axis=1)
    cosval = jnp.sum(n1 * n2, axis=1) / (n1_norm * n2_norm)
    cosval = jnp.clip(cosval, -0.999999999, 0.99999999)
    phi = jnp.arccos(cosval)
    sign = jnp.sign(jnp.sum(n1 * b3, axis=1))
    phi = jnp.where(sign > 0, phi, -phi)
    return phi

if __name__ == "__main__":
    import jax
    _d = setup_inputs()
    print(jax.jit(kernel)(*tuple(_d.values())))

</pallas_src>

<mosaic_0001>
#map = affine_map<(d0, d1) -> (0)>
module attributes {stable_mosaic.version = 14 : i64} {
  func.func @_torsion_sc_kernel(%arg0: i32, %arg1: i32, %arg2: memref<4000000xi32, #tpu.memory_space<hbm>>, %arg3: memref<1500000xf32, #tpu.memory_space<hbm>>, %arg4: memref<1000000xf32, #tpu.memory_space<hbm>>, %arg5: memref<1500000xf32, #tpu.memory_space<vmem_shared>>, %arg6: memref<1600xi32, #tpu.memory_space<vmem>>, %arg7: memref<1200xi32, #tpu.memory_space<vmem>>, %arg8: memref<1200xi32, #tpu.memory_space<vmem>>, %arg9: memref<1200xi32, #tpu.memory_space<vmem>>, %arg10: memref<1200xi32, #tpu.memory_space<vmem>>, %arg11: memref<1200xi32, #tpu.memory_space<vmem>>, %arg12: memref<1200xi32, #tpu.memory_space<vmem>>, %arg13: memref<1200xi32, #tpu.memory_space<vmem>>, %arg14: memref<1200xi32, #tpu.memory_space<vmem>>, %arg15: memref<1200xf32, #tpu.memory_space<vmem>>, %arg16: memref<1200xf32, #tpu.memory_space<vmem>>, %arg17: memref<1200xf32, #tpu.memory_space<vmem>>, %arg18: memref<1200xf32, #tpu.memory_space<vmem>>, %arg19: memref<1200xf32, #tpu.memory_space<vmem>>, %arg20: memref<1200xf32, #tpu.memory_space<vmem>>, %arg21: memref<1200xf32, #tpu.memory_space<vmem>>, %arg22: memref<1200xf32, #tpu.memory_space<vmem>>, %arg23: memref<6000xf32, #tpu.memory_space<vmem>>, %arg24: memref<400xf32, #tpu.memory_space<vmem>>, %arg25: memref<!tpu.dma_semaphore, #tpu.memory_space<semaphore_mem>>, %arg26: memref<!tpu.dma_semaphore, #tpu.memory_space<semaphore_mem>>, %arg27: memref<!tpu.dma_semaphore, #tpu.memory_space<semaphore_mem>>, %arg28: memref<!tpu.dma_semaphore, #tpu.memory_space<semaphore_mem>>, %arg29: memref<!tpu.dma_semaphore, #tpu.memory_space<semaphore_mem>>, %arg30: memref<!tpu.dma_semaphore, #tpu.memory_space<semaphore_mem>>, %arg31: memref<!tpu.dma_semaphore, #tpu.memory_space<semaphore_mem>>, %arg32: memref<!tpu.dma_semaphore, #tpu.memory_space<semaphore_mem>>) attributes {dimension_semantics = [#tpu.dimension_semantics<core_parallel>, #tpu.dimension_semantics<subcore_parallel>], iteration_bounds = array<i64: 2, 16>, scalar_prefetch = 0 : i64, scratch_operands = 28 : i64, tpu.core_type = #tpu.core_type<sc_vector_subcore>, window_params = [{transform_indices = #map}, {transform_indices = #map}, {transform_indices = #map}]} {
    %mul3A = arith.constant 2 : i32
    %mul3A_0 = arith.muli %arg1, %mul3A : i32
    %add3A = arith.addi %mul3A_0, %arg0 : i32
    %scan3A = arith.constant 0 : i32
    %scan3A_1 = arith.constant 0 : i32
    %scan3A_2 = arith.constant 16 : i32
    %scan3A_3 = arith.addi %scan3A_1, %scan3A_2 : i32
    %scan3A_4 = arith.constant 1 : i32
    scf.for %scan3A_14 = %scan3A_1 to %scan3A_3 step %scan3A_4  : i32 {
      %mul3A_15 = arith.constant 16 : i32
      %mul3A_16 = arith.muli %scan3A_14, %mul3A_15 : i32
      %add3A_17 = arith.addi %arg1, %mul3A_16 : i32
      %lt3A_18 = arith.constant 250 : i32
      %lt3A_19 = arith.cmpi slt, %add3A_17, %lt3A_18 : i32
      %convert_element_type3A_20 = arith.extui %lt3A_19 : i1 to i32
      %cond3A_21 = arith.constant 0 : i32
      %cond3A_22 = arith.cmpi ne, %convert_element_type3A_20, %cond3A_21 : i32
      scf.if %cond3A_22 {
        %mul3A_23 = arith.constant 6000 : i32
        %mul3A_24 = arith.muli %add3A_17, %mul3A_23 : i32
        "tpu.region"() ({
          %run_scoped3A = tpu.sem_alloc : memref<!tpu.dma_semaphore, #tpu.memory_space<semaphore_mem>>
          %dma_start3A = tpu.memref_slice %arg3[%mul3A_24] : memref<1500000xf32, #tpu.memory_space<hbm>> -> memref<6000xf32, #tpu.memory_space<hbm>>
          %dma_start3A_27 = tpu.memref_slice %arg3[%mul3A_24] : memref<1500000xf32, #tpu.memory_space<hbm>> -> memref<6000xf32, #tpu.memory_space<hbm>>
          tpu.enqueue_dma source(%dma_start3A_27 : memref<6000xf32, #tpu.memory_space<hbm>>) target(%arg23 : memref<6000xf32, #tpu.memory_space<vmem>>) target_semaphore(%run_scoped3A : memref<!tpu.dma_semaphore, #tpu.memory_space<semaphore_mem>>)
          %dma_wait3A = tpu.memref_slice %arg3[%mul3A_24] : memref<1500000xf32, #tpu.memory_space<hbm>> -> memref<6000xf32, #tpu.memory_space<hbm>>
          %dma_wait3A_28 = tpu.memref_slice %arg3[%mul3A_24] : memref<1500000xf32, #tpu.memory_space<hbm>> -> memref<6000xf32, #tpu.memory_space<hbm>>
          tpu.wait_dma2 semaphore(%run_scoped3A : memref<!tpu.dma_semaphore, #tpu.memory_space<semaphore_mem>>) src(%dma_wait3A_28 : memref<6000xf32, #tpu.memory_space<hbm>>) dst(%arg23 : memref<6000xf32, #tpu.memory_space<vmem>>)
          tpu.yield
        }) : () -> ()
        %mul3A_25 = arith.constant 6000 : i32
        %mul3A_26 = arith.muli %add3A_17, %mul3A_25 : i32
        "tpu.region"() ({
          %run_scoped3A = tpu.sem_alloc : memref<!tpu.dma_semaphore, #tpu.memory_space<semaphore_mem>>
          %dma_start3A = tpu.memref_slice %arg5[%mul3A_26] : memref<1500000xf32, #tpu.memory_space<vmem_shared>> -> memref<6000xf32, #tpu.memory_space<vmem_shared>>
          %dma_start3A_27 = tpu.memref_slice %arg5[%mul3A_26] : memref<1500000xf32, #tpu.memory_space<vmem_shared>> -> memref<6000xf32, #tpu.memory_space<vmem_shared>>
          tpu.enqueue_dma source(%arg23 : memref<6000xf32, #tpu.memory_space<vmem>>) target(%dma_start3A_27 : memref<6000xf32, #tpu.memory_space<vmem_shared>>) target_semaphore(%run_scoped3A : memref<!tpu.dma_semaphore, #tpu.memory_space<semaphore_mem>>)
          %dma_wait3A = tpu.memref_slice %arg5[%mul3A_26] : memref<1500000xf32, #tpu.memory_space<vmem_shared>> -> memref<6000xf32, #tpu.memory_space<vmem_shared>>
          %dma_wait3A_28 = tpu.memref_slice %arg5[%mul3A_26] : memref<1500000xf32, #tpu.memory_space<vmem_shared>> -> memref<6000xf32, #tpu.memory_space<vmem_shared>>
          tpu.wait_dma2 semaphore(%run_scoped3A : memref<!tpu.dma_semaphore, #tpu.memory_space<semaphore_mem>>) src(%arg23 : memref<6000xf32, #tpu.memory_space<vmem>>) dst(%dma_wait3A_28 : memref<6000xf32, #tpu.memory_space<vmem_shared>>)
          tpu.yield
        }) : () -> ()
      } else {
      }
    }
    %scan3A_5 = arith.constant 16 : i32
    %barrier3A = arith.constant 0 : index
    tpu.barrier barrier_id(%barrier3A)
    %lt3A = arith.constant 2500 : i32
    %lt3A_6 = arith.cmpi slt, %add3A, %lt3A : i32
    %convert_element_type3A = arith.extui %lt3A_6 : i1 to i32
    %cond3A = arith.constant 0 : i32
    %cond3A_7 = arith.cmpi ne, %convert_element_type3A, %cond3A : i32
    scf.if %cond3A_7 {
      %mul3A_14 = arith.constant 400 : i32
      %mul3A_15 = arith.muli %add3A, %mul3A_14 : i32
      %add3A_16 = arith.constant 0 : i32
      %add3A_17 = arith.addi %add3A_16, %mul3A_15 : i32
      "tpu.region"() ({
        %run_scoped3A = tpu.sem_alloc : memref<!tpu.dma_semaphore, #tpu.memory_space<semaphore_mem>>
        %dma_start3A_43 = arith.constant 0 : i32
        %dma_start3A_44 = tpu.memref_slice %arg6[%dma_start3A_43] : memref<1600xi32, #tpu.memory_space<vmem>> -> memref<400xi32, #tpu.memory_space<vmem>>
        %dma_start3A_45 = tpu.memref_slice %arg2[%add3A_17] : memref<4000000xi32, #tpu.memory_space<hbm>> -> memref<400xi32, #tpu.memory_space<hbm>>
        %dma_start3A_46 = arith.constant 0 : i32
        %dma_start3A_47 = tpu.memref_slice %arg6[%dma_start3A_46] : memref<1600xi32, #tpu.memory_space<vmem>> -> memref<400xi32, #tpu.memory_space<vmem>>
        %dma_start3A_48 = tpu.memref_slice %arg2[%add3A_17] : memref<4000000xi32, #tpu.memory_space<hbm>> -> memref<400xi32, #tpu.memory_space<hbm>>
        tpu.enqueue_dma source(%dma_start3A_48 : memref<400xi32, #tpu.memory_space<hbm>>) target(%dma_start3A_47 : memref<400xi32, #tpu.memory_space<vmem>>) target_semaphore(%run_scoped3A : memref<!tpu.dma_semaphore, #tpu.memory_space<semaphore_mem>>)
        %dma_wait3A = arith.constant 0 : i32
        %dma_wait3A_49 = tpu.memref_slice %arg6[%dma_wait3A] : memref<1600xi32, #tpu.memory_space<vmem>> -> memref<400xi32, #tpu.memory_space<vmem>>
        %dma_wait3A_50 = tpu.memref_slice %arg2[%add3A_17] : memref<4000000xi32, #tpu.memory_space<hbm>> -> memref<400xi32, #tpu.memory_space<hbm>>
        %dma_wait3A_51 = arith.constant 0 : i32
        %dma_wait3A_52 = tpu.memref_slice %arg6[%dma_wait3A_51] : memref<1600xi32, #tpu.memory_space<vmem>> -> memref<400xi32, #tpu.memory_space<vmem>>
        %dma_wait3A_53 = tpu.memref_slice %arg2[%add3A_17] : memref<4000000xi32, #tpu.memory_space<hbm>> -> memref<400xi32, #tpu.memory_space<hbm>>
        tpu.wait_dma2 semaphore(%run_scoped3A : memref<!tpu.dma_semaphore, #tpu.memory_space<semaphore_mem>>) src(%dma_wait3A_53 : memref<400xi32, #tpu.memory_space<hbm>>) dst(%dma_wait3A_52 : memref<400xi32, #tpu.memory_space<vmem>>)
        tpu.yield
      }) : () -> ()
      %mul3A_18 = arith.constant 400 : i32
      %mul3A_19 = arith.muli %add3A, %mul3A_18 : i32
      %add3A_20 = arith.constant 1000000 : i32
      %add3A_21 = arith.addi %add3A_20, %mul3A_19 : i32
      "tpu.region"() ({
        %run_scoped3A = tpu.sem_alloc : memref<!tpu.dma_semaphore, #tpu.memory_space<semaphore_mem>>
        %dma_start3A_43 = arith.constant 400 : i32
        %dma_start3A_44 = tpu.memref_slice %arg6[%dma_start3A_43] : memref<1600xi32, #tpu.memory_space<vmem>> -> memref<400xi32, #tpu.memory_space<vmem>>
        %dma_start3A_45 = tpu.memref_slice %arg2[%add3A_21] : memref<4000000xi32, #tpu.memory_space<hbm>> -> memref<400xi32, #tpu.memory_space<hbm>>
        %dma_start3A_46 = arith.constant 400 : i32
        %dma_start3A_47 = tpu.memref_slice %arg6[%dma_start3A_46] : memref<1600xi32, #tpu.memory_space<vmem>> -> memref<400xi32, #tpu.memory_space<vmem>>
        %dma_start3A_48 = tpu.memref_slice %arg2[%add3A_21] : memref<4000000xi32, #tpu.memory_space<hbm>> -> memref<400xi32, #tpu.memory_space<hbm>>
        tpu.enqueue_dma source(%dma_start3A_48 : memref<400xi32, #tpu.memory_space<hbm>>) target(%dma_start3A_47 : memref<400xi32, #tpu.memory_space<vmem>>) target_semaphore(%run_scoped3A : memref<!tpu.dma_semaphore, #tpu.memory_space<semaphore_mem>>)
        %dma_wait3A = arith.constant 400 : i32
        %dma_wait3A_49 = tpu.memref_slice %arg6[%dma_wait3A] : memref<1600xi32, #tpu.memory_space<vmem>> -> memref<400xi32, #tpu.memory_space<vmem>>
        %dma_wait3A_50 = tpu.memref_slice %arg2[%add3A_21] : memref<4000000xi32, #tpu.memory_space<hbm>> -> memref<400xi32, #tpu.memory_space<hbm>>
        %dma_wait3A_51 = arith.constant 400 : i32
        %dma_wait3A_52 = tpu.memref_slice %arg6[%dma_wait3A_51] : memref<1600xi32, #tpu.memory_space<vmem>> -> memref<400xi32, #tpu.memory_space<vmem>>
        %dma_wait3A_53 = tpu.memref_slice %arg2[%add3A_21] : memref<4000000xi32, #tpu.memory_space<hbm>> -> memref<400xi32, #tpu.memory_space<hbm>>
        tpu.wait_dma2 semaphore(%run_scoped3A : memref<!tpu.dma_semaphore, #tpu.memory_space<semaphore_mem>>) src(%dma_wait3A_53 : memref<400xi32, #tpu.memory_space<hbm>>) dst(%dma_wait3A_52 : memref<400xi32, #tpu.memory_space<vmem>>)
        tpu.yield
      }) : () -> ()
      %mul3A_22 = arith.constant 400 : i32
      %mul3A_23 = arith.muli %add3A, %mul3A_22 : i32
      %add3A_24 = arith.constant 2000000 : i32
      %add3A_25 = arith.addi %add3A_24, %mul3A_23 : i32
      "tpu.region"() ({
        %run_scoped3A = tpu.sem_alloc : memref<!tpu.dma_semaphore, #tpu.memory_space<semaphore_mem>>
        %dma_start3A_43 = arith.constant 800 : i32
        %dma_start3A_44 = tpu.memref_slice %arg6[%dma_start3A_43] : memref<1600xi32, #tpu.memory_space<vmem>> -> memref<400xi32, #tpu.memory_space<vmem>>
        %dma_start3A_45 = tpu.memref_slice %arg2[%add3A_25] : memref<4000000xi32, #tpu.memory_space<hbm>> -> memref<400xi32, #tpu.memory_space<hbm>>
        %dma_start3A_46 = arith.constant 800 : i32
        %dma_start3A_47 = tpu.memref_slice %arg6[%dma_start3A_46] : memref<1600xi32, #tpu.memory_space<vmem>> -> memref<400xi32, #tpu.memory_space<vmem>>
        %dma_start3A_48 = tpu.memref_slice %arg2[%add3A_25] : memref<4000000xi32, #tpu.memory_space<hbm>> -> memref<400xi32, #tpu.memory_space<hbm>>
        tpu.enqueue_dma source(%dma_start3A_48 : memref<400xi32, #tpu.memory_space<hbm>>) target(%dma_start3A_47 : memref<400xi32, #tpu.memory_space<vmem>>) target_semaphore(%run_scoped3A : memref<!tpu.dma_semaphore, #tpu.memory_space<semaphore_mem>>)
        %dma_wait3A = arith.constant 800 : i32
        %dma_wait3A_49 = tpu.memref_slice %arg6[%dma_wait3A] : memref<1600xi32, #tpu.memory_space<vmem>> -> memref<400xi32, #tpu.memory_space<vmem>>
        %dma_wait3A_50 = tpu.memref_slice %arg2[%add3A_25] : memref<4000000xi32, #tpu.memory_space<hbm>> -> memref<400xi32, #tpu.memory_space<hbm>>
        %dma_wait3A_51 = arith.constant 800 : i32
        %dma_wait3A_52 = tpu.memref_slice %arg6[%dma_wait3A_51] : memref<1600xi32, #tpu.memory_space<vmem>> -> memref<400xi32, #tpu.memory_space<vmem>>
        %dma_wait3A_53 = tpu.memref_slice %arg2[%add3A_25] : memref<4000000xi32, #tpu.memory_space<hbm>> -> memref<400xi32, #tpu.memory_space<hbm>>
        tpu.wait_dma2 semaphore(%run_scoped3A : memref<!tpu.dma_semaphore, #tpu.memory_space<semaphore_mem>>) src(%dma_wait3A_53 : memref<400xi32, #tpu.memory_space<hbm>>) dst(%dma_wait3A_52 : memref<400xi32, #tpu.memory_space<vmem>>)
        tpu.yield
      }) : () -> ()
      %mul3A_26 = arith.constant 400 : i32
      %mul3A_27 = arith.muli %add3A, %mul3A_26 : i32
      %add3A_28 = arith.constant 3000000 : i32
      %add3A_29 = arith.addi %add3A_28, %mul3A_27 : i32
      "tpu.region"() ({
        %run_scoped3A = tpu.sem_alloc : memref<!tpu.dma_semaphore, #tpu.memory_space<semaphore_mem>>
        %dma_start3A_43 = arith.constant 1200 : i32
        %dma_start3A_44 = tpu.memref_slice %arg6[%dma_start3A_43] : memref<1600xi32, #tpu.memory_space<vmem>> -> memref<400xi32, #tpu.memory_space<vmem>>
        %dma_start3A_45 = tpu.memref_slice %arg2[%add3A_29] : memref<4000000xi32, #tpu.memory_space<hbm>> -> memref<400xi32, #tpu.memory_space<hbm>>
        %dma_start3A_46 = arith.constant 1200 : i32
        %dma_start3A_47 = tpu.memref_slice %arg6[%dma_start3A_46] : memref<1600xi32, #tpu.memory_space<vmem>> -> memref<400xi32, #tpu.memory_space<vmem>>
        %dma_start3A_48 = tpu.memref_slice %arg2[%add3A_29] : memref<4000000xi32, #tpu.memory_space<hbm>> -> memref<400xi32, #tpu.memory_space<hbm>>
        tpu.enqueue_dma source(%dma_start3A_48 : memref<400xi32, #tpu.memory_space<hbm>>) target(%dma_start3A_47 : memref<400xi32, #tpu.memory_space<vmem>>) target_semaphore(%run_scoped3A : memref<!tpu.dma_semaphore, #tpu.memory_space<semaphore_mem>>)
        %dma_wait3A = arith.constant 1200 : i32
        %dma_wait3A_49 = tpu.memref_slice %arg6[%dma_wait3A] : memref<1600xi32, #tpu.memory_space<vmem>> -> memref<400xi32, #tpu.memory_space<vmem>>
        %dma_wait3A_50 = tpu.memref_slice %arg2[%add3A_29] : memref<4000000xi32, #tpu.memory_space<hbm>> -> memref<400xi32, #tpu.memory_space<hbm>>
        %dma_wait3A_51 = arith.constant 1200 : i32
        %dma_wait3A_52 = tpu.memref_slice %arg6[%dma_wait3A_51] : memref<1600xi32, #tpu.memory_space<vmem>> -> memref<400xi32, #tpu.memory_space<vmem>>
        %dma_wait3A_53 = tpu.memref_slice %arg2[%add3A_29] : memref<4000000xi32, #tpu.memory_space<hbm>> -> memref<400xi32, #tpu.memory_space<hbm>>
        tpu.wait_dma2 semaphore(%run_scoped3A : memref<!tpu.dma_semaphore, #tpu.memory_space<semaphore_mem>>) src(%dma_wait3A_53 : memref<400xi32, #tpu.memory_space<hbm>>) dst(%dma_wait3A_52 : memref<400xi32, #tpu.memory_space<vmem>>)
        tpu.yield
      }) : () -> ()
      %scan3A_30 = arith.constant 0 : i32
      %scan3A_31 = arith.constant 0 : i32
      %scan3A_32 = arith.constant 25 : i32
      %scan3A_33 = arith.addi %scan3A_31, %scan3A_32 : i32
      %scan3A_34 = arith.constant 1 : i32
      scf.for %scan3A_43 = %scan3A_31 to %scan3A_33 step %scan3A_34  : i32 {
        %mul3A_44 = arith.constant 16 : i32
        %mul3A_45 = arith.muli %scan3A_43, %mul3A_44 : i32
        %add3A_46 = arith.constant 0 : i32
        %add3A_47 = arith.addi %add3A_46, %mul3A_45 : i32
        %get3A = arith.index_cast %add3A_47 : i32 to index
        %get3A_48 = tpu.vector_load %arg6[%get3A] {strides = array<i32>} : memref<1600xi32, #tpu.memory_space<vmem>>, vector<16xi32>,
        %add3A_49 = arith.constant 0 : i32
        %add3A_50 = vector.broadcast %add3A_49 : i32 to vector<16xi32>
        %add3A_51 = arith.addi %get3A_48, %add3A_50 : vector<16xi32>
        %add3A_52 = arith.constant 0 : i32
        %add3A_53 = arith.addi %add3A_52, %mul3A_45 : i32
        %swap3A = arith.index_cast %add3A_53 : i32 to index
        %swap3A_54 = tpu.vector_load %arg7[%swap3A] {strides = array<i32>} : memref<1200xi32, #tpu.memory_space<vmem>>, vector<16xi32>,
        tpu.vector_store %arg7[%swap3A], %add3A_51 {strides = array<i32>} : memref<1200xi32, #tpu.memory_space<vmem>>, vector<16xi32>,
        %add3A_55 = arith.constant 500000 : i32
        %add3A_56 = vector.broadcast %add3A_55 : i32 to vector<16xi32>
        %add3A_57 = arith.addi %get3A_48, %add3A_56 : vector<16xi32>
        %add3A_58 = arith.constant 400 : i32
        %add3A_59 = arith.addi %add3A_58, %mul3A_45 : i32
        %swap3A_60 = arith.index_cast %add3A_59 : i32 to index
        %swap3A_61 = tpu.vector_load %arg7[%swap3A_60] {strides = array<i32>} : memref<1200xi32, #tpu.memory_space<vmem>>, vector<16xi32>,
        tpu.vector_store %arg7[%swap3A_60], %add3A_57 {strides = array<i32>} : memref<1200xi32, #tpu.memory_space<vmem>>, vector<16xi32>,
        %add3A_62 = arith.constant 1000000 : i32
        %add3A_63 = vector.broadcast %add3A_62 : i32 to vector<16xi32>
        %add3A_64 = arith.addi %get3A_48, %add3A_63 : vector<16xi32>
        %add3A_65 = arith.constant 800 : i32
        %add3A_66 = arith.addi %add3A_65, %mul3A_45 : i32
        %swap3A_67 = arith.index_cast %add3A_66 : i32 to index
        %swap3A_68 = tpu.vector_load %arg7[%swap3A_67] {strides = array<i32>} : memref<1200xi32, #tpu.memory_space<vmem>>, vector<16xi32>,
        tpu.vector_store %arg7[%swap3A_67], %add3A_64 {strides = array<i32>} : memref<1200xi32, #tpu.memory_space<vmem>>, vector<16xi32>,
        %add3A_69 = arith.constant 400 : i32
        %add3A_70 = arith.addi %add3A_69, %mul3A_45 : i32
        %get3A_71 = arith.index_cast %add3A_70 : i32 to index
        %get3A_72 = tpu.vector_load %arg6[%get3A_71] {strides = array<i32>} : memref<1600xi32, #tpu.memory_space<vmem>>, vector<16xi32>,
        %add3A_73 = arith.constant 0 : i32
        %add3A_74 = vector.broadcast %add3A_73 : i32 to vector<16xi32>
        %add3A_75 = arith.addi %get3A_72, %add3A_74 : vector<16xi32>
        %add3A_76 = arith.constant 0 : i32
        %add3A_77 = arith.addi %add3A_76, %mul3A_45 : i32
        %swap3A_78 = arith.index_cast %add3A_77 : i32 to index
        %swap3A_79 = tpu.vector_load %arg8[%swap3A_78] {strides = array<i32>} : memref<1200xi32, #tpu.memory_space<vmem>>, vector<16xi32>,
        tpu.vector_store %arg8[%swap3A_78], %add3A_75 {strides = array<i32>} : memref<1200xi32, #tpu.memory_space<vmem>>, vector<16xi32>,
        %add3A_80 = arith.constant 500000 : i32
        %add3A_81 = vector.broadcast %add3A_80 : i32 to vector<16xi32>
        %add3A_82 = arith.addi %get3A_72, %add3A_81 : vector<16xi32>
        %add3A_83 = arith.constant 400 : i32
        %add3A_84 = arith.addi %add3A_83, %mul3A_45 : i32
        %swap3A_85 = arith.index_cast %add3A_84 : i32 to index
        %swap3A_86 = tpu.vector_load %arg8[%swap3A_85] {strides = array<i32>} : memref<1200xi32, #tpu.memory_space<vmem>>, vector<16xi32>,
        tpu.vector_store %arg8[%swap3A_85], %add3A_82 {strides = array<i32>} : memref<1200xi32, #tpu.memory_space<vmem>>, vector<16xi32>,
        %add3A_87 = arith.constant 1000000 : i32
        %add3A_88 = vector.broadcast %add3A_87 : i32 to vector<16xi32>
        %add3A_89 = arith.addi %get3A_72, %add3A_88 : vector<16xi32>
        %add3A_90 = arith.constant 800 : i32
        %add3A_91 = arith.addi %add3A_90, %mul3A_45 : i32
        %swap3A_92 = arith.index_cast %add3A_91 : i32 to index
        %swap3A_93 = tpu.vector_load %arg8[%swap3A_92] {strides = array<i32>} : memref<1200xi32, #tpu.memory_space<vmem>>, vector<16xi32>,
        tpu.vector_store %arg8[%swap3A_92], %add3A_89 {strides = array<i32>} : memref<1200xi32, #tpu.memory_space<vmem>>, vector<16xi32>,
        %add3A_94 = arith.constant 800 : i32
        %add3A_95 = arith.addi %add3A_94, %mul3A_45 : i32
        %get3A_96 = arith.index_cast %add3A_95 : i32 to index
        %get3A_97 = tpu.vector_load %arg6[%get3A_96] {strides = array<i32>} : memref<1600xi32, #tpu.memory_space<vmem>>, vector<16xi32>,
        %add3A_98 = arith.constant 0 : i32
        %add3A_99 = vector.broadcast %add3A_98 : i32 to vector<16xi32>
        %add3A_100 = arith.addi %get3A_97, %add3A_99 : vector<16xi32>
        %add3A_101 = arith.constant 0 : i32
        %add3A_102 = arith.addi %add3A_101, %mul3A_45 : i32
        %swap3A_103 = arith.index_cast %add3A_102 : i32 to index
        %swap3A_104 = tpu.vector_load %arg9[%swap3A_103] {strides = array<i32>} : memref<1200xi32, #tpu.memory_space<vmem>>, vector<16xi32>,
        tpu.vector_store %arg9[%swap3A_103], %add3A_100 {strides = array<i32>} : memref<1200xi32, #tpu.memory_space<vmem>>, vector<16xi32>,
        %add3A_105 = arith.constant 500000 : i32
        %add3A_106 = vector.broadcast %add3A_105 : i32 to vector<16xi32>
        %add3A_107 = arith.addi %get3A_97, %add3A_106 : vector<16xi32>
        %add3A_108 = arith.constant 400 : i32
        %add3A_109 = arith.addi %add3A_108, %mul3A_45 : i32
        %swap3A_110 = arith.index_cast %add3A_109 : i32 to index
        %swap3A_111 = tpu.vector_load %arg9[%swap3A_110] {strides = array<i32>} : memref<1200xi32, #tpu.memory_space<vmem>>, vector<16xi32>,
        tpu.vector_store %arg9[%swap3A_110], %add3A_107 {strides = array<i32>} : memref<1200xi32, #tpu.memory_space<vmem>>, vector<16xi32>,
        %add3A_112 = arith.constant 1000000 : i32
        %add3A_113 = vector.broadcast %add3A_112 : i32 to vector<16xi32>
        %add3A_114 = arith.addi %get3A_97, %add3A_113 : vector<16xi32>
        %add3A_115 = arith.constant 800 : i32
        %add3A_116 = arith.addi %add3A_115, %mul3A_45 : i32
        %swap3A_117 = arith.index_cast %add3A_116 : i32 to index
        %swap3A_118 = tpu.vector_load %arg9[%swap3A_117] {strides = array<i32>} : memref<1200xi32, #tpu.memory_space<vmem>>, vector<16xi32>,
        tpu.vector_store %arg9[%swap3A_117], %add3A_114 {strides = array<i32>} : memref<1200xi32, #tpu.memory_space<vmem>>, vector<16xi32>,
        %add3A_119 = arith.constant 1200 : i32
        %add3A_120 = arith.addi %add3A_119, %mul3A_45 : i32
        %get3A_121 = arith.index_cast %add3A_120 : i32 to index
        %get3A_122 = tpu.vector_load %arg6[%get3A_121] {strides = array<i32>} : memref<1600xi32, #tpu.memory_space<vmem>>, vector<16xi32>,
        %add3A_123 = arith.constant 0 : i32
        %add3A_124 = vector.broadcast %add3A_123 : i32 to vector<16xi32>
        %add3A_125 = arith.addi %get3A_122, %add3A_124 : vector<16xi32>
        %add3A_126 = arith.constant 0 : i32
        %add3A_127 = arith.addi %add3A_126, %mul3A_45 : i32
        %swap3A_128 = arith.index_cast %add3A_127 : i32 to index
        %swap3A_129 = tpu.vector_load %arg10[%swap3A_128] {strides = array<i32>} : memref<1200xi32, #tpu.memory_space<vmem>>, vector<16xi32>,
        tpu.vector_store %arg10[%swap3A_128], %add3A_125 {strides = array<i32>} : memref<1200xi32, #tpu.memory_space<vmem>>, vector<16xi32>,
        %add3A_130 = arith.constant 500000 : i32
        %add3A_131 = vector.broadcast %add3A_130 : i32 to vector<16xi32>
        %add3A_132 = arith.addi %get3A_122, %add3A_131 : vector<16xi32>
        %add3A_133 = arith.constant 400 : i32
        %add3A_134 = arith.addi %add3A_133, %mul3A_45 : i32
        %swap3A_135 = arith.index_cast %add3A_134 : i32 to index
        %swap3A_136 = tpu.vector_load %arg10[%swap3A_135] {strides = array<i32>} : memref<1200xi32, #tpu.memory_space<vmem>>, vector<16xi32>,
        tpu.vector_store %arg10[%swap3A_135], %add3A_132 {strides = array<i32>} : memref<1200xi32, #tpu.memory_space<vmem>>, vector<16xi32>,
        %add3A_137 = arith.constant 1000000 : i32
        %add3A_138 = vector.broadcast %add3A_137 : i32 to vector<16xi32>
        %add3A_139 = arith.addi %get3A_122, %add3A_138 : vector<16xi32>
        %add3A_140 = arith.constant 800 : i32
        %add3A_141 = arith.addi %add3A_140, %mul3A_45 : i32
        %swap3A_142 = arith.index_cast %add3A_141 : i32 to index
        %swap3A_143 = tpu.vector_load %arg10[%swap3A_142] {strides = array<i32>} : memref<1200xi32, #tpu.memory_space<vmem>>, vector<16xi32>,
        tpu.vector_store %arg10[%swap3A_142], %add3A_139 {strides = array<i32>} : memref<1200xi32, #tpu.memory_space<vmem>>, vector<16xi32>,
      }
      %scan3A_35 = arith.constant 25 : i32
      %dma_start3A = arith.constant 0 : i32
      %dma_start3A_36 = tpu.memref_slice %arg5[%dma_start3A] : memref<1500000xf32, #tpu.memory_space<vmem_shared>> -> memref<1500000xf32, #tpu.memory_space<vmem_shared>>
      tpu.enqueue_indirect_dma source(%dma_start3A_36 : memref<1500000xf32, #tpu.memory_space<vmem_shared>>) target(%arg15 : memref<1200xf32, #tpu.memory_space<vmem>>) offsets(%arg7 : memref<1200xi32, #tpu.memory_space<vmem>>) semaphore(%arg25 : memref<!tpu.dma_semaphore, #tpu.memory_space<semaphore_mem>>)
      %dma_start3A_37 = arith.constant 0 : i32
      %dma_start3A_38 = tpu.memref_slice %arg5[%dma_start3A_37] : memref<1500000xf32, #tpu.memory_space<vmem_shared>> -> memref<1500000xf32, #tpu.memory_space<vmem_shared>>
      tpu.enqueue_indirect_dma source(%dma_start3A_38 : memref<1500000xf32, #tpu.memory_space<vmem_shared>>) target(%arg16 : memref<1200xf32, #tpu.memory_space<vmem>>) offsets(%arg8 : memref<1200xi32, #tpu.memory_space<vmem>>) semaphore(%arg26 : memref<!tpu.dma_semaphore, #tpu.memory_space<semaphore_mem>>)
      %dma_start3A_39 = arith.constant 0 : i32
      %dma_start3A_40 = tpu.memref_slice %arg5[%dma_start3A_39] : memref<1500000xf32, #tpu.memory_space<vmem_shared>> -> memref<1500000xf32, #tpu.memory_space<vmem_shared>>
      tpu.enqueue_indirect_dma source(%dma_start3A_40 : memref<1500000xf32, #tpu.memory_space<vmem_shared>>) target(%arg17 : memref<1200xf32, #tpu.memory_space<vmem>>) offsets(%arg9 : memref<1200xi32, #tpu.memory_space<vmem>>) semaphore(%arg27 : memref<!tpu.dma_semaphore, #tpu.memory_space<semaphore_mem>>)
      %dma_start3A_41 = arith.constant 0 : i32
      %dma_start3A_42 = tpu.memref_slice %arg5[%dma_start3A_41] : memref<1500000xf32, #tpu.memory_space<vmem_shared>> -> memref<1500000xf32, #tpu.memory_space<vmem_shared>>
      tpu.enqueue_indirect_dma source(%dma_start3A_42 : memref<1500000xf32, #tpu.memory_space<vmem_shared>>) target(%arg18 : memref<1200xf32, #tpu.memory_space<vmem>>) offsets(%arg10 : memref<1200xi32, #tpu.memory_space<vmem>>) semaphore(%arg28 : memref<!tpu.dma_semaphore, #tpu.memory_space<semaphore_mem>>)
    } else {
    }
    %scan3A_8 = arith.constant 0 : i32
    %scan3A_9 = arith.constant 0 : i32
    %scan3A_10 = arith.constant 40 : i32
    %scan3A_11 = arith.addi %scan3A_9, %scan3A_10 : i32
    %scan3A_12 = arith.constant 1 : i32
    scf.for %scan3A_14 = %scan3A_9 to %scan3A_11 step %scan3A_12  : i32 {
      %mul3A_15 = arith.constant 2 : i32
      %mul3A_16 = arith.muli %mul3A_15, %scan3A_14 : i32
      %mul3A_17 = arith.constant 32 : i32
      %mul3A_18 = arith.muli %mul3A_16, %mul3A_17 : i32
      %add3A_19 = arith.addi %add3A, %mul3A_18 : i32
      %add3A_20 = arith.constant 32 : i32
      %add3A_21 = arith.addi %add3A_19, %add3A_20 : i32
      %add3A_22 = arith.constant 32 : i32
      %add3A_23 = arith.addi %add3A_21, %add3A_22 : i32
      %lt3A_24 = arith.constant 2500 : i32
      %lt3A_25 = arith.cmpi slt, %add3A_21, %lt3A_24 : i32
      %convert_element_type3A_26 = arith.extui %lt3A_25 : i1 to i32
      %cond3A_27 = arith.constant 0 : i32
      %cond3A_28 = arith.cmpi ne, %convert_element_type3A_26, %cond3A_27 : i32
      scf.if %cond3A_28 {
        %mul3A_64 = arith.constant 400 : i32
        %mul3A_65 = arith.muli %add3A_21, %mul3A_64 : i32
        %add3A_66 = arith.constant 0 : i32
        %add3A_67 = arith.addi %add3A_66, %mul3A_65 : i32
        "tpu.region"() ({
          %run_scoped3A = tpu.sem_alloc : memref<!tpu.dma_semaphore, #tpu.memory_space<semaphore_mem>>
          %dma_start3A = arith.constant 0 : i32
          %dma_start3A_86 = tpu.memref_slice %arg6[%dma_start3A] : memref<1600xi32, #tpu.memory_space<vmem>> -> memref<400xi32, #tpu.memory_space<vmem>>
          %dma_start3A_87 = tpu.memref_slice %arg2[%add3A_67] : memref<4000000xi32, #tpu.memory_space<hbm>> -> memref<400xi32, #tpu.memory_space<hbm>>
          %dma_start3A_88 = arith.constant 0 : i32
          %dma_start3A_89 = tpu.memref_slice %arg6[%dma_start3A_88] : memref<1600xi32, #tpu.memory_space<vmem>> -> memref<400xi32, #tpu.memory_space<vmem>>
          %dma_start3A_90 = tpu.memref_slice %arg2[%add3A_67] : memref<4000000xi32, #tpu.memory_space<hbm>> -> memref<400xi32, #tpu.memory_space<hbm>>
          tpu.enqueue_dma source(%dma_start3A_90 : memref<400xi32, #tpu.memory_space<hbm>>) target(%dma_start3A_89 : memref<400xi32, #tpu.memory_space<vmem>>) target_semaphore(%run_scoped3A : memref<!tpu.dma_semaphore, #tpu.memory_space<semaphore_mem>>)
          %dma_wait3A = arith.constant 0 : i32
          %dma_wait3A_91 = tpu.memref_slice %arg6[%dma_wait3A] : memref<1600xi32, #tpu.memory_space<vmem>> -> memref<400xi32, #tpu.memory_space<vmem>>
          %dma_wait3A_92 = tpu.memref_slice %arg2[%add3A_67] : memref<4000000xi32, #tpu.memory_space<hbm>> -> memref<400xi32, #tpu.memory_space<hbm>>
          %dma_wait3A_93 = arith.constant 0 : i32
          %dma_wait3A_94 = tpu.memref_slice %arg6[%dma_wait3A_93] : memref<1600xi32, #tpu.memory_space<vmem>> -> memref<400xi32, #tpu.memory_space<vmem>>
          %dma_wait3A_95 = tpu.memref_slice %arg2[%add3A_67] : memref<4000000xi32, #tpu.memory_space<hbm>> -> memref<400xi32, #tpu.memory_space<hbm>>
          tpu.wait_dma2 semaphore(%run_scoped3A : memref<!tpu.dma_semaphore, #tpu.memory_space<semaphore_mem>>) src(%dma_wait3A_95 : memref<400xi32, #tpu.memory_space<hbm>>) dst(%dma_wait3A_94 : memref<400xi32, #tpu.memory_space<vmem>>)
          tpu.yield
        }) : () -> ()
        %mul3A_68 = arith.constant 400 : i32
        %mul3A_69 = arith.muli %add3A_21, %mul3A_68 : i32
        %add3A_70 = arith.constant 1000000 : i32
        %add3A_71 = arith.addi %add3A_70, %mul3A_69 : i32
        "tpu.region"() ({
          %run_scoped3A = tpu.sem_alloc : memref<!tpu.dma_semaphore, #tpu.memory_space<semaphore_mem>>
          %dma_start3A = arith.constant 400 : i32
          %dma_start3A_86 = tpu.memref_slice %arg6[%dma_start3A] : memref<1600xi32, #tpu.memory_space<vmem>> -> memref<400xi32, #tpu.memory_space<vmem>>
          %dma_start3A_87 = tpu.memref_slice %arg2[%add3A_71] : memref<4000000xi32, #tpu.memory_space<hbm>> -> memref<400xi32, #tpu.memory_space<hbm>>
          %dma_start3A_88 = arith.constant 400 : i32
          %dma_start3A_89 = tpu.memref_slice %arg6[%dma_start3A_88] : memref<1600xi32, #tpu.memory_space<vmem>> -> memref<400xi32, #tpu.memory_space<vmem>>
          %dma_start3A_90 = tpu.memref_slice %arg2[%add3A_71] : memref<4000000xi32, #tpu.memory_space<hbm>> -> memref<400xi32, #tpu.memory_space<hbm>>
          tpu.enqueue_dma source(%dma_start3A_90 : memref<400xi32, #tpu.memory_space<hbm>>) target(%dma_start3A_89 : memref<400xi32, #tpu.memory_space<vmem>>) target_semaphore(%run_scoped3A : memref<!tpu.dma_semaphore, #tpu.memory_space<semaphore_mem>>)
          %dma_wait3A = arith.constant 400 : i32
          %dma_wait3A_91 = tpu.memref_slice %arg6[%dma_wait3A] : memref<1600xi32, #tpu.memory_space<vmem>> -> memref<400xi32, #tpu.memory_space<vmem>>
          %dma_wait3A_92 = tpu.memref_slice %arg2[%add3A_71] : memref<4000000xi32, #tpu.memory_space<hbm>> -> memref<400xi32, #tpu.memory_space<hbm>>
          %dma_wait3A_93 = arith.constant 400 : i32
          %dma_wait3A_94 = tpu.memref_slice %arg6[%dma_wait3A_93] : memref<1600xi32, #tpu.memory_space<vmem>> -> memref<400xi32, #tpu.memory_space<vmem>>
          %dma_wait3A_95 = tpu.memref_slice %arg2[%add3A_71] : memref<4000000xi32, #tpu.memory_space<hbm>> -> memref<400xi32, #tpu.memory_space<hbm>>
          tpu.wait_dma2 semaphore(%run_scoped3A : memref<!tpu.dma_semaphore, #tpu.memory_space<semaphore_mem>>) src(%dma_wait3A_95 : memref<400xi32, #tpu.memory_space<hbm>>) dst(%dma_wait3A_94 : memref<400xi32, #tpu.memory_space<vmem>>)
          tpu.yield
        }) : () -> ()
        %mul3A_72 = arith.constant 400 : i32
        %mul3A_73 = arith.muli %add3A_21, %mul3A_72 : i32
        %add3A_74 = arith.constant 2000000 : i32
        %add3A_75 = arith.addi %add3A_74, %mul3A_73 : i32
        "tpu.region"() ({
          %run_scoped3A = tpu.sem_alloc : memref<!tpu.dma_semaphore, #tpu.memory_space<semaphore_mem>>
          %dma_start3A = arith.constant 800 : i32
          %dma_start3A_86 = tpu.memref_slice %arg6[%dma_start3A] : memref<1600xi32, #tpu.memory_space<vmem>> -> memref<400xi32, #tpu.memory_space<vmem>>
          %dma_start3A_87 = tpu.memref_slice %arg2[%add3A_75] : memref<4000000xi32, #tpu.memory_space<hbm>> -> memref<400xi32, #tpu.memory_space<hbm>>
          %dma_start3A_88 = arith.constant 800 : i32
          %dma_start3A_89 = tpu.memref_slice %arg6[%dma_start3A_88] : memref<1600xi32, #tpu.memory_space<vmem>> -> memref<400xi32, #tpu.memory_space<vmem>>
          %dma_start3A_90 = tpu.memref_slice %arg2[%add3A_75] : memref<4000000xi32, #tpu.memory_space<hbm>> -> memref<400xi32, #tpu.memory_space<hbm>>
          tpu.enqueue_dma source(%dma_start3A_90 : memref<400xi32, #tpu.memory_space<hbm>>) target(%dma_start3A_89 : memref<400xi32, #tpu.memory_space<vmem>>) target_semaphore(%run_scoped3A : memref<!tpu.dma_semaphore, #tpu.memory_space<semaphore_mem>>)
          %dma_wait3A = arith.constant 800 : i32
          %dma_wait3A_91 = tpu.memref_slice %arg6[%dma_wait3A] : memref<1600xi32, #tpu.memory_space<vmem>> -> memref<400xi32, #tpu.memory_space<vmem>>
          %dma_wait3A_92 = tpu.memref_slice %arg2[%add3A_75] : memref<4000000xi32, #tpu.memory_space<hbm>> -> memref<400xi32, #tpu.memory_space<hbm>>
          %dma_wait3A_93 = arith.constant 800 : i32
          %dma_wait3A_94 = tpu.memref_slice %arg6[%dma_wait3A_93] : memref<1600xi32, #tpu.memory_space<vmem>> -> memref<400xi32, #tpu.memory_space<vmem>>
          %dma_wait3A_95 = tpu.memref_slice %arg2[%add3A_75] : memref<4000000xi32, #tpu.memory_space<hbm>> -> memref<400xi32, #tpu.memory_space<hbm>>
          tpu.wait_dma2 semaphore(%run_scoped3A : memref<!tpu.dma_semaphore, #tpu.memory_space<semaphore_mem>>) src(%dma_wait3A_95 : memref<400xi32, #tpu.memory_space<hbm>>) dst(%dma_wait3A_94 : memref<400xi32, #tpu.memory_space<vmem>>)
          tpu.yield
        }) : () -> ()
        %mul3A_76 = arith.constant 400 : i32
        %mul3A_77 = arith.muli %add3A_21, %mul3A_76 : i32
        %add3A_78 = arith.constant 3000000 : i32
        %add3A_79 = arith.addi %add3A_78, %mul3A_77 : i32
        "tpu.region"() ({
          %run_scoped3A = tpu.sem_alloc : memref<!tpu.dma_semaphore, #tpu.memory_space<semaphore_mem>>
          %dma_start3A = arith.constant 1200 : i32
          %dma_start3A_86 = tpu.memref_slice %arg6[%dma_start3A] : memref<1600xi32, #tpu.memory_space<vmem>> -> memref<400xi32, #tpu.memory_space<vmem>>
          %dma_start3A_87 = tpu.memref_slice %arg2[%add3A_79] : memref<4000000xi32, #tpu.memory_space<hbm>> -> memref<400xi32, #tpu.memory_space<hbm>>
          %dma_start3A_88 = arith.constant 1200 : i32
          %dma_start3A_89 = tpu.memref_slice %arg6[%dma_start3A_88] : memref<1600xi32, #tpu.memory_space<vmem>> -> memref<400xi32, #tpu.memory_space<vmem>>
          %dma_start3A_90 = tpu.memref_slice %arg2[%add3A_79] : memref<4000000xi32, #tpu.memory_space<hbm>> -> memref<400xi32, #tpu.memory_space<hbm>>
          tpu.enqueue_dma source(%dma_start3A_90 : memref<400xi32, #tpu.memory_space<hbm>>) target(%dma_start3A_89 : memref<400xi32, #tpu.memory_space<vmem>>) target_semaphore(%run_scoped3A : memref<!tpu.dma_semaphore, #tpu.memory_space<semaphore_mem>>)
          %dma_wait3A = arith.constant 1200 : i32
          %dma_wait3A_91 = tpu.memref_slice %arg6[%dma_wait3A] : memref<1600xi32, #tpu.memory_space<vmem>> -> memref<400xi32, #tpu.memory_space<vmem>>
          %dma_wait3A_92 = tpu.memref_slice %arg2[%add3A_79] : memref<4000000xi32, #tpu.memory_space<hbm>> -> memref<400xi32, #tpu.memory_space<hbm>>
          %dma_wait3A_93 = arith.constant 1200 : i32
          %dma_wait3A_94 = tpu.memref_slice %arg6[%dma_wait3A_93] : memref<1600xi32, #tpu.memory_space<vmem>> -> memref<400xi32, #tpu.memory_space<vmem>>
          %dma_wait3A_95 = tpu.memref_slice %arg2[%add3A_79] : memref<4000000xi32, #tpu.memory_space<hbm>> -> memref<400xi32, #tpu.memory_space<hbm>>
          tpu.wait_dma2 semaphore(%run_scoped3A : memref<!tpu.dma_semaphore, #tpu.memory_space<semaphore_mem>>) src(%dma_wait3A_95 : memref<400xi32, #tpu.memory_space<hbm>>) dst(%dma_wait3A_94 : memref<400xi32, #tpu.memory_space<vmem>>)
          tpu.yield
        }) : () -> ()
        %scan3A_80 = arith.constant 0 : i32
        %scan3A_81 = arith.constant 0 : i32
        %scan3A_82 = arith.constant 25 : i32
        %scan3A_83 = arith.addi %scan3A_81, %scan3A_82 : i32
        %scan3A_84 = arith.constant 1 : i32
        scf.for %scan3A_86 = %scan3A_81 to %scan3A_83 step %scan3A_84  : i32 {
          %mul3A_87 = arith.constant 16 : i32
          %mul3A_88 = arith.muli %scan3A_86, %mul3A_87 : i32
          %add3A_89 = arith.constant 0 : i32
          %add3A_90 = arith.addi %add3A_89, %mul3A_88 : i32
          %get3A = arith.index_cast %add3A_90 : i32 to index
          %get3A_91 = tpu.vector_load %arg6[%get3A] {strides = array<i32>} : memref<1600xi32, #tpu.memory_space<vmem>>, vector<16xi32>,
          %add3A_92 = arith.constant 0 : i32
          %add3A_93 = vector.broadcast %add3A_92 : i32 to vector<16xi32>
          %add3A_94 = arith.addi %get3A_91, %add3A_93 : vector<16xi32>
          %add3A_95 = arith.constant 0 : i32
          %add3A_96 = arith.addi %add3A_95, %mul3A_88 : i32
          %swap3A = arith.index_cast %add3A_96 : i32 to index
          %swap3A_97 = tpu.vector_load %arg11[%swap3A] {strides = array<i32>} : memref<1200xi32, #tpu.memory_space<vmem>>, vector<16xi32>,
          tpu.vector_store %arg11[%swap3A], %add3A_94 {strides = array<i32>} : memref<1200xi32, #tpu.memory_space<vmem>>, vector<16xi32>,
          %add3A_98 = arith.constant 500000 : i32
          %add3A_99 = vector.broadcast %add3A_98 : i32 to vector<16xi32>
          %add3A_100 = arith.addi %get3A_91, %add3A_99 : vector<16xi32>
          %add3A_101 = arith.constant 400 : i32
          %add3A_102 = arith.addi %add3A_101, %mul3A_88 : i32
          %swap3A_103 = arith.index_cast %add3A_102 : i32 to index
          %swap3A_104 = tpu.vector_load %arg11[%swap3A_103] {strides = array<i32>} : memref<1200xi32, #tpu.memory_space<vmem>>, vector<16xi32>,
          tpu.vector_store %arg11[%swap3A_103], %add3A_100 {strides = array<i32>} : memref<1200xi32, #tpu.memory_space<vmem>>, vector<16xi32>,
          %add3A_105 = arith.constant 1000000 : i32
          %add3A_106 = vector.broadcast %add3A_105 : i32 to vector<16xi32>
          %add3A_107 = arith.addi %get3A_91, %add3A_106 : vector<16xi32>
          %add3A_108 = arith.constant 800 : i32
          %add3A_109 = arith.addi %add3A_108, %mul3A_88 : i32
          %swap3A_110 = arith.index_cast %add3A_109 : i32 to index
          %swap3A_111 = tpu.vector_load %arg11[%swap3A_110] {strides = array<i32>} : memref<1200xi32, #tpu.memory_space<vmem>>, vector<16xi32>,
          tpu.vector_store %arg11[%swap3A_110], %add3A_107 {strides = array<i32>} : memref<1200xi32, #tpu.memory_space<vmem>>, vector<16xi32>,
          %add3A_112 = arith.constant 400 : i32
          %add3A_113 = arith.addi %add3A_112, %mul3A_88 : i32
          %get3A_114 = arith.index_cast %add3A_113 : i32 to index
          %get3A_115 = tpu.vector_load %arg6[%get3A_114] {strides = array<i32>} : memref<1600xi32, #tpu.memory_space<vmem>>, vector<16xi32>,
          %add3A_116 = arith.constant 0 : i32
          %add3A_117 = vector.broadcast %add3A_116 : i32 to vector<16xi32>
          %add3A_118 = arith.addi %get3A_115, %add3A_117 : vector<16xi32>
          %add3A_119 = arith.constant 0 : i32
          %add3A_120 = arith.addi %add3A_119, %mul3A_88 : i32
          %swap3A_121 = arith.index_cast %add3A_120 : i32 to index
          %swap3A_122 = tpu.vector_load %arg12[%swap3A_121] {strides = array<i32>} : memref<1200xi32, #tpu.memory_space<vmem>>, vector<16xi32>,
          tpu.vector_store %arg12[%swap3A_121], %add3A_118 {strides = array<i32>} : memref<1200xi32, #tpu.memory_space<vmem>>, vector<16xi32>,
          %add3A_123 = arith.constant 500000 : i32
          %add3A_124 = vector.broadcast %add3A_123 : i32 to vector<16xi32>
          %add3A_125 = arith.addi %get3A_115, %add3A_124 : vector<16xi32>
          %add3A_126 = arith.constant 400 : i32
          %add3A_127 = arith.addi %add3A_126, %mul3A_88 : i32
          %swap3A_128 = arith.index_cast %add3A_127 : i32 to index
          %swap3A_129 = tpu.vector_load %arg12[%swap3A_128] {strides = array<i32>} : memref<1200xi32, #tpu.memory_space<vmem>>, vector<16xi32>,
          tpu.vector_store %arg12[%swap3A_128], %add3A_125 {strides = array<i32>} : memref<1200xi32, #tpu.memory_space<vmem>>, vector<16xi32>,
          %add3A_130 = arith.constant 1000000 : i32
          %add3A_131 = vector.broadcast %add3A_130 : i32 to vector<16xi32>
          %add3A_132 = arith.addi %get3A_115, %add3A_131 : vector<16xi32>
          %add3A_133 = arith.constant 800 : i32
          %add3A_134 = arith.addi %add3A_133, %mul3A_88 : i32
          %swap3A_135 = arith.index_cast %add3A_134 : i32 to index
          %swap3A_136 = tpu.vector_load %arg12[%swap3A_135] {strides = array<i32>} : memref<1200xi32, #tpu.memory_space<vmem>>, vector<16xi32>,
          tpu.vector_store %arg12[%swap3A_135], %add3A_132 {strides = array<i32>} : memref<1200xi32, #tpu.memory_space<vmem>>, vector<16xi32>,
          %add3A_137 = arith.constant 800 : i32
          %add3A_138 = arith.addi %add3A_137, %mul3A_88 : i32
          %get3A_139 = arith.index_cast %add3A_138 : i32 to index
          %get3A_140 = tpu.vector_load %arg6[%get3A_139] {strides = array<i32>} : memref<1600xi32, #tpu.memory_space<vmem>>, vector<16xi32>,
          %add3A_141 = arith.constant 0 : i32
          %add3A_142 = vector.broadcast %add3A_141 : i32 to vector<16xi32>
          %add3A_143 = arith.addi %get3A_140, %add3A_142 : vector<16xi32>
          %add3A_144 = arith.constant 0 : i32
          %add3A_145 = arith.addi %add3A_144, %mul3A_88 : i32
          %swap3A_146 = arith.index_cast %add3A_145 : i32 to index
          %swap3A_147 = tpu.vector_load %arg13[%swap3A_146] {strides = array<i32>} : memref<1200xi32, #tpu.memory_space<vmem>>, vector<16xi32>,
          tpu.vector_store %arg13[%swap3A_146], %add3A_143 {strides = array<i32>} : memref<1200xi32, #tpu.memory_space<vmem>>, vector<16xi32>,
          %add3A_148 = arith.constant 500000 : i32
          %add3A_149 = vector.broadcast %add3A_148 : i32 to vector<16xi32>
          %add3A_150 = arith.addi %get3A_140, %add3A_149 : vector<16xi32>
          %add3A_151 = arith.constant 400 : i32
          %add3A_152 = arith.addi %add3A_151, %mul3A_88 : i32
          %swap3A_153 = arith.index_cast %add3A_152 : i32 to index
          %swap3A_154 = tpu.vector_load %arg13[%swap3A_153] {strides = array<i32>} : memref<1200xi32, #tpu.memory_space<vmem>>, vector<16xi32>,
          tpu.vector_store %arg13[%swap3A_153], %add3A_150 {strides = array<i32>} : memref<1200xi32, #tpu.memory_space<vmem>>, vector<16xi32>,
          %add3A_155 = arith.constant 1000000 : i32
          %add3A_156 = vector.broadcast %add3A_155 : i32 to vector<16xi32>
          %add3A_157 = arith.addi %get3A_140, %add3A_156 : vector<16xi32>
          %add3A_158 = arith.constant 800 : i32
          %add3A_159 = arith.addi %add3A_158, %mul3A_88 : i32
          %swap3A_160 = arith.index_cast %add3A_159 : i32 to index
          %swap3A_161 = tpu.vector_load %arg13[%swap3A_160] {strides = array<i32>} : memref<1200xi32, #tpu.memory_space<vmem>>, vector<16xi32>,
          tpu.vector_store %arg13[%swap3A_160], %add3A_157 {strides = array<i32>} : memref<1200xi32, #tpu.memory_space<vmem>>, vector<16xi32>,
          %add3A_162 = arith.constant 1200 : i32
          %add3A_163 = arith.addi %add3A_162, %mul3A_88 : i32
          %get3A_164 = arith.index_cast %add3A_163 : i32 to index
          %get3A_165 = tpu.vector_load %arg6[%get3A_164] {strides = array<i32>} : memref<1600xi32, #tpu.memory_space<vmem>>, vector<16xi32>,
          %add3A_166 = arith.constant 0 : i32
          %add3A_167 = vector.broadcast %add3A_166 : i32 to vector<16xi32>
          %add3A_168 = arith.addi %get3A_165, %add3A_167 : vector<16xi32>
          %add3A_169 = arith.constant 0 : i32
          %add3A_170 = arith.addi %add3A_169, %mul3A_88 : i32
          %swap3A_171 = arith.index_cast %add3A_170 : i32 to index
          %swap3A_172 = tpu.vector_load %arg14[%swap3A_171] {strides = array<i32>} : memref<1200xi32, #tpu.memory_space<vmem>>, vector<16xi32>,
          tpu.vector_store %arg14[%swap3A_171], %add3A_168 {strides = array<i32>} : memref<1200xi32, #tpu.memory_space<vmem>>, vector<16xi32>,
          %add3A_173 = arith.constant 500000 : i32
          %add3A_174 = vector.broadcast %add3A_173 : i32 to vector<16xi32>
          %add3A_175 = arith.addi %get3A_165, %add3A_174 : vector<16xi32>
          %add3A_176 = arith.constant 400 : i32
          %add3A_177 = arith.addi %add3A_176, %mul3A_88 : i32
          %swap3A_178 = arith.index_cast %add3A_177 : i32 to index
          %swap3A_179 = tpu.vector_load %arg14[%swap3A_178] {strides = array<i32>} : memref<1200xi32, #tpu.memory_space<vmem>>, vector<16xi32>,
          tpu.vector_store %arg14[%swap3A_178], %add3A_175 {strides = array<i32>} : memref<1200xi32, #tpu.memory_space<vmem>>, vector<16xi32>,
          %add3A_180 = arith.constant 1000000 : i32
          %add3A_181 = vector.broadcast %add3A_180 : i32 to vector<16xi32>
          %add3A_182 = arith.addi %get3A_165, %add3A_181 : vector<16xi32>
          %add3A_183 = arith.constant 800 : i32
          %add3A_184 = arith.addi %add3A_183, %mul3A_88 : i32
          %swap3A_185 = arith.index_cast %add3A_184 : i32 to index
          %swap3A_186 = tpu.vector_load %arg14[%swap3A_185] {strides = array<i32>} : memref<1200xi32, #tpu.memory_space<vmem>>, vector<16xi32>,
          tpu.vector_store %arg14[%swap3A_185], %add3A_182 {strides = array<i32>} : memref<1200xi32, #tpu.memory_space<vmem>>, vector<16xi32>,
        }
        %scan3A_85 = arith.constant 25 : i32
      } else {
      }
      %lt3A_29 = arith.constant 2500 : i32
      %lt3A_30 = arith.cmpi slt, %add3A_19, %lt3A_29 : i32
      %convert_element_type3A_31 = arith.extui %lt3A_30 : i1 to i32
      %cond3A_32 = arith.constant 0 : i32
      %cond3A_33 = arith.cmpi ne, %convert_element_type3A_31, %cond3A_32 : i32
      scf.if %cond3A_33 {
        %dma_wait3A = arith.constant 0 : i32
        %dma_wait3A_64 = tpu.memref_slice %arg5[%dma_wait3A] : memref<1500000xf32, #tpu.memory_space<vmem_shared>> -> memref<1500000xf32, #tpu.memory_space<vmem_shared>>
        tpu.wait_indirect_dma semaphore(%arg25 : memref<!tpu.dma_semaphore, #tpu.memory_space<semaphore_mem>>) src(%dma_wait3A_64 : memref<1500000xf32, #tpu.memory_space<vmem_shared>>) dst(%arg15 : memref<1200xf32, #tpu.memory_space<vmem>>)
        %dma_wait3A_65 = arith.constant 0 : i32
        %dma_wait3A_66 = tpu.memref_slice %arg5[%dma_wait3A_65] : memref<1500000xf32, #tpu.memory_space<vmem_shared>> -> memref<1500000xf32, #tpu.memory_space<vmem_shared>>
        tpu.wait_indirect_dma semaphore(%arg26 : memref<!tpu.dma_semaphore, #tpu.memory_space<semaphore_mem>>) src(%dma_wait3A_66 : memref<1500000xf32, #tpu.memory_space<vmem_shared>>) dst(%arg16 : memref<1200xf32, #tpu.memory_space<vmem>>)
        %dma_wait3A_67 = arith.constant 0 : i32
        %dma_wait3A_68 = tpu.memref_slice %arg5[%dma_wait3A_67] : memref<1500000xf32, #tpu.memory_space<vmem_shared>> -> memref<1500000xf32, #tpu.memory_space<vmem_shared>>
        tpu.wait_indirect_dma semaphore(%arg27 : memref<!tpu.dma_semaphore, #tpu.memory_space<semaphore_mem>>) src(%dma_wait3A_68 : memref<1500000xf32, #tpu.memory_space<vmem_shared>>) dst(%arg17 : memref<1200xf32, #tpu.memory_space<vmem>>)
        %dma_wait3A_69 = arith.constant 0 : i32
        %dma_wait3A_70 = tpu.memref_slice %arg5[%dma_wait3A_69] : memref<1500000xf32, #tpu.memory_space<vmem_shared>> -> memref<1500000xf32, #tpu.memory_space<vmem_shared>>
        tpu.wait_indirect_dma semaphore(%arg28 : memref<!tpu.dma_semaphore, #tpu.memory_space<semaphore_mem>>) src(%dma_wait3A_70 : memref<1500000xf32, #tpu.memory_space<vmem_shared>>) dst(%arg18 : memref<1200xf32, #tpu.memory_space<vmem>>)
      } else {
      }
      %lt3A_34 = arith.constant 2500 : i32
      %lt3A_35 = arith.cmpi slt, %add3A_21, %lt3A_34 : i32
      %convert_element_type3A_36 = arith.extui %lt3A_35 : i1 to i32
      %cond3A_37 = arith.constant 0 : i32
      %cond3A_38 = arith.cmpi ne, %convert_element_type3A_36, %cond3A_37 : i32
      scf.if %cond3A_38 {
        %dma_start3A = arith.constant 0 : i32
        %dma_start3A_64 = tpu.memref_slice %arg5[%dma_start3A] : memref<1500000xf32, #tpu.memory_space<vmem_shared>> -> memref<1500000xf32, #tpu.memory_space<vmem_shared>>
        tpu.enqueue_indirect_dma source(%dma_start3A_64 : memref<1500000xf32, #tpu.memory_space<vmem_shared>>) target(%arg19 : memref<1200xf32, #tpu.memory_space<vmem>>) offsets(%arg11 : memref<1200xi32, #tpu.memory_space<vmem>>) semaphore(%arg29 : memref<!tpu.dma_semaphore, #tpu.memory_space<semaphore_mem>>)
        %dma_start3A_65 = arith.constant 0 : i32
        %dma_start3A_66 = tpu.memref_slice %arg5[%dma_start3A_65] : memref<1500000xf32, #tpu.memory_space<vmem_shared>> -> memref<1500000xf32, #tpu.memory_space<vmem_shared>>
        tpu.enqueue_indirect_dma source(%dma_start3A_66 : memref<1500000xf32, #tpu.memory_space<vmem_shared>>) target(%arg20 : memref<1200xf32, #tpu.memory_space<vmem>>) offsets(%arg12 : memref<1200xi32, #tpu.memory_space<vmem>>) semaphore(%arg30 : memref<!tpu.dma_semaphore, #tpu.memory_space<semaphore_mem>>)
        %dma_start3A_67 = arith.constant 0 : i32
        %dma_start3A_68 = tpu.memref_slice %arg5[%dma_start3A_67] : memref<1500000xf32, #tpu.memory_space<vmem_shared>> -> memref<1500000xf32, #tpu.memory_space<vmem_shared>>
        tpu.enqueue_indirect_dma source(%dma_start3A_68 : memref<1500000xf32, #tpu.memory_space<vmem_shared>>) target(%arg21 : memref<1200xf32, #tpu.memory_space<vmem>>) offsets(%arg13 : memref<1200xi32, #tpu.memory_space<vmem>>) semaphore(%arg31 : memref<!tpu.dma_semaphore, #tpu.memory_space<semaphore_mem>>)
        %dma_start3A_69 = arith.constant 0 : i32
        %dma_start3A_70 = tpu.memref_slice %arg5[%dma_start3A_69] : memref<1500000xf32, #tpu.memory_space<vmem_shared>> -> memref<1500000xf32, #tpu.memory_space<vmem_shared>>
        tpu.enqueue_indirect_dma source(%dma_start3A_70 : memref<1500000xf32, #tpu.memory_space<vmem_shared>>) target(%arg22 : memref<1200xf32, #tpu.memory_space<vmem>>) offsets(%arg14 : memref<1200xi32, #tpu.memory_space<vmem>>) semaphore(%arg32 : memref<!tpu.dma_semaphore, #tpu.memory_space<semaphore_mem>>)
      } else {
      }
      %lt3A_39 = arith.constant 2500 : i32
      %lt3A_40 = arith.cmpi slt, %add3A_19, %lt3A_39 : i32
      %convert_element_type3A_41 = arith.extui %lt3A_40 : i1 to i32
      %cond3A_42 = arith.constant 0 : i32
      %cond3A_43 = arith.cmpi ne, %convert_element_type3A_41, %cond3A_42 : i32
      scf.if %cond3A_43 {
        %scan3A_64 = arith.constant 0 : i32
        %scan3A_65 = arith.constant 0 : i32
        %scan3A_66 = arith.constant 25 : i32
        %scan3A_67 = arith.addi %scan3A_65, %scan3A_66 : i32
        %scan3A_68 = arith.constant 1 : i32
        scf.for %scan3A_72 = %scan3A_65 to %scan3A_67 step %scan3A_68  : i32 {
          %mul3A_73 = arith.constant 16 : i32
          %mul3A_74 = arith.muli %scan3A_72, %mul3A_73 : i32
          %add3A_75 = arith.constant 0 : i32
          %add3A_76 = arith.addi %add3A_75, %mul3A_74 : i32
          %get3A = arith.index_cast %add3A_76 : i32 to index
          %get3A_77 = tpu.vector_load %arg15[%get3A] {strides = array<i32>} : memref<1200xf32, #tpu.memory_space<vmem>>, vector<16xf32>,
          %add3A_78 = arith.constant 400 : i32
          %add3A_79 = arith.addi %add3A_78, %mul3A_74 : i32
          %get3A_80 = arith.index_cast %add3A_79 : i32 to index
          %get3A_81 = tpu.vector_load %arg15[%get3A_80] {strides = array<i32>} : memref<1200xf32, #tpu.memory_space<vmem>>, vector<16xf32>,
          %add3A_82 = arith.constant 800 : i32
          %add3A_83 = arith.addi %add3A_82, %mul3A_74 : i32
          %get3A_84 = arith.index_cast %add3A_83 : i32 to index
          %get3A_85 = tpu.vector_load %arg15[%get3A_84] {strides = array<i32>} : memref<1200xf32, #tpu.memory_space<vmem>>, vector<16xf32>,
          %add3A_86 = arith.constant 0 : i32
          %add3A_87 = arith.addi %add3A_86, %mul3A_74 : i32
          %get3A_88 = arith.index_cast %add3A_87 : i32 to index
          %get3A_89 = tpu.vector_load %arg16[%get3A_88] {strides = array<i32>} : memref<1200xf32, #tpu.memory_space<vmem>>, vector<16xf32>,
          %add3A_90 = arith.constant 400 : i32
          %add3A_91 = arith.addi %add3A_90, %mul3A_74 : i32
          %get3A_92 = arith.index_cast %add3A_91 : i32 to index
          %get3A_93 = tpu.vector_load %arg16[%get3A_92] {strides = array<i32>} : memref<1200xf32, #tpu.memory_space<vmem>>, vector<16xf32>,
          %add3A_94 = arith.constant 800 : i32
          %add3A_95 = arith.addi %add3A_94, %mul3A_74 : i32
          %get3A_96 = arith.index_cast %add3A_95 : i32 to index
          %get3A_97 = tpu.vector_load %arg16[%get3A_96] {strides = array<i32>} : memref<1200xf32, #tpu.memory_space<vmem>>, vector<16xf32>,
          %add3A_98 = arith.constant 0 : i32
          %add3A_99 = arith.addi %add3A_98, %mul3A_74 : i32
          %get3A_100 = arith.index_cast %add3A_99 : i32 to index
          %get3A_101 = tpu.vector_load %arg17[%get3A_100] {strides = array<i32>} : memref<1200xf32, #tpu.memory_space<vmem>>, vector<16xf32>,
          %add3A_102 = arith.constant 400 : i32
          %add3A_103 = arith.addi %add3A_102, %mul3A_74 : i32
          %get3A_104 = arith.index_cast %add3A_103 : i32 to index
          %get3A_105 = tpu.vector_load %arg17[%get3A_104] {strides = array<i32>} : memref<1200xf32, #tpu.memory_space<vmem>>, vector<16xf32>,
          %add3A_106 = arith.constant 800 : i32
          %add3A_107 = arith.addi %add3A_106, %mul3A_74 : i32
          %get3A_108 = arith.index_cast %add3A_107 : i32 to index
          %get3A_109 = tpu.vector_load %arg17[%get3A_108] {strides = array<i32>} : memref<1200xf32, #tpu.memory_space<vmem>>, vector<16xf32>,
          %add3A_110 = arith.constant 0 : i32
          %add3A_111 = arith.addi %add3A_110, %mul3A_74 : i32
          %get3A_112 = arith.index_cast %add3A_111 : i32 to index
          %get3A_113 = tpu.vector_load %arg18[%get3A_112] {strides = array<i32>} : memref<1200xf32, #tpu.memory_space<vmem>>, vector<16xf32>,
          %add3A_114 = arith.constant 400 : i32
          %add3A_115 = arith.addi %add3A_114, %mul3A_74 : i32
          %get3A_116 = arith.index_cast %add3A_115 : i32 to index
          %get3A_117 = tpu.vector_load %arg18[%get3A_116] {strides = array<i32>} : memref<1200xf32, #tpu.memory_space<vmem>>, vector<16xf32>,
          %add3A_118 = arith.constant 800 : i32
          %add3A_119 = arith.addi %add3A_118, %mul3A_74 : i32
          %get3A_120 = arith.index_cast %add3A_119 : i32 to index
          %get3A_121 = tpu.vector_load %arg18[%get3A_120] {strides = array<i32>} : memref<1200xf32, #tpu.memory_space<vmem>>, vector<16xf32>,
          %sub3A = arith.subf %get3A_89, %get3A_77 : vector<16xf32>
          %sub3A_122 = arith.subf %get3A_93, %get3A_81 : vector<16xf32>
          %sub3A_123 = arith.subf %get3A_97, %get3A_85 : vector<16xf32>
          %sub3A_124 = arith.subf %get3A_101, %get3A_89 : vector<16xf32>
          %sub3A_125 = arith.subf %get3A_105, %get3A_93 : vector<16xf32>
          %sub3A_126 = arith.subf %get3A_109, %get3A_97 : vector<16xf32>
          %sub3A_127 = arith.subf %get3A_113, %get3A_101 : vector<16xf32>
          %sub3A_128 = arith.subf %get3A_117, %get3A_105 : vector<16xf32>
          %sub3A_129 = arith.subf %get3A_121, %get3A_109 : vector<16xf32>
          %mul3A_130 = arith.mulf %sub3A_122, %sub3A_126 : vector<16xf32>
          %mul3A_131 = arith.mulf %sub3A_123, %sub3A_125 : vector<16xf32>
          %sub3A_132 = arith.subf %mul3A_130, %mul3A_131 : vector<16xf32>
          %mul3A_133 = arith.mulf %sub3A_123, %sub3A_124 : vector<16xf32>
          %mul3A_134 = arith.mulf %sub3A, %sub3A_126 : vector<16xf32>
          %sub3A_135 = arith.subf %mul3A_133, %mul3A_134 : vector<16xf32>
          %mul3A_136 = arith.mulf %sub3A, %sub3A_125 : vector<16xf32>
          %mul3A_137 = arith.mulf %sub3A_122, %sub3A_124 : vector<16xf32>
          %sub3A_138 = arith.subf %mul3A_136, %mul3A_137 : vector<16xf32>
          %mul3A_139 = arith.mulf %sub3A_125, %sub3A_129 : vector<16xf32>
          %mul3A_140 = arith.mulf %sub3A_126, %sub3A_128 : vector<16xf32>
          %sub3A_141 = arith.subf %mul3A_139, %mul3A_140 : vector<16xf32>
          %mul3A_142 = arith.mulf %sub3A_126, %sub3A_127 : vector<16xf32>
          %mul3A_143 = arith.mulf %sub3A_124, %sub3A_129 : vector<16xf32>
          %sub3A_144 = arith.subf %mul3A_142, %mul3A_143 : vector<16xf32>
          %mul3A_145 = arith.mulf %sub3A_124, %sub3A_128 : vector<16xf32>
          %mul3A_146 = arith.mulf %sub3A_125, %sub3A_127 : vector<16xf32>
          %sub3A_147 = arith.subf %mul3A_145, %mul3A_146 : vector<16xf32>
          %mul3A_148 = arith.mulf %sub3A_132, %sub3A_141 : vector<16xf32>
          %mul3A_149 = arith.mulf %sub3A_135, %sub3A_144 : vector<16xf32>
          %add3A_150 = arith.addf %mul3A_148, %mul3A_149 : vector<16xf32>
          %mul3A_151 = arith.mulf %sub3A_138, %sub3A_147 : vector<16xf32>
          %add3A_152 = arith.addf %add3A_150, %mul3A_151 : vector<16xf32>
          %mul3A_153 = arith.mulf %sub3A_132, %sub3A_132 : vector<16xf32>
          %mul3A_154 = arith.mulf %sub3A_135, %sub3A_135 : vector<16xf32>
          %add3A_155 = arith.addf %mul3A_153, %mul3A_154 : vector<16xf32>
          %mul3A_156 = arith.mulf %sub3A_138, %sub3A_138 : vector<16xf32>
          %add3A_157 = arith.addf %add3A_155, %mul3A_156 : vector<16xf32>
          %mul3A_158 = arith.mulf %sub3A_141, %sub3A_141 : vector<16xf32>
          %mul3A_159 = arith.mulf %sub3A_144, %sub3A_144 : vector<16xf32>
          %add3A_160 = arith.addf %mul3A_158, %mul3A_159 : vector<16xf32>
          %mul3A_161 = arith.mulf %sub3A_147, %sub3A_147 : vector<16xf32>
          %add3A_162 = arith.addf %add3A_160, %mul3A_161 : vector<16xf32>
          %mul3A_163 = arith.mulf %sub3A_132, %sub3A_127 : vector<16xf32>
          %mul3A_164 = arith.mulf %sub3A_135, %sub3A_128 : vector<16xf32>
          %add3A_165 = arith.addf %mul3A_163, %mul3A_164 : vector<16xf32>
          %mul3A_166 = arith.mulf %sub3A_138, %sub3A_129 : vector<16xf32>
          %add3A_167 = arith.addf %add3A_165, %mul3A_166 : vector<16xf32>
          %mul3A_168 = arith.mulf %add3A_157, %add3A_162 : vector<16xf32>
          %max3A = arith.constant 1.000000e-35 : f32
          %max3A_169 = vector.broadcast %max3A : f32 to vector<16xf32>
          %max3A_170 = arith.maximumf %mul3A_168, %max3A_169 : vector<16xf32>
          %bitcast3A = vector.bitcast %max3A_170 : vector<16xf32> to vector<16xi32>
          %shift_right_arithmetic3A = arith.constant 1 : i32
          %shift_right_arithmetic3A_171 = vector.broadcast %shift_right_arithmetic3A : i32 to vector<16xi32>
          %shift_right_arithmetic3A_172 = arith.shrsi %bitcast3A, %shift_right_arithmetic3A_171 : vector<16xi32>
          %sub3A_173 = arith.constant 1597463007 : i32
          %sub3A_174 = vector.broadcast %sub3A_173 : i32 to vector<16xi32>
          %sub3A_175 = arith.subi %sub3A_174, %shift_right_arithmetic3A_172 : vector<16xi32>
          %bitcast3A_176 = vector.bitcast %sub3A_175 : vector<16xi32> to vector<16xf32>
          %mul3A_177 = arith.constant 5.000000e-01 : f32
          %mul3A_178 = vector.broadcast %mul3A_177 : f32 to vector<16xf32>
          %mul3A_179 = arith.mulf %mul3A_178, %max3A_170 : vector<16xf32>
          %mul3A_180 = arith.mulf %mul3A_179, %bitcast3A_176 : vector<16xf32>
          %mul3A_181 = arith.mulf %mul3A_180, %bitcast3A_176 : vector<16xf32>
          %sub3A_182 = arith.constant 1.500000e+00 : f32
          %sub3A_183 = vector.broadcast %sub3A_182 : f32 to vector<16xf32>
          %sub3A_184 = arith.subf %sub3A_183, %mul3A_181 : vector<16xf32>
          %mul3A_185 = arith.mulf %bitcast3A_176, %sub3A_184 : vector<16xf32>
          %mul3A_186 = arith.constant 5.000000e-01 : f32
          %mul3A_187 = vector.broadcast %mul3A_186 : f32 to vector<16xf32>
          %mul3A_188 = arith.mulf %mul3A_187, %max3A_170 : vector<16xf32>
          %mul3A_189 = arith.mulf %mul3A_188, %mul3A_185 : vector<16xf32>
          %mul3A_190 = arith.mulf %mul3A_189, %mul3A_185 : vector<16xf32>
          %sub3A_191 = arith.constant 1.500000e+00 : f32
          %sub3A_192 = vector.broadcast %sub3A_191 : f32 to vector<16xf32>
          %sub3A_193 = arith.subf %sub3A_192, %mul3A_190 : vector<16xf32>
          %mul3A_194 = arith.mulf %mul3A_185, %sub3A_193 : vector<16xf32>
          %mul3A_195 = arith.constant 5.000000e-01 : f32
          %mul3A_196 = vector.broadcast %mul3A_195 : f32 to vector<16xf32>
          %mul3A_197 = arith.mulf %mul3A_196, %max3A_170 : vector<16xf32>
          %mul3A_198 = arith.mulf %mul3A_197, %mul3A_194 : vector<16xf32>
          %mul3A_199 = arith.mulf %mul3A_198, %mul3A_194 : vector<16xf32>
          %sub3A_200 = arith.constant 1.500000e+00 : f32
          %sub3A_201 = vector.broadcast %sub3A_200 : f32 to vector<16xf32>
          %sub3A_202 = arith.subf %sub3A_201, %mul3A_199 : vector<16xf32>
          %mul3A_203 = arith.mulf %mul3A_194, %sub3A_202 : vector<16xf32>
          %mul3A_204 = arith.mulf %mul3A_168, %mul3A_203 : vector<16xf32>
          %div3A = arith.divf %add3A_152, %mul3A_204 : vector<16xf32>
          %max3A_205 = arith.constant -1.000000e+00 : f32
          %max3A_206 = vector.broadcast %max3A_205 : f32 to vector<16xf32>
          %max3A_207 = arith.maximumf %div3A, %max3A_206 : vector<16xf32>
          %min3A = arith.constant 1.000000e+00 : f32
          %min3A_208 = vector.broadcast %min3A : f32 to vector<16xf32>
          %min3A_209 = arith.minimumf %max3A_207, %min3A_208 : vector<16xf32>
          %ne3A = arith.cmpf one, %div3A, %div3A : vector<16xf32>
          %select_n3A = arith.select %ne3A, %div3A, %min3A_209 : vector<16xi1>, vector<16xf32>
          %abs3A = math.absf %select_n3A : vector<16xf32>
          %sub3A_210 = arith.constant 1.000000e+00 : f32
          %sub3A_211 = vector.broadcast %sub3A_210 : f32 to vector<16xf32>
          %sub3A_212 = arith.subf %sub3A_211, %abs3A : vector<16xf32>
          %max3A_213 = arith.constant 1.000000e-30 : f32
          %max3A_214 = vector.broadcast %max3A_213 : f32 to vector<16xf32>
          %max3A_215 = arith.maximumf %sub3A_212, %max3A_214 : vector<16xf32>
          %bitcast3A_216 = vector.bitcast %max3A_215 : vector<16xf32> to vector<16xi32>
          %shift_right_arithmetic3A_217 = arith.constant 1 : i32
          %shift_right_arithmetic3A_218 = vector.broadcast %shift_right_arithmetic3A_217 : i32 to vector<16xi32>
          %shift_right_arithmetic3A_219 = arith.shrsi %bitcast3A_216, %shift_right_arithmetic3A_218 : vector<16xi32>
          %sub3A_220 = arith.constant 1597463007 : i32
          %sub3A_221 = vector.broadcast %sub3A_220 : i32 to vector<16xi32>
          %sub3A_222 = arith.subi %sub3A_221, %shift_right_arithmetic3A_219 : vector<16xi32>
          %bitcast3A_223 = vector.bitcast %sub3A_222 : vector<16xi32> to vector<16xf32>
          %mul3A_224 = arith.constant 5.000000e-01 : f32
          %mul3A_225 = vector.broadcast %mul3A_224 : f32 to vector<16xf32>
          %mul3A_226 = arith.mulf %mul3A_225, %max3A_215 : vector<16xf32>
          %mul3A_227 = arith.mulf %mul3A_226, %bitcast3A_223 : vector<16xf32>
          %mul3A_228 = arith.mulf %mul3A_227, %bitcast3A_223 : vector<16xf32>
          %sub3A_229 = arith.constant 1.500000e+00 : f32
          %sub3A_230 = vector.broadcast %sub3A_229 : f32 to vector<16xf32>
          %sub3A_231 = arith.subf %sub3A_230, %mul3A_228 : vector<16xf32>
          %mul3A_232 = arith.mulf %bitcast3A_223, %sub3A_231 : vector<16xf32>
          %mul3A_233 = arith.constant 5.000000e-01 : f32
          %mul3A_234 = vector.broadcast %mul3A_233 : f32 to vector<16xf32>
          %mul3A_235 = arith.mulf %mul3A_234, %max3A_215 : vector<16xf32>
          %mul3A_236 = arith.mulf %mul3A_235, %mul3A_232 : vector<16xf32>
          %mul3A_237 = arith.mulf %mul3A_236, %mul3A_232 : vector<16xf32>
          %sub3A_238 = arith.constant 1.500000e+00 : f32
          %sub3A_239 = vector.broadcast %sub3A_238 : f32 to vector<16xf32>
          %sub3A_240 = arith.subf %sub3A_239, %mul3A_237 : vector<16xf32>
          %mul3A_241 = arith.mulf %mul3A_232, %sub3A_240 : vector<16xf32>
          %mul3A_242 = arith.constant 5.000000e-01 : f32
          %mul3A_243 = vector.broadcast %mul3A_242 : f32 to vector<16xf32>
          %mul3A_244 = arith.mulf %mul3A_243, %max3A_215 : vector<16xf32>
          %mul3A_245 = arith.mulf %mul3A_244, %mul3A_241 : vector<16xf32>
          %mul3A_246 = arith.mulf %mul3A_245, %mul3A_241 : vector<16xf32>
          %sub3A_247 = arith.constant 1.500000e+00 : f32
          %sub3A_248 = vector.broadcast %sub3A_247 : f32 to vector<16xf32>
          %sub3A_249 = arith.subf %sub3A_248, %mul3A_246 : vector<16xf32>
          %mul3A_250 = arith.mulf %mul3A_241, %sub3A_249 : vector<16xf32>
          %mul3A_251 = arith.mulf %sub3A_212, %mul3A_250 : vector<16xf32>
          %mul3A_252 = arith.constant -0.0012624911 : f32
          %mul3A_253 = vector.broadcast %mul3A_252 : f32 to vector<16xf32>
          %mul3A_254 = arith.mulf %mul3A_253, %abs3A : vector<16xf32>
          %add3A_255 = arith.constant 6.670090e-03 : f32
          %add3A_256 = vector.broadcast %add3A_255 : f32 to vector<16xf32>
          %add3A_257 = arith.addf %mul3A_254, %add3A_256 : vector<16xf32>
          %mul3A_258 = arith.mulf %add3A_257, %abs3A : vector<16xf32>
          %add3A_259 = arith.constant -0.0170881264 : f32
          %add3A_260 = vector.broadcast %add3A_259 : f32 to vector<16xf32>
          %add3A_261 = arith.addf %mul3A_258, %add3A_260 : vector<16xf32>
          %mul3A_262 = arith.mulf %add3A_261, %abs3A : vector<16xf32>
          %add3A_263 = arith.constant 0.0308918804 : f32
          %add3A_264 = vector.broadcast %add3A_263 : f32 to vector<16xf32>
          %add3A_265 = arith.addf %mul3A_262, %add3A_264 : vector<16xf32>
          %mul3A_266 = arith.mulf %add3A_265, %abs3A : vector<16xf32>
          %add3A_267 = arith.constant -0.0501743034 : f32
          %add3A_268 = vector.broadcast %add3A_267 : f32 to vector<16xf32>
          %add3A_269 = arith.addf %mul3A_266, %add3A_268 : vector<16xf32>
          %mul3A_270 = arith.mulf %add3A_269, %abs3A : vector<16xf32>
          %add3A_271 = arith.constant 0.0889789909 : f32
          %add3A_272 = vector.broadcast %add3A_271 : f32 to vector<16xf32>
          %add3A_273 = arith.addf %mul3A_270, %add3A_272 : vector<16xf32>
          %mul3A_274 = arith.mulf %add3A_273, %abs3A : vector<16xf32>
          %add3A_275 = arith.constant -0.214598805 : f32
          %add3A_276 = vector.broadcast %add3A_275 : f32 to vector<16xf32>
          %add3A_277 = arith.addf %mul3A_274, %add3A_276 : vector<16xf32>
          %mul3A_278 = arith.mulf %add3A_277, %abs3A : vector<16xf32>
          %add3A_279 = arith.constant 1.57079625 : f32
          %add3A_280 = vector.broadcast %add3A_279 : f32 to vector<16xf32>
          %add3A_281 = arith.addf %mul3A_278, %add3A_280 : vector<16xf32>
          %mul3A_282 = arith.mulf %mul3A_251, %add3A_281 : vector<16xf32>
          %ge3A = arith.constant 0.000000e+00 : f32
          %ge3A_283 = vector.broadcast %ge3A : f32 to vector<16xf32>
          %ge3A_284 = arith.cmpf oge, %select_n3A, %ge3A_283 : vector<16xf32>
          %sub3A_285 = arith.constant 3.14159274 : f32
          %sub3A_286 = vector.broadcast %sub3A_285 : f32 to vector<16xf32>
          %sub3A_287 = arith.subf %sub3A_286, %mul3A_282 : vector<16xf32>
          %select_n3A_288 = arith.select %ge3A_284, %mul3A_282, %sub3A_287 : vector<16xi1>, vector<16xf32>
          %select_n3A_289 = arith.select %ne3A, %select_n3A, %select_n3A_288 : vector<16xi1>, vector<16xf32>
          %gt3A = arith.constant 0.000000e+00 : f32
          %gt3A_290 = vector.broadcast %gt3A : f32 to vector<16xf32>
          %gt3A_291 = arith.cmpf ogt, %add3A_167, %gt3A_290 : vector<16xf32>
          %neg3A = arith.constant 0.000000e+00 : f32
          %neg3A_292 = vector.broadcast %neg3A : f32 to vector<16xf32>
          %neg3A_293 = arith.subf %neg3A_292, %select_n3A_289 : vector<16xf32>
          %select_n3A_294 = arith.select %gt3A_291, %select_n3A_289, %neg3A_293 : vector<16xi1>, vector<16xf32>
          %swap3A = arith.index_cast %mul3A_74 : i32 to index
          %swap3A_295 = tpu.vector_load %arg24[%swap3A] {strides = array<i32>} : memref<400xf32, #tpu.memory_space<vmem>>, vector<16xf32>,
          tpu.vector_store %arg24[%swap3A], %select_n3A_294 {strides = array<i32>} : memref<400xf32, #tpu.memory_space<vmem>>, vector<16xf32>,
        }
        %scan3A_69 = arith.constant 25 : i32
        %mul3A_70 = arith.constant 400 : i32
        %mul3A_71 = arith.muli %add3A_19, %mul3A_70 : i32
        "tpu.region"() ({
          %run_scoped3A = tpu.sem_alloc : memref<!tpu.dma_semaphore, #tpu.memory_space<semaphore_mem>>
          %dma_start3A = tpu.memref_slice %arg4[%mul3A_71] : memref<1000000xf32, #tpu.memory_space<hbm>> -> memref<400xf32, #tpu.memory_space<hbm>>
          %dma_start3A_72 = tpu.memref_slice %arg4[%mul3A_71] : memref<1000000xf32, #tpu.memory_space<hbm>> -> memref<400xf32, #tpu.memory_space<hbm>>
          tpu.enqueue_dma source(%arg24 : memref<400xf32, #tpu.memory_space<vmem>>) target(%dma_start3A_72 : memref<400xf32, #tpu.memory_space<hbm>>) target_semaphore(%run_scoped3A : memref<!tpu.dma_semaphore, #tpu.memory_space<semaphore_mem>>)
          %dma_wait3A = tpu.memref_slice %arg4[%mul3A_71] : memref<1000000xf32, #tpu.memory_space<hbm>> -> memref<400xf32, #tpu.memory_space<hbm>>
          %dma_wait3A_73 = tpu.memref_slice %arg4[%mul3A_71] : memref<1000000xf32, #tpu.memory_space<hbm>> -> memref<400xf32, #tpu.memory_space<hbm>>
          tpu.wait_dma2 semaphore(%run_scoped3A : memref<!tpu.dma_semaphore, #tpu.memory_space<semaphore_mem>>) src(%arg24 : memref<400xf32, #tpu.memory_space<vmem>>) dst(%dma_wait3A_73 : memref<400xf32, #tpu.memory_space<hbm>>)
          tpu.yield
        }) : () -> ()
      } else {
      }
      %lt3A_44 = arith.constant 2500 : i32
      %lt3A_45 = arith.cmpi slt, %add3A_23, %lt3A_44 : i32
      %convert_element_type3A_46 = arith.extui %lt3A_45 : i1 to i32
      %cond3A_47 = arith.constant 0 : i32
      %cond3A_48 = arith.cmpi ne, %convert_element_type3A_46, %cond3A_47 : i32
      scf.if %cond3A_48 {
        %mul3A_64 = arith.constant 400 : i32
        %mul3A_65 = arith.muli %add3A_23, %mul3A_64 : i32
        %add3A_66 = arith.constant 0 : i32
        %add3A_67 = arith.addi %add3A_66, %mul3A_65 : i32
        "tpu.region"() ({
          %run_scoped3A = tpu.sem_alloc : memref<!tpu.dma_semaphore, #tpu.memory_space<semaphore_mem>>
          %dma_start3A = arith.constant 0 : i32
          %dma_start3A_86 = tpu.memref_slice %arg6[%dma_start3A] : memref<1600xi32, #tpu.memory_space<vmem>> -> memref<400xi32, #tpu.memory_space<vmem>>
          %dma_start3A_87 = tpu.memref_slice %arg2[%add3A_67] : memref<4000000xi32, #tpu.memory_space<hbm>> -> memref<400xi32, #tpu.memory_space<hbm>>
          %dma_start3A_88 = arith.constant 0 : i32
          %dma_start3A_89 = tpu.memref_slice %arg6[%dma_start3A_88] : memref<1600xi32, #tpu.memory_space<vmem>> -> memref<400xi32, #tpu.memory_space<vmem>>
          %dma_start3A_90 = tpu.memref_slice %arg2[%add3A_67] : memref<4000000xi32, #tpu.memory_space<hbm>> -> memref<400xi32, #tpu.memory_space<hbm>>
          tpu.enqueue_dma source(%dma_start3A_90 : memref<400xi32, #tpu.memory_space<hbm>>) target(%dma_start3A_89 : memref<400xi32, #tpu.memory_space<vmem>>) target_semaphore(%run_scoped3A : memref<!tpu.dma_semaphore, #tpu.memory_space<semaphore_mem>>)
          %dma_wait3A = arith.constant 0 : i32
          %dma_wait3A_91 = tpu.memref_slice %arg6[%dma_wait3A] : memref<1600xi32, #tpu.memory_space<vmem>> -> memref<400xi32, #tpu.memory_space<vmem>>
          %dma_wait3A_92 = tpu.memref_slice %arg2[%add3A_67] : memref<4000000xi32, #tpu.memory_space<hbm>> -> memref<400xi32, #tpu.memory_space<hbm>>
          %dma_wait3A_93 = arith.constant 0 : i32
          %dma_wait3A_94 = tpu.memref_slice %arg6[%dma_wait3A_93] : memref<1600xi32, #tpu.memory_space<vmem>> -> memref<400xi32, #tpu.memory_space<vmem>>
          %dma_wait3A_95 = tpu.memref_slice %arg2[%add3A_67] : memref<4000000xi32, #tpu.memory_space<hbm>> -> memref<400xi32, #tpu.memory_space<hbm>>
          tpu.wait_dma2 semaphore(%run_scoped3A : memref<!tpu.dma_semaphore, #tpu.memory_space<semaphore_mem>>) src(%dma_wait3A_95 : memref<400xi32, #tpu.memory_space<hbm>>) dst(%dma_wait3A_94 : memref<400xi32, #tpu.memory_space<vmem>>)
          tpu.yield
        }) : () -> ()
        %mul3A_68 = arith.constant 400 : i32
        %mul3A_69 = arith.muli %add3A_23, %mul3A_68 : i32
        %add3A_70 = arith.constant 1000000 : i32
        %add3A_71 = arith.addi %add3A_70, %mul3A_69 : i32
        "tpu.region"() ({
          %run_scoped3A = tpu.sem_alloc : memref<!tpu.dma_semaphore, #tpu.memory_space<semaphore_mem>>
          %dma_start3A = arith.constant 400 : i32
          %dma_start3A_86 = tpu.memref_slice %arg6[%dma_start3A] : memref<1600xi32, #tpu.memory_space<vmem>> -> memref<400xi32, #tpu.memory_space<vmem>>
          %dma_start3A_87 = tpu.memref_slice %arg2[%add3A_71] : memref<4000000xi32, #tpu.memory_space<hbm>> -> memref<400xi32, #tpu.memory_space<hbm>>
          %dma_start3A_88 = arith.constant 400 : i32
          %dma_start3A_89 = tpu.memref_slice %arg6[%dma_start3A_88] : memref<1600xi32, #tpu.memory_space<vmem>> -> memref<400xi32, #tpu.memory_space<vmem>>
          %dma_start3A_90 = tpu.memref_slice %arg2[%add3A_71] : memref<4000000xi32, #tpu.memory_space<hbm>> -> memref<400xi32, #tpu.memory_space<hbm>>
          tpu.enqueue_dma source(%dma_start3A_90 : memref<400xi32, #tpu.memory_space<hbm>>) target(%dma_start3A_89 : memref<400xi32, #tpu.memory_space<vmem>>) target_semaphore(%run_scoped3A : memref<!tpu.dma_semaphore, #tpu.memory_space<semaphore_mem>>)
          %dma_wait3A = arith.constant 400 : i32
          %dma_wait3A_91 = tpu.memref_slice %arg6[%dma_wait3A] : memref<1600xi32, #tpu.memory_space<vmem>> -> memref<400xi32, #tpu.memory_space<vmem>>
          %dma_wait3A_92 = tpu.memref_slice %arg2[%add3A_71] : memref<4000000xi32, #tpu.memory_space<hbm>> -> memref<400xi32, #tpu.memory_space<hbm>>
          %dma_wait3A_93 = arith.constant 400 : i32
          %dma_wait3A_94 = tpu.memref_slice %arg6[%dma_wait3A_93] : memref<1600xi32, #tpu.memory_space<vmem>> -> memref<400xi32, #tpu.memory_space<vmem>>
          %dma_wait3A_95 = tpu.memref_slice %arg2[%add3A_71] : memref<4000000xi32, #tpu.memory_space<hbm>> -> memref<400xi32, #tpu.memory_space<hbm>>
          tpu.wait_dma2 semaphore(%run_scoped3A : memref<!tpu.dma_semaphore, #tpu.memory_space<semaphore_mem>>) src(%dma_wait3A_95 : memref<400xi32, #tpu.memory_space<hbm>>) dst(%dma_wait3A_94 : memref<400xi32, #tpu.memory_space<vmem>>)
          tpu.yield
        }) : () -> ()
        %mul3A_72 = arith.constant 400 : i32
        %mul3A_73 = arith.muli %add3A_23, %mul3A_72 : i32
        %add3A_74 = arith.constant 2000000 : i32
        %add3A_75 = arith.addi %add3A_74, %mul3A_73 : i32
        "tpu.region"() ({
          %run_scoped3A = tpu.sem_alloc : memref<!tpu.dma_semaphore, #tpu.memory_space<semaphore_mem>>
          %dma_start3A = arith.constant 800 : i32
          %dma_start3A_86 = tpu.memref_slice %arg6[%dma_start3A] : memref<1600xi32, #tpu.memory_space<vmem>> -> memref<400xi32, #tpu.memory_space<vmem>>
          %dma_start3A_87 = tpu.memref_slice %arg2[%add3A_75] : memref<4000000xi32, #tpu.memory_space<hbm>> -> memref<400xi32, #tpu.memory_space<hbm>>
          %dma_start3A_88 = arith.constant 800 : i32
          %dma_start3A_89 = tpu.memref_slice %arg6[%dma_start3A_88] : memref<1600xi32, #tpu.memory_space<vmem>> -> memref<400xi32, #tpu.memory_space<vmem>>
          %dma_start3A_90 = tpu.memref_slice %arg2[%add3A_75] : memref<4000000xi32, #tpu.memory_space<hbm>> -> memref<400xi32, #tpu.memory_space<hbm>>
          tpu.enqueue_dma source(%dma_start3A_90 : memref<400xi32, #tpu.memory_space<hbm>>) target(%dma_start3A_89 : memref<400xi32, #tpu.memory_space<vmem>>) target_semaphore(%run_scoped3A : memref<!tpu.dma_semaphore, #tpu.memory_space<semaphore_mem>>)
          %dma_wait3A = arith.constant 800 : i32
          %dma_wait3A_91 = tpu.memref_slice %arg6[%dma_wait3A] : memref<1600xi32, #tpu.memory_space<vmem>> -> memref<400xi32, #tpu.memory_space<vmem>>
          %dma_wait3A_92 = tpu.memref_slice %arg2[%add3A_75] : memref<4000000xi32, #tpu.memory_space<hbm>> -> memref<400xi32, #tpu.memory_space<hbm>>
          %dma_wait3A_93 = arith.constant 800 : i32
          %dma_wait3A_94 = tpu.memref_slice %arg6[%dma_wait3A_93] : memref<1600xi32, #tpu.memory_space<vmem>> -> memref<400xi32, #tpu.memory_space<vmem>>
          %dma_wait3A_95 = tpu.memref_slice %arg2[%add3A_75] : memref<4000000xi32, #tpu.memory_space<hbm>> -> memref<400xi32, #tpu.memory_space<hbm>>
          tpu.wait_dma2 semaphore(%run_scoped3A : memref<!tpu.dma_semaphore, #tpu.memory_space<semaphore_mem>>) src(%dma_wait3A_95 : memref<400xi32, #tpu.memory_space<hbm>>) dst(%dma_wait3A_94 : memref<400xi32, #tpu.memory_space<vmem>>)
          tpu.yield
        }) : () -> ()
        %mul3A_76 = arith.constant 400 : i32
        %mul3A_77 = arith.muli %add3A_23, %mul3A_76 : i32
        %add3A_78 = arith.constant 3000000 : i32
        %add3A_79 = arith.addi %add3A_78, %mul3A_77 : i32
        "tpu.region"() ({
          %run_scoped3A = tpu.sem_alloc : memref<!tpu.dma_semaphore, #tpu.memory_space<semaphore_mem>>
          %dma_start3A = arith.constant 1200 : i32
          %dma_start3A_86 = tpu.memref_slice %arg6[%dma_start3A] : memref<1600xi32, #tpu.memory_space<vmem>> -> memref<400xi32, #tpu.memory_space<vmem>>
          %dma_start3A_87 = tpu.memref_slice %arg2[%add3A_79] : memref<4000000xi32, #tpu.memory_space<hbm>> -> memref<400xi32, #tpu.memory_space<hbm>>
          %dma_start3A_88 = arith.constant 1200 : i32
          %dma_start3A_89 = tpu.memref_slice %arg6[%dma_start3A_88] : memref<1600xi32, #tpu.memory_space<vmem>> -> memref<400xi32, #tpu.memory_space<vmem>>
          %dma_start3A_90 = tpu.memref_slice %arg2[%add3A_79] : memref<4000000xi32, #tpu.memory_space<hbm>> -> memref<400xi32, #tpu.memory_space<hbm>>
          tpu.enqueue_dma source(%dma_start3A_90 : memref<400xi32, #tpu.memory_space<hbm>>) target(%dma_start3A_89 : memref<400xi32, #tpu.memory_space<vmem>>) target_semaphore(%run_scoped3A : memref<!tpu.dma_semaphore, #tpu.memory_space<semaphore_mem>>)
          %dma_wait3A = arith.constant 1200 : i32
          %dma_wait3A_91 = tpu.memref_slice %arg6[%dma_wait3A] : memref<1600xi32, #tpu.memory_space<vmem>> -> memref<400xi32, #tpu.memory_space<vmem>>
          %dma_wait3A_92 = tpu.memref_slice %arg2[%add3A_79] : memref<4000000xi32, #tpu.memory_space<hbm>> -> memref<400xi32, #tpu.memory_space<hbm>>
          %dma_wait3A_93 = arith.constant 1200 : i32
          %dma_wait3A_94 = tpu.memref_slice %arg6[%dma_wait3A_93] : memref<1600xi32, #tpu.memory_space<vmem>> -> memref<400xi32, #tpu.memory_space<vmem>>
          %dma_wait3A_95 = tpu.memref_slice %arg2[%add3A_79] : memref<4000000xi32, #tpu.memory_space<hbm>> -> memref<400xi32, #tpu.memory_space<hbm>>
          tpu.wait_dma2 semaphore(%run_scoped3A : memref<!tpu.dma_semaphore, #tpu.memory_space<semaphore_mem>>) src(%dma_wait3A_95 : memref<400xi32, #tpu.memory_space<hbm>>) dst(%dma_wait3A_94 : memref<400xi32, #tpu.memory_space<vmem>>)
          tpu.yield
        }) : () -> ()
        %scan3A_80 = arith.constant 0 : i32
        %scan3A_81 = arith.constant 0 : i32
        %scan3A_82 = arith.constant 25 : i32
        %scan3A_83 = arith.addi %scan3A_81, %scan3A_82 : i32
        %scan3A_84 = arith.constant 1 : i32
        scf.for %scan3A_86 = %scan3A_81 to %scan3A_83 step %scan3A_84  : i32 {
          %mul3A_87 = arith.constant 16 : i32
          %mul3A_88 = arith.muli %scan3A_86, %mul3A_87 : i32
          %add3A_89 = arith.constant 0 : i32
          %add3A_90 = arith.addi %add3A_89, %mul3A_88 : i32
          %get3A = arith.index_cast %add3A_90 : i32 to index
          %get3A_91 = tpu.vector_load %arg6[%get3A] {strides = array<i32>} : memref<1600xi32, #tpu.memory_space<vmem>>, vector<16xi32>,
          %add3A_92 = arith.constant 0 : i32
          %add3A_93 = vector.broadcast %add3A_92 : i32 to vector<16xi32>
          %add3A_94 = arith.addi %get3A_91, %add3A_93 : vector<16xi32>
          %add3A_95 = arith.constant 0 : i32
          %add3A_96 = arith.addi %add3A_95, %mul3A_88 : i32
          %swap3A = arith.index_cast %add3A_96 : i32 to index
          %swap3A_97 = tpu.vector_load %arg7[%swap3A] {strides = array<i32>} : memref<1200xi32, #tpu.memory_space<vmem>>, vector<16xi32>,
          tpu.vector_store %arg7[%swap3A], %add3A_94 {strides = array<i32>} : memref<1200xi32, #tpu.memory_space<vmem>>, vector<16xi32>,
          %add3A_98 = arith.constant 500000 : i32
          %add3A_99 = vector.broadcast %add3A_98 : i32 to vector<16xi32>
          %add3A_100 = arith.addi %get3A_91, %add3A_99 : vector<16xi32>
          %add3A_101 = arith.constant 400 : i32
          %add3A_102 = arith.addi %add3A_101, %mul3A_88 : i32
          %swap3A_103 = arith.index_cast %add3A_102 : i32 to index
          %swap3A_104 = tpu.vector_load %arg7[%swap3A_103] {strides = array<i32>} : memref<1200xi32, #tpu.memory_space<vmem>>, vector<16xi32>,
          tpu.vector_store %arg7[%swap3A_103], %add3A_100 {strides = array<i32>} : memref<1200xi32, #tpu.memory_space<vmem>>, vector<16xi32>,
          %add3A_105 = arith.constant 1000000 : i32
          %add3A_106 = vector.broadcast %add3A_105 : i32 to vector<16xi32>
          %add3A_107 = arith.addi %get3A_91, %add3A_106 : vector<16xi32>
          %add3A_108 = arith.constant 800 : i32
          %add3A_109 = arith.addi %add3A_108, %mul3A_88 : i32
          %swap3A_110 = arith.index_cast %add3A_109 : i32 to index
          %swap3A_111 = tpu.vector_load %arg7[%swap3A_110] {strides = array<i32>} : memref<1200xi32, #tpu.memory_space<vmem>>, vector<16xi32>,
          tpu.vector_store %arg7[%swap3A_110], %add3A_107 {strides = array<i32>} : memref<1200xi32, #tpu.memory_space<vmem>>, vector<16xi32>,
          %add3A_112 = arith.constant 400 : i32
          %add3A_113 = arith.addi %add3A_112, %mul3A_88 : i32
          %get3A_114 = arith.index_cast %add3A_113 : i32 to index
          %get3A_115 = tpu.vector_load %arg6[%get3A_114] {strides = array<i32>} : memref<1600xi32, #tpu.memory_space<vmem>>, vector<16xi32>,
          %add3A_116 = arith.constant 0 : i32
          %add3A_117 = vector.broadcast %add3A_116 : i32 to vector<16xi32>
          %add3A_118 = arith.addi %get3A_115, %add3A_117 : vector<16xi32>
          %add3A_119 = arith.constant 0 : i32
          %add3A_120 = arith.addi %add3A_119, %mul3A_88 : i32
          %swap3A_121 = arith.index_cast %add3A_120 : i32 to index
          %swap3A_122 = tpu.vector_load %arg8[%swap3A_121] {strides = array<i32>} : memref<1200xi32, #tpu.memory_space<vmem>>, vector<16xi32>,
          tpu.vector_store %arg8[%swap3A_121], %add3A_118 {strides = array<i32>} : memref<1200xi32, #tpu.memory_space<vmem>>, vector<16xi32>,
          %add3A_123 = arith.constant 500000 : i32
          %add3A_124 = vector.broadcast %add3A_123 : i32 to vector<16xi32>
          %add3A_125 = arith.addi %get3A_115, %add3A_124 : vector<16xi32>
          %add3A_126 = arith.constant 400 : i32
          %add3A_127 = arith.addi %add3A_126, %mul3A_88 : i32
          %swap3A_128 = arith.index_cast %add3A_127 : i32 to index
          %swap3A_129 = tpu.vector_load %arg8[%swap3A_128] {strides = array<i32>} : memref<1200xi32, #tpu.memory_space<vmem>>, vector<16xi32>,
          tpu.vector_store %arg8[%swap3A_128], %add3A_125 {strides = array<i32>} : memref<1200xi32, #tpu.memory_space<vmem>>, vector<16xi32>,
          %add3A_130 = arith.constant 1000000 : i32
          %add3A_131 = vector.broadcast %add3A_130 : i32 to vector<16xi32>
          %add3A_132 = arith.addi %get3A_115, %add3A_131 : vector<16xi32>
          %add3A_133 = arith.constant 800 : i32
          %add3A_134 = arith.addi %add3A_133, %mul3A_88 : i32
          %swap3A_135 = arith.index_cast %add3A_134 : i32 to index
          %swap3A_136 = tpu.vector_load %arg8[%swap3A_135] {strides = array<i32>} : memref<1200xi32, #tpu.memory_space<vmem>>, vector<16xi32>,
          tpu.vector_store %arg8[%swap3A_135], %add3A_132 {strides = array<i32>} : memref<1200xi32, #tpu.memory_space<vmem>>, vector<16xi32>,
          %add3A_137 = arith.constant 800 : i32
          %add3A_138 = arith.addi %add3A_137, %mul3A_88 : i32
          %get3A_139 = arith.index_cast %add3A_138 : i32 to index
          %get3A_140 = tpu.vector_load %arg6[%get3A_139] {strides = array<i32>} : memref<1600xi32, #tpu.memory_space<vmem>>, vector<16xi32>,
          %add3A_141 = arith.constant 0 : i32
          %add3A_142 = vector.broadcast %add3A_141 : i32 to vector<16xi32>
          %add3A_143 = arith.addi %get3A_140, %add3A_142 : vector<16xi32>
          %add3A_144 = arith.constant 0 : i32
          %add3A_145 = arith.addi %add3A_144, %mul3A_88 : i32
          %swap3A_146 = arith.index_cast %add3A_145 : i32 to index
          %swap3A_147 = tpu.vector_load %arg9[%swap3A_146] {strides = array<i32>} : memref<1200xi32, #tpu.memory_space<vmem>>, vector<16xi32>,
          tpu.vector_store %arg9[%swap3A_146], %add3A_143 {strides = array<i32>} : memref<1200xi32, #tpu.memory_space<vmem>>, vector<16xi32>,
          %add3A_148 = arith.constant 500000 : i32
          %add3A_149 = vector.broadcast %add3A_148 : i32 to vector<16xi32>
          %add3A_150 = arith.addi %get3A_140, %add3A_149 : vector<16xi32>
          %add3A_151 = arith.constant 400 : i32
          %add3A_152 = arith.addi %add3A_151, %mul3A_88 : i32
          %swap3A_153 = arith.index_cast %add3A_152 : i32 to index
          %swap3A_154 = tpu.vector_load %arg9[%swap3A_153] {strides = array<i32>} : memref<1200xi32, #tpu.memory_space<vmem>>, vector<16xi32>,
          tpu.vector_store %arg9[%swap3A_153], %add3A_150 {strides = array<i32>} : memref<1200xi32, #tpu.memory_space<vmem>>, vector<16xi32>,
          %add3A_155 = arith.constant 1000000 : i32
          %add3A_156 = vector.broadcast %add3A_155 : i32 to vector<16xi32>
          %add3A_157 = arith.addi %get3A_140, %add3A_156 : vector<16xi32>
          %add3A_158 = arith.constant 800 : i32
          %add3A_159 = arith.addi %add3A_158, %mul3A_88 : i32
          %swap3A_160 = arith.index_cast %add3A_159 : i32 to index
          %swap3A_161 = tpu.vector_load %arg9[%swap3A_160] {strides = array<i32>} : memref<1200xi32, #tpu.memory_space<vmem>>, vector<16xi32>,
          tpu.vector_store %arg9[%swap3A_160], %add3A_157 {strides = array<i32>} : memref<1200xi32, #tpu.memory_space<vmem>>, vector<16xi32>,
          %add3A_162 = arith.constant 1200 : i32
          %add3A_163 = arith.addi %add3A_162, %mul3A_88 : i32
          %get3A_164 = arith.index_cast %add3A_163 : i32 to index
          %get3A_165 = tpu.vector_load %arg6[%get3A_164] {strides = array<i32>} : memref<1600xi32, #tpu.memory_space<vmem>>, vector<16xi32>,
          %add3A_166 = arith.constant 0 : i32
          %add3A_167 = vector.broadcast %add3A_166 : i32 to vector<16xi32>
          %add3A_168 = arith.addi %get3A_165, %add3A_167 : vector<16xi32>
          %add3A_169 = arith.constant 0 : i32
          %add3A_170 = arith.addi %add3A_169, %mul3A_88 : i32
          %swap3A_171 = arith.index_cast %add3A_170 : i32 to index
          %swap3A_172 = tpu.vector_load %arg10[%swap3A_171] {strides = array<i32>} : memref<1200xi32, #tpu.memory_space<vmem>>, vector<16xi32>,
          tpu.vector_store %arg10[%swap3A_171], %add3A_168 {strides = array<i32>} : memref<1200xi32, #tpu.memory_space<vmem>>, vector<16xi32>,
          %add3A_173 = arith.constant 500000 : i32
          %add3A_174 = vector.broadcast %add3A_173 : i32 to vector<16xi32>
          %add3A_175 = arith.addi %get3A_165, %add3A_174 : vector<16xi32>
          %add3A_176 = arith.constant 400 : i32
          %add3A_177 = arith.addi %add3A_176, %mul3A_88 : i32
          %swap3A_178 = arith.index_cast %add3A_177 : i32 to index
          %swap3A_179 = tpu.vector_load %arg10[%swap3A_178] {strides = array<i32>} : memref<1200xi32, #tpu.memory_space<vmem>>, vector<16xi32>,
          tpu.vector_store %arg10[%swap3A_178], %add3A_175 {strides = array<i32>} : memref<1200xi32, #tpu.memory_space<vmem>>, vector<16xi32>,
          %add3A_180 = arith.constant 1000000 : i32
          %add3A_181 = vector.broadcast %add3A_180 : i32 to vector<16xi32>
          %add3A_182 = arith.addi %get3A_165, %add3A_181 : vector<16xi32>
          %add3A_183 = arith.constant 800 : i32
          %add3A_184 = arith.addi %add3A_183, %mul3A_88 : i32
          %swap3A_185 = arith.index_cast %add3A_184 : i32 to index
          %swap3A_186 = tpu.vector_load %arg10[%swap3A_185] {strides = array<i32>} : memref<1200xi32, #tpu.memory_space<vmem>>, vector<16xi32>,
          tpu.vector_store %arg10[%swap3A_185], %add3A_182 {strides = array<i32>} : memref<1200xi32, #tpu.memory_space<vmem>>, vector<16xi32>,
        }
        %scan3A_85 = arith.constant 25 : i32
      } else {
      }
      %lt3A_49 = arith.constant 2500 : i32
      %lt3A_50 = arith.cmpi slt, %add3A_21, %lt3A_49 : i32
      %convert_element_type3A_51 = arith.extui %lt3A_50 : i1 to i32
      %cond3A_52 = arith.constant 0 : i32
      %cond3A_53 = arith.cmpi ne, %convert_element_type3A_51, %cond3A_52 : i32
      scf.if %cond3A_53 {
        %dma_wait3A = arith.constant 0 : i32
        %dma_wait3A_64 = tpu.memref_slice %arg5[%dma_wait3A] : memref<1500000xf32, #tpu.memory_space<vmem_shared>> -> memref<1500000xf32, #tpu.memory_space<vmem_shared>>
        tpu.wait_indirect_dma semaphore(%arg29 : memref<!tpu.dma_semaphore, #tpu.memory_space<semaphore_mem>>) src(%dma_wait3A_64 : memref<1500000xf32, #tpu.memory_space<vmem_shared>>) dst(%arg19 : memref<1200xf32, #tpu.memory_space<vmem>>)
        %dma_wait3A_65 = arith.constant 0 : i32
        %dma_wait3A_66 = tpu.memref_slice %arg5[%dma_wait3A_65] : memref<1500000xf32, #tpu.memory_space<vmem_shared>> -> memref<1500000xf32, #tpu.memory_space<vmem_shared>>
        tpu.wait_indirect_dma semaphore(%arg30 : memref<!tpu.dma_semaphore, #tpu.memory_space<semaphore_mem>>) src(%dma_wait3A_66 : memref<1500000xf32, #tpu.memory_space<vmem_shared>>) dst(%arg20 : memref<1200xf32, #tpu.memory_space<vmem>>)
        %dma_wait3A_67 = arith.constant 0 : i32
        %dma_wait3A_68 = tpu.memref_slice %arg5[%dma_wait3A_67] : memref<1500000xf32, #tpu.memory_space<vmem_shared>> -> memref<1500000xf32, #tpu.memory_space<vmem_shared>>
        tpu.wait_indirect_dma semaphore(%arg31 : memref<!tpu.dma_semaphore, #tpu.memory_space<semaphore_mem>>) src(%dma_wait3A_68 : memref<1500000xf32, #tpu.memory_space<vmem_shared>>) dst(%arg21 : memref<1200xf32, #tpu.memory_space<vmem>>)
        %dma_wait3A_69 = arith.constant 0 : i32
        %dma_wait3A_70 = tpu.memref_slice %arg5[%dma_wait3A_69] : memref<1500000xf32, #tpu.memory_space<vmem_shared>> -> memref<1500000xf32, #tpu.memory_space<vmem_shared>>
        tpu.wait_indirect_dma semaphore(%arg32 : memref<!tpu.dma_semaphore, #tpu.memory_space<semaphore_mem>>) src(%dma_wait3A_70 : memref<1500000xf32, #tpu.memory_space<vmem_shared>>) dst(%arg22 : memref<1200xf32, #tpu.memory_space<vmem>>)
      } else {
      }
      %lt3A_54 = arith.constant 2500 : i32
      %lt3A_55 = arith.cmpi slt, %add3A_23, %lt3A_54 : i32
      %convert_element_type3A_56 = arith.extui %lt3A_55 : i1 to i32
      %cond3A_57 = arith.constant 0 : i32
      %cond3A_58 = arith.cmpi ne, %convert_element_type3A_56, %cond3A_57 : i32
      scf.if %cond3A_58 {
        %dma_start3A = arith.constant 0 : i32
        %dma_start3A_64 = tpu.memref_slice %arg5[%dma_start3A] : memref<1500000xf32, #tpu.memory_space<vmem_shared>> -> memref<1500000xf32, #tpu.memory_space<vmem_shared>>
        tpu.enqueue_indirect_dma source(%dma_start3A_64 : memref<1500000xf32, #tpu.memory_space<vmem_shared>>) target(%arg15 : memref<1200xf32, #tpu.memory_space<vmem>>) offsets(%arg7 : memref<1200xi32, #tpu.memory_space<vmem>>) semaphore(%arg25 : memref<!tpu.dma_semaphore, #tpu.memory_space<semaphore_mem>>)
        %dma_start3A_65 = arith.constant 0 : i32
        %dma_start3A_66 = tpu.memref_slice %arg5[%dma_start3A_65] : memref<1500000xf32, #tpu.memory_space<vmem_shared>> -> memref<1500000xf32, #tpu.memory_space<vmem_shared>>
        tpu.enqueue_indirect_dma source(%dma_start3A_66 : memref<1500000xf32, #tpu.memory_space<vmem_shared>>) target(%arg16 : memref<1200xf32, #tpu.memory_space<vmem>>) offsets(%arg8 : memref<1200xi32, #tpu.memory_space<vmem>>) semaphore(%arg26 : memref<!tpu.dma_semaphore, #tpu.memory_space<semaphore_mem>>)
        %dma_start3A_67 = arith.constant 0 : i32
        %dma_start3A_68 = tpu.memref_slice %arg5[%dma_start3A_67] : memref<1500000xf32, #tpu.memory_space<vmem_shared>> -> memref<1500000xf32, #tpu.memory_space<vmem_shared>>
        tpu.enqueue_indirect_dma source(%dma_start3A_68 : memref<1500000xf32, #tpu.memory_space<vmem_shared>>) target(%arg17 : memref<1200xf32, #tpu.memory_space<vmem>>) offsets(%arg9 : memref<1200xi32, #tpu.memory_space<vmem>>) semaphore(%arg27 : memref<!tpu.dma_semaphore, #tpu.memory_space<semaphore_mem>>)
        %dma_start3A_69 = arith.constant 0 : i32
        %dma_start3A_70 = tpu.memref_slice %arg5[%dma_start3A_69] : memref<1500000xf32, #tpu.memory_space<vmem_shared>> -> memref<1500000xf32, #tpu.memory_space<vmem_shared>>
        tpu.enqueue_indirect_dma source(%dma_start3A_70 : memref<1500000xf32, #tpu.memory_space<vmem_shared>>) target(%arg18 : memref<1200xf32, #tpu.memory_space<vmem>>) offsets(%arg10 : memref<1200xi32, #tpu.memory_space<vmem>>) semaphore(%arg28 : memref<!tpu.dma_semaphore, #tpu.memory_space<semaphore_mem>>)
      } else {
      }
      %lt3A_59 = arith.constant 2500 : i32
      %lt3A_60 = arith.cmpi slt, %add3A_21, %lt3A_59 : i32
      %convert_element_type3A_61 = arith.extui %lt3A_60 : i1 to i32
      %cond3A_62 = arith.constant 0 : i32
      %cond3A_63 = arith.cmpi ne, %convert_element_type3A_61, %cond3A_62 : i32
      scf.if %cond3A_63 {
        %scan3A_64 = arith.constant 0 : i32
        %scan3A_65 = arith.constant 0 : i32
        %scan3A_66 = arith.constant 25 : i32
        %scan3A_67 = arith.addi %scan3A_65, %scan3A_66 : i32
        %scan3A_68 = arith.constant 1 : i32
        scf.for %scan3A_72 = %scan3A_65 to %scan3A_67 step %scan3A_68  : i32 {
          %mul3A_73 = arith.constant 16 : i32
          %mul3A_74 = arith.muli %scan3A_72, %mul3A_73 : i32
          %add3A_75 = arith.constant 0 : i32
          %add3A_76 = arith.addi %add3A_75, %mul3A_74 : i32
          %get3A = arith.index_cast %add3A_76 : i32 to index
          %get3A_77 = tpu.vector_load %arg19[%get3A] {strides = array<i32>} : memref<1200xf32, #tpu.memory_space<vmem>>, vector<16xf32>,
          %add3A_78 = arith.constant 400 : i32
          %add3A_79 = arith.addi %add3A_78, %mul3A_74 : i32
          %get3A_80 = arith.index_cast %add3A_79 : i32 to index
          %get3A_81 = tpu.vector_load %arg19[%get3A_80] {strides = array<i32>} : memref<1200xf32, #tpu.memory_space<vmem>>, vector<16xf32>,
          %add3A_82 = arith.constant 800 : i32
          %add3A_83 = arith.addi %add3A_82, %mul3A_74 : i32
          %get3A_84 = arith.index_cast %add3A_83 : i32 to index
          %get3A_85 = tpu.vector_load %arg19[%get3A_84] {strides = array<i32>} : memref<1200xf32, #tpu.memory_space<vmem>>, vector<16xf32>,
          %add3A_86 = arith.constant 0 : i32
          %add3A_87 = arith.addi %add3A_86, %mul3A_74 : i32
          %get3A_88 = arith.index_cast %add3A_87 : i32 to index
          %get3A_89 = tpu.vector_load %arg20[%get3A_88] {strides = array<i32>} : memref<1200xf32, #tpu.memory_space<vmem>>, vector<16xf32>,
          %add3A_90 = arith.constant 400 : i32
          %add3A_91 = arith.addi %add3A_90, %mul3A_74 : i32
          %get3A_92 = arith.index_cast %add3A_91 : i32 to index
          %get3A_93 = tpu.vector_load %arg20[%get3A_92] {strides = array<i32>} : memref<1200xf32, #tpu.memory_space<vmem>>, vector<16xf32>,
          %add3A_94 = arith.constant 800 : i32
          %add3A_95 = arith.addi %add3A_94, %mul3A_74 : i32
          %get3A_96 = arith.index_cast %add3A_95 : i32 to index
          %get3A_97 = tpu.vector_load %arg20[%get3A_96] {strides = array<i32>} : memref<1200xf32, #tpu.memory_space<vmem>>, vector<16xf32>,
          %add3A_98 = arith.constant 0 : i32
          %add3A_99 = arith.addi %add3A_98, %mul3A_74 : i32
          %get3A_100 = arith.index_cast %add3A_99 : i32 to index
          %get3A_101 = tpu.vector_load %arg21[%get3A_100] {strides = array<i32>} : memref<1200xf32, #tpu.memory_space<vmem>>, vector<16xf32>,
          %add3A_102 = arith.constant 400 : i32
          %add3A_103 = arith.addi %add3A_102, %mul3A_74 : i32
          %get3A_104 = arith.index_cast %add3A_103 : i32 to index
          %get3A_105 = tpu.vector_load %arg21[%get3A_104] {strides = array<i32>} : memref<1200xf32, #tpu.memory_space<vmem>>, vector<16xf32>,
          %add3A_106 = arith.constant 800 : i32
          %add3A_107 = arith.addi %add3A_106, %mul3A_74 : i32
          %get3A_108 = arith.index_cast %add3A_107 : i32 to index
          %get3A_109 = tpu.vector_load %arg21[%get3A_108] {strides = array<i32>} : memref<1200xf32, #tpu.memory_space<vmem>>, vector<16xf32>,
          %add3A_110 = arith.constant 0 : i32
          %add3A_111 = arith.addi %add3A_110, %mul3A_74 : i32
          %get3A_112 = arith.index_cast %add3A_111 : i32 to index
          %get3A_113 = tpu.vector_load %arg22[%get3A_112] {strides = array<i32>} : memref<1200xf32, #tpu.memory_space<vmem>>, vector<16xf32>,
          %add3A_114 = arith.constant 400 : i32
          %add3A_115 = arith.addi %add3A_114, %mul3A_74 : i32
          %get3A_116 = arith.index_cast %add3A_115 : i32 to index
          %get3A_117 = tpu.vector_load %arg22[%get3A_116] {strides = array<i32>} : memref<1200xf32, #tpu.memory_space<vmem>>, vector<16xf32>,
          %add3A_118 = arith.constant 800 : i32
          %add3A_119 = arith.addi %add3A_118, %mul3A_74 : i32
          %get3A_120 = arith.index_cast %add3A_119 : i32 to index
          %get3A_121 = tpu.vector_load %arg22[%get3A_120] {strides = array<i32>} : memref<1200xf32, #tpu.memory_space<vmem>>, vector<16xf32>,
          %sub3A = arith.subf %get3A_89, %get3A_77 : vector<16xf32>
          %sub3A_122 = arith.subf %get3A_93, %get3A_81 : vector<16xf32>
          %sub3A_123 = arith.subf %get3A_97, %get3A_85 : vector<16xf32>
          %sub3A_124 = arith.subf %get3A_101, %get3A_89 : vector<16xf32>
          %sub3A_125 = arith.subf %get3A_105, %get3A_93 : vector<16xf32>
          %sub3A_126 = arith.subf %get3A_109, %get3A_97 : vector<16xf32>
          %sub3A_127 = arith.subf %get3A_113, %get3A_101 : vector<16xf32>
          %sub3A_128 = arith.subf %get3A_117, %get3A_105 : vector<16xf32>
          %sub3A_129 = arith.subf %get3A_121, %get3A_109 : vector<16xf32>
          %mul3A_130 = arith.mulf %sub3A_122, %sub3A_126 : vector<16xf32>
          %mul3A_131 = arith.mulf %sub3A_123, %sub3A_125 : vector<16xf32>
          %sub3A_132 = arith.subf %mul3A_130, %mul3A_131 : vector<16xf32>
          %mul3A_133 = arith.mulf %sub3A_123, %sub3A_124 : vector<16xf32>
          %mul3A_134 = arith.mulf %sub3A, %sub3A_126 : vector<16xf32>
          %sub3A_135 = arith.subf %mul3A_133, %mul3A_134 : vector<16xf32>
          %mul3A_136 = arith.mulf %sub3A, %sub3A_125 : vector<16xf32>
          %mul3A_137 = arith.mulf %sub3A_122, %sub3A_124 : vector<16xf32>
          %sub3A_138 = arith.subf %mul3A_136, %mul3A_137 : vector<16xf32>
          %mul3A_139 = arith.mulf %sub3A_125, %sub3A_129 : vector<16xf32>
          %mul3A_140 = arith.mulf %sub3A_126, %sub3A_128 : vector<16xf32>
          %sub3A_141 = arith.subf %mul3A_139, %mul3A_140 : vector<16xf32>
          %mul3A_142 = arith.mulf %sub3A_126, %sub3A_127 : vector<16xf32>
          %mul3A_143 = arith.mulf %sub3A_124, %sub3A_129 : vector<16xf32>
          %sub3A_144 = arith.subf %mul3A_142, %mul3A_143 : vector<16xf32>
          %mul3A_145 = arith.mulf %sub3A_124, %sub3A_128 : vector<16xf32>
          %mul3A_146 = arith.mulf %sub3A_125, %sub3A_127 : vector<16xf32>
          %sub3A_147 = arith.subf %mul3A_145, %mul3A_146 : vector<16xf32>
          %mul3A_148 = arith.mulf %sub3A_132, %sub3A_141 : vector<16xf32>
          %mul3A_149 = arith.mulf %sub3A_135, %sub3A_144 : vector<16xf32>
          %add3A_150 = arith.addf %mul3A_148, %mul3A_149 : vector<16xf32>
          %mul3A_151 = arith.mulf %sub3A_138, %sub3A_147 : vector<16xf32>
          %add3A_152 = arith.addf %add3A_150, %mul3A_151 : vector<16xf32>
          %mul3A_153 = arith.mulf %sub3A_132, %sub3A_132 : vector<16xf32>
          %mul3A_154 = arith.mulf %sub3A_135, %sub3A_135 : vector<16xf32>
          %add3A_155 = arith.addf %mul3A_153, %mul3A_154 : vector<16xf32>
          %mul3A_156 = arith.mulf %sub3A_138, %sub3A_138 : vector<16xf32>
          %add3A_157 = arith.addf %add3A_155, %mul3A_156 : vector<16xf32>
          %mul3A_158 = arith.mulf %sub3A_141, %sub3A_141 : vector<16xf32>
          %mul3A_159 = arith.mulf %sub3A_144, %sub3A_144 : vector<16xf32>
          %add3A_160 = arith.addf %mul3A_158, %mul3A_159 : vector<16xf32>
          %mul3A_161 = arith.mulf %sub3A_147, %sub3A_147 : vector<16xf32>
          %add3A_162 = arith.addf %add3A_160, %mul3A_161 : vector<16xf32>
          %mul3A_163 = arith.mulf %sub3A_132, %sub3A_127 : vector<16xf32>
          %mul3A_164 = arith.mulf %sub3A_135, %sub3A_128 : vector<16xf32>
          %add3A_165 = arith.addf %mul3A_163, %mul3A_164 : vector<16xf32>
          %mul3A_166 = arith.mulf %sub3A_138, %sub3A_129 : vector<16xf32>
          %add3A_167 = arith.addf %add3A_165, %mul3A_166 : vector<16xf32>
          %mul3A_168 = arith.mulf %add3A_157, %add3A_162 : vector<16xf32>
          %max3A = arith.constant 1.000000e-35 : f32
          %max3A_169 = vector.broadcast %max3A : f32 to vector<16xf32>
          %max3A_170 = arith.maximumf %mul3A_168, %max3A_169 : vector<16xf32>
          %bitcast3A = vector.bitcast %max3A_170 : vector<16xf32> to vector<16xi32>
          %shift_right_arithmetic3A = arith.constant 1 : i32
          %shift_right_arithmetic3A_171 = vector.broadcast %shift_right_arithmetic3A : i32 to vector<16xi32>
          %shift_right_arithmetic3A_172 = arith.shrsi %bitcast3A, %shift_right_arithmetic3A_171 : vector<16xi32>
          %sub3A_173 = arith.constant 1597463007 : i32
          %sub3A_174 = vector.broadcast %sub3A_173 : i32 to vector<16xi32>
          %sub3A_175 = arith.subi %sub3A_174, %shift_right_arithmetic3A_172 : vector<16xi32>
          %bitcast3A_176 = vector.bitcast %sub3A_175 : vector<16xi32> to vector<16xf32>
          %mul3A_177 = arith.constant 5.000000e-01 : f32
          %mul3A_178 = vector.broadcast %mul3A_177 : f32 to vector<16xf32>
          %mul3A_179 = arith.mulf %mul3A_178, %max3A_170 : vector<16xf32>
          %mul3A_180 = arith.mulf %mul3A_179, %bitcast3A_176 : vector<16xf32>
          %mul3A_181 = arith.mulf %mul3A_180, %bitcast3A_176 : vector<16xf32>
          %sub3A_182 = arith.constant 1.500000e+00 : f32
          %sub3A_183 = vector.broadcast %sub3A_182 : f32 to vector<16xf32>
          %sub3A_184 = arith.subf %sub3A_183, %mul3A_181 : vector<16xf32>
          %mul3A_185 = arith.mulf %bitcast3A_176, %sub3A_184 : vector<16xf32>
          %mul3A_186 = arith.constant 5.000000e-01 : f32
          %mul3A_187 = vector.broadcast %mul3A_186 : f32 to vector<16xf32>
          %mul3A_188 = arith.mulf %mul3A_187, %max3A_170 : vector<16xf32>
          %mul3A_189 = arith.mulf %mul3A_188, %mul3A_185 : vector<16xf32>
          %mul3A_190 = arith.mulf %mul3A_189, %mul3A_185 : vector<16xf32>
          %sub3A_191 = arith.constant 1.500000e+00 : f32
          %sub3A_192 = vector.broadcast %sub3A_191 : f32 to vector<16xf32>
          %sub3A_193 = arith.subf %sub3A_192, %mul3A_190 : vector<16xf32>
          %mul3A_194 = arith.mulf %mul3A_185, %sub3A_193 : vector<16xf32>
          %mul3A_195 = arith.constant 5.000000e-01 : f32
          %mul3A_196 = vector.broadcast %mul3A_195 : f32 to vector<16xf32>
          %mul3A_197 = arith.mulf %mul3A_196, %max3A_170 : vector<16xf32>
          %mul3A_198 = arith.mulf %mul3A_197, %mul3A_194 : vector<16xf32>
          %mul3A_199 = arith.mulf %mul3A_198, %mul3A_194 : vector<16xf32>
          %sub3A_200 = arith.constant 1.500000e+00 : f32
          %sub3A_201 = vector.broadcast %sub3A_200 : f32 to vector<16xf32>
          %sub3A_202 = arith.subf %sub3A_201, %mul3A_199 : vector<16xf32>
          %mul3A_203 = arith.mulf %mul3A_194, %sub3A_202 : vector<16xf32>
          %mul3A_204 = arith.mulf %mul3A_168, %mul3A_203 : vector<16xf32>
          %div3A = arith.divf %add3A_152, %mul3A_204 : vector<16xf32>
          %max3A_205 = arith.constant -1.000000e+00 : f32
          %max3A_206 = vector.broadcast %max3A_205 : f32 to vector<16xf32>
          %max3A_207 = arith.maximumf %div3A, %max3A_206 : vector<16xf32>
          %min3A = arith.constant 1.000000e+00 : f32
          %min3A_208 = vector.broadcast %min3A : f32 to vector<16xf32>
          %min3A_209 = arith.minimumf %max3A_207, %min3A_208 : vector<16xf32>
          %ne3A = arith.cmpf one, %div3A, %div3A : vector<16xf32>
          %select_n3A = arith.select %ne3A, %div3A, %min3A_209 : vector<16xi1>, vector<16xf32>
          %abs3A = math.absf %select_n3A : vector<16xf32>
          %sub3A_210 = arith.constant 1.000000e+00 : f32
          %sub3A_211 = vector.broadcast %sub3A_210 : f32 to vector<16xf32>
          %sub3A_212 = arith.subf %sub3A_211, %abs3A : vector<16xf32>
          %max3A_213 = arith.constant 1.000000e-30 : f32
          %max3A_214 = vector.broadcast %max3A_213 : f32 to vector<16xf32>
          %max3A_215 = arith.maximumf %sub3A_212, %max3A_214 : vector<16xf32>
          %bitcast3A_216 = vector.bitcast %max3A_215 : vector<16xf32> to vector<16xi32>
          %shift_right_arithmetic3A_217 = arith.constant 1 : i32
          %shift_right_arithmetic3A_218 = vector.broadcast %shift_right_arithmetic3A_217 : i32 to vector<16xi32>
          %shift_right_arithmetic3A_219 = arith.shrsi %bitcast3A_216, %shift_right_arithmetic3A_218 : vector<16xi32>
          %sub3A_220 = arith.constant 1597463007 : i32
          %sub3A_221 = vector.broadcast %sub3A_220 : i32 to vector<16xi32>
          %sub3A_222 = arith.subi %sub3A_221, %shift_right_arithmetic3A_219 : vector<16xi32>
          %bitcast3A_223 = vector.bitcast %sub3A_222 : vector<16xi32> to vector<16xf32>
          %mul3A_224 = arith.constant 5.000000e-01 : f32
          %mul3A_225 = vector.broadcast %mul3A_224 : f32 to vector<16xf32>
          %mul3A_226 = arith.mulf %mul3A_225, %max3A_215 : vector<16xf32>
          %mul3A_227 = arith.mulf %mul3A_226, %bitcast3A_223 : vector<16xf32>
          %mul3A_228 = arith.mulf %mul3A_227, %bitcast3A_223 : vector<16xf32>
          %sub3A_229 = arith.constant 1.500000e+00 : f32
          %sub3A_230 = vector.broadcast %sub3A_229 : f32 to vector<16xf32>
          %sub3A_231 = arith.subf %sub3A_230, %mul3A_228 : vector<16xf32>
          %mul3A_232 = arith.mulf %bitcast3A_223, %sub3A_231 : vector<16xf32>
          %mul3A_233 = arith.constant 5.000000e-01 : f32
          %mul3A_234 = vector.broadcast %mul3A_233 : f32 to vector<16xf32>
          %mul3A_235 = arith.mulf %mul3A_234, %max3A_215 : vector<16xf32>
          %mul3A_236 = arith.mulf %mul3A_235, %mul3A_232 : vector<16xf32>
          %mul3A_237 = arith.mulf %mul3A_236, %mul3A_232 : vector<16xf32>
          %sub3A_238 = arith.constant 1.500000e+00 : f32
          %sub3A_239 = vector.broadcast %sub3A_238 : f32 to vector<16xf32>
          %sub3A_240 = arith.subf %sub3A_239, %mul3A_237 : vector<16xf32>
          %mul3A_241 = arith.mulf %mul3A_232, %sub3A_240 : vector<16xf32>
          %mul3A_242 = arith.constant 5.000000e-01 : f32
          %mul3A_243 = vector.broadcast %mul3A_242 : f32 to vector<16xf32>
          %mul3A_244 = arith.mulf %mul3A_243, %max3A_215 : vector<16xf32>
          %mul3A_245 = arith.mulf %mul3A_244, %mul3A_241 : vector<16xf32>
          %mul3A_246 = arith.mulf %mul3A_245, %mul3A_241 : vector<16xf32>
          %sub3A_247 = arith.constant 1.500000e+00 : f32
          %sub3A_248 = vector.broadcast %sub3A_247 : f32 to vector<16xf32>
          %sub3A_249 = arith.subf %sub3A_248, %mul3A_246 : vector<16xf32>
          %mul3A_250 = arith.mulf %mul3A_241, %sub3A_249 : vector<16xf32>
          %mul3A_251 = arith.mulf %sub3A_212, %mul3A_250 : vector<16xf32>
          %mul3A_252 = arith.constant -0.0012624911 : f32
          %mul3A_253 = vector.broadcast %mul3A_252 : f32 to vector<16xf32>
          %mul3A_254 = arith.mulf %mul3A_253, %abs3A : vector<16xf32>
          %add3A_255 = arith.constant 6.670090e-03 : f32
          %add3A_256 = vector.broadcast %add3A_255 : f32 to vector<16xf32>
          %add3A_257 = arith.addf %mul3A_254, %add3A_256 : vector<16xf32>
          %mul3A_258 = arith.mulf %add3A_257, %abs3A : vector<16xf32>
          %add3A_259 = arith.constant -0.0170881264 : f32
          %add3A_260 = vector.broadcast %add3A_259 : f32 to vector<16xf32>
          %add3A_261 = arith.addf %mul3A_258, %add3A_260 : vector<16xf32>
          %mul3A_262 = arith.mulf %add3A_261, %abs3A : vector<16xf32>
          %add3A_263 = arith.constant 0.0308918804 : f32
          %add3A_264 = vector.broadcast %add3A_263 : f32 to vector<16xf32>
          %add3A_265 = arith.addf %mul3A_262, %add3A_264 : vector<16xf32>
          %mul3A_266 = arith.mulf %add3A_265, %abs3A : vector<16xf32>
          %add3A_267 = arith.constant -0.0501743034 : f32
          %add3A_268 = vector.broadcast %add3A_267 : f32 to vector<16xf32>
          %add3A_269 = arith.addf %mul3A_266, %add3A_268 : vector<16xf32>
          %mul3A_270 = arith.mulf %add3A_269, %abs3A : vector<16xf32>
          %add3A_271 = arith.constant 0.0889789909 : f32
          %add3A_272 = vector.broadcast %add3A_271 : f32 to vector<16xf32>
          %add3A_273 = arith.addf %mul3A_270, %add3A_272 : vector<16xf32>
          %mul3A_274 = arith.mulf %add3A_273, %abs3A : vector<16xf32>
          %add3A_275 = arith.constant -0.214598805 : f32
          %add3A_276 = vector.broadcast %add3A_275 : f32 to vector<16xf32>
          %add3A_277 = arith.addf %mul3A_274, %add3A_276 : vector<16xf32>
          %mul3A_278 = arith.mulf %add3A_277, %abs3A : vector<16xf32>
          %add3A_279 = arith.constant 1.57079625 : f32
          %add3A_280 = vector.broadcast %add3A_279 : f32 to vector<16xf32>
          %add3A_281 = arith.addf %mul3A_278, %add3A_280 : vector<16xf32>
          %mul3A_282 = arith.mulf %mul3A_251, %add3A_281 : vector<16xf32>
          %ge3A = arith.constant 0.000000e+00 : f32
          %ge3A_283 = vector.broadcast %ge3A : f32 to vector<16xf32>
          %ge3A_284 = arith.cmpf oge, %select_n3A, %ge3A_283 : vector<16xf32>
          %sub3A_285 = arith.constant 3.14159274 : f32
          %sub3A_286 = vector.broadcast %sub3A_285 : f32 to vector<16xf32>
          %sub3A_287 = arith.subf %sub3A_286, %mul3A_282 : vector<16xf32>
          %select_n3A_288 = arith.select %ge3A_284, %mul3A_282, %sub3A_287 : vector<16xi1>, vector<16xf32>
          %select_n3A_289 = arith.select %ne3A, %select_n3A, %select_n3A_288 : vector<16xi1>, vector<16xf32>
          %gt3A = arith.constant 0.000000e+00 : f32
          %gt3A_290 = vector.broadcast %gt3A : f32 to vector<16xf32>
          %gt3A_291 = arith.cmpf ogt, %add3A_167, %gt3A_290 : vector<16xf32>
          %neg3A = arith.constant 0.000000e+00 : f32
          %neg3A_292 = vector.broadcast %neg3A : f32 to vector<16xf32>
          %neg3A_293 = arith.subf %neg3A_292, %select_n3A_289 : vector<16xf32>
          %select_n3A_294 = arith.select %gt3A_291, %select_n3A_289, %neg3A_293 : vector<16xi1>, vector<16xf32>
          %swap3A = arith.index_cast %mul3A_74 : i32 to index
          %swap3A_295 = tpu.vector_load %arg24[%swap3A] {strides = array<i32>} : memref<400xf32, #tpu.memory_space<vmem>>, vector<16xf32>,
          tpu.vector_store %arg24[%swap3A], %select_n3A_294 {strides = array<i32>} : memref<400xf32, #tpu.memory_space<vmem>>, vector<16xf32>,
        }
        %scan3A_69 = arith.constant 25 : i32
        %mul3A_70 = arith.constant 400 : i32
        %mul3A_71 = arith.muli %add3A_21, %mul3A_70 : i32
        "tpu.region"() ({
          %run_scoped3A = tpu.sem_alloc : memref<!tpu.dma_semaphore, #tpu.memory_space<semaphore_mem>>
          %dma_start3A = tpu.memref_slice %arg4[%mul3A_71] : memref<1000000xf32, #tpu.memory_space<hbm>> -> memref<400xf32, #tpu.memory_space<hbm>>
          %dma_start3A_72 = tpu.memref_slice %arg4[%mul3A_71] : memref<1000000xf32, #tpu.memory_space<hbm>> -> memref<400xf32, #tpu.memory_space<hbm>>
          tpu.enqueue_dma source(%arg24 : memref<400xf32, #tpu.memory_space<vmem>>) target(%dma_start3A_72 : memref<400xf32, #tpu.memory_space<hbm>>) target_semaphore(%run_scoped3A : memref<!tpu.dma_semaphore, #tpu.memory_space<semaphore_mem>>)
          %dma_wait3A = tpu.memref_slice %arg4[%mul3A_71] : memref<1000000xf32, #tpu.memory_space<hbm>> -> memref<400xf32, #tpu.memory_space<hbm>>
          %dma_wait3A_73 = tpu.memref_slice %arg4[%mul3A_71] : memref<1000000xf32, #tpu.memory_space<hbm>> -> memref<400xf32, #tpu.memory_space<hbm>>
          tpu.wait_dma2 semaphore(%run_scoped3A : memref<!tpu.dma_semaphore, #tpu.memory_space<semaphore_mem>>) src(%arg24 : memref<400xf32, #tpu.memory_space<vmem>>) dst(%dma_wait3A_73 : memref<400xf32, #tpu.memory_space<hbm>>)
          tpu.yield
        }) : () -> ()
      } else {
      }
    }
    %scan3A_13 = arith.constant 40 : i32
    return
  }
}

#map = affine_map<(d0, d1) -> (0)>
module attributes {stable_mosaic.version = 14 : i64} {
  func.func @_torsion_sc_kernel(%arg0: i32, %arg1: i32, %arg2: memref<4000000xi32, #tpu.memory_space<hbm>>, %arg3: memref<1500000xf32, #tpu.memory_space<hbm>>, %arg4: memref<1000000xf32, #tpu.memory_space<hbm>>, %arg5: memref<1500000xf32, #tpu.memory_space<vmem_shared>>, %arg6: memref<1600xi32, #tpu.memory_space<vmem>>, %arg7: memref<1200xi32, #tpu.memory_space<vmem>>, %arg8: memref<1200xi32, #tpu.memory_space<vmem>>, %arg9: memref<1200xi32, #tpu.memory_space<vmem>>, %arg10: memref<1200xi32, #tpu.memory_space<vmem>>, %arg11: memref<1200xi32, #tpu.memory_space<vmem>>, %arg12: memref<1200xi32, #tpu.memory_space<vmem>>, %arg13: memref<1200xi32, #tpu.memory_space<vmem>>, %arg14: memref<1200xi32, #tpu.memory_space<vmem>>, %arg15: memref<1200xf32, #tpu.memory_space<vmem>>, %arg16: memref<1200xf32, #tpu.memory_space<vmem>>, %arg17: memref<1200xf32, #tpu.memory_space<vmem>>, %arg18: memref<1200xf32, #tpu.memory_space<vmem>>, %arg19: memref<1200xf32, #tpu.memory_space<vmem>>, %arg20: memref<1200xf32, #tpu.memory_space<vmem>>, %arg21: memref<1200xf32, #tpu.memory_space<vmem>>, %arg22: memref<1200xf32, #tpu.memory_space<vmem>>, %arg23: memref<6000xf32, #tpu.memory_space<vmem>>, %arg24: memref<400xf32, #tpu.memory_space<vmem>>, %arg25: memref<!tpu.dma_semaphore, #tpu.memory_space<semaphore_mem>>, %arg26: memref<!tpu.dma_semaphore, #tpu.memory_space<semaphore_mem>>, %arg27: memref<!tpu.dma_semaphore, #tpu.memory_space<semaphore_mem>>, %arg28: memref<!tpu.dma_semaphore, #tpu.memory_space<semaphore_mem>>, %arg29: memref<!tpu.dma_semaphore, #tpu.memory_space<semaphore_mem>>, %arg30: memref<!tpu.dma_semaphore, #tpu.memory_space<semaphore_mem>>, %arg31: memref<!tpu.dma_semaphore, #tpu.memory_space<semaphore_mem>>, %arg32: memref<!tpu.dma_semaphore, #tpu.memory_space<semaphore_mem>>) attributes {dimension_semantics = [#tpu.dimension_semantics<core_parallel>, #tpu.dimension_semantics<subcore_parallel>], iteration_bounds = array<i64: 2, 16>, scalar_prefetch = 0 : i64, scratch_operands = 28 : i64, tpu.core_type = #tpu.core_type<sc_vector_subcore>, window_params = [{transform_indices = #map}, {transform_indices = #map}, {transform_indices = #map}]} {
    %mul3A = arith.constant 2 : i32
    %mul3A_0 = arith.muli %arg1, %mul3A : i32
    %add3A = arith.addi %mul3A_0, %arg0 : i32
    %scan3A = arith.constant 0 : i32
    %scan3A_1 = arith.constant 0 : i32
    %scan3A_2 = arith.constant 16 : i32
    %scan3A_3 = arith.addi %scan3A_1, %scan3A_2 : i32
    %scan3A_4 = arith.constant 1 : i32
    scf.for %scan3A_14 = %scan3A_1 to %scan3A_3 step %scan3A_4  : i32 {
      %mul3A_15 = arith.constant 16 : i32
      %mul3A_16 = arith.muli %scan3A_14, %mul3A_15 : i32
      %add3A_17 = arith.addi %arg1, %mul3A_16 : i32
      %lt3A_18 = arith.constant 250 : i32
      %lt3A_19 = arith.cmpi slt, %add3A_17, %lt3A_18 : i32
      %convert_element_type3A_20 = arith.extui %lt3A_19 : i1 to i32
      %cond3A_21 = arith.constant 0 : i32
      %cond3A_22 = arith.cmpi ne, %convert_element_type3A_20, %cond3A_21 : i32
      scf.if %cond3A_22 {
        %mul3A_23 = arith.constant 6000 : i32
        %mul3A_24 = arith.muli %add3A_17, %mul3A_23 : i32
        "tpu.region"() ({
          %run_scoped3A = tpu.sem_alloc : memref<!tpu.dma_semaphore, #tpu.memory_space<semaphore_mem>>
          %dma_start3A = tpu.memref_slice %arg3[%mul3A_24] : memref<1500000xf32, #tpu.memory_space<hbm>> -> memref<6000xf32, #tpu.memory_space<hbm>>
          %dma_start3A_27 = tpu.memref_slice %arg3[%mul3A_24] : memref<1500000xf32, #tpu.memory_space<hbm>> -> memref<6000xf32, #tpu.memory_space<hbm>>
          tpu.enqueue_dma source(%dma_start3A_27 : memref<6000xf32, #tpu.memory_space<hbm>>) target(%arg23 : memref<6000xf32, #tpu.memory_space<vmem>>) target_semaphore(%run_scoped3A : memref<!tpu.dma_semaphore, #tpu.memory_space<semaphore_mem>>)
          %dma_wait3A = tpu.memref_slice %arg3[%mul3A_24] : memref<1500000xf32, #tpu.memory_space<hbm>> -> memref<6000xf32, #tpu.memory_space<hbm>>
          %dma_wait3A_28 = tpu.memref_slice %arg3[%mul3A_24] : memref<1500000xf32, #tpu.memory_space<hbm>> -> memref<6000xf32, #tpu.memory_space<hbm>>
          tpu.wait_dma2 semaphore(%run_scoped3A : memref<!tpu.dma_semaphore, #tpu.memory_space<semaphore_mem>>) src(%dma_wait3A_28 : memref<6000xf32, #tpu.memory_space<hbm>>) dst(%arg23 : memref<6000xf32, #tpu.memory_space<vmem>>)
          tpu.yield
        }) : () -> ()
        %mul3A_25 = arith.constant 6000 : i32
        %mul3A_26 = arith.muli %add3A_17, %mul3A_25 : i32
        "tpu.region"() ({
          %run_scoped3A = tpu.sem_alloc : memref<!tpu.dma_semaphore, #tpu.memory_space<semaphore_mem>>
          %dma_start3A = tpu.memref_slice %arg5[%mul3A_26] : memref<1500000xf32, #tpu.memory_space<vmem_shared>> -> memref<6000xf32, #tpu.memory_space<vmem_shared>>
          %dma_start3A_27 = tpu.memref_slice %arg5[%mul3A_26] : memref<1500000xf32, #tpu.memory_space<vmem_shared>> -> memref<6000xf32, #tpu.memory_space<vmem_shared>>
          tpu.enqueue_dma source(%arg23 : memref<6000xf32, #tpu.memory_space<vmem>>) target(%dma_start3A_27 : memref<6000xf32, #tpu.memory_space<vmem_shared>>) target_semaphore(%run_scoped3A : memref<!tpu.dma_semaphore, #tpu.memory_space<semaphore_mem>>)
          %dma_wait3A = tpu.memref_slice %arg5[%mul3A_26] : memref<1500000xf32, #tpu.memory_space<vmem_shared>> -> memref<6000xf32, #tpu.memory_space<vmem_shared>>
          %dma_wait3A_28 = tpu.memref_slice %arg5[%mul3A_26] : memref<1500000xf32, #tpu.memory_space<vmem_shared>> -> memref<6000xf32, #tpu.memory_space<vmem_shared>>
          tpu.wait_dma2 semaphore(%run_scoped3A : memref<!tpu.dma_semaphore, #tpu.memory_space<semaphore_mem>>) src(%arg23 : memref<6000xf32, #tpu.memory_space<vmem>>) dst(%dma_wait3A_28 : memref<6000xf32, #tpu.memory_space<vmem_shared>>)
          tpu.yield
        }) : () -> ()
      } else {
      }
    }
    %scan3A_5 = arith.constant 16 : i32
    %barrier3A = arith.constant 0 : index
    tpu.barrier barrier_id(%barrier3A)
    %lt3A = arith.constant 2500 : i32
    %lt3A_6 = arith.cmpi slt, %add3A, %lt3A : i32
    %convert_element_type3A = arith.extui %lt3A_6 : i1 to i32
    %cond3A = arith.constant 0 : i32
    %cond3A_7 = arith.cmpi ne, %convert_element_type3A, %cond3A : i32
    scf.if %cond3A_7 {
      %mul3A_14 = arith.constant 400 : i32
      %mul3A_15 = arith.muli %add3A, %mul3A_14 : i32
      %add3A_16 = arith.constant 0 : i32
      %add3A_17 = arith.addi %add3A_16, %mul3A_15 : i32
      "tpu.region"() ({
        %run_scoped3A = tpu.sem_alloc : memref<!tpu.dma_semaphore, #tpu.memory_space<semaphore_mem>>
        %dma_start3A_43 = arith.constant 0 : i32
        %dma_start3A_44 = tpu.memref_slice %arg6[%dma_start3A_43] : memref<1600xi32, #tpu.memory_space<vmem>> -> memref<400xi32, #tpu.memory_space<vmem>>
        %dma_start3A_45 = tpu.memref_slice %arg2[%add3A_17] : memref<4000000xi32, #tpu.memory_space<hbm>> -> memref<400xi32, #tpu.memory_space<hbm>>
        %dma_start3A_46 = arith.constant 0 : i32
        %dma_start3A_47 = tpu.memref_slice %arg6[%dma_start3A_46] : memref<1600xi32, #tpu.memory_space<vmem>> -> memref<400xi32, #tpu.memory_space<vmem>>
        %dma_start3A_48 = tpu.memref_slice %arg2[%add3A_17] : memref<4000000xi32, #tpu.memory_space<hbm>> -> memref<400xi32, #tpu.memory_space<hbm>>
        tpu.enqueue_dma source(%dma_start3A_48 : memref<400xi32, #tpu.memory_space<hbm>>) target(%dma_start3A_47 : memref<400xi32, #tpu.memory_space<vmem>>) target_semaphore(%run_scoped3A : memref<!tpu.dma_semaphore, #tpu.memory_space<semaphore_mem>>)
        %dma_wait3A = arith.constant 0 : i32
        %dma_wait3A_49 = tpu.memref_slice %arg6[%dma_wait3A] : memref<1600xi32, #tpu.memory_space<vmem>> -> memref<400xi32, #tpu.memory_space<vmem>>
        %dma_wait3A_50 = tpu.memref_slice %arg2[%add3A_17] : memref<4000000xi32, #tpu.memory_space<hbm>> -> memref<400xi32, #tpu.memory_space<hbm>>
        %dma_wait3A_51 = arith.constant 0 : i32
        %dma_wait3A_52 = tpu.memref_slice %arg6[%dma_wait3A_51] : memref<1600xi32, #tpu.memory_space<vmem>> -> memref<400xi32, #tpu.memory_space<vmem>>
        %dma_wait3A_53 = tpu.memref_slice %arg2[%add3A_17] : memref<4000000xi32, #tpu.memory_space<hbm>> -> memref<400xi32, #tpu.memory_space<hbm>>
        tpu.wait_dma2 semaphore(%run_scoped3A : memref<!tpu.dma_semaphore, #tpu.memory_space<semaphore_mem>>) src(%dma_wait3A_53 : memref<400xi32, #tpu.memory_space<hbm>>) dst(%dma_wait3A_52 : memref<400xi32, #tpu.memory_space<vmem>>)
        tpu.yield
      }) : () -> ()
      %mul3A_18 = arith.constant 400 : i32
      %mul3A_19 = arith.muli %add3A, %mul3A_18 : i32
      %add3A_20 = arith.constant 1000000 : i32
      %add3A_21 = arith.addi %add3A_20, %mul3A_19 : i32
      "tpu.region"() ({
        %run_scoped3A = tpu.sem_alloc : memref<!tpu.dma_semaphore, #tpu.memory_space<semaphore_mem>>
        %dma_start3A_43 = arith.constant 400 : i32
        %dma_start3A_44 = tpu.memref_slice %arg6[%dma_start3A_43] : memref<1600xi32, #tpu.memory_space<vmem>> -> memref<400xi32, #tpu.memory_space<vmem>>
        %dma_start3A_45 = tpu.memref_slice %arg2[%add3A_21] : memref<4000000xi32, #tpu.memory_space<hbm>> -> memref<400xi32, #tpu.memory_space<hbm>>
        %dma_start3A_46 = arith.constant 400 : i32
        %dma_start3A_47 = tpu.memref_slice %arg6[%dma_start3A_46] : memref<1600xi32, #tpu.memory_space<vmem>> -> memref<400xi32, #tpu.memory_space<vmem>>
        %dma_start3A_48 = tpu.memref_slice %arg2[%add3A_21] : memref<4000000xi32, #tpu.memory_space<hbm>> -> memref<400xi32, #tpu.memory_space<hbm>>
        tpu.enqueue_dma source(%dma_start3A_48 : memref<400xi32, #tpu.memory_space<hbm>>) target(%dma_start3A_47 : memref<400xi32, #tpu.memory_space<vmem>>) target_semaphore(%run_scoped3A : memref<!tpu.dma_semaphore, #tpu.memory_space<semaphore_mem>>)
        %dma_wait3A = arith.constant 400 : i32
        %dma_wait3A_49 = tpu.memref_slice %arg6[%dma_wait3A] : memref<1600xi32, #tpu.memory_space<vmem>> -> memref<400xi32, #tpu.memory_space<vmem>>
        %dma_wait3A_50 = tpu.memref_slice %arg2[%add3A_21] : memref<4000000xi32, #tpu.memory_space<hbm>> -> memref<400xi32, #tpu.memory_space<hbm>>
        %dma_wait3A_51 = arith.constant 400 : i32
        %dma_wait3A_52 = tpu.memref_slice %arg6[%dma_wait3A_51] : memref<1600xi32, #tpu.memory_space<vmem>> -> memref<400xi32, #tpu.memory_space<vmem>>
        %dma_wait3A_53 = tpu.memref_slice %arg2[%add3A_21] : memref<4000000xi32, #tpu.memory_space<hbm>> -> memref<400xi32, #tpu.memory_space<hbm>>
        tpu.wait_dma2 semaphore(%run_scoped3A : memref<!tpu.dma_semaphore, #tpu.memory_space<semaphore_mem>>) src(%dma_wait3A_53 : memref<400xi32, #tpu.memory_space<hbm>>) dst(%dma_wait3A_52 : memref<400xi32, #tpu.memory_space<vmem>>)
        tpu.yield
      }) : () -> ()
      %mul3A_22 = arith.constant 400 : i32
      %mul3A_23 = arith.muli %add3A, %mul3A_22 : i32
      %add3A_24 = arith.constant 2000000 : i32
      %add3A_25 = arith.addi %add3A_24, %mul3A_23 : i32
      "tpu.region"() ({
        %run_scoped3A = tpu.sem_alloc : memref<!tpu.dma_semaphore, #tpu.memory_space<semaphore_mem>>
        %dma_start3A_43 = arith.constant 800 : i32
        %dma_start3A_44 = tpu.memref_slice %arg6[%dma_start3A_43] : memref<1600xi32, #tpu.memory_space<vmem>> -> memref<400xi32, #tpu.memory_space<vmem>>
        %dma_start3A_45 = tpu.memref_slice %arg2[%add3A_25] : memref<4000000xi32, #tpu.memory_space<hbm>> -> memref<400xi32, #tpu.memory_space<hbm>>
        %dma_start3A_46 = arith.constant 800 : i32
        %dma_start3A_47 = tpu.memref_slice %arg6[%dma_start3A_46] : memref<1600xi32, #tpu.memory_space<vmem>> -> memref<400xi32, #tpu.memory_space<vmem>>
        %dma_start3A_48 = tpu.memref_slice %arg2[%add3A_25] : memref<4000000xi32, #tpu.memory_space<hbm>> -> memref<400xi32, #tpu.memory_space<hbm>>
        tpu.enqueue_dma source(%dma_start3A_48 : memref<400xi32, #tpu.memory_space<hbm>>) target(%dma_start3A_47 : memref<400xi32, #tpu.memory_space<vmem>>) target_semaphore(%run_scoped3A : memref<!tpu.dma_semaphore, #tpu.memory_space<semaphore_mem>>)
        %dma_wait3A = arith.constant 800 : i32
        %dma_wait3A_49 = tpu.memref_slice %arg6[%dma_wait3A] : memref<1600xi32, #tpu.memory_space<vmem>> -> memref<400xi32, #tpu.memory_space<vmem>>
        %dma_wait3A_50 = tpu.memref_slice %arg2[%add3A_25] : memref<4000000xi32, #tpu.memory_space<hbm>> -> memref<400xi32, #tpu.memory_space<hbm>>
        %dma_wait3A_51 = arith.constant 800 : i32
        %dma_wait3A_52 = tpu.memref_slice %arg6[%dma_wait3A_51] : memref<1600xi32, #tpu.memory_space<vmem>> -> memref<400xi32, #tpu.memory_space<vmem>>
        %dma_wait3A_53 = tpu.memref_slice %arg2[%add3A_25] : memref<4000000xi32, #tpu.memory_space<hbm>> -> memref<400xi32, #tpu.memory_space<hbm>>
        tpu.wait_dma2 semaphore(%run_scoped3A : memref<!tpu.dma_semaphore, #tpu.memory_space<semaphore_mem>>) src(%dma_wait3A_53 : memref<400xi32, #tpu.memory_space<hbm>>) dst(%dma_wait3A_52 : memref<400xi32, #tpu.memory_space<vmem>>)
        tpu.yield
      }) : () -> ()
      %mul3A_26 = arith.constant 400 : i32
      %mul3A_27 = arith.muli %add3A, %mul3A_26 : i32
      %add3A_28 = arith.constant 3000000 : i32
      %add3A_29 = arith.addi %add3A_28, %mul3A_27 : i32
      "tpu.region"() ({
        %run_scoped3A = tpu.sem_alloc : memref<!tpu.dma_semaphore, #tpu.memory_space<semaphore_mem>>
        %dma_start3A_43 = arith.constant 1200 : i32
        %dma_start3A_44 = tpu.memref_slice %arg6[%dma_start3A_43] : memref<1600xi32, #tpu.memory_space<vmem>> -> memref<400xi32, #tpu.memory_space<vmem>>
        %dma_start3A_45 = tpu.memref_slice %arg2[%add3A_29] : memref<4000000xi32, #tpu.memory_space<hbm>> -> memref<400xi32, #tpu.memory_space<hbm>>
        %dma_start3A_46 = arith.constant 1200 : i32
        %dma_start3A_47 = tpu.memref_slice %arg6[%dma_start3A_46] : memref<1600xi32, #tpu.memory_space<vmem>> -> memref<400xi32, #tpu.memory_space<vmem>>
        %dma_start3A_48 = tpu.memref_slice %arg2[%add3A_29] : memref<4000000xi32, #tpu.memory_space<hbm>> -> memref<400xi32, #tpu.memory_space<hbm>>
        tpu.enqueue_dma source(%dma_start3A_48 : memref<400xi32, #tpu.memory_space<hbm>>) target(%dma_start3A_47 : memref<400xi32, #tpu.memory_space<vmem>>) target_semaphore(%run_scoped3A : memref<!tpu.dma_semaphore, #tpu.memory_space<semaphore_mem>>)
        %dma_wait3A = arith.constant 1200 : i32
        %dma_wait3A_49 = tpu.memref_slice %arg6[%dma_wait3A] : memref<1600xi32, #tpu.memory_space<vmem>> -> memref<400xi32, #tpu.memory_space<vmem>>
        %dma_wait3A_50 = tpu.memref_slice %arg2[%add3A_29] : memref<4000000xi32, #tpu.memory_space<hbm>> -> memref<400xi32, #tpu.memory_space<hbm>>
        %dma_wait3A_51 = arith.constant 1200 : i32
        %dma_wait3A_52 = tpu.memref_slice %arg6[%dma_wait3A_51] : memref<1600xi32, #tpu.memory_space<vmem>> -> memref<400xi32, #tpu.memory_space<vmem>>
        %dma_wait3A_53 = tpu.memref_slice %arg2[%add3A_29] : memref<4000000xi32, #tpu.memory_space<hbm>> -> memref<400xi32, #tpu.memory_space<hbm>>
        tpu.wait_dma2 semaphore(%run_scoped3A : memref<!tpu.dma_semaphore, #tpu.memory_space<semaphore_mem>>) src(%dma_wait3A_53 : memref<400xi32, #tpu.memory_space<hbm>>) dst(%dma_wait3A_52 : memref<400xi32, #tpu.memory_space<vmem>>)
        tpu.yield
      }) : () -> ()
      %scan3A_30 = arith.constant 0 : i32
      %scan3A_31 = arith.constant 0 : i32
      %scan3A_32 = arith.constant 25 : i32
      %scan3A_33 = arith.addi %scan3A_31, %scan3A_32 : i32
      %scan3A_34 = arith.constant 1 : i32
      scf.for %scan3A_43 = %scan3A_31 to %scan3A_33 step %scan3A_34  : i32 {
        %mul3A_44 = arith.constant 16 : i32
        %mul3A_45 = arith.muli %scan3A_43, %mul3A_44 : i32
        %add3A_46 = arith.constant 0 : i32
        %add3A_47 = arith.addi %add3A_46, %mul3A_45 : i32
        %get3A = arith.index_cast %add3A_47 : i32 to index
        %get3A_48 = tpu.vector_load %arg6[%get3A] {strides = array<i32>} : memref<1600xi32, #tpu.memory_space<vmem>>, vector<16xi32>,
        %add3A_49 = arith.constant 0 : i32
        %add3A_50 = vector.broadcast %add3A_49 : i32 to vector<16xi32>
        %add3A_51 = arith.addi %get3A_48, %add3A_50 : vector<16xi32>
        %add3A_52 = arith.constant 0 : i32
        %add3A_53 = arith.addi %add3A_52, %mul3A_45 : i32
        %swap3A = arith.index_cast %add3A_53 : i32 to index
        %swap3A_54 = tpu.vector_load %arg7[%swap3A] {strides = array<i32>} : memref<1200xi32, #tpu.memory_space<vmem>>, vector<16xi32>,
        tpu.vector_store %arg7[%swap3A], %add3A_51 {strides = array<i32>} : memref<1200xi32, #tpu.memory_space<vmem>>, vector<16xi32>,
        %add3A_55 = arith.constant 500000 : i32
        %add3A_56 = vector.broadcast %add3A_55 : i32 to vector<16xi32>
        %add3A_57 = arith.addi %get3A_48, %add3A_56 : vector<16xi32>
        %add3A_58 = arith.constant 400 : i32
        %add3A_59 = arith.addi %add3A_58, %mul3A_45 : i32
        %swap3A_60 = arith.index_cast %add3A_59 : i32 to index
        %swap3A_61 = tpu.vector_load %arg7[%swap3A_60] {strides = array<i32>} : memref<1200xi32, #tpu.memory_space<vmem>>, vector<16xi32>,
        tpu.vector_store %arg7[%swap3A_60], %add3A_57 {strides = array<i32>} : memref<1200xi32, #tpu.memory_space<vmem>>, vector<16xi32>,
        %add3A_62 = arith.constant 1000000 : i32
        %add3A_63 = vector.broadcast %add3A_62 : i32 to vector<16xi32>
        %add3A_64 = arith.addi %get3A_48, %add3A_63 : vector<16xi32>
        %add3A_65 = arith.constant 800 : i32
        %add3A_66 = arith.addi %add3A_65, %mul3A_45 : i32
        %swap3A_67 = arith.index_cast %add3A_66 : i32 to index
        %swap3A_68 = tpu.vector_load %arg7[%swap3A_67] {strides = array<i32>} : memref<1200xi32, #tpu.memory_space<vmem>>, vector<16xi32>,
        tpu.vector_store %arg7[%swap3A_67], %add3A_64 {strides = array<i32>} : memref<1200xi32, #tpu.memory_space<vmem>>, vector<16xi32>,
        %add3A_69 = arith.constant 400 : i32
        %add3A_70 = arith.addi %add3A_69, %mul3A_45 : i32
        %get3A_71 = arith.index_cast %add3A_70 : i32 to index
        %get3A_72 = tpu.vector_load %arg6[%get3A_71] {strides = array<i32>} : memref<1600xi32, #tpu.memory_space<vmem>>, vector<16xi32>,
        %add3A_73 = arith.constant 0 : i32
        %add3A_74 = vector.broadcast %add3A_73 : i32 to vector<16xi32>
        %add3A_75 = arith.addi %get3A_72, %add3A_74 : vector<16xi32>
        %add3A_76 = arith.constant 0 : i32
        %add3A_77 = arith.addi %add3A_76, %mul3A_45 : i32
        %swap3A_78 = arith.index_cast %add3A_77 : i32 to index
        %swap3A_79 = tpu.vector_load %arg8[%swap3A_78] {strides = array<i32>} : memref<1200xi32, #tpu.memory_space<vmem>>, vector<16xi32>,
        tpu.vector_store %arg8[%swap3A_78], %add3A_75 {strides = array<i32>} : memref<1200xi32, #tpu.memory_space<vmem>>, vector<16xi32>,
        %add3A_80 = arith.constant 500000 : i32
        %add3A_81 = vector.broadcast %add3A_80 : i32 to vector<16xi32>
        %add3A_82 = arith.addi %get3A_72, %add3A_81 : vector<16xi32>
        %add3A_83 = arith.constant 400 : i32
        %add3A_84 = arith.addi %add3A_83, %mul3A_45 : i32
        %swap3A_85 = arith.index_cast %add3A_84 : i32 to index
        %swap3A_86 = tpu.vector_load %arg8[%swap3A_85] {strides = array<i32>} : memref<1200xi32, #tpu.memory_space<vmem>>, vector<16xi32>,
        tpu.vector_store %arg8[%swap3A_85], %add3A_82 {strides = array<i32>} : memref<1200xi32, #tpu.memory_space<vmem>>, vector<16xi32>,
        %add3A_87 = arith.constant 1000000 : i32
        %add3A_88 = vector.broadcast %add3A_87 : i32 to vector<16xi32>
        %add3A_89 = arith.addi %get3A_72, %add3A_88 : vector<16xi32>
        %add3A_90 = arith.constant 800 : i32
        %add3A_91 = arith.addi %add3A_90, %mul3A_45 : i32
        %swap3A_92 = arith.index_cast %add3A_91 : i32 to index
        %swap3A_93 = tpu.vector_load %arg8[%swap3A_92] {strides = array<i32>} : memref<1200xi32, #tpu.memory_space<vmem>>, vector<16xi32>,
        tpu.vector_store %arg8[%swap3A_92], %add3A_89 {strides = array<i32>} : memref<1200xi32, #tpu.memory_space<vmem>>, vector<16xi32>,
        %add3A_94 = arith.constant 800 : i32
        %add3A_95 = arith.addi %add3A_94, %mul3A_45 : i32
        %get3A_96 = arith.index_cast %add3A_95 : i32 to index
        %get3A_97 = tpu.vector_load %arg6[%get3A_96] {strides = array<i32>} : memref<1600xi32, #tpu.memory_space<vmem>>, vector<16xi32>,
        %add3A_98 = arith.constant 0 : i32
        %add3A_99 = vector.broadcast %add3A_98 : i32 to vector<16xi32>
        %add3A_100 = arith.addi %get3A_97, %add3A_99 : vector<16xi32>
        %add3A_101 = arith.constant 0 : i32
        %add3A_102 = arith.addi %add3A_101, %mul3A_45 : i32
        %swap3A_103 = arith.index_cast %add3A_102 : i32 to index
        %swap3A_104 = tpu.vector_load %arg9[%swap3A_103] {strides = array<i32>} : memref<1200xi32, #tpu.memory_space<vmem>>, vector<16xi32>,
        tpu.vector_store %arg9[%swap3A_103], %add3A_100 {strides = array<i32>} : memref<1200xi32, #tpu.memory_space<vmem>>, vector<16xi32>,
        %add3A_105 = arith.constant 500000 : i32
        %add3A_106 = vector.broadcast %add3A_105 : i32 to vector<16xi32>
        %add3A_107 = arith.addi %get3A_97, %add3A_106 : vector<16xi32>
        %add3A_108 = arith.constant 400 : i32
        %add3A_109 = arith.addi %add3A_108, %mul3A_45 : i32
        %swap3A_110 = arith.index_cast %add3A_109 : i32 to index
        %swap3A_111 = tpu.vector_load %arg9[%swap3A_110] {strides = array<i32>} : memref<1200xi32, #tpu.memory_space<vmem>>, vector<16xi32>,
        tpu.vector_store %arg9[%swap3A_110], %add3A_107 {strides = array<i32>} : memref<1200xi32, #tpu.memory_space<vmem>>, vector<16xi32>,
        %add3A_112 = arith.constant 1000000 : i32
        %add3A_113 = vector.broadcast %add3A_112 : i32 to vector<16xi32>
        %add3A_114 = arith.addi %get3A_97, %add3A_113 : vector<16xi32>
        %add3A_115 = arith.constant 800 : i32
        %add3A_116 = arith.addi %add3A_115, %mul3A_45 : i32
        %swap3A_117 = arith.index_cast %add3A_116 : i32 to index
        %swap3A_118 = tpu.vector_load %arg9[%swap3A_117] {strides = array<i32>} : memref<1200xi32, #tpu.memory_space<vmem>>, vector<16xi32>,
        tpu.vector_store %arg9[%swap3A_117], %add3A_114 {strides = array<i32>} : memref<1200xi32, #tpu.memory_space<vmem>>, vector<16xi32>,
        %add3A_119 = arith.constant 1200 : i32
        %add3A_120 = arith.addi %add3A_119, %mul3A_45 : i32
        %get3A_121 = arith.index_cast %add3A_120 : i32 to index
        %get3A_122 = tpu.vector_load %arg6[%get3A_121] {strides = array<i32>} : memref<1600xi32, #tpu.memory_space<vmem>>, vector<16xi32>,
        %add3A_123 = arith.constant 0 : i32
        %add3A_124 = vector.broadcast %add3A_123 : i32 to vector<16xi32>
        %add3A_125 = arith.addi %get3A_122, %add3A_124 : vector<16xi32>
        %add3A_126 = arith.constant 0 : i32
        %add3A_127 = arith.addi %add3A_126, %mul3A_45 : i32
        %swap3A_128 = arith.index_cast %add3A_127 : i32 to index
        %swap3A_129 = tpu.vector_load %arg10[%swap3A_128] {strides = array<i32>} : memref<1200xi32, #tpu.memory_space<vmem>>, vector<16xi32>,
        tpu.vector_store %arg10[%swap3A_128], %add3A_125 {strides = array<i32>} : memref<1200xi32, #tpu.memory_space<vmem>>, vector<16xi32>,
        %add3A_130 = arith.constant 500000 : i32
        %add3A_131 = vector.broadcast %add3A_130 : i32 to vector<16xi32>
        %add3A_132 = arith.addi %get3A_122, %add3A_131 : vector<16xi32>
        %add3A_133 = arith.constant 400 : i32
        %add3A_134 = arith.addi %add3A_133, %mul3A_45 : i32
        %swap3A_135 = arith.index_cast %add3A_134 : i32 to index
        %swap3A_136 = tpu.vector_load %arg10[%swap3A_135] {strides = array<i32>} : memref<1200xi32, #tpu.memory_space<vmem>>, vector<16xi32>,
        tpu.vector_store %arg10[%swap3A_135], %add3A_132 {strides = array<i32>} : memref<1200xi32, #tpu.memory_space<vmem>>, vector<16xi32>,
        %add3A_137 = arith.constant 1000000 : i32
        %add3A_138 = vector.broadcast %add3A_137 : i32 to vector<16xi32>
        %add3A_139 = arith.addi %get3A_122, %add3A_138 : vector<16xi32>
        %add3A_140 = arith.constant 800 : i32
        %add3A_141 = arith.addi %add3A_140, %mul3A_45 : i32
        %swap3A_142 = arith.index_cast %add3A_141 : i32 to index
        %swap3A_143 = tpu.vector_load %arg10[%swap3A_142] {strides = array<i32>} : memref<1200xi32, #tpu.memory_space<vmem>>, vector<16xi32>,
        tpu.vector_store %arg10[%swap3A_142], %add3A_139 {strides = array<i32>} : memref<1200xi32, #tpu.memory_space<vmem>>, vector<16xi32>,
      }
      %scan3A_35 = arith.constant 25 : i32
      %dma_start3A = arith.constant 0 : i32
      %dma_start3A_36 = tpu.memref_slice %arg5[%dma_start3A] : memref<1500000xf32, #tpu.memory_space<vmem_shared>> -> memref<1500000xf32, #tpu.memory_space<vmem_shared>>
      tpu.enqueue_indirect_dma source(%dma_start3A_36 : memref<1500000xf32, #tpu.memory_space<vmem_shared>>) target(%arg15 : memref<1200xf32, #tpu.memory_space<vmem>>) offsets(%arg7 : memref<1200xi32, #tpu.memory_space<vmem>>) semaphore(%arg25 : memref<!tpu.dma_semaphore, #tpu.memory_space<semaphore_mem>>)
      %dma_start3A_37 = arith.constant 0 : i32
      %dma_start3A_38 = tpu.memref_slice %arg5[%dma_start3A_37] : memref<1500000xf32, #tpu.memory_space<vmem_shared>> -> memref<1500000xf32, #tpu.memory_space<vmem_shared>>
      tpu.enqueue_indirect_dma source(%dma_start3A_38 : memref<1500000xf32, #tpu.memory_space<vmem_shared>>) target(%arg16 : memref<1200xf32, #tpu.memory_space<vmem>>) offsets(%arg8 : memref<1200xi32, #tpu.memory_space<vmem>>) semaphore(%arg26 : memref<!tpu.dma_semaphore, #tpu.memory_space<semaphore_mem>>)
      %dma_start3A_39 = arith.constant 0 : i32
      %dma_start3A_40 = tpu.memref_slice %arg5[%dma_start3A_39] : memref<1500000xf32, #tpu.memory_space<vmem_shared>> -> memref<1500000xf32, #tpu.memory_space<vmem_shared>>
      tpu.enqueue_indirect_dma source(%dma_start3A_40 : memref<1500000xf32, #tpu.memory_space<vmem_shared>>) target(%arg17 : memref<1200xf32, #tpu.memory_space<vmem>>) offsets(%arg9 : memref<1200xi32, #tpu.memory_space<vmem>>) semaphore(%arg27 : memref<!tpu.dma_semaphore, #tpu.memory_space<semaphore_mem>>)
      %dma_start3A_41 = arith.constant 0 : i32
      %dma_start3A_42 = tpu.memref_slice %arg5[%dma_start3A_41] : memref<1500000xf32, #tpu.memory_space<vmem_shared>> -> memref<1500000xf32, #tpu.memory_space<vmem_shared>>
      tpu.enqueue_indirect_dma source(%dma_start3A_42 : memref<1500000xf32, #tpu.memory_space<vmem_shared>>) target(%arg18 : memref<1200xf32, #tpu.memory_space<vmem>>) offsets(%arg10 : memref<1200xi32, #tpu.memory_space<vmem>>) semaphore(%arg28 : memref<!tpu.dma_semaphore, #tpu.memory_space<semaphore_mem>>)
    } else {
    }
    %scan3A_8 = arith.constant 0 : i32
    %scan3A_9 = arith.constant 0 : i32
    %scan3A_10 = arith.constant 40 : i32
    %scan3A_11 = arith.addi %scan3A_9, %scan3A_10 : i32
    %scan3A_12 = arith.constant 1 : i32
    scf.for %scan3A_14 = %scan3A_9 to %scan3A_11 step %scan3A_12  : i32 {
      %mul3A_15 = arith.constant 2 : i32
      %mul3A_16 = arith.muli %mul3A_15, %scan3A_14 : i32
      %mul3A_17 = arith.constant 32 : i32
      %mul3A_18 = arith.muli %mul3A_16, %mul3A_17 : i32
      %add3A_19 = arith.addi %add3A, %mul3A_18 : i32
      %add3A_20 = arith.constant 32 : i32
      %add3A_21 = arith.addi %add3A_19, %add3A_20 : i32
      %add3A_22 = arith.constant 32 : i32
      %add3A_23 = arith.addi %add3A_21, %add3A_22 : i32
      %lt3A_24 = arith.constant 2500 : i32
      %lt3A_25 = arith.cmpi slt, %add3A_21, %lt3A_24 : i32
      %convert_element_type3A_26 = arith.extui %lt3A_25 : i1 to i32
      %cond3A_27 = arith.constant 0 : i32
      %cond3A_28 = arith.cmpi ne, %convert_element_type3A_26, %cond3A_27 : i32
      scf.if %cond3A_28 {
        %mul3A_64 = arith.constant 400 : i32
        %mul3A_65 = arith.muli %add3A_21, %mul3A_64 : i32
        %add3A_66 = arith.constant 0 : i32
        %add3A_67 = arith.addi %add3A_66, %mul3A_65 : i32
        "tpu.region"() ({
          %run_scoped3A = tpu.sem_alloc : memref<!tpu.dma_semaphore, #tpu.memory_space<semaphore_mem>>
          %dma_start3A = arith.constant 0 : i32
          %dma_start3A_86 = tpu.memref_slice %arg6[%dma_start3A] : memref<1600xi32, #tpu.memory_space<vmem>> -> memref<400xi32, #tpu.memory_space<vmem>>
          %dma_start3A_87 = tpu.memref_slice %arg2[%add3A_67] : memref<4000000xi32, #tpu.memory_space<hbm>> -> memref<400xi32, #tpu.memory_space<hbm>>
          %dma_start3A_88 = arith.constant 0 : i32
          %dma_start3A_89 = tpu.memref_slice %arg6[%dma_start3A_88] : memref<1600xi32, #tpu.memory_space<vmem>> -> memref<400xi32, #tpu.memory_space<vmem>>
          %dma_start3A_90 = tpu.memref_slice %arg2[%add3A_67] : memref<4000000xi32, #tpu.memory_space<hbm>> -> memref<400xi32, #tpu.memory_space<hbm>>
          tpu.enqueue_dma source(%dma_start3A_90 : memref<400xi32, #tpu.memory_space<hbm>>) target(%dma_start3A_89 : memref<400xi32, #tpu.memory_space<vmem>>) target_semaphore(%run_scoped3A : memref<!tpu.dma_semaphore, #tpu.memory_space<semaphore_mem>>)
          %dma_wait3A = arith.constant 0 : i32
          %dma_wait3A_91 = tpu.memref_slice %arg6[%dma_wait3A] : memref<1600xi32, #tpu.memory_space<vmem>> -> memref<400xi32, #tpu.memory_space<vmem>>
          %dma_wait3A_92 = tpu.memref_slice %arg2[%add3A_67] : memref<4000000xi32, #tpu.memory_space<hbm>> -> memref<400xi32, #tpu.memory_space<hbm>>
          %dma_wait3A_93 = arith.constant 0 : i32
          %dma_wait3A_94 = tpu.memref_slice %arg6[%dma_wait3A_93] : memref<1600xi32, #tpu.memory_space<vmem>> -> memref<400xi32, #tpu.memory_space<vmem>>
          %dma_wait3A_95 = tpu.memref_slice %arg2[%add3A_67] : memref<4000000xi32, #tpu.memory_space<hbm>> -> memref<400xi32, #tpu.memory_space<hbm>>
          tpu.wait_dma2 semaphore(%run_scoped3A : memref<!tpu.dma_semaphore, #tpu.memory_space<semaphore_mem>>) src(%dma_wait3A_95 : memref<400xi32, #tpu.memory_space<hbm>>) dst(%dma_wait3A_94 : memref<400xi32, #tpu.memory_space<vmem>>)
          tpu.yield
        }) : () -> ()
        %mul3A_68 = arith.constant 400 : i32
        %mul3A_69 = arith.muli %add3A_21, %mul3A_68 : i32
        %add3A_70 = arith.constant 1000000 : i32
        %add3A_71 = arith.addi %add3A_70, %mul3A_69 : i32
        "tpu.region"() ({
          %run_scoped3A = tpu.sem_alloc : memref<!tpu.dma_semaphore, #tpu.memory_space<semaphore_mem>>
          %dma_start3A = arith.constant 400 : i32
          %dma_start3A_86 = tpu.memref_slice %arg6[%dma_start3A] : memref<1600xi32, #tpu.memory_space<vmem>> -> memref<400xi32, #tpu.memory_space<vmem>>
          %dma_start3A_87 = tpu.memref_slice %arg2[%add3A_71] : memref<4000000xi32, #tpu.memory_space<hbm>> -> memref<400xi32, #tpu.memory_space<hbm>>
          %dma_start3A_88 = arith.constant 400 : i32
          %dma_start3A_89 = tpu.memref_slice %arg6[%dma_start3A_88] : memref<1600xi32, #tpu.memory_space<vmem>> -> memref<400xi32, #tpu.memory_space<vmem>>
          %dma_start3A_90 = tpu.memref_slice %arg2[%add3A_71] : memref<4000000xi32, #tpu.memory_space<hbm>> -> memref<400xi32, #tpu.memory_space<hbm>>
          tpu.enqueue_dma source(%dma_start3A_90 : memref<400xi32, #tpu.memory_space<hbm>>) target(%dma_start3A_89 : memref<400xi32, #tpu.memory_space<vmem>>) target_semaphore(%run_scoped3A : memref<!tpu.dma_semaphore, #tpu.memory_space<semaphore_mem>>)
          %dma_wait3A = arith.constant 400 : i32
          %dma_wait3A_91 = tpu.memref_slice %arg6[%dma_wait3A] : memref<1600xi32, #tpu.memory_space<vmem>> -> memref<400xi32, #tpu.memory_space<vmem>>
          %dma_wait3A_92 = tpu.memref_slice %arg2[%add3A_71] : memref<4000000xi32, #tpu.memory_space<hbm>> -> memref<400xi32, #tpu.memory_space<hbm>>
          %dma_wait3A_93 = arith.constant 400 : i32
          %dma_wait3A_94 = tpu.memref_slice %arg6[%dma_wait3A_93] : memref<1600xi32, #tpu.memory_space<vmem>> -> memref<400xi32, #tpu.memory_space<vmem>>
          %dma_wait3A_95 = tpu.memref_slice %arg2[%add3A_71] : memref<4000000xi32, #tpu.memory_space<hbm>> -> memref<400xi32, #tpu.memory_space<hbm>>
          tpu.wait_dma2 semaphore(%run_scoped3A : memref<!tpu.dma_semaphore, #tpu.memory_space<semaphore_mem>>) src(%dma_wait3A_95 : memref<400xi32, #tpu.memory_space<hbm>>) dst(%dma_wait3A_94 : memref<400xi32, #tpu.memory_space<vmem>>)
          tpu.yield
        }) : () -> ()
        %mul3A_72 = arith.constant 400 : i32
        %mul3A_73 = arith.muli %add3A_21, %mul3A_72 : i32
        %add3A_74 = arith.constant 2000000 : i32
        %add3A_75 = arith.addi %add3A_74, %mul3A_73 : i32
        "tpu.region"() ({
          %run_scoped3A = tpu.sem_alloc : memref<!tpu.dma_semaphore, #tpu.memory_space<semaphore_mem>>
          %dma_start3A = arith.constant 800 : i32
          %dma_start3A_86 = tpu.memref_slice %arg6[%dma_start3A] : memref<1600xi32, #tpu.memory_space<vmem>> -> memref<400xi32, #tpu.memory_space<vmem>>
          %dma_start3A_87 = tpu.memref_slice %arg2[%add3A_75] : memref<4000000xi32, #tpu.memory_space<hbm>> -> memref<400xi32, #tpu.memory_space<hbm>>
          %dma_start3A_88 = arith.constant 800 : i32
          %dma_start3A_89 = tpu.memref_slice %arg6[%dma_start3A_88] : memref<1600xi32, #tpu.memory_space<vmem>> -> memref<400xi32, #tpu.memory_space<vmem>>
          %dma_start3A_90 = tpu.memref_slice %arg2[%add3A_75] : memref<4000000xi32, #tpu.memory_space<hbm>> -> memref<400xi32, #tpu.memory_space<hbm>>
          tpu.enqueue_dma source(%dma_start3A_90 : memref<400xi32, #tpu.memory_space<hbm>>) target(%dma_start3A_89 : memref<400xi32, #tpu.memory_space<vmem>>) target_semaphore(%run_scoped3A : memref<!tpu.dma_semaphore, #tpu.memory_space<semaphore_mem>>)
          %dma_wait3A = arith.constant 800 : i32
          %dma_wait3A_91 = tpu.memref_slice %arg6[%dma_wait3A] : memref<1600xi32, #tpu.memory_space<vmem>> -> memref<400xi32, #tpu.memory_space<vmem>>
          %dma_wait3A_92 = tpu.memref_slice %arg2[%add3A_75] : memref<4000000xi32, #tpu.memory_space<hbm>> -> memref<400xi32, #tpu.memory_space<hbm>>
          %dma_wait3A_93 = arith.constant 800 : i32
          %dma_wait3A_94 = tpu.memref_slice %arg6[%dma_wait3A_93] : memref<1600xi32, #tpu.memory_space<vmem>> -> memref<400xi32, #tpu.memory_space<vmem>>
          %dma_wait3A_95 = tpu.memref_slice %arg2[%add3A_75] : memref<4000000xi32, #tpu.memory_space<hbm>> -> memref<400xi32, #tpu.memory_space<hbm>>
          tpu.wait_dma2 semaphore(%run_scoped3A : memref<!tpu.dma_semaphore, #tpu.memory_space<semaphore_mem>>) src(%dma_wait3A_95 : memref<400xi32, #tpu.memory_space<hbm>>) dst(%dma_wait3A_94 : memref<400xi32, #tpu.memory_space<vmem>>)
          tpu.yield
        }) : () -> ()
        %mul3A_76 = arith.constant 400 : i32
        %mul3A_77 = arith.muli %add3A_21, %mul3A_76 : i32
        %add3A_78 = arith.constant 3000000 : i32
        %add3A_79 = arith.addi %add3A_78, %mul3A_77 : i32
        "tpu.region"() ({
          %run_scoped3A = tpu.sem_alloc : memref<!tpu.dma_semaphore, #tpu.memory_space<semaphore_mem>>
          %dma_start3A = arith.constant 1200 : i32
          %dma_start3A_86 = tpu.memref_slice %arg6[%dma_start3A] : memref<1600xi32, #tpu.memory_space<vmem>> -> memref<400xi32, #tpu.memory_space<vmem>>
          %dma_start3A_87 = tpu.memref_slice %arg2[%add3A_79] : memref<4000000xi32, #tpu.memory_space<hbm>> -> memref<400xi32, #tpu.memory_space<hbm>>
          %dma_start3A_88 = arith.constant 1200 : i32
          %dma_start3A_89 = tpu.memref_slice %arg6[%dma_start3A_88] : memref<1600xi32, #tpu.memory_space<vmem>> -> memref<400xi32, #tpu.memory_space<vmem>>
          %dma_start3A_90 = tpu.memref_slice %arg2[%add3A_79] : memref<4000000xi32, #tpu.memory_space<hbm>> -> memref<400xi32, #tpu.memory_space<hbm>>
          tpu.enqueue_dma source(%dma_start3A_90 : memref<400xi32, #tpu.memory_space<hbm>>) target(%dma_start3A_89 : memref<400xi32, #tpu.memory_space<vmem>>) target_semaphore(%run_scoped3A : memref<!tpu.dma_semaphore, #tpu.memory_space<semaphore_mem>>)
          %dma_wait3A = arith.constant 1200 : i32
          %dma_wait3A_91 = tpu.memref_slice %arg6[%dma_wait3A] : memref<1600xi32, #tpu.memory_space<vmem>> -> memref<400xi32, #tpu.memory_space<vmem>>
          %dma_wait3A_92 = tpu.memref_slice %arg2[%add3A_79] : memref<4000000xi32, #tpu.memory_space<hbm>> -> memref<400xi32, #tpu.memory_space<hbm>>
          %dma_wait3A_93 = arith.constant 1200 : i32
          %dma_wait3A_94 = tpu.memref_slice %arg6[%dma_wait3A_93] : memref<1600xi32, #tpu.memory_space<vmem>> -> memref<400xi32, #tpu.memory_space<vmem>>
          %dma_wait3A_95 = tpu.memref_slice %arg2[%add3A_79] : memref<4000000xi32, #tpu.memory_space<hbm>> -> memref<400xi32, #tpu.memory_space<hbm>>
          tpu.wait_dma2 semaphore(%run_scoped3A : memref<!tpu.dma_semaphore, #tpu.memory_space<semaphore_mem>>) src(%dma_wait3A_95 : memref<400xi32, #tpu.memory_space<hbm>>) dst(%dma_wait3A_94 : memref<400xi32, #tpu.memory_space<vmem>>)
          tpu.yield
        }) : () -> ()
        %scan3A_80 = arith.constant 0 : i32
        %scan3A_81 = arith.constant 0 : i32
        %scan3A_82 = arith.constant 25 : i32
        %scan3A_83 = arith.addi %scan3A_81, %scan3A_82 : i32
        %scan3A_84 = arith.constant 1 : i32
        scf.for %scan3A_86 = %scan3A_81 to %scan3A_83 step %scan3A_84  : i32 {
          %mul3A_87 = arith.constant 16 : i32
          %mul3A_88 = arith.muli %scan3A_86, %mul3A_87 : i32
          %add3A_89 = arith.constant 0 : i32
          %add3A_90 = arith.addi %add3A_89, %mul3A_88 : i32
          %get3A = arith.index_cast %add3A_90 : i32 to index
          %get3A_91 = tpu.vector_load %arg6[%get3A] {strides = array<i32>} : memref<1600xi32, #tpu.memory_space<vmem>>, vector<16xi32>,
          %add3A_92 = arith.constant 0 : i32
          %add3A_93 = vector.broadcast %add3A_92 : i32 to vector<16xi32>
          %add3A_94 = arith.addi %get3A_91, %add3A_93 : vector<16xi32>
          %add3A_95 = arith.constant 0 : i32
          %add3A_96 = arith.addi %add3A_95, %mul3A_88 : i32
          %swap3A = arith.index_cast %add3A_96 : i32 to index
          %swap3A_97 = tpu.vector_load %arg11[%swap3A] {strides = array<i32>} : memref<1200xi32, #tpu.memory_space<vmem>>, vector<16xi32>,
          tpu.vector_store %arg11[%swap3A], %add3A_94 {strides = array<i32>} : memref<1200xi32, #tpu.memory_space<vmem>>, vector<16xi32>,
          %add3A_98 = arith.constant 500000 : i32
          %add3A_99 = vector.broadcast %add3A_98 : i32 to vector<16xi32>
          %add3A_100 = arith.addi %get3A_91, %add3A_99 : vector<16xi32>
          %add3A_101 = arith.constant 400 : i32
          %add3A_102 = arith.addi %add3A_101, %mul3A_88 : i32
          %swap3A_103 = arith.index_cast %add3A_102 : i32 to index
          %swap3A_104 = tpu.vector_load %arg11[%swap3A_103] {strides = array<i32>} : memref<1200xi32, #tpu.memory_space<vmem>>, vector<16xi32>,
          tpu.vector_store %arg11[%swap3A_103], %add3A_100 {strides = array<i32>} : memref<1200xi32, #tpu.memory_space<vmem>>, vector<16xi32>,
          %add3A_105 = arith.constant 1000000 : i32
          %add3A_106 = vector.broadcast %add3A_105 : i32 to vector<16xi32>
          %add3A_107 = arith.addi %get3A_91, %add3A_106 : vector<16xi32>
          %add3A_108 = arith.constant 800 : i32
          %add3A_109 = arith.addi %add3A_108, %mul3A_88 : i32
          %swap3A_110 = arith.index_cast %add3A_109 : i32 to index
          %swap3A_111 = tpu.vector_load %arg11[%swap3A_110] {strides = array<i32>} : memref<1200xi32, #tpu.memory_space<vmem>>, vector<16xi32>,
          tpu.vector_store %arg11[%swap3A_110], %add3A_107 {strides = array<i32>} : memref<1200xi32, #tpu.memory_space<vmem>>, vector<16xi32>,
          %add3A_112 = arith.constant 400 : i32
          %add3A_113 = arith.addi %add3A_112, %mul3A_88 : i32
          %get3A_114 = arith.index_cast %add3A_113 : i32 to index
          %get3A_115 = tpu.vector_load %arg6[%get3A_114] {strides = array<i32>} : memref<1600xi32, #tpu.memory_space<vmem>>, vector<16xi32>,
          %add3A_116 = arith.constant 0 : i32
          %add3A_117 = vector.broadcast %add3A_116 : i32 to vector<16xi32>
          %add3A_118 = arith.addi %get3A_115, %add3A_117 : vector<16xi32>
          %add3A_119 = arith.constant 0 : i32
          %add3A_120 = arith.addi %add3A_119, %mul3A_88 : i32
          %swap3A_121 = arith.index_cast %add3A_120 : i32 to index
          %swap3A_122 = tpu.vector_load %arg12[%swap3A_121] {strides = array<i32>} : memref<1200xi32, #tpu.memory_space<vmem>>, vector<16xi32>,
          tpu.vector_store %arg12[%swap3A_121], %add3A_118 {strides = array<i32>} : memref<1200xi32, #tpu.memory_space<vmem>>, vector<16xi32>,
          %add3A_123 = arith.constant 500000 : i32
          %add3A_124 = vector.broadcast %add3A_123 : i32 to vector<16xi32>
          %add3A_125 = arith.addi %get3A_115, %add3A_124 : vector<16xi32>
          %add3A_126 = arith.constant 400 : i32
          %add3A_127 = arith.addi %add3A_126, %mul3A_88 : i32
          %swap3A_128 = arith.index_cast %add3A_127 : i32 to index
          %swap3A_129 = tpu.vector_load %arg12[%swap3A_128] {strides = array<i32>} : memref<1200xi32, #tpu.memory_space<vmem>>, vector<16xi32>,
          tpu.vector_store %arg12[%swap3A_128], %add3A_125 {strides = array<i32>} : memref<1200xi32, #tpu.memory_space<vmem>>, vector<16xi32>,
          %add3A_130 = arith.constant 1000000 : i32
          %add3A_131 = vector.broadcast %add3A_130 : i32 to vector<16xi32>
          %add3A_132 = arith.addi %get3A_115, %add3A_131 : vector<16xi32>
          %add3A_133 = arith.constant 800 : i32
          %add3A_134 = arith.addi %add3A_133, %mul3A_88 : i32
          %swap3A_135 = arith.index_cast %add3A_134 : i32 to index
          %swap3A_136 = tpu.vector_load %arg12[%swap3A_135] {strides = array<i32>} : memref<1200xi32, #tpu.memory_space<vmem>>, vector<16xi32>,
          tpu.vector_store %arg12[%swap3A_135], %add3A_132 {strides = array<i32>} : memref<1200xi32, #tpu.memory_space<vmem>>, vector<16xi32>,
          %add3A_137 = arith.constant 800 : i32
          %add3A_138 = arith.addi %add3A_137, %mul3A_88 : i32
          %get3A_139 = arith.index_cast %add3A_138 : i32 to index
          %get3A_140 = tpu.vector_load %arg6[%get3A_139] {strides = array<i32>} : memref<1600xi32, #tpu.memory_space<vmem>>, vector<16xi32>,
          %add3A_141 = arith.constant 0 : i32
          %add3A_142 = vector.broadcast %add3A_141 : i32 to vector<16xi32>
          %add3A_143 = arith.addi %get3A_140, %add3A_142 : vector<16xi32>
          %add3A_144 = arith.constant 0 : i32
          %add3A_145 = arith.addi %add3A_144, %mul3A_88 : i32
          %swap3A_146 = arith.index_cast %add3A_145 : i32 to index
          %swap3A_147 = tpu.vector_load %arg13[%swap3A_146] {strides = array<i32>} : memref<1200xi32, #tpu.memory_space<vmem>>, vector<16xi32>,
          tpu.vector_store %arg13[%swap3A_146], %add3A_143 {strides = array<i32>} : memref<1200xi32, #tpu.memory_space<vmem>>, vector<16xi32>,
          %add3A_148 = arith.constant 500000 : i32
          %add3A_149 = vector.broadcast %add3A_148 : i32 to vector<16xi32>
          %add3A_150 = arith.addi %get3A_140, %add3A_149 : vector<16xi32>
          %add3A_151 = arith.constant 400 : i32
          %add3A_152 = arith.addi %add3A_151, %mul3A_88 : i32
          %swap3A_153 = arith.index_cast %add3A_152 : i32 to index
          %swap3A_154 = tpu.vector_load %arg13[%swap3A_153] {strides = array<i32>} : memref<1200xi32, #tpu.memory_space<vmem>>, vector<16xi32>,
          tpu.vector_store %arg13[%swap3A_153], %add3A_150 {strides = array<i32>} : memref<1200xi32, #tpu.memory_space<vmem>>, vector<16xi32>,
          %add3A_155 = arith.constant 1000000 : i32
          %add3A_156 = vector.broadcast %add3A_155 : i32 to vector<16xi32>
          %add3A_157 = arith.addi %get3A_140, %add3A_156 : vector<16xi32>
          %add3A_158 = arith.constant 800 : i32
          %add3A_159 = arith.addi %add3A_158, %mul3A_88 : i32
          %swap3A_160 = arith.index_cast %add3A_159 : i32 to index
          %swap3A_161 = tpu.vector_load %arg13[%swap3A_160] {strides = array<i32>} : memref<1200xi32, #tpu.memory_space<vmem>>, vector<16xi32>,
          tpu.vector_store %arg13[%swap3A_160], %add3A_157 {strides = array<i32>} : memref<1200xi32, #tpu.memory_space<vmem>>, vector<16xi32>,
          %add3A_162 = arith.constant 1200 : i32
          %add3A_163 = arith.addi %add3A_162, %mul3A_88 : i32
          %get3A_164 = arith.index_cast %add3A_163 : i32 to index
          %get3A_165 = tpu.vector_load %arg6[%get3A_164] {strides = array<i32>} : memref<1600xi32, #tpu.memory_space<vmem>>, vector<16xi32>,
          %add3A_166 = arith.constant 0 : i32
          %add3A_167 = vector.broadcast %add3A_166 : i32 to vector<16xi32>
          %add3A_168 = arith.addi %get3A_165, %add3A_167 : vector<16xi32>
          %add3A_169 = arith.constant 0 : i32
          %add3A_170 = arith.addi %add3A_169, %mul3A_88 : i32
          %swap3A_171 = arith.index_cast %add3A_170 : i32 to index
          %swap3A_172 = tpu.vector_load %arg14[%swap3A_171] {strides = array<i32>} : memref<1200xi32, #tpu.memory_space<vmem>>, vector<16xi32>,
          tpu.vector_store %arg14[%swap3A_171], %add3A_168 {strides = array<i32>} : memref<1200xi32, #tpu.memory_space<vmem>>, vector<16xi32>,
          %add3A_173 = arith.constant 500000 : i32
          %add3A_174 = vector.broadcast %add3A_173 : i32 to vector<16xi32>
          %add3A_175 = arith.addi %get3A_165, %add3A_174 : vector<16xi32>
          %add3A_176 = arith.constant 400 : i32
          %add3A_177 = arith.addi %add3A_176, %mul3A_88 : i32
          %swap3A_178 = arith.index_cast %add3A_177 : i32 to index
          %swap3A_179 = tpu.vector_load %arg14[%swap3A_178] {strides = array<i32>} : memref<1200xi32, #tpu.memory_space<vmem>>, vector<16xi32>,
          tpu.vector_store %arg14[%swap3A_178], %add3A_175 {strides = array<i32>} : memref<1200xi32, #tpu.memory_space<vmem>>, vector<16xi32>,
          %add3A_180 = arith.constant 1000000 : i32
          %add3A_181 = vector.broadcast %add3A_180 : i32 to vector<16xi32>
          %add3A_182 = arith.addi %get3A_165, %add3A_181 : vector<16xi32>
          %add3A_183 = arith.constant 800 : i32
          %add3A_184 = arith.addi %add3A_183, %mul3A_88 : i32
          %swap3A_185 = arith.index_cast %add3A_184 : i32 to index
          %swap3A_186 = tpu.vector_load %arg14[%swap3A_185] {strides = array<i32>} : memref<1200xi32, #tpu.memory_space<vmem>>, vector<16xi32>,
          tpu.vector_store %arg14[%swap3A_185], %add3A_182 {strides = array<i32>} : memref<1200xi32, #tpu.memory_space<vmem>>, vector<16xi32>,
        }
        %scan3A_85 = arith.constant 25 : i32
      } else {
      }
      %lt3A_29 = arith.constant 2500 : i32
      %lt3A_30 = arith.cmpi slt, %add3A_19, %lt3A_29 : i32
      %convert_element_type3A_31 = arith.extui %lt3A_30 : i1 to i32
      %cond3A_32 = arith.constant 0 : i32
      %cond3A_33 = arith.cmpi ne, %convert_element_type3A_31, %cond3A_32 : i32
      scf.if %cond3A_33 {
        %dma_wait3A = arith.constant 0 : i32
        %dma_wait3A_64 = tpu.memref_slice %arg5[%dma_wait3A] : memref<1500000xf32, #tpu.memory_space<vmem_shared>> -> memref<1500000xf32, #tpu.memory_space<vmem_shared>>
        tpu.wait_indirect_dma semaphore(%arg25 : memref<!tpu.dma_semaphore, #tpu.memory_space<semaphore_mem>>) src(%dma_wait3A_64 : memref<1500000xf32, #tpu.memory_space<vmem_shared>>) dst(%arg15 : memref<1200xf32, #tpu.memory_space<vmem>>)
        %dma_wait3A_65 = arith.constant 0 : i32
        %dma_wait3A_66 = tpu.memref_slice %arg5[%dma_wait3A_65] : memref<1500000xf32, #tpu.memory_space<vmem_shared>> -> memref<1500000xf32, #tpu.memory_space<vmem_shared>>
        tpu.wait_indirect_dma semaphore(%arg26 : memref<!tpu.dma_semaphore, #tpu.memory_space<semaphore_mem>>) src(%dma_wait3A_66 : memref<1500000xf32, #tpu.memory_space<vmem_shared>>) dst(%arg16 : memref<1200xf32, #tpu.memory_space<vmem>>)
        %dma_wait3A_67 = arith.constant 0 : i32
        %dma_wait3A_68 = tpu.memref_slice %arg5[%dma_wait3A_67] : memref<1500000xf32, #tpu.memory_space<vmem_shared>> -> memref<1500000xf32, #tpu.memory_space<vmem_shared>>
        tpu.wait_indirect_dma semaphore(%arg27 : memref<!tpu.dma_semaphore, #tpu.memory_space<semaphore_mem>>) src(%dma_wait3A_68 : memref<1500000xf32, #tpu.memory_space<vmem_shared>>) dst(%arg17 : memref<1200xf32, #tpu.memory_space<vmem>>)
        %dma_wait3A_69 = arith.constant 0 : i32
        %dma_wait3A_70 = tpu.memref_slice %arg5[%dma_wait3A_69] : memref<1500000xf32, #tpu.memory_space<vmem_shared>> -> memref<1500000xf32, #tpu.memory_space<vmem_shared>>
        tpu.wait_indirect_dma semaphore(%arg28 : memref<!tpu.dma_semaphore, #tpu.memory_space<semaphore_mem>>) src(%dma_wait3A_70 : memref<1500000xf32, #tpu.memory_space<vmem_shared>>) dst(%arg18 : memref<1200xf32, #tpu.memory_space<vmem>>)
      } else {
      }
      %lt3A_34 = arith.constant 2500 : i32
      %lt3A_35 = arith.cmpi slt, %add3A_21, %lt3A_34 : i32
      %convert_element_type3A_36 = arith.extui %lt3A_35 : i1 to i32
      %cond3A_37 = arith.constant 0 : i32
      %cond3A_38 = arith.cmpi ne, %convert_element_type3A_36, %cond3A_37 : i32
      scf.if %cond3A_38 {
        %dma_start3A = arith.constant 0 : i32
        %dma_start3A_64 = tpu.memref_slice %arg5[%dma_start3A] : memref<1500000xf32, #tpu.memory_space<vmem_shared>> -> memref<1500000xf32, #tpu.memory_space<vmem_shared>>
        tpu.enqueue_indirect_dma source(%dma_start3A_64 : memref<1500000xf32, #tpu.memory_space<vmem_shared>>) target(%arg19 : memref<1200xf32, #tpu.memory_space<vmem>>) offsets(%arg11 : memref<1200xi32, #tpu.memory_space<vmem>>) semaphore(%arg29 : memref<!tpu.dma_semaphore, #tpu.memory_space<semaphore_mem>>)
        %dma_start3A_65 = arith.constant 0 : i32
        %dma_start3A_66 = tpu.memref_slice %arg5[%dma_start3A_65] : memref<1500000xf32, #tpu.memory_space<vmem_shared>> -> memref<1500000xf32, #tpu.memory_space<vmem_shared>>
        tpu.enqueue_indirect_dma source(%dma_start3A_66 : memref<1500000xf32, #tpu.memory_space<vmem_shared>>) target(%arg20 : memref<1200xf32, #tpu.memory_space<vmem>>) offsets(%arg12 : memref<1200xi32, #tpu.memory_space<vmem>>) semaphore(%arg30 : memref<!tpu.dma_semaphore, #tpu.memory_space<semaphore_mem>>)
        %dma_start3A_67 = arith.constant 0 : i32
        %dma_start3A_68 = tpu.memref_slice %arg5[%dma_start3A_67] : memref<1500000xf32, #tpu.memory_space<vmem_shared>> -> memref<1500000xf32, #tpu.memory_space<vmem_shared>>
        tpu.enqueue_indirect_dma source(%dma_start3A_68 : memref<1500000xf32, #tpu.memory_space<vmem_shared>>) target(%arg21 : memref<1200xf32, #tpu.memory_space<vmem>>) offsets(%arg13 : memref<1200xi32, #tpu.memory_space<vmem>>) semaphore(%arg31 : memref<!tpu.dma_semaphore, #tpu.memory_space<semaphore_mem>>)
        %dma_start3A_69 = arith.constant 0 : i32
        %dma_start3A_70 = tpu.memref_slice %arg5[%dma_start3A_69] : memref<1500000xf32, #tpu.memory_space<vmem_shared>> -> memref<1500000xf32, #tpu.memory_space<vmem_shared>>
        tpu.enqueue_indirect_dma source(%dma_start3A_70 : memref<1500000xf32, #tpu.memory_space<vmem_shared>>) target(%arg22 : memref<1200xf32, #tpu.memory_space<vmem>>) offsets(%arg14 : memref<1200xi32, #tpu.memory_space<vmem>>) semaphore(%arg32 : memref<!tpu.dma_semaphore, #tpu.memory_space<semaphore_mem>>)
      } else {
      }
      %lt3A_39 = arith.constant 2500 : i32
      %lt3A_40 = arith.cmpi slt, %add3A_19, %lt3A_39 : i32
      %convert_element_type3A_41 = arith.extui %lt3A_40 : i1 to i32
      %cond3A_42 = arith.constant 0 : i32
      %cond3A_43 = arith.cmpi ne, %convert_element_type3A_41, %cond3A_42 : i32
      scf.if %cond3A_43 {
        %scan3A_64 = arith.constant 0 : i32
        %scan3A_65 = arith.constant 0 : i32
        %scan3A_66 = arith.constant 25 : i32
        %scan3A_67 = arith.addi %scan3A_65, %scan3A_66 : i32
        %scan3A_68 = arith.constant 1 : i32
        scf.for %scan3A_72 = %scan3A_65 to %scan3A_67 step %scan3A_68  : i32 {
          %mul3A_73 = arith.constant 16 : i32
          %mul3A_74 = arith.muli %scan3A_72, %mul3A_73 : i32
          %add3A_75 = arith.constant 0 : i32
          %add3A_76 = arith.addi %add3A_75, %mul3A_74 : i32
          %get3A = arith.index_cast %add3A_76 : i32 to index
          %get3A_77 = tpu.vector_load %arg15[%get3A] {strides = array<i32>} : memref<1200xf32, #tpu.memory_space<vmem>>, vector<16xf32>,
          %add3A_78 = arith.constant 400 : i32
          %add3A_79 = arith.addi %add3A_78, %mul3A_74 : i32
          %get3A_80 = arith.index_cast %add3A_79 : i32 to index
          %get3A_81 = tpu.vector_load %arg15[%get3A_80] {strides = array<i32>} : memref<1200xf32, #tpu.memory_space<vmem>>, vector<16xf32>,
          %add3A_82 = arith.constant 800 : i32
          %add3A_83 = arith.addi %add3A_82, %mul3A_74 : i32
          %get3A_84 = arith.index_cast %add3A_83 : i32 to index
          %get3A_85 = tpu.vector_load %arg15[%get3A_84] {strides = array<i32>} : memref<1200xf32, #tpu.memory_space<vmem>>, vector<16xf32>,
          %add3A_86 = arith.constant 0 : i32
          %add3A_87 = arith.addi %add3A_86, %mul3A_74 : i32
          %get3A_88 = arith.index_cast %add3A_87 : i32 to index
          %get3A_89 = tpu.vector_load %arg16[%get3A_88] {strides = array<i32>} : memref<1200xf32, #tpu.memory_space<vmem>>, vector<16xf32>,
          %add3A_90 = arith.constant 400 : i32
          %add3A_91 = arith.addi %add3A_90, %mul3A_74 : i32
          %get3A_92 = arith.index_cast %add3A_91 : i32 to index
          %get3A_93 = tpu.vector_load %arg16[%get3A_92] {strides = array<i32>} : memref<1200xf32, #tpu.memory_space<vmem>>, vector<16xf32>,
          %add3A_94 = arith.constant 800 : i32
          %add3A_95 = arith.addi %add3A_94, %mul3A_74 : i32
          %get3A_96 = arith.index_cast %add3A_95 : i32 to index
          %get3A_97 = tpu.vector_load %arg16[%get3A_96] {strides = array<i32>} : memref<1200xf32, #tpu.memory_space<vmem>>, vector<16xf32>,
          %add3A_98 = arith.constant 0 : i32
          %add3A_99 = arith.addi %add3A_98, %mul3A_74 : i32
          %get3A_100 = arith.index_cast %add3A_99 : i32 to index
          %get3A_101 = tpu.vector_load %arg17[%get3A_100] {strides = array<i32>} : memref<1200xf32, #tpu.memory_space<vmem>>, vector<16xf32>,
          %add3A_102 = arith.constant 400 : i32
          %add3A_103 = arith.addi %add3A_102, %mul3A_74 : i32
          %get3A_104 = arith.index_cast %add3A_103 : i32 to index
          %get3A_105 = tpu.vector_load %arg17[%get3A_104] {strides = array<i32>} : memref<1200xf32, #tpu.memory_space<vmem>>, vector<16xf32>,
          %add3A_106 = arith.constant 800 : i32
          %add3A_107 = arith.addi %add3A_106, %mul3A_74 : i32
          %get3A_108 = arith.index_cast %add3A_107 : i32 to index
          %get3A_109 = tpu.vector_load %arg17[%get3A_108] {strides = array<i32>} : memref<1200xf32, #tpu.memory_space<vmem>>, vector<16xf32>,
          %add3A_110 = arith.constant 0 : i32
          %add3A_111 = arith.addi %add3A_110, %mul3A_74 : i32
          %get3A_112 = arith.index_cast %add3A_111 : i32 to index
          %get3A_113 = tpu.vector_load %arg18[%get3A_112] {strides = array<i32>} : memref<1200xf32, #tpu.memory_space<vmem>>, vector<16xf32>,
          %add3A_114 = arith.constant 400 : i32
          %add3A_115 = arith.addi %add3A_114, %mul3A_74 : i32
          %get3A_116 = arith.index_cast %add3A_115 : i32 to index
          %get3A_117 = tpu.vector_load %arg18[%get3A_116] {strides = array<i32>} : memref<1200xf32, #tpu.memory_space<vmem>>, vector<16xf32>,
          %add3A_118 = arith.constant 800 : i32
          %add3A_119 = arith.addi %add3A_118, %mul3A_74 : i32
          %get3A_120 = arith.index_cast %add3A_119 : i32 to index
          %get3A_121 = tpu.vector_load %arg18[%get3A_120] {strides = array<i32>} : memref<1200xf32, #tpu.memory_space<vmem>>, vector<16xf32>,
          %sub3A = arith.subf %get3A_89, %get3A_77 : vector<16xf32>
          %sub3A_122 = arith.subf %get3A_93, %get3A_81 : vector<16xf32>
          %sub3A_123 = arith.subf %get3A_97, %get3A_85 : vector<16xf32>
          %sub3A_124 = arith.subf %get3A_101, %get3A_89 : vector<16xf32>
          %sub3A_125 = arith.subf %get3A_105, %get3A_93 : vector<16xf32>
          %sub3A_126 = arith.subf %get3A_109, %get3A_97 : vector<16xf32>
          %sub3A_127 = arith.subf %get3A_113, %get3A_101 : vector<16xf32>
          %sub3A_128 = arith.subf %get3A_117, %get3A_105 : vector<16xf32>
          %sub3A_129 = arith.subf %get3A_121, %get3A_109 : vector<16xf32>
          %mul3A_130 = arith.mulf %sub3A_122, %sub3A_126 : vector<16xf32>
          %mul3A_131 = arith.mulf %sub3A_123, %sub3A_125 : vector<16xf32>
          %sub3A_132 = arith.subf %mul3A_130, %mul3A_131 : vector<16xf32>
          %mul3A_133 = arith.mulf %sub3A_123, %sub3A_124 : vector<16xf32>
          %mul3A_134 = arith.mulf %sub3A, %sub3A_126 : vector<16xf32>
          %sub3A_135 = arith.subf %mul3A_133, %mul3A_134 : vector<16xf32>
          %mul3A_136 = arith.mulf %sub3A, %sub3A_125 : vector<16xf32>
          %mul3A_137 = arith.mulf %sub3A_122, %sub3A_124 : vector<16xf32>
          %sub3A_138 = arith.subf %mul3A_136, %mul3A_137 : vector<16xf32>
          %mul3A_139 = arith.mulf %sub3A_125, %sub3A_129 : vector<16xf32>
          %mul3A_140 = arith.mulf %sub3A_126, %sub3A_128 : vector<16xf32>
          %sub3A_141 = arith.subf %mul3A_139, %mul3A_140 : vector<16xf32>
          %mul3A_142 = arith.mulf %sub3A_126, %sub3A_127 : vector<16xf32>
          %mul3A_143 = arith.mulf %sub3A_124, %sub3A_129 : vector<16xf32>
          %sub3A_144 = arith.subf %mul3A_142, %mul3A_143 : vector<16xf32>
          %mul3A_145 = arith.mulf %sub3A_124, %sub3A_128 : vector<16xf32>
          %mul3A_146 = arith.mulf %sub3A_125, %sub3A_127 : vector<16xf32>
          %sub3A_147 = arith.subf %mul3A_145, %mul3A_146 : vector<16xf32>
          %mul3A_148 = arith.mulf %sub3A_132, %sub3A_141 : vector<16xf32>
          %mul3A_149 = arith.mulf %sub3A_135, %sub3A_144 : vector<16xf32>
          %add3A_150 = arith.addf %mul3A_148, %mul3A_149 : vector<16xf32>
          %mul3A_151 = arith.mulf %sub3A_138, %sub3A_147 : vector<16xf32>
          %add3A_152 = arith.addf %add3A_150, %mul3A_151 : vector<16xf32>
          %mul3A_153 = arith.mulf %sub3A_132, %sub3A_132 : vector<16xf32>
          %mul3A_154 = arith.mulf %sub3A_135, %sub3A_135 : vector<16xf32>
          %add3A_155 = arith.addf %mul3A_153, %mul3A_154 : vector<16xf32>
          %mul3A_156 = arith.mulf %sub3A_138, %sub3A_138 : vector<16xf32>
          %add3A_157 = arith.addf %add3A_155, %mul3A_156 : vector<16xf32>
          %mul3A_158 = arith.mulf %sub3A_141, %sub3A_141 : vector<16xf32>
          %mul3A_159 = arith.mulf %sub3A_144, %sub3A_144 : vector<16xf32>
          %add3A_160 = arith.addf %mul3A_158, %mul3A_159 : vector<16xf32>
          %mul3A_161 = arith.mulf %sub3A_147, %sub3A_147 : vector<16xf32>
          %add3A_162 = arith.addf %add3A_160, %mul3A_161 : vector<16xf32>
          %mul3A_163 = arith.mulf %sub3A_132, %sub3A_127 : vector<16xf32>
          %mul3A_164 = arith.mulf %sub3A_135, %sub3A_128 : vector<16xf32>
          %add3A_165 = arith.addf %mul3A_163, %mul3A_164 : vector<16xf32>
          %mul3A_166 = arith.mulf %sub3A_138, %sub3A_129 : vector<16xf32>
          %add3A_167 = arith.addf %add3A_165, %mul3A_166 : vector<16xf32>
          %mul3A_168 = arith.mulf %add3A_157, %add3A_162 : vector<16xf32>
          %max3A = arith.constant 1.000000e-35 : f32
          %max3A_169 = vector.broadcast %max3A : f32 to vector<16xf32>
          %max3A_170 = arith.maximumf %mul3A_168, %max3A_169 : vector<16xf32>
          %bitcast3A = vector.bitcast %max3A_170 : vector<16xf32> to vector<16xi32>
          %shift_right_arithmetic3A = arith.constant 1 : i32
          %shift_right_arithmetic3A_171 = vector.broadcast %shift_right_arithmetic3A : i32 to vector<16xi32>
          %shift_right_arithmetic3A_172 = arith.shrsi %bitcast3A, %shift_right_arithmetic3A_171 : vector<16xi32>
          %sub3A_173 = arith.constant 1597463007 : i32
          %sub3A_174 = vector.broadcast %sub3A_173 : i32 to vector<16xi32>
          %sub3A_175 = arith.subi %sub3A_174, %shift_right_arithmetic3A_172 : vector<16xi32>
          %bitcast3A_176 = vector.bitcast %sub3A_175 : vector<16xi32> to vector<16xf32>
          %mul3A_177 = arith.constant 5.000000e-01 : f32
          %mul3A_178 = vector.broadcast %mul3A_177 : f32 to vector<16xf32>
          %mul3A_179 = arith.mulf %mul3A_178, %max3A_170 : vector<16xf32>
          %mul3A_180 = arith.mulf %mul3A_179, %bitcast3A_176 : vector<16xf32>
          %mul3A_181 = arith.mulf %mul3A_180, %bitcast3A_176 : vector<16xf32>
          %sub3A_182 = arith.constant 1.500000e+00 : f32
          %sub3A_183 = vector.broadcast %sub3A_182 : f32 to vector<16xf32>
          %sub3A_184 = arith.subf %sub3A_183, %mul3A_181 : vector<16xf32>
          %mul3A_185 = arith.mulf %bitcast3A_176, %sub3A_184 : vector<16xf32>
          %mul3A_186 = arith.constant 5.000000e-01 : f32
          %mul3A_187 = vector.broadcast %mul3A_186 : f32 to vector<16xf32>
          %mul3A_188 = arith.mulf %mul3A_187, %max3A_170 : vector<16xf32>
          %mul3A_189 = arith.mulf %mul3A_188, %mul3A_185 : vector<16xf32>
          %mul3A_190 = arith.mulf %mul3A_189, %mul3A_185 : vector<16xf32>
          %sub3A_191 = arith.constant 1.500000e+00 : f32
          %sub3A_192 = vector.broadcast %sub3A_191 : f32 to vector<16xf32>
          %sub3A_193 = arith.subf %sub3A_192, %mul3A_190 : vector<16xf32>
          %mul3A_194 = arith.mulf %mul3A_185, %sub3A_193 : vector<16xf32>
          %mul3A_195 = arith.constant 5.000000e-01 : f32
          %mul3A_196 = vector.broadcast %mul3A_195 : f32 to vector<16xf32>
          %mul3A_197 = arith.mulf %mul3A_196, %max3A_170 : vector<16xf32>
          %mul3A_198 = arith.mulf %mul3A_197, %mul3A_194 : vector<16xf32>
          %mul3A_199 = arith.mulf %mul3A_198, %mul3A_194 : vector<16xf32>
          %sub3A_200 = arith.constant 1.500000e+00 : f32
          %sub3A_201 = vector.broadcast %sub3A_200 : f32 to vector<16xf32>
          %sub3A_202 = arith.subf %sub3A_201, %mul3A_199 : vector<16xf32>
          %mul3A_203 = arith.mulf %mul3A_194, %sub3A_202 : vector<16xf32>
          %mul3A_204 = arith.mulf %mul3A_168, %mul3A_203 : vector<16xf32>
          %div3A = arith.divf %add3A_152, %mul3A_204 : vector<16xf32>
          %max3A_205 = arith.constant -1.000000e+00 : f32
          %max3A_206 = vector.broadcast %max3A_205 : f32 to vector<16xf32>
          %max3A_207 = arith.maximumf %div3A, %max3A_206 : vector<16xf32>
          %min3A = arith.constant 1.000000e+00 : f32
          %min3A_208 = vector.broadcast %min3A : f32 to vector<16xf32>
          %min3A_209 = arith.minimumf %max3A_207, %min3A_208 : vector<16xf32>
          %ne3A = arith.cmpf one, %div3A, %div3A : vector<16xf32>
          %select_n3A = arith.select %ne3A, %div3A, %min3A_209 : vector<16xi1>, vector<16xf32>
          %abs3A = math.absf %select_n3A : vector<16xf32>
          %sub3A_210 = arith.constant 1.000000e+00 : f32
          %sub3A_211 = vector.broadcast %sub3A_210 : f32 to vector<16xf32>
          %sub3A_212 = arith.subf %sub3A_211, %abs3A : vector<16xf32>
          %max3A_213 = arith.constant 1.000000e-30 : f32
          %max3A_214 = vector.broadcast %max3A_213 : f32 to vector<16xf32>
          %max3A_215 = arith.maximumf %sub3A_212, %max3A_214 : vector<16xf32>
          %bitcast3A_216 = vector.bitcast %max3A_215 : vector<16xf32> to vector<16xi32>
          %shift_right_arithmetic3A_217 = arith.constant 1 : i32
          %shift_right_arithmetic3A_218 = vector.broadcast %shift_right_arithmetic3A_217 : i32 to vector<16xi32>
          %shift_right_arithmetic3A_219 = arith.shrsi %bitcast3A_216, %shift_right_arithmetic3A_218 : vector<16xi32>
          %sub3A_220 = arith.constant 1597463007 : i32
          %sub3A_221 = vector.broadcast %sub3A_220 : i32 to vector<16xi32>
          %sub3A_222 = arith.subi %sub3A_221, %shift_right_arithmetic3A_219 : vector<16xi32>
          %bitcast3A_223 = vector.bitcast %sub3A_222 : vector<16xi32> to vector<16xf32>
          %mul3A_224 = arith.constant 5.000000e-01 : f32
          %mul3A_225 = vector.broadcast %mul3A_224 : f32 to vector<16xf32>
          %mul3A_226 = arith.mulf %mul3A_225, %max3A_215 : vector<16xf32>
          %mul3A_227 = arith.mulf %mul3A_226, %bitcast3A_223 : vector<16xf32>
          %mul3A_228 = arith.mulf %mul3A_227, %bitcast3A_223 : vector<16xf32>
          %sub3A_229 = arith.constant 1.500000e+00 : f32
          %sub3A_230 = vector.broadcast %sub3A_229 : f32 to vector<16xf32>
          %sub3A_231 = arith.subf %sub3A_230, %mul3A_228 : vector<16xf32>
          %mul3A_232 = arith.mulf %bitcast3A_223, %sub3A_231 : vector<16xf32>
          %mul3A_233 = arith.constant 5.000000e-01 : f32
          %mul3A_234 = vector.broadcast %mul3A_233 : f32 to vector<16xf32>
          %mul3A_235 = arith.mulf %mul3A_234, %max3A_215 : vector<16xf32>
          %mul3A_236 = arith.mulf %mul3A_235, %mul3A_232 : vector<16xf32>
          %mul3A_237 = arith.mulf %mul3A_236, %mul3A_232 : vector<16xf32>
          %sub3A_238 = arith.constant 1.500000e+00 : f32
          %sub3A_239 = vector.broadcast %sub3A_238 : f32 to vector<16xf32>
          %sub3A_240 = arith.subf %sub3A_239, %mul3A_237 : vector<16xf32>
          %mul3A_241 = arith.mulf %mul3A_232, %sub3A_240 : vector<16xf32>
          %mul3A_242 = arith.constant 5.000000e-01 : f32
          %mul3A_243 = vector.broadcast %mul3A_242 : f32 to vector<16xf32>
          %mul3A_244 = arith.mulf %mul3A_243, %max3A_215 : vector<16xf32>
          %mul3A_245 = arith.mulf %mul3A_244, %mul3A_241 : vector<16xf32>
          %mul3A_246 = arith.mulf %mul3A_245, %mul3A_241 : vector<16xf32>
          %sub3A_247 = arith.constant 1.500000e+00 : f32
          %sub3A_248 = vector.broadcast %sub3A_247 : f32 to vector<16xf32>
          %sub3A_249 = arith.subf %sub3A_248, %mul3A_246 : vector<16xf32>
          %mul3A_250 = arith.mulf %mul3A_241, %sub3A_249 : vector<16xf32>
          %mul3A_251 = arith.mulf %sub3A_212, %mul3A_250 : vector<16xf32>
          %mul3A_252 = arith.constant -0.0012624911 : f32
          %mul3A_253 = vector.broadcast %mul3A_252 : f32 to vector<16xf32>
          %mul3A_254 = arith.mulf %mul3A_253, %abs3A : vector<16xf32>
          %add3A_255 = arith.constant 6.670090e-03 : f32
          %add3A_256 = vector.broadcast %add3A_255 : f32 to vector<16xf32>
          %add3A_257 = arith.addf %mul3A_254, %add3A_256 : vector<16xf32>
          %mul3A_258 = arith.mulf %add3A_257, %abs3A : vector<16xf32>
          %add3A_259 = arith.constant -0.0170881264 : f32
          %add3A_260 = vector.broadcast %add3A_259 : f32 to vector<16xf32>
          %add3A_261 = arith.addf %mul3A_258, %add3A_260 : vector<16xf32>
          %mul3A_262 = arith.mulf %add3A_261, %abs3A : vector<16xf32>
          %add3A_263 = arith.constant 0.0308918804 : f32
          %add3A_264 = vector.broadcast %add3A_263 : f32 to vector<16xf32>
          %add3A_265 = arith.addf %mul3A_262, %add3A_264 : vector<16xf32>
          %mul3A_266 = arith.mulf %add3A_265, %abs3A : vector<16xf32>
          %add3A_267 = arith.constant -0.0501743034 : f32
          %add3A_268 = vector.broadcast %add3A_267 : f32 to vector<16xf32>
          %add3A_269 = arith.addf %mul3A_266, %add3A_268 : vector<16xf32>
          %mul3A_270 = arith.mulf %add3A_269, %abs3A : vector<16xf32>
          %add3A_271 = arith.constant 0.0889789909 : f32
          %add3A_272 = vector.broadcast %add3A_271 : f32 to vector<16xf32>
          %add3A_273 = arith.addf %mul3A_270, %add3A_272 : vector<16xf32>
          %mul3A_274 = arith.mulf %add3A_273, %abs3A : vector<16xf32>
          %add3A_275 = arith.constant -0.214598805 : f32
          %add3A_276 = vector.broadcast %add3A_275 : f32 to vector<16xf32>
          %add3A_277 = arith.addf %mul3A_274, %add3A_276 : vector<16xf32>
          %mul3A_278 = arith.mulf %add3A_277, %abs3A : vector<16xf32>
          %add3A_279 = arith.constant 1.57079625 : f32
          %add3A_280 = vector.broadcast %add3A_279 : f32 to vector<16xf32>
          %add3A_281 = arith.addf %mul3A_278, %add3A_280 : vector<16xf32>
          %mul3A_282 = arith.mulf %mul3A_251, %add3A_281 : vector<16xf32>
          %ge3A = arith.constant 0.000000e+00 : f32
          %ge3A_283 = vector.broadcast %ge3A : f32 to vector<16xf32>
          %ge3A_284 = arith.cmpf oge, %select_n3A, %ge3A_283 : vector<16xf32>
          %sub3A_285 = arith.constant 3.14159274 : f32
          %sub3A_286 = vector.broadcast %sub3A_285 : f32 to vector<16xf32>
          %sub3A_287 = arith.subf %sub3A_286, %mul3A_282 : vector<16xf32>
          %select_n3A_288 = arith.select %ge3A_284, %mul3A_282, %sub3A_287 : vector<16xi1>, vector<16xf32>
          %select_n3A_289 = arith.select %ne3A, %select_n3A, %select_n3A_288 : vector<16xi1>, vector<16xf32>
          %gt3A = arith.constant 0.000000e+00 : f32
          %gt3A_290 = vector.broadcast %gt3A : f32 to vector<16xf32>
          %gt3A_291 = arith.cmpf ogt, %add3A_167, %gt3A_290 : vector<16xf32>
          %neg3A = arith.constant 0.000000e+00 : f32
          %neg3A_292 = vector.broadcast %neg3A : f32 to vector<16xf32>
          %neg3A_293 = arith.subf %neg3A_292, %select_n3A_289 : vector<16xf32>
          %select_n3A_294 = arith.select %gt3A_291, %select_n3A_289, %neg3A_293 : vector<16xi1>, vector<16xf32>
          %swap3A = arith.index_cast %mul3A_74 : i32 to index
          %swap3A_295 = tpu.vector_load %arg24[%swap3A] {strides = array<i32>} : memref<400xf32, #tpu.memory_space<vmem>>, vector<16xf32>,
          tpu.vector_store %arg24[%swap3A], %select_n3A_294 {strides = array<i32>} : memref<400xf32, #tpu.memory_space<vmem>>, vector<16xf32>,
        }
        %scan3A_69 = arith.constant 25 : i32
        %mul3A_70 = arith.constant 400 : i32
        %mul3A_71 = arith.muli %add3A_19, %mul3A_70 : i32
        "tpu.region"() ({
          %run_scoped3A = tpu.sem_alloc : memref<!tpu.dma_semaphore, #tpu.memory_space<semaphore_mem>>
          %dma_start3A = tpu.memref_slice %arg4[%mul3A_71] : memref<1000000xf32, #tpu.memory_space<hbm>> -> memref<400xf32, #tpu.memory_space<hbm>>
          %dma_start3A_72 = tpu.memref_slice %arg4[%mul3A_71] : memref<1000000xf32, #tpu.memory_space<hbm>> -> memref<400xf32, #tpu.memory_space<hbm>>
          tpu.enqueue_dma source(%arg24 : memref<400xf32, #tpu.memory_space<vmem>>) target(%dma_start3A_72 : memref<400xf32, #tpu.memory_space<hbm>>) target_semaphore(%run_scoped3A : memref<!tpu.dma_semaphore, #tpu.memory_space<semaphore_mem>>)
          %dma_wait3A = tpu.memref_slice %arg4[%mul3A_71] : memref<1000000xf32, #tpu.memory_space<hbm>> -> memref<400xf32, #tpu.memory_space<hbm>>
          %dma_wait3A_73 = tpu.memref_slice %arg4[%mul3A_71] : memref<1000000xf32, #tpu.memory_space<hbm>> -> memref<400xf32, #tpu.memory_space<hbm>>
          tpu.wait_dma2 semaphore(%run_scoped3A : memref<!tpu.dma_semaphore, #tpu.memory_space<semaphore_mem>>) src(%arg24 : memref<400xf32, #tpu.memory_space<vmem>>) dst(%dma_wait3A_73 : memref<400xf32, #tpu.memory_space<hbm>>)
          tpu.yield
        }) : () -> ()
      } else {
      }
      %lt3A_44 = arith.constant 2500 : i32
      %lt3A_45 = arith.cmpi slt, %add3A_23, %lt3A_44 : i32
      %convert_element_type3A_46 = arith.extui %lt3A_45 : i1 to i32
      %cond3A_47 = arith.constant 0 : i32
      %cond3A_48 = arith.cmpi ne, %convert_element_type3A_46, %cond3A_47 : i32
      scf.if %cond3A_48 {
        %mul3A_64 = arith.constant 400 : i32
        %mul3A_65 = arith.muli %add3A_23, %mul3A_64 : i32
        %add3A_66 = arith.constant 0 : i32
        %add3A_67 = arith.addi %add3A_66, %mul3A_65 : i32
        "tpu.region"() ({
          %run_scoped3A = tpu.sem_alloc : memref<!tpu.dma_semaphore, #tpu.memory_space<semaphore_mem>>
          %dma_start3A = arith.constant 0 : i32
          %dma_start3A_86 = tpu.memref_slice %arg6[%dma_start3A] : memref<1600xi32, #tpu.memory_space<vmem>> -> memref<400xi32, #tpu.memory_space<vmem>>
          %dma_start3A_87 = tpu.memref_slice %arg2[%add3A_67] : memref<4000000xi32, #tpu.memory_space<hbm>> -> memref<400xi32, #tpu.memory_space<hbm>>
          %dma_start3A_88 = arith.constant 0 : i32
          %dma_start3A_89 = tpu.memref_slice %arg6[%dma_start3A_88] : memref<1600xi32, #tpu.memory_space<vmem>> -> memref<400xi32, #tpu.memory_space<vmem>>
          %dma_start3A_90 = tpu.memref_slice %arg2[%add3A_67] : memref<4000000xi32, #tpu.memory_space<hbm>> -> memref<400xi32, #tpu.memory_space<hbm>>
          tpu.enqueue_dma source(%dma_start3A_90 : memref<400xi32, #tpu.memory_space<hbm>>) target(%dma_start3A_89 : memref<400xi32, #tpu.memory_space<vmem>>) target_semaphore(%run_scoped3A : memref<!tpu.dma_semaphore, #tpu.memory_space<semaphore_mem>>)
          %dma_wait3A = arith.constant 0 : i32
          %dma_wait3A_91 = tpu.memref_slice %arg6[%dma_wait3A] : memref<1600xi32, #tpu.memory_space<vmem>> -> memref<400xi32, #tpu.memory_space<vmem>>
          %dma_wait3A_92 = tpu.memref_slice %arg2[%add3A_67] : memref<4000000xi32, #tpu.memory_space<hbm>> -> memref<400xi32, #tpu.memory_space<hbm>>
          %dma_wait3A_93 = arith.constant 0 : i32
          %dma_wait3A_94 = tpu.memref_slice %arg6[%dma_wait3A_93] : memref<1600xi32, #tpu.memory_space<vmem>> -> memref<400xi32, #tpu.memory_space<vmem>>
          %dma_wait3A_95 = tpu.memref_slice %arg2[%add3A_67] : memref<4000000xi32, #tpu.memory_space<hbm>> -> memref<400xi32, #tpu.memory_space<hbm>>
          tpu.wait_dma2 semaphore(%run_scoped3A : memref<!tpu.dma_semaphore, #tpu.memory_space<semaphore_mem>>) src(%dma_wait3A_95 : memref<400xi32, #tpu.memory_space<hbm>>) dst(%dma_wait3A_94 : memref<400xi32, #tpu.memory_space<vmem>>)
          tpu.yield
        }) : () -> ()
        %mul3A_68 = arith.constant 400 : i32
        %mul3A_69 = arith.muli %add3A_23, %mul3A_68 : i32
        %add3A_70 = arith.constant 1000000 : i32
        %add3A_71 = arith.addi %add3A_70, %mul3A_69 : i32
        "tpu.region"() ({
          %run_scoped3A = tpu.sem_alloc : memref<!tpu.dma_semaphore, #tpu.memory_space<semaphore_mem>>
          %dma_start3A = arith.constant 400 : i32
          %dma_start3A_86 = tpu.memref_slice %arg6[%dma_start3A] : memref<1600xi32, #tpu.memory_space<vmem>> -> memref<400xi32, #tpu.memory_space<vmem>>
          %dma_start3A_87 = tpu.memref_slice %arg2[%add3A_71] : memref<4000000xi32, #tpu.memory_space<hbm>> -> memref<400xi32, #tpu.memory_space<hbm>>
          %dma_start3A_88 = arith.constant 400 : i32
          %dma_start3A_89 = tpu.memref_slice %arg6[%dma_start3A_88] : memref<1600xi32, #tpu.memory_space<vmem>> -> memref<400xi32, #tpu.memory_space<vmem>>
          %dma_start3A_90 = tpu.memref_slice %arg2[%add3A_71] : memref<4000000xi32, #tpu.memory_space<hbm>> -> memref<400xi32, #tpu.memory_space<hbm>>
          tpu.enqueue_dma source(%dma_start3A_90 : memref<400xi32, #tpu.memory_space<hbm>>) target(%dma_start3A_89 : memref<400xi32, #tpu.memory_space<vmem>>) target_semaphore(%run_scoped3A : memref<!tpu.dma_semaphore, #tpu.memory_space<semaphore_mem>>)
          %dma_wait3A = arith.constant 400 : i32
          %dma_wait3A_91 = tpu.memref_slice %arg6[%dma_wait3A] : memref<1600xi32, #tpu.memory_space<vmem>> -> memref<400xi32, #tpu.memory_space<vmem>>
          %dma_wait3A_92 = tpu.memref_slice %arg2[%add3A_71] : memref<4000000xi32, #tpu.memory_space<hbm>> -> memref<400xi32, #tpu.memory_space<hbm>>
          %dma_wait3A_93 = arith.constant 400 : i32
          %dma_wait3A_94 = tpu.memref_slice %arg6[%dma_wait3A_93] : memref<1600xi32, #tpu.memory_space<vmem>> -> memref<400xi32, #tpu.memory_space<vmem>>
          %dma_wait3A_95 = tpu.memref_slice %arg2[%add3A_71] : memref<4000000xi32, #tpu.memory_space<hbm>> -> memref<400xi32, #tpu.memory_space<hbm>>
          tpu.wait_dma2 semaphore(%run_scoped3A : memref<!tpu.dma_semaphore, #tpu.memory_space<semaphore_mem>>) src(%dma_wait3A_95 : memref<400xi32, #tpu.memory_space<hbm>>) dst(%dma_wait3A_94 : memref<400xi32, #tpu.memory_space<vmem>>)
          tpu.yield
        }) : () -> ()
        %mul3A_72 = arith.constant 400 : i32
        %mul3A_73 = arith.muli %add3A_23, %mul3A_72 : i32
        %add3A_74 = arith.constant 2000000 : i32
        %add3A_75 = arith.addi %add3A_74, %mul3A_73 : i32
        "tpu.region"() ({
          %run_scoped3A = tpu.sem_alloc : memref<!tpu.dma_semaphore, #tpu.memory_space<semaphore_mem>>
          %dma_start3A = arith.constant 800 : i32
          %dma_start3A_86 = tpu.memref_slice %arg6[%dma_start3A] : memref<1600xi32, #tpu.memory_space<vmem>> -> memref<400xi32, #tpu.memory_space<vmem>>
          %dma_start3A_87 = tpu.memref_slice %arg2[%add3A_75] : memref<4000000xi32, #tpu.memory_space<hbm>> -> memref<400xi32, #tpu.memory_space<hbm>>
          %dma_start3A_88 = arith.constant 800 : i32
          %dma_start3A_89 = tpu.memref_slice %arg6[%dma_start3A_88] : memref<1600xi32, #tpu.memory_space<vmem>> -> memref<400xi32, #tpu.memory_space<vmem>>
          %dma_start3A_90 = tpu.memref_slice %arg2[%add3A_75] : memref<4000000xi32, #tpu.memory_space<hbm>> -> memref<400xi32, #tpu.memory_space<hbm>>
          tpu.enqueue_dma source(%dma_start3A_90 : memref<400xi32, #tpu.memory_space<hbm>>) target(%dma_start3A_89 : memref<400xi32, #tpu.memory_space<vmem>>) target_semaphore(%run_scoped3A : memref<!tpu.dma_semaphore, #tpu.memory_space<semaphore_mem>>)
          %dma_wait3A = arith.constant 800 : i32
          %dma_wait3A_91 = tpu.memref_slice %arg6[%dma_wait3A] : memref<1600xi32, #tpu.memory_space<vmem>> -> memref<400xi32, #tpu.memory_space<vmem>>
          %dma_wait3A_92 = tpu.memref_slice %arg2[%add3A_75] : memref<4000000xi32, #tpu.memory_space<hbm>> -> memref<400xi32, #tpu.memory_space<hbm>>
          %dma_wait3A_93 = arith.constant 800 : i32
          %dma_wait3A_94 = tpu.memref_slice %arg6[%dma_wait3A_93] : memref<1600xi32, #tpu.memory_space<vmem>> -> memref<400xi32, #tpu.memory_space<vmem>>
          %dma_wait3A_95 = tpu.memref_slice %arg2[%add3A_75] : memref<4000000xi32, #tpu.memory_space<hbm>> -> memref<400xi32, #tpu.memory_space<hbm>>
          tpu.wait_dma2 semaphore(%run_scoped3A : memref<!tpu.dma_semaphore, #tpu.memory_space<semaphore_mem>>) src(%dma_wait3A_95 : memref<400xi32, #tpu.memory_space<hbm>>) dst(%dma_wait3A_94 : memref<400xi32, #tpu.memory_space<vmem>>)
          tpu.yield
        }) : () -> ()
        %mul3A_76 = arith.constant 400 : i32
        %mul3A_77 = arith.muli %add3A_23, %mul3A_76 : i32
        %add3A_78 = arith.constant 3000000 : i32
        %add3A_79 = arith.addi %add3A_78, %mul3A_77 : i32
        "tpu.region"() ({
          %run_scoped3A = tpu.sem_alloc : memref<!tpu.dma_semaphore, #tpu.memory_space<semaphore_mem>>
          %dma_start3A = arith.constant 1200 : i32
          %dma_start3A_86 = tpu.memref_slice %arg6[%dma_start3A] : memref<1600xi32, #tpu.memory_space<vmem>> -> memref<400xi32, #tpu.memory_space<vmem>>
          %dma_start3A_87 = tpu.memref_slice %arg2[%add3A_79] : memref<4000000xi32, #tpu.memory_space<hbm>> -> memref<400xi32, #tpu.memory_space<hbm>>
          %dma_start3A_88 = arith.constant 1200 : i32
          %dma_start3A_89 = tpu.memref_slice %arg6[%dma_start3A_88] : memref<1600xi32, #tpu.memory_space<vmem>> -> memref<400xi32, #tpu.memory_space<vmem>>
          %dma_start3A_90 = tpu.memref_slice %arg2[%add3A_79] : memref<4000000xi32, #tpu.memory_space<hbm>> -> memref<400xi32, #tpu.memory_space<hbm>>
          tpu.enqueue_dma source(%dma_start3A_90 : memref<400xi32, #tpu.memory_space<hbm>>) target(%dma_start3A_89 : memref<400xi32, #tpu.memory_space<vmem>>) target_semaphore(%run_scoped3A : memref<!tpu.dma_semaphore, #tpu.memory_space<semaphore_mem>>)
          %dma_wait3A = arith.constant 1200 : i32
          %dma_wait3A_91 = tpu.memref_slice %arg6[%dma_wait3A] : memref<1600xi32, #tpu.memory_space<vmem>> -> memref<400xi32, #tpu.memory_space<vmem>>
          %dma_wait3A_92 = tpu.memref_slice %arg2[%add3A_79] : memref<4000000xi32, #tpu.memory_space<hbm>> -> memref<400xi32, #tpu.memory_space<hbm>>
          %dma_wait3A_93 = arith.constant 1200 : i32
          %dma_wait3A_94 = tpu.memref_slice %arg6[%dma_wait3A_93] : memref<1600xi32, #tpu.memory_space<vmem>> -> memref<400xi32, #tpu.memory_space<vmem>>
          %dma_wait3A_95 = tpu.memref_slice %arg2[%add3A_79] : memref<4000000xi32, #tpu.memory_space<hbm>> -> memref<400xi32, #tpu.memory_space<hbm>>
          tpu.wait_dma2 semaphore(%run_scoped3A : memref<!tpu.dma_semaphore, #tpu.memory_space<semaphore_mem>>) src(%dma_wait3A_95 : memref<400xi32, #tpu.memory_space<hbm>>) dst(%dma_wait3A_94 : memref<400xi32, #tpu.memory_space<vmem>>)
          tpu.yield
        }) : () -> ()
        %scan3A_80 = arith.constant 0 : i32
        %scan3A_81 = arith.constant 0 : i32
        %scan3A_82 = arith.constant 25 : i32
        %scan3A_83 = arith.addi %scan3A_81, %scan3A_82 : i32
        %scan3A_84 = arith.constant 1 : i32
        scf.for %scan3A_86 = %scan3A_81 to %scan3A_83 step %scan3A_84  : i32 {
          %mul3A_87 = arith.constant 16 : i32
          %mul3A_88 = arith.muli %scan3A_86, %mul3A_87 : i32
          %add3A_89 = arith.constant 0 : i32
          %add3A_90 = arith.addi %add3A_89, %mul3A_88 : i32
          %get3A = arith.index_cast %add3A_90 : i32 to index
          %get3A_91 = tpu.vector_load %arg6[%get3A] {strides = array<i32>} : memref<1600xi32, #tpu.memory_space<vmem>>, vector<16xi32>,
          %add3A_92 = arith.constant 0 : i32
          %add3A_93 = vector.broadcast %add3A_92 : i32 to vector<16xi32>
          %add3A_94 = arith.addi %get3A_91, %add3A_93 : vector<16xi32>
          %add3A_95 = arith.constant 0 : i32
          %add3A_96 = arith.addi %add3A_95, %mul3A_88 : i32
          %swap3A = arith.index_cast %add3A_96 : i32 to index
          %swap3A_97 = tpu.vector_load %arg7[%swap3A] {strides = array<i32>} : memref<1200xi32, #tpu.memory_space<vmem>>, vector<16xi32>,
          tpu.vector_store %arg7[%swap3A], %add3A_94 {strides = array<i32>} : memref<1200xi32, #tpu.memory_space<vmem>>, vector<16xi32>,
          %add3A_98 = arith.constant 500000 : i32
          %add3A_99 = vector.broadcast %add3A_98 : i32 to vector<16xi32>
          %add3A_100 = arith.addi %get3A_91, %add3A_99 : vector<16xi32>
          %add3A_101 = arith.constant 400 : i32
          %add3A_102 = arith.addi %add3A_101, %mul3A_88 : i32
          %swap3A_103 = arith.index_cast %add3A_102 : i32 to index
          %swap3A_104 = tpu.vector_load %arg7[%swap3A_103] {strides = array<i32>} : memref<1200xi32, #tpu.memory_space<vmem>>, vector<16xi32>,
          tpu.vector_store %arg7[%swap3A_103], %add3A_100 {strides = array<i32>} : memref<1200xi32, #tpu.memory_space<vmem>>, vector<16xi32>,
          %add3A_105 = arith.constant 1000000 : i32
          %add3A_106 = vector.broadcast %add3A_105 : i32 to vector<16xi32>
          %add3A_107 = arith.addi %get3A_91, %add3A_106 : vector<16xi32>
          %add3A_108 = arith.constant 800 : i32
          %add3A_109 = arith.addi %add3A_108, %mul3A_88 : i32
          %swap3A_110 = arith.index_cast %add3A_109 : i32 to index
          %swap3A_111 = tpu.vector_load %arg7[%swap3A_110] {strides = array<i32>} : memref<1200xi32, #tpu.memory_space<vmem>>, vector<16xi32>,
          tpu.vector_store %arg7[%swap3A_110], %add3A_107 {strides = array<i32>} : memref<1200xi32, #tpu.memory_space<vmem>>, vector<16xi32>,
          %add3A_112 = arith.constant 400 : i32
          %add3A_113 = arith.addi %add3A_112, %mul3A_88 : i32
          %get3A_114 = arith.index_cast %add3A_113 : i32 to index
          %get3A_115 = tpu.vector_load %arg6[%get3A_114] {strides = array<i32>} : memref<1600xi32, #tpu.memory_space<vmem>>, vector<16xi32>,
          %add3A_116 = arith.constant 0 : i32
          %add3A_117 = vector.broadcast %add3A_116 : i32 to vector<16xi32>
          %add3A_118 = arith.addi %get3A_115, %add3A_117 : vector<16xi32>
          %add3A_119 = arith.constant 0 : i32
          %add3A_120 = arith.addi %add3A_119, %mul3A_88 : i32
          %swap3A_121 = arith.index_cast %add3A_120 : i32 to index
          %swap3A_122 = tpu.vector_load %arg8[%swap3A_121] {strides = array<i32>} : memref<1200xi32, #tpu.memory_space<vmem>>, vector<16xi32>,
          tpu.vector_store %arg8[%swap3A_121], %add3A_118 {strides = array<i32>} : memref<1200xi32, #tpu.memory_space<vmem>>, vector<16xi32>,
          %add3A_123 = arith.constant 500000 : i32
          %add3A_124 = vector.broadcast %add3A_123 : i32 to vector<16xi32>
          %add3A_125 = arith.addi %get3A_115, %add3A_124 : vector<16xi32>
          %add3A_126 = arith.constant 400 : i32
          %add3A_127 = arith.addi %add3A_126, %mul3A_88 : i32
          %swap3A_128 = arith.index_cast %add3A_127 : i32 to index
          %swap3A_129 = tpu.vector_load %arg8[%swap3A_128] {strides = array<i32>} : memref<1200xi32, #tpu.memory_space<vmem>>, vector<16xi32>,
          tpu.vector_store %arg8[%swap3A_128], %add3A_125 {strides = array<i32>} : memref<1200xi32, #tpu.memory_space<vmem>>, vector<16xi32>,
          %add3A_130 = arith.constant 1000000 : i32
          %add3A_131 = vector.broadcast %add3A_130 : i32 to vector<16xi32>
          %add3A_132 = arith.addi %get3A_115, %add3A_131 : vector<16xi32>
          %add3A_133 = arith.constant 800 : i32
          %add3A_134 = arith.addi %add3A_133, %mul3A_88 : i32
          %swap3A_135 = arith.index_cast %add3A_134 : i32 to index
          %swap3A_136 = tpu.vector_load %arg8[%swap3A_135] {strides = array<i32>} : memref<1200xi32, #tpu.memory_space<vmem>>, vector<16xi32>,
          tpu.vector_store %arg8[%swap3A_135], %add3A_132 {strides = array<i32>} : memref<1200xi32, #tpu.memory_space<vmem>>, vector<16xi32>,
          %add3A_137 = arith.constant 800 : i32
          %add3A_138 = arith.addi %add3A_137, %mul3A_88 : i32
          %get3A_139 = arith.index_cast %add3A_138 : i32 to index
          %get3A_140 = tpu.vector_load %arg6[%get3A_139] {strides = array<i32>} : memref<1600xi32, #tpu.memory_space<vmem>>, vector<16xi32>,
          %add3A_141 = arith.constant 0 : i32
          %add3A_142 = vector.broadcast %add3A_141 : i32 to vector<16xi32>
          %add3A_143 = arith.addi %get3A_140, %add3A_142 : vector<16xi32>
          %add3A_144 = arith.constant 0 : i32
          %add3A_145 = arith.addi %add3A_144, %mul3A_88 : i32
          %swap3A_146 = arith.index_cast %add3A_145 : i32 to index
          %swap3A_147 = tpu.vector_load %arg9[%swap3A_146] {strides = array<i32>} : memref<1200xi32, #tpu.memory_space<vmem>>, vector<16xi32>,
          tpu.vector_store %arg9[%swap3A_146], %add3A_143 {strides = array<i32>} : memref<1200xi32, #tpu.memory_space<vmem>>, vector<16xi32>,
          %add3A_148 = arith.constant 500000 : i32
          %add3A_149 = vector.broadcast %add3A_148 : i32 to vector<16xi32>
          %add3A_150 = arith.addi %get3A_140, %add3A_149 : vector<16xi32>
          %add3A_151 = arith.constant 400 : i32
          %add3A_152 = arith.addi %add3A_151, %mul3A_88 : i32
          %swap3A_153 = arith.index_cast %add3A_152 : i32 to index
          %swap3A_154 = tpu.vector_load %arg9[%swap3A_153] {strides = array<i32>} : memref<1200xi32, #tpu.memory_space<vmem>>, vector<16xi32>,
          tpu.vector_store %arg9[%swap3A_153], %add3A_150 {strides = array<i32>} : memref<1200xi32, #tpu.memory_space<vmem>>, vector<16xi32>,
          %add3A_155 = arith.constant 1000000 : i32
          %add3A_156 = vector.broadcast %add3A_155 : i32 to vector<16xi32>
          %add3A_157 = arith.addi %get3A_140, %add3A_156 : vector<16xi32>
          %add3A_158 = arith.constant 800 : i32
          %add3A_159 = arith.addi %add3A_158, %mul3A_88 : i32
          %swap3A_160 = arith.index_cast %add3A_159 : i32 to index
          %swap3A_161 = tpu.vector_load %arg9[%swap3A_160] {strides = array<i32>} : memref<1200xi32, #tpu.memory_space<vmem>>, vector<16xi32>,
          tpu.vector_store %arg9[%swap3A_160], %add3A_157 {strides = array<i32>} : memref<1200xi32, #tpu.memory_space<vmem>>, vector<16xi32>,
          %add3A_162 = arith.constant 1200 : i32
          %add3A_163 = arith.addi %add3A_162, %mul3A_88 : i32
          %get3A_164 = arith.index_cast %add3A_163 : i32 to index
          %get3A_165 = tpu.vector_load %arg6[%get3A_164] {strides = array<i32>} : memref<1600xi32, #tpu.memory_space<vmem>>, vector<16xi32>,
          %add3A_166 = arith.constant 0 : i32
          %add3A_167 = vector.broadcast %add3A_166 : i32 to vector<16xi32>
          %add3A_168 = arith.addi %get3A_165, %add3A_167 : vector<16xi32>
          %add3A_169 = arith.constant 0 : i32
          %add3A_170 = arith.addi %add3A_169, %mul3A_88 : i32
          %swap3A_171 = arith.index_cast %add3A_170 : i32 to index
          %swap3A_172 = tpu.vector_load %arg10[%swap3A_171] {strides = array<i32>} : memref<1200xi32, #tpu.memory_space<vmem>>, vector<16xi32>,
          tpu.vector_store %arg10[%swap3A_171], %add3A_168 {strides = array<i32>} : memref<1200xi32, #tpu.memory_space<vmem>>, vector<16xi32>,
          %add3A_173 = arith.constant 500000 : i32
          %add3A_174 = vector.broadcast %add3A_173 : i32 to vector<16xi32>
          %add3A_175 = arith.addi %get3A_165, %add3A_174 : vector<16xi32>
          %add3A_176 = arith.constant 400 : i32
          %add3A_177 = arith.addi %add3A_176, %mul3A_88 : i32
          %swap3A_178 = arith.index_cast %add3A_177 : i32 to index
          %swap3A_179 = tpu.vector_load %arg10[%swap3A_178] {strides = array<i32>} : memref<1200xi32, #tpu.memory_space<vmem>>, vector<16xi32>,
          tpu.vector_store %arg10[%swap3A_178], %add3A_175 {strides = array<i32>} : memref<1200xi32, #tpu.memory_space<vmem>>, vector<16xi32>,
          %add3A_180 = arith.constant 1000000 : i32
          %add3A_181 = vector.broadcast %add3A_180 : i32 to vector<16xi32>
          %add3A_182 = arith.addi %get3A_165, %add3A_181 : vector<16xi32>
          %add3A_183 = arith.constant 800 : i32
          %add3A_184 = arith.addi %add3A_183, %mul3A_88 : i32
          %swap3A_185 = arith.index_cast %add3A_184 : i32 to index
          %swap3A_186 = tpu.vector_load %arg10[%swap3A_185] {strides = array<i32>} : memref<1200xi32, #tpu.memory_space<vmem>>, vector<16xi32>,
          tpu.vector_store %arg10[%swap3A_185], %add3A_182 {strides = array<i32>} : memref<1200xi32, #tpu.memory_space<vmem>>, vector<16xi32>,
        }
        %scan3A_85 = arith.constant 25 : i32
      } else {
      }
      %lt3A_49 = arith.constant 2500 : i32
      %lt3A_50 = arith.cmpi slt, %add3A_21, %lt3A_49 : i32
      %convert_element_type3A_51 = arith.extui %lt3A_50 : i1 to i32
      %cond3A_52 = arith.constant 0 : i32
      %cond3A_53 = arith.cmpi ne, %convert_element_type3A_51, %cond3A_52 : i32
      scf.if %cond3A_53 {
        %dma_wait3A = arith.constant 0 : i32
        %dma_wait3A_64 = tpu.memref_slice %arg5[%dma_wait3A] : memref<1500000xf32, #tpu.memory_space<vmem_shared>> -> memref<1500000xf32, #tpu.memory_space<vmem_shared>>
        tpu.wait_indirect_dma semaphore(%arg29 : memref<!tpu.dma_semaphore, #tpu.memory_space<semaphore_mem>>) src(%dma_wait3A_64 : memref<1500000xf32, #tpu.memory_space<vmem_shared>>) dst(%arg19 : memref<1200xf32, #tpu.memory_space<vmem>>)
        %dma_wait3A_65 = arith.constant 0 : i32
        %dma_wait3A_66 = tpu.memref_slice %arg5[%dma_wait3A_65] : memref<1500000xf32, #tpu.memory_space<vmem_shared>> -> memref<1500000xf32, #tpu.memory_space<vmem_shared>>
        tpu.wait_indirect_dma semaphore(%arg30 : memref<!tpu.dma_semaphore, #tpu.memory_space<semaphore_mem>>) src(%dma_wait3A_66 : memref<1500000xf32, #tpu.memory_space<vmem_shared>>) dst(%arg20 : memref<1200xf32, #tpu.memory_space<vmem>>)
        %dma_wait3A_67 = arith.constant 0 : i32
        %dma_wait3A_68 = tpu.memref_slice %arg5[%dma_wait3A_67] : memref<1500000xf32, #tpu.memory_space<vmem_shared>> -> memref<1500000xf32, #tpu.memory_space<vmem_shared>>
        tpu.wait_indirect_dma semaphore(%arg31 : memref<!tpu.dma_semaphore, #tpu.memory_space<semaphore_mem>>) src(%dma_wait3A_68 : memref<1500000xf32, #tpu.memory_space<vmem_shared>>) dst(%arg21 : memref<1200xf32, #tpu.memory_space<vmem>>)
        %dma_wait3A_69 = arith.constant 0 : i32
        %dma_wait3A_70 = tpu.memref_slice %arg5[%dma_wait3A_69] : memref<1500000xf32, #tpu.memory_space<vmem_shared>> -> memref<1500000xf32, #tpu.memory_space<vmem_shared>>
        tpu.wait_indirect_dma semaphore(%arg32 : memref<!tpu.dma_semaphore, #tpu.memory_space<semaphore_mem>>) src(%dma_wait3A_70 : memref<1500000xf32, #tpu.memory_space<vmem_shared>>) dst(%arg22 : memref<1200xf32, #tpu.memory_space<vmem>>)
      } else {
      }
      %lt3A_54 = arith.constant 2500 : i32
      %lt3A_55 = arith.cmpi slt, %add3A_23, %lt3A_54 : i32
      %convert_element_type3A_56 = arith.extui %lt3A_55 : i1 to i32
      %cond3A_57 = arith.constant 0 : i32
      %cond3A_58 = arith.cmpi ne, %convert_element_type3A_56, %cond3A_57 : i32
      scf.if %cond3A_58 {
        %dma_start3A = arith.constant 0 : i32
        %dma_start3A_64 = tpu.memref_slice %arg5[%dma_start3A] : memref<1500000xf32, #tpu.memory_space<vmem_shared>> -> memref<1500000xf32, #tpu.memory_space<vmem_shared>>
        tpu.enqueue_indirect_dma source(%dma_start3A_64 : memref<1500000xf32, #tpu.memory_space<vmem_shared>>) target(%arg15 : memref<1200xf32, #tpu.memory_space<vmem>>) offsets(%arg7 : memref<1200xi32, #tpu.memory_space<vmem>>) semaphore(%arg25 : memref<!tpu.dma_semaphore, #tpu.memory_space<semaphore_mem>>)
        %dma_start3A_65 = arith.constant 0 : i32
        %dma_start3A_66 = tpu.memref_slice %arg5[%dma_start3A_65] : memref<1500000xf32, #tpu.memory_space<vmem_shared>> -> memref<1500000xf32, #tpu.memory_space<vmem_shared>>
        tpu.enqueue_indirect_dma source(%dma_start3A_66 : memref<1500000xf32, #tpu.memory_space<vmem_shared>>) target(%arg16 : memref<1200xf32, #tpu.memory_space<vmem>>) offsets(%arg8 : memref<1200xi32, #tpu.memory_space<vmem>>) semaphore(%arg26 : memref<!tpu.dma_semaphore, #tpu.memory_space<semaphore_mem>>)
        %dma_start3A_67 = arith.constant 0 : i32
        %dma_start3A_68 = tpu.memref_slice %arg5[%dma_start3A_67] : memref<1500000xf32, #tpu.memory_space<vmem_shared>> -> memref<1500000xf32, #tpu.memory_space<vmem_shared>>
        tpu.enqueue_indirect_dma source(%dma_start3A_68 : memref<1500000xf32, #tpu.memory_space<vmem_shared>>) target(%arg17 : memref<1200xf32, #tpu.memory_space<vmem>>) offsets(%arg9 : memref<1200xi32, #tpu.memory_space<vmem>>) semaphore(%arg27 : memref<!tpu.dma_semaphore, #tpu.memory_space<semaphore_mem>>)
        %dma_start3A_69 = arith.constant 0 : i32
        %dma_start3A_70 = tpu.memref_slice %arg5[%dma_start3A_69] : memref<1500000xf32, #tpu.memory_space<vmem_shared>> -> memref<1500000xf32, #tpu.memory_space<vmem_shared>>
        tpu.enqueue_indirect_dma source(%dma_start3A_70 : memref<1500000xf32, #tpu.memory_space<vmem_shared>>) target(%arg18 : memref<1200xf32, #tpu.memory_space<vmem>>) offsets(%arg10 : memref<1200xi32, #tpu.memory_space<vmem>>) semaphore(%arg28 : memref<!tpu.dma_semaphore, #tpu.memory_space<semaphore_mem>>)
      } else {
      }
      %lt3A_59 = arith.constant 2500 : i32
      %lt3A_60 = arith.cmpi slt, %add3A_21, %lt3A_59 : i32
      %convert_element_type3A_61 = arith.extui %lt3A_60 : i1 to i32
      %cond3A_62 = arith.constant 0 : i32
      %cond3A_63 = arith.cmpi ne, %convert_element_type3A_61, %cond3A_62 : i32
      scf.if %cond3A_63 {
        %scan3A_64 = arith.constant 0 : i32
        %scan3A_65 = arith.constant 0 : i32
        %scan3A_66 = arith.constant 25 : i32
        %scan3A_67 = arith.addi %scan3A_65, %scan3A_66 : i32
        %scan3A_68 = arith.constant 1 : i32
        scf.for %scan3A_72 = %scan3A_65 to %scan3A_67 step %scan3A_68  : i32 {
          %mul3A_73 = arith.constant 16 : i32
          %mul3A_74 = arith.muli %scan3A_72, %mul3A_73 : i32
          %add3A_75 = arith.constant 0 : i32
          %add3A_76 = arith.addi %add3A_75, %mul3A_74 : i32
          %get3A = arith.index_cast %add3A_76 : i32 to index
          %get3A_77 = tpu.vector_load %arg19[%get3A] {strides = array<i32>} : memref<1200xf32, #tpu.memory_space<vmem>>, vector<16xf32>,
          %add3A_78 = arith.constant 400 : i32
          %add3A_79 = arith.addi %add3A_78, %mul3A_74 : i32
          %get3A_80 = arith.index_cast %add3A_79 : i32 to index
          %get3A_81 = tpu.vector_load %arg19[%get3A_80] {strides = array<i32>} : memref<1200xf32, #tpu.memory_space<vmem>>, vector<16xf32>,
          %add3A_82 = arith.constant 800 : i32
          %add3A_83 = arith.addi %add3A_82, %mul3A_74 : i32
          %get3A_84 = arith.index_cast %add3A_83 : i32 to index
          %get3A_85 = tpu.vector_load %arg19[%get3A_84] {strides = array<i32>} : memref<1200xf32, #tpu.memory_space<vmem>>, vector<16xf32>,
          %add3A_86 = arith.constant 0 : i32
          %add3A_87 = arith.addi %add3A_86, %mul3A_74 : i32
          %get3A_88 = arith.index_cast %add3A_87 : i32 to index
          %get3A_89 = tpu.vector_load %arg20[%get3A_88] {strides = array<i32>} : memref<1200xf32, #tpu.memory_space<vmem>>, vector<16xf32>,
          %add3A_90 = arith.constant 400 : i32
          %add3A_91 = arith.addi %add3A_90, %mul3A_74 : i32
          %get3A_92 = arith.index_cast %add3A_91 : i32 to index
          %get3A_93 = tpu.vector_load %arg20[%get3A_92] {strides = array<i32>} : memref<1200xf32, #tpu.memory_space<vmem>>, vector<16xf32>,
          %add3A_94 = arith.constant 800 : i32
          %add3A_95 = arith.addi %add3A_94, %mul3A_74 : i32
          %get3A_96 = arith.index_cast %add3A_95 : i32 to index
          %get3A_97 = tpu.vector_load %arg20[%get3A_96] {strides = array<i32>} : memref<1200xf32, #tpu.memory_space<vmem>>, vector<16xf32>,
          %add3A_98 = arith.constant 0 : i32
          %add3A_99 = arith.addi %add3A_98, %mul3A_74 : i32
          %get3A_100 = arith.index_cast %add3A_99 : i32 to index
          %get3A_101 = tpu.vector_load %arg21[%get3A_100] {strides = array<i32>} : memref<1200xf32, #tpu.memory_space<vmem>>, vector<16xf32>,
          %add3A_102 = arith.constant 400 : i32
          %add3A_103 = arith.addi %add3A_102, %mul3A_74 : i32
          %get3A_104 = arith.index_cast %add3A_103 : i32 to index
          %get3A_105 = tpu.vector_load %arg21[%get3A_104] {strides = array<i32>} : memref<1200xf32, #tpu.memory_space<vmem>>, vector<16xf32>,
          %add3A_106 = arith.constant 800 : i32
          %add3A_107 = arith.addi %add3A_106, %mul3A_74 : i32
          %get3A_108 = arith.index_cast %add3A_107 : i32 to index
          %get3A_109 = tpu.vector_load %arg21[%get3A_108] {strides = array<i32>} : memref<1200xf32, #tpu.memory_space<vmem>>, vector<16xf32>,
          %add3A_110 = arith.constant 0 : i32
          %add3A_111 = arith.addi %add3A_110, %mul3A_74 : i32
          %get3A_112 = arith.index_cast %add3A_111 : i32 to index
          %get3A_113 = tpu.vector_load %arg22[%get3A_112] {strides = array<i32>} : memref<1200xf32, #tpu.memory_space<vmem>>, vector<16xf32>,
          %add3A_114 = arith.constant 400 : i32
          %add3A_115 = arith.addi %add3A_114, %mul3A_74 : i32
          %get3A_116 = arith.index_cast %add3A_115 : i32 to index
          %get3A_117 = tpu.vector_load %arg22[%get3A_116] {strides = array<i32>} : memref<1200xf32, #tpu.memory_space<vmem>>, vector<16xf32>,
          %add3A_118 = arith.constant 800 : i32
          %add3A_119 = arith.addi %add3A_118, %mul3A_74 : i32
          %get3A_120 = arith.index_cast %add3A_119 : i32 to index
          %get3A_121 = tpu.vector_load %arg22[%get3A_120] {strides = array<i32>} : memref<1200xf32, #tpu.memory_space<vmem>>, vector<16xf32>,
          %sub3A = arith.subf %get3A_89, %get3A_77 : vector<16xf32>
          %sub3A_122 = arith.subf %get3A_93, %get3A_81 : vector<16xf32>
          %sub3A_123 = arith.subf %get3A_97, %get3A_85 : vector<16xf32>
          %sub3A_124 = arith.subf %get3A_101, %get3A_89 : vector<16xf32>
          %sub3A_125 = arith.subf %get3A_105, %get3A_93 : vector<16xf32>
          %sub3A_126 = arith.subf %get3A_109, %get3A_97 : vector<16xf32>
          %sub3A_127 = arith.subf %get3A_113, %get3A_101 : vector<16xf32>
          %sub3A_128 = arith.subf %get3A_117, %get3A_105 : vector<16xf32>
          %sub3A_129 = arith.subf %get3A_121, %get3A_109 : vector<16xf32>
          %mul3A_130 = arith.mulf %sub3A_122, %sub3A_126 : vector<16xf32>
          %mul3A_131 = arith.mulf %sub3A_123, %sub3A_125 : vector<16xf32>
          %sub3A_132 = arith.subf %mul3A_130, %mul3A_131 : vector<16xf32>
          %mul3A_133 = arith.mulf %sub3A_123, %sub3A_124 : vector<16xf32>
          %mul3A_134 = arith.mulf %sub3A, %sub3A_126 : vector<16xf32>
          %sub3A_135 = arith.subf %mul3A_133, %mul3A_134 : vector<16xf32>
          %mul3A_136 = arith.mulf %sub3A, %sub3A_125 : vector<16xf32>
          %mul3A_137 = arith.mulf %sub3A_122, %sub3A_124 : vector<16xf32>
          %sub3A_138 = arith.subf %mul3A_136, %mul3A_137 : vector<16xf32>
          %mul3A_139 = arith.mulf %sub3A_125, %sub3A_129 : vector<16xf32>
          %mul3A_140 = arith.mulf %sub3A_126, %sub3A_128 : vector<16xf32>
          %sub3A_141 = arith.subf %mul3A_139, %mul3A_140 : vector<16xf32>
          %mul3A_142 = arith.mulf %sub3A_126, %sub3A_127 : vector<16xf32>
          %mul3A_143 = arith.mulf %sub3A_124, %sub3A_129 : vector<16xf32>
          %sub3A_144 = arith.subf %mul3A_142, %mul3A_143 : vector<16xf32>
          %mul3A_145 = arith.mulf %sub3A_124, %sub3A_128 : vector<16xf32>
          %mul3A_146 = arith.mulf %sub3A_125, %sub3A_127 : vector<16xf32>
          %sub3A_147 = arith.subf %mul3A_145, %mul3A_146 : vector<16xf32>
          %mul3A_148 = arith.mulf %sub3A_132, %sub3A_141 : vector<16xf32>
          %mul3A_149 = arith.mulf %sub3A_135, %sub3A_144 : vector<16xf32>
          %add3A_150 = arith.addf %mul3A_148, %mul3A_149 : vector<16xf32>
          %mul3A_151 = arith.mulf %sub3A_138, %sub3A_147 : vector<16xf32>
          %add3A_152 = arith.addf %add3A_150, %mul3A_151 : vector<16xf32>
          %mul3A_153 = arith.mulf %sub3A_132, %sub3A_132 : vector<16xf32>
          %mul3A_154 = arith.mulf %sub3A_135, %sub3A_135 : vector<16xf32>
          %add3A_155 = arith.addf %mul3A_153, %mul3A_154 : vector<16xf32>
          %mul3A_156 = arith.mulf %sub3A_138, %sub3A_138 : vector<16xf32>
          %add3A_157 = arith.addf %add3A_155, %mul3A_156 : vector<16xf32>
          %mul3A_158 = arith.mulf %sub3A_141, %sub3A_141 : vector<16xf32>
          %mul3A_159 = arith.mulf %sub3A_144, %sub3A_144 : vector<16xf32>
          %add3A_160 = arith.addf %mul3A_158, %mul3A_159 : vector<16xf32>
          %mul3A_161 = arith.mulf %sub3A_147, %sub3A_147 : vector<16xf32>
          %add3A_162 = arith.addf %add3A_160, %mul3A_161 : vector<16xf32>
          %mul3A_163 = arith.mulf %sub3A_132, %sub3A_127 : vector<16xf32>
          %mul3A_164 = arith.mulf %sub3A_135, %sub3A_128 : vector<16xf32>
          %add3A_165 = arith.addf %mul3A_163, %mul3A_164 : vector<16xf32>
          %mul3A_166 = arith.mulf %sub3A_138, %sub3A_129 : vector<16xf32>
          %add3A_167 = arith.addf %add3A_165, %mul3A_166 : vector<16xf32>
          %mul3A_168 = arith.mulf %add3A_157, %add3A_162 : vector<16xf32>
          %max3A = arith.constant 1.000000e-35 : f32
          %max3A_169 = vector.broadcast %max3A : f32 to vector<16xf32>
          %max3A_170 = arith.maximumf %mul3A_168, %max3A_169 : vector<16xf32>
          %bitcast3A = vector.bitcast %max3A_170 : vector<16xf32> to vector<16xi32>
          %shift_right_arithmetic3A = arith.constant 1 : i32
          %shift_right_arithmetic3A_171 = vector.broadcast %shift_right_arithmetic3A : i32 to vector<16xi32>
          %shift_right_arithmetic3A_172 = arith.shrsi %bitcast3A, %shift_right_arithmetic3A_171 : vector<16xi32>
          %sub3A_173 = arith.constant 1597463007 : i32
          %sub3A_174 = vector.broadcast %sub3A_173 : i32 to vector<16xi32>
          %sub3A_175 = arith.subi %sub3A_174, %shift_right_arithmetic3A_172 : vector<16xi32>
          %bitcast3A_176 = vector.bitcast %sub3A_175 : vector<16xi32> to vector<16xf32>
          %mul3A_177 = arith.constant 5.000000e-01 : f32
          %mul3A_178 = vector.broadcast %mul3A_177 : f32 to vector<16xf32>
          %mul3A_179 = arith.mulf %mul3A_178, %max3A_170 : vector<16xf32>
          %mul3A_180 = arith.mulf %mul3A_179, %bitcast3A_176 : vector<16xf32>
          %mul3A_181 = arith.mulf %mul3A_180, %bitcast3A_176 : vector<16xf32>
          %sub3A_182 = arith.constant 1.500000e+00 : f32
          %sub3A_183 = vector.broadcast %sub3A_182 : f32 to vector<16xf32>
          %sub3A_184 = arith.subf %sub3A_183, %mul3A_181 : vector<16xf32>
          %mul3A_185 = arith.mulf %bitcast3A_176, %sub3A_184 : vector<16xf32>
          %mul3A_186 = arith.constant 5.000000e-01 : f32
          %mul3A_187 = vector.broadcast %mul3A_186 : f32 to vector<16xf32>
          %mul3A_188 = arith.mulf %mul3A_187, %max3A_170 : vector<16xf32>
          %mul3A_189 = arith.mulf %mul3A_188, %mul3A_185 : vector<16xf32>
          %mul3A_190 = arith.mulf %mul3A_189, %mul3A_185 : vector<16xf32>
          %sub3A_191 = arith.constant 1.500000e+00 : f32
          %sub3A_192 = vector.broadcast %sub3A_191 : f32 to vector<16xf32>
          %sub3A_193 = arith.subf %sub3A_192, %mul3A_190 : vector<16xf32>
          %mul3A_194 = arith.mulf %mul3A_185, %sub3A_193 : vector<16xf32>
          %mul3A_195 = arith.constant 5.000000e-01 : f32
          %mul3A_196 = vector.broadcast %mul3A_195 : f32 to vector<16xf32>
          %mul3A_197 = arith.mulf %mul3A_196, %max3A_170 : vector<16xf32>
          %mul3A_198 = arith.mulf %mul3A_197, %mul3A_194 : vector<16xf32>
          %mul3A_199 = arith.mulf %mul3A_198, %mul3A_194 : vector<16xf32>
          %sub3A_200 = arith.constant 1.500000e+00 : f32
          %sub3A_201 = vector.broadcast %sub3A_200 : f32 to vector<16xf32>
          %sub3A_202 = arith.subf %sub3A_201, %mul3A_199 : vector<16xf32>
          %mul3A_203 = arith.mulf %mul3A_194, %sub3A_202 : vector<16xf32>
          %mul3A_204 = arith.mulf %mul3A_168, %mul3A_203 : vector<16xf32>
          %div3A = arith.divf %add3A_152, %mul3A_204 : vector<16xf32>
          %max3A_205 = arith.constant -1.000000e+00 : f32
          %max3A_206 = vector.broadcast %max3A_205 : f32 to vector<16xf32>
          %max3A_207 = arith.maximumf %div3A, %max3A_206 : vector<16xf32>
          %min3A = arith.constant 1.000000e+00 : f32
          %min3A_208 = vector.broadcast %min3A : f32 to vector<16xf32>
          %min3A_209 = arith.minimumf %max3A_207, %min3A_208 : vector<16xf32>
          %ne3A = arith.cmpf one, %div3A, %div3A : vector<16xf32>
          %select_n3A = arith.select %ne3A, %div3A, %min3A_209 : vector<16xi1>, vector<16xf32>
          %abs3A = math.absf %select_n3A : vector<16xf32>
          %sub3A_210 = arith.constant 1.000000e+00 : f32
          %sub3A_211 = vector.broadcast %sub3A_210 : f32 to vector<16xf32>
          %sub3A_212 = arith.subf %sub3A_211, %abs3A : vector<16xf32>
          %max3A_213 = arith.constant 1.000000e-30 : f32
          %max3A_214 = vector.broadcast %max3A_213 : f32 to vector<16xf32>
          %max3A_215 = arith.maximumf %sub3A_212, %max3A_214 : vector<16xf32>
          %bitcast3A_216 = vector.bitcast %max3A_215 : vector<16xf32> to vector<16xi32>
          %shift_right_arithmetic3A_217 = arith.constant 1 : i32
          %shift_right_arithmetic3A_218 = vector.broadcast %shift_right_arithmetic3A_217 : i32 to vector<16xi32>
          %shift_right_arithmetic3A_219 = arith.shrsi %bitcast3A_216, %shift_right_arithmetic3A_218 : vector<16xi32>
          %sub3A_220 = arith.constant 1597463007 : i32
          %sub3A_221 = vector.broadcast %sub3A_220 : i32 to vector<16xi32>
          %sub3A_222 = arith.subi %sub3A_221, %shift_right_arithmetic3A_219 : vector<16xi32>
          %bitcast3A_223 = vector.bitcast %sub3A_222 : vector<16xi32> to vector<16xf32>
          %mul3A_224 = arith.constant 5.000000e-01 : f32
          %mul3A_225 = vector.broadcast %mul3A_224 : f32 to vector<16xf32>
          %mul3A_226 = arith.mulf %mul3A_225, %max3A_215 : vector<16xf32>
          %mul3A_227 = arith.mulf %mul3A_226, %bitcast3A_223 : vector<16xf32>
          %mul3A_228 = arith.mulf %mul3A_227, %bitcast3A_223 : vector<16xf32>
          %sub3A_229 = arith.constant 1.500000e+00 : f32
          %sub3A_230 = vector.broadcast %sub3A_229 : f32 to vector<16xf32>
          %sub3A_231 = arith.subf %sub3A_230, %mul3A_228 : vector<16xf32>
          %mul3A_232 = arith.mulf %bitcast3A_223, %sub3A_231 : vector<16xf32>
          %mul3A_233 = arith.constant 5.000000e-01 : f32
          %mul3A_234 = vector.broadcast %mul3A_233 : f32 to vector<16xf32>
          %mul3A_235 = arith.mulf %mul3A_234, %max3A_215 : vector<16xf32>
          %mul3A_236 = arith.mulf %mul3A_235, %mul3A_232 : vector<16xf32>
          %mul3A_237 = arith.mulf %mul3A_236, %mul3A_232 : vector<16xf32>
          %sub3A_238 = arith.constant 1.500000e+00 : f32
          %sub3A_239 = vector.broadcast %sub3A_238 : f32 to vector<16xf32>
          %sub3A_240 = arith.subf %sub3A_239, %mul3A_237 : vector<16xf32>
          %mul3A_241 = arith.mulf %mul3A_232, %sub3A_240 : vector<16xf32>
          %mul3A_242 = arith.constant 5.000000e-01 : f32
          %mul3A_243 = vector.broadcast %mul3A_242 : f32 to vector<16xf32>
          %mul3A_244 = arith.mulf %mul3A_243, %max3A_215 : vector<16xf32>
          %mul3A_245 = arith.mulf %mul3A_244, %mul3A_241 : vector<16xf32>
          %mul3A_246 = arith.mulf %mul3A_245, %mul3A_241 : vector<16xf32>
          %sub3A_247 = arith.constant 1.500000e+00 : f32
          %sub3A_248 = vector.broadcast %sub3A_247 : f32 to vector<16xf32>
          %sub3A_249 = arith.subf %sub3A_248, %mul3A_246 : vector<16xf32>
          %mul3A_250 = arith.mulf %mul3A_241, %sub3A_249 : vector<16xf32>
          %mul3A_251 = arith.mulf %sub3A_212, %mul3A_250 : vector<16xf32>
          %mul3A_252 = arith.constant -0.0012624911 : f32
          %mul3A_253 = vector.broadcast %mul3A_252 : f32 to vector<16xf32>
          %mul3A_254 = arith.mulf %mul3A_253, %abs3A : vector<16xf32>
          %add3A_255 = arith.constant 6.670090e-03 : f32
          %add3A_256 = vector.broadcast %add3A_255 : f32 to vector<16xf32>
          %add3A_257 = arith.addf %mul3A_254, %add3A_256 : vector<16xf32>
          %mul3A_258 = arith.mulf %add3A_257, %abs3A : vector<16xf32>
          %add3A_259 = arith.constant -0.0170881264 : f32
          %add3A_260 = vector.broadcast %add3A_259 : f32 to vector<16xf32>
          %add3A_261 = arith.addf %mul3A_258, %add3A_260 : vector<16xf32>
          %mul3A_262 = arith.mulf %add3A_261, %abs3A : vector<16xf32>
          %add3A_263 = arith.constant 0.0308918804 : f32
          %add3A_264 = vector.broadcast %add3A_263 : f32 to vector<16xf32>
          %add3A_265 = arith.addf %mul3A_262, %add3A_264 : vector<16xf32>
          %mul3A_266 = arith.mulf %add3A_265, %abs3A : vector<16xf32>
          %add3A_267 = arith.constant -0.0501743034 : f32
          %add3A_268 = vector.broadcast %add3A_267 : f32 to vector<16xf32>
          %add3A_269 = arith.addf %mul3A_266, %add3A_268 : vector<16xf32>
          %mul3A_270 = arith.mulf %add3A_269, %abs3A : vector<16xf32>
          %add3A_271 = arith.constant 0.0889789909 : f32
          %add3A_272 = vector.broadcast %add3A_271 : f32 to vector<16xf32>
          %add3A_273 = arith.addf %mul3A_270, %add3A_272 : vector<16xf32>
          %mul3A_274 = arith.mulf %add3A_273, %abs3A : vector<16xf32>
          %add3A_275 = arith.constant -0.214598805 : f32
          %add3A_276 = vector.broadcast %add3A_275 : f32 to vector<16xf32>
          %add3A_277 = arith.addf %mul3A_274, %add3A_276 : vector<16xf32>
          %mul3A_278 = arith.mulf %add3A_277, %abs3A : vector<16xf32>
          %add3A_279 = arith.constant 1.57079625 : f32
          %add3A_280 = vector.broadcast %add3A_279 : f32 to vector<16xf32>
          %add3A_281 = arith.addf %mul3A_278, %add3A_280 : vector<16xf32>
          %mul3A_282 = arith.mulf %mul3A_251, %add3A_281 : vector<16xf32>
          %ge3A = arith.constant 0.000000e+00 : f32
          %ge3A_283 = vector.broadcast %ge3A : f32 to vector<16xf32>
          %ge3A_284 = arith.cmpf oge, %select_n3A, %ge3A_283 : vector<16xf32>
          %sub3A_285 = arith.constant 3.14159274 : f32
          %sub3A_286 = vector.broadcast %sub3A_285 : f32 to vector<16xf32>
          %sub3A_287 = arith.subf %sub3A_286, %mul3A_282 : vector<16xf32>
          %select_n3A_288 = arith.select %ge3A_284, %mul3A_282, %sub3A_287 : vector<16xi1>, vector<16xf32>
          %select_n3A_289 = arith.select %ne3A, %select_n3A, %select_n3A_288 : vector<16xi1>, vector<16xf32>
          %gt3A = arith.constant 0.000000e+00 : f32
          %gt3A_290 = vector.broadcast %gt3A : f32 to vector<16xf32>
          %gt3A_291 = arith.cmpf ogt, %add3A_167, %gt3A_290 : vector<16xf32>
          %neg3A = arith.constant 0.000000e+00 : f32
          %neg3A_292 = vector.broadcast %neg3A : f32 to vector<16xf32>
          %neg3A_293 = arith.subf %neg3A_292, %select_n3A_289 : vector<16xf32>
          %select_n3A_294 = arith.select %gt3A_291, %select_n3A_289, %neg3A_293 : vector<16xi1>, vector<16xf32>
          %swap3A = arith.index_cast %mul3A_74 : i32 to index
          %swap3A_295 = tpu.vector_load %arg24[%swap3A] {strides = array<i32>} : memref<400xf32, #tpu.memory_space<vmem>>, vector<16xf32>,
          tpu.vector_store %arg24[%swap3A], %select_n3A_294 {strides = array<i32>} : memref<400xf32, #tpu.memory_space<vmem>>, vector<16xf32>,
        }
        %scan3A_69 = arith.constant 25 : i32
        %mul3A_70 = arith.constant 400 : i32
        %mul3A_71 = arith.muli %add3A_21, %mul3A_70 : i32
        "tpu.region"() ({
          %run_scoped3A = tpu.sem_alloc : memref<!tpu.dma_semaphore, #tpu.memory_space<semaphore_mem>>
          %dma_start3A = tpu.memref_slice %arg4[%mul3A_71] : memref<1000000xf32, #tpu.memory_space<hbm>> -> memref<400xf32, #tpu.memory_space<hbm>>
          %dma_start3A_72 = tpu.memref_slice %arg4[%mul3A_71] : memref<1000000xf32, #tpu.memory_space<hbm>> -> memref<400xf32, #tpu.memory_space<hbm>>
          tpu.enqueue_dma source(%arg24 : memref<400xf32, #tpu.memory_space<vmem>>) target(%dma_start3A_72 : memref<400xf32, #tpu.memory_space<hbm>>) target_semaphore(%run_scoped3A : memref<!tpu.dma_semaphore, #tpu.memory_space<semaphore_mem>>)
          %dma_wait3A = tpu.memref_slice %arg4[%mul3A_71] : memref<1000000xf32, #tpu.memory_space<hbm>> -> memref<400xf32, #tpu.memory_space<hbm>>
          %dma_wait3A_73 = tpu.memref_slice %arg4[%mul3A_71] : memref<1000000xf32, #tpu.memory_space<hbm>> -> memref<400xf32, #tpu.memory_space<hbm>>
          tpu.wait_dma2 semaphore(%run_scoped3A : memref<!tpu.dma_semaphore, #tpu.memory_space<semaphore_mem>>) src(%arg24 : memref<400xf32, #tpu.memory_space<vmem>>) dst(%dma_wait3A_73 : memref<400xf32, #tpu.memory_space<hbm>>)
          tpu.yield
        }) : () -> ()
      } else {
      }
    }
    %scan3A_13 = arith.constant 40 : i32
    return
  }
}

</mosaic_0001>

<sc_bundles>
// kernel: kernel.4.cloned.1.call-start
scs
__scs_entry_jumppad:
0x0: {  	(pc) =	sbr.rel $0x88, $3  }
0x1: {  	(tag) =	ssettag $0x0;
	lr =	simm.s32 $0x1  }
0x2: {  	[smem:$0x3F9F] =	sst lr;
	_ =	strace $0xD0000000  }
0x3: {  	_ = 	snop  }
0x4: {  	_ = 	snop  }
0x5: {  	_ = 	snop  }
0x6: {  	_ = 	snop  }
0x7: {  	_ = 	snop  }
__scs_overlays_trampoline_lowered:
0x8: {  	[smem:$0x3FAE] =	sst s0  }
0x9: {  	[smem:$0x3FAF] =	sst s1  }
0xa: {  	[smem:$0x3FB0] =	sst s2  }
0xb: {  	[smem:$0x3FB1] =	sst s3  }
0xc: {  	[smem:$0x3FB2] =	sst s4  }
0xd: {  	[smem:$0x3FB3] =	sst s5  }
0xe: {  	[smem:$0x3FB4] =	sst s6  }
0xf: {  	[smem:$0x3FB5] =	sst s7  }
0x10: {  	[smem:$0x3FB6] =	sst s8  }
0x11: {  	[smem:$0x3FB7] =	sst s9;
	s0 =	simm.s32 @!p0 $0x0  }
0x12: {  	s1 =	sld [smem:$0x3F9D];
	s0 =	simm.s32 @p0 $0x1  }
0x13: {  	[smem:$0x3FB8] =	sst s0;
	s0 =	simm.s32 @!p1 $0x0  }
0x14: {  	s2 =	sld [smem:$0x3F9C];
	s0 =	simm.s32 @p1 $0x1  }
0x15: {  	[smem:$0x3FB9] =	sst s0;
	s0 =	simm.s32 @!p2 $0x0  }
0x16: {  	s3 =	sld [smem:$0x3FDB];
	s0 =	simm.s32 @p2 $0x1  }
0x17: {  	s4 =	simm.s32 $0x1BF5;
	[smem:$0x3FBB] =	sst s0  }
0x18: {  	s0 =	sld [smem:$0x3F9E];
	_ =	swait.ge [sflag:s4], $0x0  }
0x19: {  	s7 =	sld [smem:$0x3F9F]  }
0x1a: {  	s8 =	sadd.s32 $0xFFFFE003, lr  }
0x1b: {  	s9 =	sadd.s32 $0xFFFFFEF7, lr;
	s5 =	simm.s32 $0xFFFFFFFF;
	p2 =	slt.u32 s8, $0xFFFFF086  }
0x1c: {  	p1 =	slt.u32 s9, $0xF7A;
	s5 =	simm.s32 @!p2 $0x0  }
0x1d: {  	s5 =	simm.s32 @p1 $0x1;
	p0 =	seq.s32 s7, s2  }
0x1e: {  	s7 =	smul.u32 @!p0 $0xF7A, s2;
	p2 =	seq.s32 @!p0 s5, $0x0  }
0x1f: {  	s9 =	smul.u32 $0xF7A, s1;
	s8 =	simm.s32 @!p0 $0x1BF5;
	p2 =	por !p2, p0  }
0x20: {  	[sflag:s8] =	ssyncset.s32 @!p0 $0xFFFFF086;
	s6 =	sadd.s32 @!p0 s3, s7;
	s7 =	simm.s32 @!p0 $0x108  }
0x21: {  	s3 =	sadd.s32 s3, s9;
	s6 =	sadd.s32 @!p0 $0x88, s6;
	s7 =	simm.s32 @p2 $0x1082  }
0x22: {  	[simem:s7], [sflag:s8] =	dma.local @!p0 [hbm:s6], $0xF7A  }
0x23: {  	s9 =	sor.u32 $0xD0000000, s2;
	s6 =	simm.s32 $0x108;
	_ =	swait.ge @!p0 [sflag:s8], $0x0  }
0x24: {  	s3 =	sadd.s32 $0x88, s3;
	s6 =	simm.s32 @!p1 $0x1082;
	[sflag:s4] =	ssyncset.s32 $0xFFFFF086  }
0x25: {  	[simem:s6], [sflag:s4] =	dma.local [hbm:s3], $0xF7A  }
0x26: {  	[smem:$0x3F9F] =	sst s1;
	(tag) =	ssettag s2;
	_ =	strace s9  }
0x27: {  	s1 =	sld [smem:$0x3FAF]  }
0x28: {  	s2 =	sld [smem:$0x3FB0]  }
0x29: {  	s4 =	sld [smem:$0x3FB2]  }
0x2a: {  	p0 =	seq.s32 s5, $0x0;
	s5 =	sld [smem:$0x3FB3]  }
0x2b: {  	s6 =	sld [smem:$0x3FB4]  }
0x2c: {  	s7 =	sld [smem:$0x3FB5]  }
0x2d: {  	s3 =	simm.s32 $0x108;
	s8 =	sld [smem:$0x3FB6]  }
0x2e: {  	s3 =	simm.s32 @!p0 $0x1082;
	s9 =	sld [smem:$0x3FB7]  }
0x2f: {  	lr =	sadd.s32 s0, s3;
	s0 =	sld [smem:$0x3FAE]  }
0x30: {  	s3 =	sld [smem:$0x3FB1]  }
0x31: {  	[smem:$0x3FBA] =	sst s10  }
0x32: {  	s10 =	sld [smem:$0x3FB8];
	_ =	sdelay $0x3  }
0x33: {  	p0 =	seq.s32 s10, $0x1;
	s10 =	sld [smem:$0x3FBA];
	_ =	sdelay $0x3  }
0x34: {  	[smem:$0x3FBA] =	sst s10  }
0x35: {  	s10 =	sld [smem:$0x3FB9];
	_ =	sdelay $0x3  }
0x36: {  	p1 =	seq.s32 s10, $0x1;
	s10 =	sld [smem:$0x3FBA];
	_ =	sdelay $0x3  }
0x37: {  	[smem:$0x3FBA] =	sst s10  }
0x38: {  	s10 =	sld [smem:$0x3FBB]  }
0x39: {  	_ = 	snop;
	(pc) =	sbr.ind lr, $3  }
0x3a: {  	_ = 	snop  }
0x3b: {  	_ = 	snop  }
0x3c: {  	p2 =	seq.s32 s10, $0x1;
	s10 =	sld [smem:$0x3FBA]  }
0x3d: {  	_ =	shalt  }
0x3e: {  	_ =	shalt  }
0x3f: {  	_ =	shalt  }
0x40: {  	_ =	shalt  }
0x41: {  	_ =	shalt  }
0x42: {  	_ =	shalt  }
0x43: {  	_ =	shalt  }
0x44: {  	_ =	shalt  }
0x45: {  	_ =	shalt  }
0x46: {  	_ =	shalt  }
0x47: {  	_ =	shalt  }
0x48: {  	_ =	shalt  }
0x49: {  	_ =	shalt  }
0x4a: {  	_ =	shalt  }
0x4b: {  	_ =	shalt  }
0x4c: {  	_ =	shalt  }
0x4d: {  	_ =	shalt  }
0x4e: {  	_ =	shalt  }
0x4f: {  	_ =	shalt  }
0x50: {  	_ =	shalt  }
0x51: {  	_ =	shalt  }
0x52: {  	_ =	shalt  }
0x53: {  	_ =	shalt  }
0x54: {  	_ =	shalt  }
0x55: {  	_ =	shalt  }
0x56: {  	_ =	shalt  }
0x57: {  	_ =	shalt  }
0x58: {  	_ =	shalt  }
0x59: {  	_ =	shalt  }
0x5a: {  	_ =	shalt  }
0x5b: {  	_ =	shalt  }
0x5c: {  	_ =	shalt  }
0x5d: {  	_ =	shalt  }
0x5e: {  	_ =	shalt  }
0x5f: {  	_ =	shalt  }
0x60: {  	_ =	shalt  }
0x61: {  	_ =	shalt  }
0x62: {  	_ =	shalt  }
0x63: {  	_ =	shalt  }
0x64: {  	_ =	shalt  }
0x65: {  	_ =	shalt  }
0x66: {  	_ =	shalt  }
0x67: {  	_ =	shalt  }
0x68: {  	_ =	shalt  }
0x69: {  	_ =	shalt  }
0x6a: {  	_ =	shalt  }
0x6b: {  	_ =	shalt  }
0x6c: {  	_ =	shalt  }
0x6d: {  	_ =	shalt  }
0x6e: {  	_ =	shalt  }
0x6f: {  	_ =	shalt  }
0x70: {  	_ =	shalt  }
0x71: {  	_ =	shalt  }
0x72: {  	_ =	shalt  }
0x73: {  	_ =	shalt  }
0x74: {  	_ =	shalt  }
0x75: {  	_ =	shalt  }
0x76: {  	_ =	shalt  }
0x77: {  	_ =	shalt  }
0x78: {  	_ =	shalt  }
0x79: {  	_ =	shalt  }
0x7a: {  	_ =	shalt  }
0x7b: {  	_ =	shalt  }
0x7c: {  	_ =	shalt  }
0x7d: {  	_ =	shalt  }
0x7e: {  	_ =	shalt  }
0x7f: {  	_ =	shalt  }
0x80: {  	_ =	shalt  }
0x81: {  	_ =	shalt  }
0x82: {  	_ =	shalt  }
0x83: {  	_ =	shalt  }
0x84: {  	_ =	shalt  }
0x85: {  	_ =	shalt  }
0x86: {  	_ =	shalt  }
0x87: {  	_ =	shalt  }
.Lfunc_end0:
.L_simem_size_0:
called_computation_lowered:
.L_overlay_start_0:
0x88: {  	s2 =	sld [smem:$0x3FD9]  }
0x89: {  	s3 =	sld [smem:$0x3FFE];
	_ =	sdelay $0x1  }
0x8a: {  	s1 =	srdreg.scid  }
0x8b: {  	s0 =	sand.u32 $0x1, s1  }
0x8c: {  	s17 =	sshll.u32 s0, $0xA;
	s2 =	sadd.s32 s3, s2  }
0x8d: {  	s2 =	sadd.s32 s2, s17  }
0x8e: {  	[smem:$0x3FC6] =	sst s2  }
0x8f: {  	_ = 	snop  }
0x90: {  	s18 =	sld [smem:$0x3FD0];
	(tm) =	ssettm $0x1  }
0x91: {  	s19 =	sld [smem:$0x3FFB];
	_ =	sdelay $0x3  }
0x92: {  	_ =	strace s19  }
0x93: {  	s2 =	sld [smem:$0x3FFC];
	_ =	sdelay $0x3  }
0x94: {  	_ =	strace s2  }
0x95: {  	s2 =	sld [smem:$0x3FFD];
	_ =	sdelay $0x3  }
0x96: {  	_ =	strace s2  }
0x97: {  	_ =	strace $0x8FFFFFFF  }
0x98: {  	s20 =	sld [smem:$0x3FDB];
	_ =	sdelay $0x1  }
0x99: {  	s4 =	simm.s32 $_scs_section_size  }
0x9a: {  	s5 =	simm.s32 $_size__tile_overlayer_lowered;
	s6 =	simm.s32 $_tile_overlayer_lowered  }
0x9b: {  	s7 =	simm.s32 $0x1BFF;
	s21 =	sshll.u32 s6, $0x1;
	s4 =	sadd.s32 s4, s20  }
0x9c: {  	s22 =	simm.s32 $0x0;
	s5 =	sshll.u32 s5, $0x1;
	s6 =	sadd.s32 s21, s4  }
0x9d: {  	[timem:s22], [sflag:s7] =	dma.local [hbm:s6], s5  }
0x9e: {  	_ =	swait.ge [sflag:s7], s5  }
0x9f: {  	s5 =	ssub.s32 $0x0, s5;
	[sflag:s7] =	ssyncset.done $0x0  }
0xa0: {  	[sflag:s7] =	ssyncadd.s32 s5;
	_ =	sdelay $0x1  }
0xa1: {  	s23 =	simm.s32 $0x1B8B  }
0xa2: {  	_ =	swait.ge [sflag:s23], $0x1  }
0xa3: {  	[sflag:s23] =	ssyncset.done $0x0  }
0xa4: {  	[sflag:s23] =	ssyncadd.s32 $0xFFFFFFFF  }
0xa5: {  	s5 =	sld [smem:$0x0]  }
0xa6: {  	s6 =	sand.u32 $0xFFFFFFFE, s1  }
0xa7: {  	p0 =	sne.s32 s1, s6  }
0xa8: {  	s6 =	sshll.u32 @p0 s6, $0xE  }
0xa9: {  	s6 =	sadd.s32 @p0 $0x11B8D, s6;
	s7 =	sshll.u32 @p0 s5, $0x11  }
0xaa: {  	s6 =	sor.u32 @p0 s7, s6  }
0xab: {  	[sflag:s6] =	ssyncadd.remote.s32 @p0 $0x1;
	_ =	sdelay $0x1  }
0xac: {  	s6 =	simm.s32 @p0 $0x1B8D  }
0xad: {  	_ =	swait.eq @p0 [sflag:s6], $0x1  }
0xae: {  	[sflag:s6] =	ssyncadd.s32 @p0 $0xFFFFFFFF  }
0xaf: {  	s7 =	sshll.u32 @!p0 s1, $0xE  }
0xb0: {  	s7 =	sor.u32 @!p0 $0x4000, s7;
	s6 =	simm.s32 @!p0 $0x1B8D  }
0xb1: {  	s5 =	sshll.u32 @!p0 s5, $0x11;
	s7 =	sadd.s32 @!p0 $0x11B8D, s7;
	_ =	swait.eq @!p0 [sflag:s6], $0x1  }
0xb2: {  	s5 =	sor.u32 @!p0 s5, s7;
	[sflag:s6] =	ssyncadd.s32 @!p0 $0xFFFFFFFF  }
0xb3: {  	s25 =	simm.s32 $0x1B8E;
	s24 =	sld [smem:$0x3FFE];
	[sflag:s5] =	ssyncadd.remote.s32 @!p0 $0x1  }
0xb4: {  	s26 =	simm.s32 $execute0_lowered;
	[smem:$0x3FD2] =	sst s25  }
0xb5: {  	s6 =	sshll.u32 s26, $0x1;
	_ =	strace $0x80000049;
	[dreg:$0x1] =	wrdreg $0xFFFFFFFF  }
0xb6: {  	s28 =	simm.s32 $_size_execute0_lowered;
	s4 =	sadd.s32 s4, s6;
	[dreg:$0x0] =	wrdreg $0x0  }
0xb7: {  	s6 =	sshll.u32 s28, $0x1;
	[dreg:$0x2] =	wrdreg s4  }
0xb8: {  	[dreg:$0x3] =	wrdreg s6  }
0xb9: {  	[dreg:$0x4] =	wrdreg $0xC0  }
0xba: {  	_ =	task [dreg:s22], $0x5FFFF  }
0xbb: {  	[dreg:$0x1] =	wrdreg $0xFFFFFFFF  }
0xbc: {  	[dreg:$0x0] =	wrdreg $0x60  }
0xbd: {  	[dreg:$0x2] =	wrdreg s24  }
0xbe: {  	[dreg:$0x3] =	wrdreg s18  }
0xbf: {  	[dreg:$0x4] =	wrdreg $0x0  }
0xc0: {  	[dreg:$0x5] =	wrdreg $0x9  }
0xc1: {  	_ =	task.clear_ibuf [dreg:s22], $0x6FFFF;
	_ =	strace $0x90000049  }
0xc2: {  	s29 =	simm.s32 $0x9;
	_ =	strace $0x8000004B  }
0xc3: {  	_ =	swait.ge [sflag:s29], $0x1  }
0xc4: {  	[sflag:s29] =	ssyncadd.s32 $0xFFFFFFFF  }
0xc5: {  	_ =	strace $0x9000004B  }
0xc6: {  	_ =	sfence  }
0xc7: {  	s30 =	sld [smem:$0x0];
	_ =	sdelay $0x2  }
0xc8: {  	s31 =	sshll.u32 s1, $0xD;
	s1 =	sshrl.u32 s1, $0x2  }
0xc9: {  	s4 =	sand.u32 $0x4000, s31;
	s1 =	sadd.s32 s1, s30  }
0xca: {  	s0 =	sor.u32 s4, s0;
	s1 =	sshll.u32 s1, $0x11  }
0xcb: {  	s0 =	sor.u32 s1, s0  }
0xcc: {  	s0 =	sadd.s32 $0x8F2B, s0  }
0xcd: {  	[sflag:s0] =	ssyncadd.remote.s32 $0x1  }
0xce: {  	_ =	sfence.sel $0xFFFF  }
0xcf: {  	[dreg:$0x0] =	wrdreg $0xFFFFFFFF;
	(pc) =	sbr.abs _section_cstart, $3  }
0xd0: {  	[dreg:$0x1] =	wrdreg $0xFFFFFFFF  }
0xd1: {  	_ =	task.clear_ibuf [dreg:s22], $0x2FFFF;
	_ =	strace $0x9FFFFFFF  }
0xd2: {  	(tm) =	ssettm $0x7FFFFFFF  }
0xd3: {  	_ =	shalt  }
tec
execute0_lowered:
.L_overlay_start_1:
0x0: {  	(tag) =	ssettag $0x1  }
0x1: {  	s1 =	rddreg [dreg:$0x0]  }
0x2: {  	s7 =	rddreg [dreg:$0x1]  }
0x3: {  	s3 =	srdreg.scid;
	s0 =	stileid.u32  }
0x4: {  	s2 =	rddreg [dreg:$0x2];
	s14 =	simm.s32 $0x16E38;
	s15 =	simm.s32 $0x9  }
0x5: {  	s16 =	simm.s32 $0x16FC8;
	s17 =	simm.s32 $0x17158;
	s18 =	simm.s32 $0x172E8  }
0x6: {  	s29 =	simm.s32 $0xA;
	s30 =	simm.s32 $0x1;
	s31 =	simm.s32 $0x2  }
0x7: {  	s20 =	simm.s32 $0x4;
	s21 =	simm.s32 $0x1D6E8;
	s6 =	sand.u32 $0x1, s3  }
0x8: {  	s4 =	sshll.u32 s0, $0x1;
	s3 =	simm.s32 $0x0;
	s23 =	smul.u32 $0x5DC0, s0  }
0x9: {  	s5 =	sadd.s32 $0x99600, s1;
	s26 =	smul.u32 $0x2EE, s0;
	s4 =	sor.u32 s6, s4  }
0xa: {  	[smem:$0x7FF] =	sst s3;
	s9 =	ssub.s32 $0x2, s6;
	s6 =	sadd.s32 $0x113800, s1  }
0xb: {  	s8 =	smul.u32 $0x190, s4;
	_ =	strace $0x8000004A;
	s22 =	sshrl.u32 s9, $0x1  }
0xc: {  	s28 =	sshrl.u32 s23, $0x2;
	s7 =	sadd.s32 s26, s7;
	s1 =	ssub.s32 s9, s22  }
0xd: {  	[dreg:$0x9] =	wrdreg s7;
	s8 =	sshrl.u32 s8, $0x3;
	s1 =	smax.u32 s1, $0x1  }
0xe: {  	s23 =	simm.s32 $0x6;
	s10 =	sadd.s32 s5, s8;
	[dreg:$0x8] =	wrdreg s1  }
.Ltmp0:
0xf: {  	s1 =	sadd.s32 s28, s2;
	[dreg:$0x4] =	wrdreg s10;
	(pc) =	sbr.rel .LBB2_1-.Ltmp0, $4  }
0x10: {  	s26 =	simm.s32 $0x0;
	s24 =	sadd.s32 $0x1E848, s10;
	[dreg:$0xa] =	wrdreg s1  }
0x11: {  	s22 =	simm.s32 $0x5;
	s25 =	sadd.s32 $0x3D090, s10;
	[dreg:$0x5] =	wrdreg s24  }
0x12: {  	s10 =	sadd.s32 $0x5B8D8, s10;
	s1 =	simm.s32 $0x3;
	[dreg:$0x6] =	wrdreg s25  }
0x13: {  	[dreg:$0x7] =	wrdreg s10;
	s24 =	simm.s32 $0x7;
	s25 =	simm.s32 $0x8  }
.LBB2_22:
0x14: {  	s26 =	sadd.s32 $0x1, s26;
	s7 =	rddreg [dreg:$0x8]  }
0x15: {  	p0 =	sne.s32 s26, s7  }
.Ltmp1:
0x16: {  	_ = 	snop;
	(pc) =	sbr.rel @!p0 .LBB2_23-.Ltmp1, $1  }
0x17: {  	_ =	sdelay $0x3  }
.LBB2_1:
0x18: {  	s7 =	sadd.s32 $0x0, s0  }
0x19: {  	s11 =	rddreg [dreg:$0x9];
	p0 =	sgt.u32 s7, $0xF9  }
0x1a: {  	s7 =	simm.s32 @!p0 $0x0;
	s9 =	simm.s32 @!p0 $0x1BF78;
	s10 =	simm.s32 @!p0 $0xA  }
0x1b: {  	[tilespmem:s9], [sflag:$0xA] =	stream.linear.gather @!p0 [hbm4b:s11+s7], $0x1770, $0x38;
	[tilespmem:$0x1D878] =	vst v63  }
0x1c: {  	s8 =	simm.s32 $0x20;
	s28 =	sadd.s32 $0x10, s0;
	_ =	swait.ge @!p0 [sflag:s10], $0x1770  }
0x1d: {  	p1 =	sgt.u32 s28, $0xF9;
	[sflag:s10] =	ssyncset.done @!p0 $0x0;
	p0 =	por p0, p0  }
0x1e: {  	s7 =	rddreg [dreg:$0xa];
	[sflag:s10] =	ssyncadd.s32 @!p0 $0xFFFFE890;
	s10 =	simm.s32 @!p0 $0x9  }
0x1f: {  	[spmem:s7] =	stream.linear.scatter @!p0 [tilespmem:s9], [sflag:$0x9], $0x1770, $0x38;
	[tilespmem:$0x1D878] =	vst v63  }
0x20: {  	s7 =	sadd.s32 $0x17700, s7;
	s9 =	sadd.s32 $0x2EE0, s11;
	_ =	swait.ge @!p0 [sflag:s10], $0x1770  }
.LBB2_2:
0x21: {  	s11 =	simm.s32 @!p1 $0x0;
	s12 =	simm.s32 @!p1 $0x1BF78;
	[sflag:s10] =	ssyncset.done @!p0 $0x0  }
0x22: {  	s19 =	smov.u32 s8;
	s28 =	smov.u32 s7;
	s8 =	sadd.s32 $0x10, s8  }
0x23: {  	s13 =	simm.s32 @!p1 $0xA;
	[sflag:s10] =	ssyncadd.s32 @!p0 $0xFFFFE890;
	p2 =	sne.s32 s8, $0x100  }
0x24: {  	[tilespmem:s12], [sflag:$0xA] =	stream.linear.gather @!p1 [hbm4b:s9+s11], $0x1770, $0x38;
	[tilespmem:$0x1D878] =	vst v63  }
.Ltmp2:
0x25: {  	_ =	swait.ge @!p1 [sflag:s13], $0x1770;
	(pc) =	sbr.rel @p2 .LBB2_2-.Ltmp2, $4  }
0x26: {  	s7 =	sadd.s32 $0x17700, s7;
	p0 =	por p1, p1;
	[sflag:s13] =	ssyncset.done @!p1 $0x0  }
0x27: {  	s11 =	sadd.s32 s19, s0;
	s10 =	simm.s32 @!p0 $0x9;
	[sflag:s13] =	ssyncadd.s32 @!p0 $0xFFFFE890  }
0x28: {  	[spmem:s28] =	stream.linear.scatter @!p0 [tilespmem:s12], [sflag:$0x9], $0x1770, $0x38;
	[tilespmem:$0x1D878] =	vst v63  }
0x29: {  	s9 =	sadd.s32 $0x2EE0, s9;
	p1 =	sgt.u32 s11, $0xF9;
	_ =	swait.ge @!p0 [sflag:s10], $0x1770  }
0x2a: {  	s8 =	simm.s32 @!p1 $0x0;
	[sflag:s10] =	ssyncset.done @!p0 $0x0  }
0x2b: {  	s11 =	simm.s32 @!p1 $0x1BF78;
	s12 =	simm.s32 @!p1 $0xA;
	[sflag:s10] =	ssyncadd.s32 @!p0 $0xFFFFE890  }
0x2c: {  	[tilespmem:s11], [sflag:$0xA] =	stream.linear.gather @!p1 [hbm4b:s9+s8], $0x1770, $0x38;
	[tilespmem:$0x1D878] =	vst v63  }
0x2d: {  	_ =	swait.ge @!p1 [sflag:s12], $0x1770  }
0x2e: {  	p0 =	por p1, p1;
	[sflag:s12] =	ssyncset.done @!p1 $0x0  }
0x2f: {  	s8 =	simm.s32 @!p0 $0x9;
	[sflag:s12] =	ssyncadd.s32 @!p0 $0xFFFFE890  }
0x30: {  	[spmem:s7] =	stream.linear.scatter @!p0 [tilespmem:s11], [sflag:$0x9], $0x1770, $0x38;
	[tilespmem:$0x1D878] =	vst v63  }
0x31: {  	_ =	swait.ge @!p0 [sflag:s8], $0x1770  }
0x32: {  	[sflag:s8] =	ssyncset.done @!p0 $0x0  }
0x33: {  	[sflag:s8] =	ssyncadd.s32 @!p0 $0xFFFFE890  }
0x34: {  	[bflag:$0x0] =	sbarrier.arrive $0xFFFF  }
0x35: {  	s11 =	simm.s32 $0x0;
	s12 =	rddreg [dreg:$0x4]  }
0x36: {  	[tilespmem:s14], [sflag:$0x9] =	stream.linear.gather [hbm4b:s12+s11], $0x190, $0x38;
	[tilespmem:$0x1D878] =	vst v63  }
0x37: {  	_ =	swait.ge [sflag:s15], $0x190  }
0x38: {  	[sflag:s15] =	ssyncset.done $0x0  }
0x39: {  	s13 =	rddreg [dreg:$0x5];
	[sflag:s15] =	ssyncadd.s32 $0xFFFFFE70  }
0x3a: {  	[tilespmem:s16], [sflag:$0x9] =	stream.linear.gather [hbm4b:s13+s11], $0x190, $0x38;
	[tilespmem:$0x1D878] =	vst v63  }
0x3b: {  	_ =	swait.ge [sflag:s15], $0x190  }
0x3c: {  	[sflag:s15] =	ssyncset.done $0x0  }
0x3d: {  	s19 =	rddreg [dreg:$0x6];
	[sflag:s15] =	ssyncadd.s32 $0xFFFFFE70  }
0x3e: {  	[tilespmem:s17], [sflag:$0x9] =	stream.linear.gather [hbm4b:s19+s11], $0x190, $0x38;
	[tilespmem:$0x1D878] =	vst v63  }
0x3f: {  	_ =	swait.ge [sflag:s15], $0x190  }
0x40: {  	[sflag:s15] =	ssyncset.done $0x0  }
0x41: {  	s28 =	rddreg [dreg:$0x7];
	[sflag:s15] =	ssyncadd.s32 $0xFFFFFE70  }
0x42: {  	[tilespmem:s18], [sflag:$0x9] =	stream.linear.gather [hbm4b:s28+s11], $0x190, $0x38;
	[tilespmem:$0x1D878] =	vst v63  }
0x43: {  	_ =	swait.ge [sflag:s15], $0x190  }
0x44: {  	[sflag:s15] =	ssyncset.done $0x0  }
0x45: {  	s7 =	simm.s32 $0x0;
	[sflag:s15] =	ssyncadd.s32 $0xFFFFFE70  }
0x46: {  	v3 =	vld [tilespmem:s7+$0x172E8]  }
0x47: {  	v0 =	vld [tilespmem:s7+$0x16E38];
	_ =	sdelay $0x1  }
0x48: {  	v1 =	vld [tilespmem:s7+$0x16FC8];
	_ =	sdelay $0x1  }
0x49: {  	v2 =	vld [tilespmem:s7+$0x17158];
	[tilespmem:s7+$0x18288] =	vst v3;
	v4 =	vadd.s32 $0xF4240, v3  }
0x4a: {  	v5 =	vadd.s32 $0x7A120, v0;
	[tilespmem:s7+$0x185A8] =	vst v4  }
0x4b: {  	v4 =	vadd.s32 $0xF4240, v0;
	[tilespmem:s7+$0x17608] =	vst v5  }
0x4c: {  	v5 =	vadd.s32 $0x7A120, v1;
	[tilespmem:s7+$0x17798] =	vst v4  }
0x4d: {  	v4 =	vadd.s32 $0xF4240, v1;
	[tilespmem:s7+$0x17AB8] =	vst v5  }
0x4e: {  	v5 =	vadd.s32 $0x7A120, v2;
	[tilespmem:s7+$0x17C48] =	vst v4  }
0x4f: {  	s9 =	simm.s32 $0x80;
	s8 =	simm.s32 $0x10;
	v3 =	vadd.s32 $0x7A120, v3;
	v4 =	vadd.s32 $0xF4240, v2;
	[tilespmem:s7+$0x17F68] =	vst v5  }
.LBB2_4:
0x50: {  	p0 =	sne.s32 s9, $0x600;
	v5 =	vld [tilespmem:s8+$0x172E8];
	[tilespmem:s7+$0x180F8] =	vst v4  }
0x51: {  	v4 =	vld [tilespmem:s8+$0x16E38];
	[tilespmem:s7+$0x18418] =	vst v3  }
0x52: {  	v6 =	vld [tilespmem:s8+$0x16FC8];
	[tilespmem:s7+$0x17478] =	vst v0  }
0x53: {  	v7 =	vld [tilespmem:s8+$0x17158];
	[tilespmem:s7+$0x17928] =	vst v1  }
0x54: {  	[tilespmem:s7+$0x17DD8] =	vst v2;
	s7 =	smov.u32 s8  }
0x55: {  	[tilespmem:s7+$0x18288] =	vst v5;
	v3 =	vadd.s32 $0x7A120, v5;
	v5 =	vadd.s32 $0xF4240, v5  }
0x56: {  	v9 =	vadd.s32 $0x7A120, v4;
	v10 =	vadd.s32 $0xF4240, v4;
	[tilespmem:s7+$0x185A8] =	vst v5;
	v0 =	vmov v4  }
.Ltmp3:
0x57: {  	[tilespmem:s7+$0x17608] =	vst v9;
	v5 =	vadd.s32 $0x7A120, v6;
	v8 =	vadd.s32 $0xF4240, v6;
	v1 =	vmov v6;
	(pc) =	sbr.rel @p0 .LBB2_4-.Ltmp3, $4  }
0x58: {  	[tilespmem:s7+$0x17798] =	vst v10;
	v6 =	vadd.s32 $0x7A120, v7;
	v4 =	vadd.s32 $0xF4240, v7;
	v2 =	vmov v7  }
0x59: {  	[tilespmem:s7+$0x17AB8] =	vst v5  }
0x5a: {  	[tilespmem:s7+$0x17C48] =	vst v8  }
0x5b: {  	s8 =	sshra.s32 s9, $0x2;
	s9 =	sadd.s32 $0x40, s9;
	[tilespmem:s7+$0x17F68] =	vst v6  }
0x5c: {  	v5 =	vld [tilespmem:s8+$0x172E8];
	[tilespmem:s7+$0x180F8] =	vst v4  }
0x5d: {  	v4 =	vld [tilespmem:s8+$0x16E38];
	[tilespmem:s7+$0x18418] =	vst v3  }
0x5e: {  	v3 =	vld [tilespmem:s8+$0x16FC8];
	[tilespmem:s7+$0x17478] =	vst v0  }
0x5f: {  	v0 =	vld [tilespmem:s8+$0x17158];
	[tilespmem:s7+$0x17928] =	vst v1  }
0x60: {  	[tilespmem:s7+$0x17DD8] =	vst v2  }
0x61: {  	[tilespmem:s8+$0x18288] =	vst v5;
	v56 =	vadd.s32 $0xF4240, v5  }
0x62: {  	v63 =	vadd.s32 $0x7A120, v5;
	[tilespmem:s8+$0x185A8] =	vst v56  }
0x63: {  	[tilespmem:s8+$0x18418] =	vst v63  }
0x64: {  	v57 =	vadd.s32 $0x7A120, v4;
	[tilespmem:s8+$0x17478] =	vst v4  }
0x65: {  	v58 =	vadd.s32 $0xF4240, v4;
	[tilespmem:s8+$0x17608] =	vst v57  }
0x66: {  	[tilespmem:s8+$0x17798] =	vst v58  }
0x67: {  	v59 =	vadd.s32 $0x7A120, v3;
	[tilespmem:s8+$0x17928] =	vst v3  }
0x68: {  	v60 =	vadd.s32 $0xF4240, v3;
	[tilespmem:s8+$0x17AB8] =	vst v59  }
0x69: {  	[tilespmem:s8+$0x17C48] =	vst v60  }
0x6a: {  	v61 =	vadd.s32 $0x7A120, v0;
	[tilespmem:s8+$0x17DD8] =	vst v0  }
0x6b: {  	v62 =	vadd.s32 $0xF4240, v0;
	[tilespmem:s8+$0x17F68] =	vst v61  }
0x6c: {  	s19 =	simm.s32 $0x17478;
	s9 =	simm.s32 $0x199F8;
	s7 =	simm.s32 $0x4B0;
	[tilespmem:s8+$0x180F8] =	vst v62  }
0x6d: {  	[tilespmem:s9], [sflag:$0x1] =	stream.indirect.gather [spmem:s2], $0x1, s19, s7, $0xb8;
	[tilespmem:$0x1D878] =	vst v63  }
0x6e: {  	s10 =	simm.s32 $0x19EA8;
	s9 =	simm.s32 $0x17928  }
0x6f: {  	[tilespmem:s10], [sflag:$0x2] =	stream.indirect.gather [spmem:s2], $0x1, s9, s7, $0xb8;
	[tilespmem:$0x1D878] =	vst v63  }
.Ltmp4:
0x70: {  	_ = 	snop;
	(pc) =	sbr.rel .LBB2_6-.Ltmp4, $4  }
0x71: {  	s11 =	simm.s32 $0x17DD8;
	s12 =	simm.s32 $0x1A358  }
0x72: {  	[tilespmem:s12], [sflag:$0x3] =	stream.indirect.gather [spmem:s2], $0x1, s11, s7, $0xb8;
	[tilespmem:$0x1D878] =	vst v63  }
0x73: {  	s13 =	simm.s32 $0x18288;
	s28 =	simm.s32 $0x0;
	s19 =	simm.s32 $0x1A808  }
0x74: {  	[tilespmem:s19], [sflag:$0x4] =	stream.indirect.gather [spmem:s2], $0x1, s13, s7, $0xb8;
	[tilespmem:$0x1D878] =	vst v63  }
.LBB2_21:
0x75: {  	s28 =	sadd.s32 $0x1, s28  }
0x76: {  	p0 =	sne.s32 s28, $0x28  }
.Ltmp5:
0x77: {  	_ = 	snop;
	(pc) =	sbr.rel @!p0 .LBB2_22-.Ltmp5, $1  }
0x78: {  	_ =	sdelay $0x3  }
.LBB2_6:
0x79: {  	s7 =	sshll.u32 s28, $0x6  }
0x7a: {  	s9 =	sor.u32 s4, s7  }
0x7b: {  	s8 =	sor.u32 $0x20, s9  }
0x7c: {  	p0 =	sgt.u32 s8, $0x9C3  }
.Ltmp6:
0x7d: {  	_ = 	snop;
	(pc) =	sbr.rel @p0 .LBB2_10-.Ltmp6, $1  }
0x7e: {  	_ =	sdelay $0x3  }
0x7f: {  	s7 =	smul.u32 $0x190, s8;
	_ =	sdelay $0x1  }
0x80: {  	s7 =	sshrl.u32 s7, $0x3  }
0x81: {  	s10 =	simm.s32 $0x0;
	s7 =	sadd.s32 s5, s7  }
0x82: {  	[tilespmem:s14], [sflag:$0xA] =	stream.linear.gather [hbm4b:s7+s10], $0x190, $0x38;
	[tilespmem:$0x1D878] =	vst v63  }
0x83: {  	_ =	swait.ge [sflag:s29], $0x190  }
0x84: {  	[sflag:s29] =	ssyncset.done $0x0  }
0x85: {  	s11 =	sadd.s32 $0x1E848, s7;
	[sflag:s29] =	ssyncadd.s32 $0xFFFFFE70  }
0x86: {  	[tilespmem:s16], [sflag:$0xA] =	stream.linear.gather [hbm4b:s11+s10], $0x190, $0x38;
	[tilespmem:$0x1D878] =	vst v63  }
0x87: {  	_ =	swait.ge [sflag:s29], $0x190  }
0x88: {  	[sflag:s29] =	ssyncset.done $0x0  }
0x89: {  	s19 =	sadd.s32 $0x3D090, s7;
	[sflag:s29] =	ssyncadd.s32 $0xFFFFFE70  }
0x8a: {  	[tilespmem:s17], [sflag:$0xA] =	stream.linear.gather [hbm4b:s19+s10], $0x190, $0x38;
	[tilespmem:$0x1D878] =	vst v63  }
0x8b: {  	_ =	swait.ge [sflag:s29], $0x190  }
0x8c: {  	[sflag:s29] =	ssyncset.done $0x0  }
0x8d: {  	s7 =	sadd.s32 $0x5B8D8, s7;
	[sflag:s29] =	ssyncadd.s32 $0xFFFFFE70  }
0x8e: {  	[tilespmem:s18], [sflag:$0xA] =	stream.linear.gather [hbm4b:s7+s10], $0x190, $0x38;
	[tilespmem:$0x1D878] =	vst v63  }
0x8f: {  	_ =	swait.ge [sflag:s29], $0x190  }
0x90: {  	[sflag:s29] =	ssyncset.done $0x0  }
0x91: {  	s7 =	simm.s32 $0x0;
	[sflag:s29] =	ssyncadd.s32 $0xFFFFFE70  }
0x92: {  	v3 =	vld [tilespmem:s7+$0x172E8]  }
0x93: {  	v0 =	vld [tilespmem:s7+$0x16E38];
	_ =	sdelay $0x1  }
0x94: {  	v1 =	vld [tilespmem:s7+$0x16FC8];
	_ =	sdelay $0x1  }
0x95: {  	v2 =	vld [tilespmem:s7+$0x17158];
	[tilespmem:s7+$0x19548] =	vst v3;
	v4 =	vadd.s32 $0xF4240, v3  }
0x96: {  	v5 =	vadd.s32 $0x7A120, v0;
	[tilespmem:s7+$0x19868] =	vst v4  }
0x97: {  	v4 =	vadd.s32 $0xF4240, v0;
	[tilespmem:s7+$0x188C8] =	vst v5  }
0x98: {  	v5 =	vadd.s32 $0x7A120, v1;
	[tilespmem:s7+$0x18A58] =	vst v4  }
0x99: {  	v4 =	vadd.s32 $0xF4240, v1;
	[tilespmem:s7+$0x18D78] =	vst v5  }
0x9a: {  	v5 =	vadd.s32 $0x7A120, v2;
	[tilespmem:s7+$0x18F08] =	vst v4  }
0x9b: {  	s11 =	simm.s32 $0x80;
	s10 =	simm.s32 $0x10;
	v3 =	vadd.s32 $0x7A120, v3;
	v4 =	vadd.s32 $0xF4240, v2;
	[tilespmem:s7+$0x19228] =	vst v5  }
.LBB2_8:
0x9c: {  	p1 =	sne.s32 s11, $0x600;
	v5 =	vld [tilespmem:s10+$0x172E8];
	[tilespmem:s7+$0x193B8] =	vst v4  }
0x9d: {  	v4 =	vld [tilespmem:s10+$0x16E38];
	[tilespmem:s7+$0x196D8] =	vst v3  }
0x9e: {  	v6 =	vld [tilespmem:s10+$0x16FC8];
	[tilespmem:s7+$0x18738] =	vst v0  }
0x9f: {  	v7 =	vld [tilespmem:s10+$0x17158];
	[tilespmem:s7+$0x18BE8] =	vst v1  }
0xa0: {  	[tilespmem:s7+$0x19098] =	vst v2;
	s7 =	smov.u32 s10  }
0xa1: {  	[tilespmem:s7+$0x19548] =	vst v5;
	v3 =	vadd.s32 $0x7A120, v5;
	v5 =	vadd.s32 $0xF4240, v5  }
0xa2: {  	v9 =	vadd.s32 $0x7A120, v4;
	v10 =	vadd.s32 $0xF4240, v4;
	[tilespmem:s7+$0x19868] =	vst v5;
	v0 =	vmov v4  }
.Ltmp7:
0xa3: {  	[tilespmem:s7+$0x188C8] =	vst v9;
	v5 =	vadd.s32 $0x7A120, v6;
	v8 =	vadd.s32 $0xF4240, v6;
	v1 =	vmov v6;
	(pc) =	sbr.rel @p1 .LBB2_8-.Ltmp7, $4  }
0xa4: {  	[tilespmem:s7+$0x18A58] =	vst v10;
	v6 =	vadd.s32 $0x7A120, v7;
	v4 =	vadd.s32 $0xF4240, v7;
	v2 =	vmov v7  }
0xa5: {  	[tilespmem:s7+$0x18D78] =	vst v5  }
0xa6: {  	[tilespmem:s7+$0x18F08] =	vst v8  }
0xa7: {  	s10 =	sshra.s32 s11, $0x2;
	s11 =	sadd.s32 $0x40, s11;
	[tilespmem:s7+$0x19228] =	vst v6  }
0xa8: {  	v5 =	vld [tilespmem:s10+$0x172E8];
	[tilespmem:s7+$0x193B8] =	vst v4  }
0xa9: {  	v4 =	vld [tilespmem:s10+$0x16E38];
	[tilespmem:s7+$0x196D8] =	vst v3  }
0xaa: {  	v3 =	vld [tilespmem:s10+$0x16FC8];
	[tilespmem:s7+$0x18738] =	vst v0  }
0xab: {  	v0 =	vld [tilespmem:s10+$0x17158];
	[tilespmem:s7+$0x18BE8] =	vst v1  }
0xac: {  	[tilespmem:s7+$0x19098] =	vst v2  }
0xad: {  	[tilespmem:s10+$0x19548] =	vst v5;
	v56 =	vadd.s32 $0xF4240, v5  }
0xae: {  	v63 =	vadd.s32 $0x7A120, v5;
	[tilespmem:s10+$0x19868] =	vst v56  }
0xaf: {  	[tilespmem:s10+$0x196D8] =	vst v63  }
0xb0: {  	v57 =	vadd.s32 $0x7A120, v4;
	[tilespmem:s10+$0x18738] =	vst v4  }
0xb1: {  	v58 =	vadd.s32 $0xF4240, v4;
	[tilespmem:s10+$0x188C8] =	vst v57  }
0xb2: {  	[tilespmem:s10+$0x18A58] =	vst v58  }
0xb3: {  	v59 =	vadd.s32 $0x7A120, v3;
	[tilespmem:s10+$0x18BE8] =	vst v3  }
0xb4: {  	v60 =	vadd.s32 $0xF4240, v3;
	[tilespmem:s10+$0x18D78] =	vst v59  }
0xb5: {  	[tilespmem:s10+$0x18F08] =	vst v60  }
0xb6: {  	v61 =	vadd.s32 $0x7A120, v0;
	[tilespmem:s10+$0x19098] =	vst v0  }
0xb7: {  	v62 =	vadd.s32 $0xF4240, v0;
	[tilespmem:s10+$0x19228] =	vst v61  }
0xb8: {  	[tilespmem:s10+$0x193B8] =	vst v62  }
.LBB2_10:
0xb9: {  	p1 =	sgt.u32 s9, $0x9C3  }
.Ltmp8:
0xba: {  	_ = 	snop;
	(pc) =	sbr.rel @p1 .LBB2_21-.Ltmp8, $1  }
0xbb: {  	_ =	sdelay $0x3  }
0xbc: {  	_ =	swait.ge [sflag:s30], $0x4B0  }
0xbd: {  	[sflag:s30] =	ssyncset.done $0x0  }
0xbe: {  	[sflag:s30] =	ssyncadd.s32 $0xFFFFFB50  }
0xbf: {  	_ =	swait.ge [sflag:s31], $0x4B0  }
0xc0: {  	[sflag:s31] =	ssyncset.done $0x0  }
0xc1: {  	[sflag:s31] =	ssyncadd.s32 $0xFFFFFB50  }
0xc2: {  	_ =	swait.ge [sflag:s1], $0x4B0  }
0xc3: {  	[sflag:s1] =	ssyncset.done $0x0  }
0xc4: {  	[sflag:s1] =	ssyncadd.s32 $0xFFFFFB50  }
0xc5: {  	_ =	swait.ge [sflag:s20], $0x4B0  }
0xc6: {  	s7 =	simm.s32 @!p0 $0x4B0;
	[sflag:s20] =	ssyncset.done $0x0  }
0xc7: {  	s10 =	simm.s32 @!p0 $0x18738;
	s11 =	simm.s32 @!p0 $0x1ACB8;
	[sflag:s20] =	ssyncadd.s32 $0xFFFFFB50  }
0xc8: {  	[tilespmem:s11], [sflag:$0x5] =	stream.indirect.gather @!p0 [spmem:s2], $0x1, s10, s7, $0xb8;
	[tilespmem:$0x1D878] =	vst v63  }
0xc9: {  	s10 =	simm.s32 @!p0 $0x18BE8;
	s11 =	simm.s32 @!p0 $0x1B168  }
0xca: {  	[tilespmem:s11], [sflag:$0x6] =	stream.indirect.gather @!p0 [spmem:s2], $0x1, s10, s7, $0xb8;
	[tilespmem:$0x1D878] =	vst v63  }
0xcb: {  	s10 =	simm.s32 @!p0 $0x19098;
	s11 =	simm.s32 @!p0 $0x1B618  }
0xcc: {  	[tilespmem:s11], [sflag:$0x7] =	stream.indirect.gather @!p0 [spmem:s2], $0x1, s10, s7, $0xb8;
	[tilespmem:$0x1D878] =	vst v63  }
0xcd: {  	s10 =	simm.s32 @!p0 $0x19548;
	s11 =	simm.s32 @!p0 $0x1BAC8  }
0xce: {  	[tilespmem:s11], [sflag:$0x8] =	stream.indirect.gather @!p0 [spmem:s2], $0x1, s10, s7, $0xb8;
	[tilespmem:$0x1D878] =	vst v63  }
0xcf: {  	s10 =	simm.s32 $0x0  }
0xd0: {  	v0 =	vld [tilespmem:s10+$0x199F8]  }
0xd1: {  	v1 =	vld [tilespmem:s10+$0x19EA8]  }
0xd2: {  	v2 =	vld [tilespmem:s10+$0x19B88]  }
0xd3: {  	v3 =	vld [tilespmem:s10+$0x1A038]  }
0xd4: {  	v4 =	vld [tilespmem:s10+$0x1A1C8]  }
0xd5: {  	v5 =	vld [tilespmem:s10+$0x1A358]  }
0xd6: {  	v6 =	vld [tilespmem:s10+$0x1A4E8]  }
0xd7: {  	v7 =	vld [tilespmem:s10+$0x1A678]  }
0xd8: {  	v8 =	vld [tilespmem:s10+$0x19D18]  }
0xd9: {  	v9 =	vld [tilespmem:s10+$0x1A998]  }
0xda: {  	v10 =	vld [tilespmem:s10+$0x1AB28]  }
0xdb: {  	v11 =	vld [tilespmem:s10+$0x1A808];
	v0 =	vsub.f32 v1, v0;
	v2 =	vsub.f32 v3, v2  }
0xdc: {  	v12 =	vsub.f32 v5, v1;
	v3 =	vsub.f32 v6, v3  }
0xdd: {  	v13 =	vsub.f32 v7, v4;
	v14 =	vsub.f32 v4, v8  }
0xde: {  	v1 =	vsub.f32 v9, v6;
	v6 =	vmul.f32 v3, v0;
	v9 =	vmul.f32 v12, v2  }
0xdf: {  	v8 =	vsub.f32 v10, v7;
	v2 =	vmul.f32 v13, v2;
	v15 =	vmul.f32 v3, v14  }
0xe0: {  	v4 =	vsub.f32 v11, v5;
	v5 =	vmul.f32 v12, v14;
	v7 =	vmul.f32 v13, v0  }
0xe1: {  	v10 =	vmul.f32 v8, v3;
	v11 =	vmul.f32 v1, v13  }
0xe2: {  	v13 =	vmul.f32 v4, v13;
	v14 =	vmul.f32 v8, v12  }
0xe3: {  	v12 =	vmul.f32 v1, v12;
	v0 =	vsub.f32 v2, v15;
	v2 =	vsub.f32 v5, v7  }
0xe4: {  	v17 =	vsub.f32 v10, v11;
	v5 =	vmul.f32 v4, v3;
	v13 =	vsub.f32 v13, v14  }
0xe5: {  	v3 =	vsub.f32 v6, v9;
	v7 =	vmul.f32 v0, v0;
	v10 =	vmul.f32 v2, v2  }
0xe6: {  	v11 =	vmul.f32 v17, v17;
	v6 =	vmul.f32 v13, v13;
	v12 =	vsub.f32 v12, v5  }
0xe7: {  	v5 =	vadd.f32 v10, v7  }
0xe8: {  	v7 =	vmul.f32 v3, v3;
	v6 =	vadd.f32 v6, v11;
	v9 =	vmul.f32 v12, v12;
	_ =	sdelay $0x1  }
0xe9: {  	v5 =	vadd.f32 v5, v7;
	v6 =	vadd.f32 v6, v9;
	_ =	sdelay $0x1  }
0xea: {  	v11 =	vmul.f32 v6, v5;
	_ =	sdelay $0x1  }
0xeb: {  	v5 =	vmax.f32 v11, $1.000000020e-35  }
0xec: {  	v6 =	vshra.s32 v5, $0x1;
	v7 =	vmul.f32 $5.000000000e-01, v5  }
0xed: {  	s11 =	simm.s32 $0x10;
	v5 =	vsub.s32 $0x5F3759DF, v6  }
0xee: {  	v16 =	vld [tilespmem:s11+$0x1A358];
	v6 =	vmul.f32 v5, v7  }
0xef: {  	v19 =	vld [tilespmem:s11+$0x1A4E8]  }
0xf0: {  	v21 =	vld [tilespmem:s11+$0x1A678];
	v6 =	vmul.f32 v5, v6  }
0xf1: {  	v22 =	vld [tilespmem:s11+$0x19D18]  }
0xf2: {  	v14 =	vld [tilespmem:s11+$0x19B88];
	v6 =	vsub.f32 $1.500000000e+00, v6  }
0xf3: {  	v15 =	vld [tilespmem:s11+$0x1A038]  }
0xf4: {  	v10 =	vld [tilespmem:s11+$0x19EA8];
	v5 =	vmul.f32 v5, v6  }
0xf5: {  	v9 =	vld [tilespmem:s11+$0x199F8]  }
0xf6: {  	v6 =	vld [tilespmem:s11+$0x1A1C8];
	v18 =	vmul.f32 v5, v7  }
0xf7: {  	v23 =	vld [tilespmem:s11+$0x1AB28]  }
0xf8: {  	v18 =	vmul.f32 v18, v5  }
0xf9: {  	v14 =	vsub.f32 v15, v14;
	v15 =	vsub.f32 v19, v15  }
0xfa: {  	v20 =	vld [tilespmem:s11+$0x1A998];
	v25 =	vsub.f32 v16, v10;
	v18 =	vsub.f32 $1.500000000e+00, v18  }
0xfb: {  	v9 =	vsub.f32 v10, v9;
	v10 =	vsub.f32 v21, v6  }
0xfc: {  	v24 =	vld [tilespmem:s11+$0x1A808];
	v22 =	vsub.f32 v6, v22;
	v6 =	vsub.f32 v23, v21;
	v18 =	vmul.f32 v18, v5;
	_ =	sdelay $0x1  }
0xfd: {  	v23 =	vmul.f32 v6, v15;
	v7 =	vmul.f32 v18, v7  }
0xfe: {  	v5 =	vsub.f32 v20, v19;
	v19 =	vmul.f32 v15, v9;
	v20 =	vmul.f32 v25, v14  }
0xff: {  	v14 =	vmul.f32 v10, v14;
	v21 =	vmul.f32 v7, v18  }
0x100: {  	v9 =	vmul.f32 v10, v9;
	v26 =	vmul.f32 v5, v25;
	v7 =	vsub.f32 v24, v16  }
0x101: {  	v16 =	vmul.f32 v15, v22;
	v22 =	vmul.f32 v25, v22;
	v21 =	vsub.f32 $1.500000000e+00, v21  }
0x102: {  	v24 =	vmul.f32 v5, v10;
	v27 =	vmul.f32 v7, v10  }
0x103: {  	v10 =	vsub.f32 v14, v16;
	v14 =	vmul.f32 v6, v25;
	v18 =	vmul.f32 v21, v18  }
0x104: {  	v9 =	vsub.f32 v22, v9;
	v21 =	vmul.f32 v7, v15;
	v15 =	vsub.f32 v23, v24  }
0x105: {  	v22 =	vmul.f32 v10, v10;
	v16 =	vsub.f32 v27, v14;
	v14 =	vmul.f32 v18, v11  }
0x106: {  	v18 =	vmul.f32 v9, v9;
	v23 =	vmul.f32 v15, v15;
	v11 =	vsub.f32 v19, v20  }
0x107: {  	v20 =	vmul.f32 v16, v16;
	v19 =	vsub.f32 v26, v21;
	(erf) = vrcp.f32 v14  }
0x108: {  	v14 =	vadd.f32 v18, v22  }
0x109: {  	v18 =	vmul.f32 v11, v11;
	v20 =	vadd.f32 v20, v23;
	v21 =	vmul.f32 v19, v19  }
0x10a: {  	s7 =	simm.s32 $0x20;
	v17 =	vmul.f32 v17, v0;
	v13 =	vmul.f32 v13, v2  }
0x10b: {  	v37 =	vld [tilespmem:s7+$0x1A678];
	v14 =	vadd.f32 v14, v18;
	v20 =	vadd.f32 v20, v21  }
0x10c: {  	v13 =	vadd.f32 v13, v17;
	v17 =	vld [tilespmem:s7+$0x1A1C8]  }
0x10d: {  	v12 =	vmul.f32 v12, v3;
	v25 =	vld [tilespmem:s7+$0x1A4E8];
	v21 =	vmul.f32 v20, v14  }
0x10e: {  	v26 =	vld [tilespmem:s7+$0x1A358]  }
0x10f: {  	v12 =	vadd.f32 v13, v12;
	v22 =	vld [tilespmem:s7+$0x19EA8];
	v20 =	vmax.f32 v21, $1.000000020e-35  }
0x110: {  	v18 =	vld [tilespmem:s7+$0x199F8];
	v24 =	vshra.s32 v20, $0x1;
	v35 =	vmul.f32 $5.000000000e-01, v20;
	v13 =	vpop (erf)  }
0x111: {  	v23 =	vld [tilespmem:s7+$0x19B88];
	v27 =	vsub.s32 $0x5F3759DF, v24;
	v12 =	vmul.f32 v13, v12  }
0x112: {  	v14 =	vld [tilespmem:s7+$0x1A038];
	v13 =	vmul.f32 v27, v35  }
0x113: {  	v29 =	vld [tilespmem:s7+$0x1A998];
	v12 =	vmax.f32 v12, $-1.000000000e+00  }
0x114: {  	v28 =	vsub.f32 v37, v17;
	v13 =	vmul.f32 v27, v13;
	v12 =	vmin.f32 v12, $1.000000000e+00  }
0x115: {  	v38 =	vsub.f32 v22, v18;
	v24 =	vsub.f32 v26, v22;
	v20 =	vand.u32 $0x7FFFFFFF, v12  }
0x116: {  	v22 =	vsub.f32 $1.500000000e+00, v13;
	v18 =	vsub.f32 $1.000000000e+00, v20  }
0x117: {  	v31 =	vld [tilespmem:s7+$0x1A808];
	v30 =	vsub.f32 v14, v23;
	v23 =	vsub.f32 v25, v14  }
0x118: {  	v32 =	vld [tilespmem:s7+$0x19D18];
	v13 =	vsub.f32 v29, v25;
	v39 =	vmul.f32 v27, v22;
	v14 =	vmax.f32 v18, $1.000000000e-30  }
0x119: {  	v27 =	vshra.s32 v14, $0x1;
	v22 =	vmul.f32 $5.000000000e-01, v14;
	v14 =	vmul.f32 $-1.262491100e-03, v20  }
0x11a: {  	v25 =	vmul.f32 v23, v38;
	v33 =	vmul.f32 v39, v35;
	v40 =	vsub.s32 $0x5F3759DF, v27  }
0x11b: {  	v29 =	vmul.f32 v13, v24;
	v34 =	vmul.f32 v40, v22;
	v36 =	vadd.f32 $6.670089900e-03, v14  }
0x11c: {  	v41 =	vld [tilespmem:s7+$0x1AB28];
	v27 =	vmul.f32 v24, v30;
	v14 =	vsub.f32 v31, v26;
	v26 =	vmul.f32 v33, v39  }
0x11d: {  	v17 =	vsub.f32 v17, v32;
	v31 =	vmul.f32 v40, v34;
	v63 =	vmul.f32 v36, v20  }
0x11e: {  	v33 =	vmul.f32 v28, v30;
	v30 =	vmul.f32 v14, v23;
	v26 =	vsub.f32 $1.500000000e+00, v26  }
0x11f: {  	v36 =	vmul.f32 v23, v17;
	v31 =	vsub.f32 $1.500000000e+00, v31;
	v42 =	vadd.f32 $-1.708812640e-02, v63  }
0x120: {  	v34 =	vmul.f32 v24, v17;
	v32 =	vmul.f32 v26, v39  }
0x121: {  	v17 =	vsub.f32 v41, v37;
	v26 =	vmul.f32 v40, v31;
	v31 =	vmul.f32 v42, v20  }
0x122: {  	s19 =	simm.s32 $0xC0;
	v37 =	vmul.f32 v28, v38;
	v35 =	vmul.f32 v32, v35  }
.LBB2_12:
0x123: {  	p1 =	sne.s32 s19, $0x600;
	v23 =	vmul.f32 v17, v23;
	v38 =	vmul.f32 v26, v22;
	v31 =	vadd.f32 $3.089188040e-02, v31  }
0x124: {  	v39 =	vmul.f32 v13, v28;
	v35 =	vmul.f32 v35, v32  }
0x125: {  	v38 =	vmul.f32 v38, v26;
	v31 =	vmul.f32 v31, v20  }
0x126: {  	v33 =	vsub.f32 v33, v36;
	v28 =	vmul.f32 v14, v28;
	v35 =	vsub.f32 $1.500000000e+00, v35  }
0x127: {  	v24 =	vmul.f32 v17, v24;
	v36 =	vsub.f32 $1.500000000e+00, v38;
	v31 =	vadd.f32 $-5.017430340e-02, v31  }
0x128: {  	v34 =	vsub.f32 v34, v37;
	v37 =	vmul.f32 v33, v33;
	v32 =	vmul.f32 v35, v32  }
0x129: {  	v23 =	vsub.f32 v23, v39;
	v26 =	vmul.f32 v36, v26;
	v31 =	vmul.f32 v31, v20  }
0x12a: {  	v24 =	vsub.f32 v28, v24;
	v28 =	vmul.f32 v34, v34;
	v21 =	vmul.f32 v32, v21  }
0x12b: {  	v32 =	vmul.f32 v23, v23;
	v22 =	vmul.f32 v26, v22;
	v31 =	vadd.f32 $8.897899090e-02, v31  }
0x12c: {  	v25 =	vsub.f32 v25, v27;
	v27 =	vmul.f32 v24, v24;
	(erf) = vrcp.f32 v21  }
0x12d: {  	s12 =	sshra.s32 s19, $0x2;
	v29 =	vsub.f32 v29, v30;
	v21 =	vmul.f32 v22, v26;
	v22 =	vmul.f32 v31, v20  }
0x12e: {  	v28 =	vadd.f32 v28, v37;
	v27 =	vadd.f32 v27, v32;
	v31 =	vmul.f32 v25, v25;
	v30 =	vld [tilespmem:s12+$0x199F8]  }
0x12f: {  	v35 =	vmul.f32 v29, v29;
	v32 =	vld [tilespmem:s12+$0x19EA8];
	v21 =	vsub.f32 $1.500000000e+00, v21;
	v22 =	vadd.f32 $-2.145988050e-01, v22  }
0x130: {  	v36 =	vmul.f32 v16, v9;
	v28 =	vadd.f32 v28, v31;
	v31 =	vmul.f32 v15, v10;
	v15 =	vmovc v23  }
0x131: {  	v16 =	vmovc v24;
	v23 =	vadd.f32 v27, v35;
	v26 =	vmul.f32 v21, v26;
	v20 =	vmul.f32 v22, v20  }
0x132: {  	v8 =	vmul.f32 v8, v3;
	v3 =	vmovc v11;
	v27 =	vmul.f32 v19, v11;
	v36 =	vadd.f32 v36, v31;
	v22 =	vld [tilespmem:s12+$0x19B88]  }
0x133: {  	v11 =	vmovc v25;
	v19 =	vmovc v29;
	v21 =	vmul.f32 v23, v28;
	v31 =	vld [tilespmem:s12+$0x1A038];
	v18 =	vmul.f32 v26, v18;
	v20 =	vadd.f32 $1.570796250e+00, v20  }
0x134: {  	v4 =	vmul.f32 v0, v4;
	v0 =	vmovc v10;
	v37 =	vmul.f32 v1, v2;
	v35 =	vsub.f32 v32, v30  }
0x135: {  	v28 =	vmax.f32 v21, $1.000000020e-35;
	v23 =	vadd.f32 v36, v27;
	v26 =	vld [tilespmem:s12+$0x1A1C8];
	v24 =	vpop (erf);
	v18 =	vmul.f32 v18, v20  }
0x136: {  	v2 =	vmovc v9;
	v25 =	vadd.f32 v37, v4;
	v10 =	vmovc v33;
	v38 =	vmul.f32 $5.000000000e-01, v28;
	v20 =	vshra.s32 v28, $0x1;
	v29 =	vld [tilespmem:s12+$0x1A358]  }
0x137: {  	v1 =	vmovc v5;
	v9 =	vmovc v34;
	v30 =	vsub.s32 $0x5F3759DF, v20;
	v20 =	vmul.f32 v24, v23;
	v27 =	vld [tilespmem:s12+$0x1A4E8];
	v23 =	vsub.f32 $3.141592740e+00, v18  }
0x138: {  	vm0 =	vge.f32 v12, $0.0e+00;
	v5 =	vmovc v13;
	v4 =	vmovc v7;
	v37 =	vld [tilespmem:s12+$0x1A678];
	v33 =	vsub.f32 v31, v22;
	v22 =	vmul.f32 v30, v38  }
0x139: {  	v7 =	vmovc v14;
	v25 =	vadd.f32 v8, v25;
	v8 =	vmovc v6;
	v12 =	vmax.f32 v20, $-1.000000000e+00;
	v13 =	vld [tilespmem:s12+$0x1A998];
	v23 =	vsel vm0, v18, v23  }
0x13a: {  	v6 =	vmovc v17;
	v12 =	vmin.f32 v12, $1.000000000e+00;
	v14 =	vmul.f32 v30, v22;
	v22 =	vsub.f32 $0.0e+00, v23  }
0x13b: {  	vm0 =	vgt.f32 v25, $0.0e+00;
	v20 =	vand.u32 $0x7FFFFFFF, v12;
	v24 =	vsub.f32 v29, v32  }
0x13c: {  	v18 =	vsub.f32 $1.000000000e+00, v20;
	v14 =	vsub.f32 $1.500000000e+00, v14;
	v17 =	vsel vm0, v23, v22  }
0x13d: {  	v23 =	vsub.f32 v27, v31;
	v32 =	vld [tilespmem:s12+$0x1A808];
	v28 =	vsub.f32 v37, v26;
	[tilespmem:s10+$0x1D6E8] =	vst v17;
	s10 =	smov.u32 s11;
	s11 =	smov.u32 s7;
	s7 =	smov.u32 s12  }
0x13e: {  	v17 =	vld [tilespmem:s7+$0x19D18];
	v13 =	vsub.f32 v13, v27;
	v31 =	vmul.f32 v30, v14;
	v14 =	vmax.f32 v18, $1.000000000e-30  }
0x13f: {  	v27 =	vshra.s32 v14, $0x1;
	v22 =	vmul.f32 $5.000000000e-01, v14;
	v14 =	vmul.f32 $-1.262491100e-03, v20  }
0x140: {  	v25 =	vmul.f32 v23, v35;
	v30 =	vmul.f32 v31, v38;
	v39 =	vsub.s32 $0x5F3759DF, v27  }
0x141: {  	v27 =	vmul.f32 v24, v33;
	v34 =	vmul.f32 v39, v22;
	v36 =	vadd.f32 $6.670089900e-03, v14  }
0x142: {  	v40 =	vld [tilespmem:s7+$0x1AB28];
	v14 =	vsub.f32 v32, v29;
	v29 =	vmul.f32 v13, v24;
	v32 =	vmul.f32 v30, v31  }
0x143: {  	v17 =	vsub.f32 v26, v17;
	v26 =	vmul.f32 v39, v34;
	v34 =	vmul.f32 v36, v20  }
.Ltmp9:
0x144: {  	v33 =	vmul.f32 v28, v33;
	v30 =	vmul.f32 v14, v23;
	v32 =	vsub.f32 $1.500000000e+00, v32;
	(pc) =	sbr.rel @p1 .LBB2_12-.Ltmp9, $4  }
0x145: {  	v36 =	vmul.f32 v23, v17;
	v26 =	vsub.f32 $1.500000000e+00, v26;
	v41 =	vadd.f32 $-1.708812640e-02, v34  }
0x146: {  	v34 =	vmul.f32 v24, v17;
	v32 =	vmul.f32 v32, v31  }
0x147: {  	v17 =	vsub.f32 v40, v37;
	v26 =	vmul.f32 v39, v26;
	v31 =	vmul.f32 v41, v20  }
0x148: {  	s19 =	sadd.s32 $0x40, s19;
	v37 =	vmul.f32 v28, v35;
	v35 =	vmul.f32 v32, v38  }
0x149: {  	v38 =	vmul.f32 v17, v23;
	v39 =	vmul.f32 v13, v28  }
0x14a: {  	v52 =	vmul.f32 v14, v28;
	v53 =	vmul.f32 v17, v24  }
0x14b: {  	v23 =	vsub.f32 v33, v36;
	v24 =	vsub.f32 v34, v37  }
0x14c: {  	v54 =	vsub.f32 v38, v39;
	v28 =	vsub.f32 v52, v53  }
0x14d: {  	v25 =	vsub.f32 v25, v27;
	v36 =	vmul.f32 v23, v23;
	v55 =	vmul.f32 v24, v24  }
0x14e: {  	v29 =	vsub.f32 v29, v30;
	v56 =	vmul.f32 v54, v54;
	v57 =	vmul.f32 v28, v28  }
0x14f: {  	v59 =	vmul.f32 v25, v25  }
0x150: {  	v60 =	vmul.f32 v29, v29;
	v58 =	vadd.f32 v55, v36;
	v27 =	vadd.f32 v57, v56;
	_ =	sdelay $0x1  }
0x151: {  	v30 =	vadd.f32 v58, v59;
	v27 =	vadd.f32 v27, v60;
	_ =	sdelay $0x1  }
0x152: {  	v27 =	vmul.f32 v27, v30;
	_ =	sdelay $0x1  }
0x153: {  	v30 =	vmax.f32 v27, $1.000000020e-35  }
0x154: {  	v61 =	vshra.s32 v30, $0x1;
	v30 =	vmul.f32 $5.000000000e-01, v30  }
0x155: {  	v33 =	vsub.s32 $0x5F3759DF, v61  }
0x156: {  	v62 =	vmul.f32 v33, v30;
	_ =	sdelay $0x1  }
0x157: {  	v36 =	vmul.f32 v33, v62;
	_ =	sdelay $0x1  }
0x158: {  	v36 =	vsub.f32 $1.500000000e+00, v36;
	_ =	sdelay $0x1  }
0x159: {  	v33 =	vmul.f32 v33, v36;
	_ =	sdelay $0x1  }
0x15a: {  	v36 =	vmul.f32 v33, v30;
	_ =	sdelay $0x1  }
0x15b: {  	v36 =	vmul.f32 v36, v33;
	_ =	sdelay $0x1  }
0x15c: {  	v36 =	vsub.f32 $1.500000000e+00, v36;
	_ =	sdelay $0x1  }
0x15d: {  	v33 =	vmul.f32 v36, v33;
	_ =	sdelay $0x1  }
0x15e: {  	v35 =	vmul.f32 v35, v32;
	v30 =	vmul.f32 v33, v30;
	_ =	sdelay $0x1  }
0x15f: {  	v35 =	vsub.f32 $1.500000000e+00, v35;
	v30 =	vmul.f32 v30, v33;
	_ =	sdelay $0x1  }
0x160: {  	v63 =	vmul.f32 v35, v32;
	v30 =	vsub.f32 $1.500000000e+00, v30;
	_ =	sdelay $0x1  }
0x161: {  	v21 =	vmul.f32 v63, v21;
	v32 =	vmul.f32 v30, v33;
	_ =	sdelay $0x1  }
0x162: {  	(erf) = vrcp.f32 v21;
	v21 =	vmul.f32 v32, v27;
	_ =	sdelay $0x1  }
0x163: {  	(erf) = vrcp.f32 v21;
	_ =	sdelay $0x1  }
0x164: {  	v15 =	vmul.f32 v15, v10;
	v16 =	vmul.f32 v16, v9  }
0x165: {  	v34 =	vmul.f32 v54, v23  }
0x166: {  	v15 =	vadd.f32 v16, v15;
	v35 =	vmul.f32 v28, v24;
	v33 =	vmul.f32 v19, v11;
	_ =	sdelay $0x1  }
0x167: {  	v37 =	vmul.f32 v29, v25;
	v16 =	vadd.f32 v35, v34;
	v15 =	vadd.f32 v15, v33  }
0x168: {  	v36 =	vpop (erf)  }
0x169: {  	v16 =	vadd.f32 v16, v37;
	v15 =	vmul.f32 v36, v15  }
0x16a: {  	v38 =	vpop (erf)  }
0x16b: {  	v15 =	vmax.f32 v15, $-1.000000000e+00;
	v16 =	vmul.f32 v38, v16  }
0x16c: {  	v41 =	vadd.f32 $3.089188040e-02, v31;
	v15 =	vmin.f32 v15, $1.000000000e+00  }
0x16d: {  	v3 =	vmul.f32 v8, v3;
	v21 =	vand.u32 $0x7FFFFFFF, v15;
	v16 =	vmax.f32 v16, $-1.000000000e+00  }
0x16e: {  	v0 =	vmul.f32 v0, v4;
	v19 =	vsub.f32 $1.000000000e+00, v21;
	v16 =	vmin.f32 v16, $1.000000000e+00  }
0x16f: {  	v1 =	vmul.f32 v1, v2;
	v6 =	vmul.f32 v6, v11;
	v31 =	vand.u32 $0x7FFFFFFF, v16  }
0x170: {  	v7 =	vmul.f32 v10, v7;
	v40 =	vmax.f32 v19, $1.000000000e-30;
	v33 =	vsub.f32 $1.000000000e+00, v31  }
0x171: {  	v39 =	vmul.f32 v26, v22;
	v43 =	vmul.f32 $-1.262491100e-03, v21;
	v42 =	vshra.s32 v40, $0x1  }
0x172: {  	v28 =	vmul.f32 $5.000000000e-01, v40;
	v30 =	vsub.s32 $0x5F3759DF, v42;
	v45 =	vmax.f32 v33, $1.000000000e-30  }
0x173: {  	v47 =	vmul.f32 $-1.262491100e-03, v31;
	v46 =	vshra.s32 v45, $0x1;
	v35 =	vmul.f32 $5.000000000e-01, v45  }
0x174: {  	v32 =	vadd.f32 $6.670089900e-03, v43;
	v44 =	vmul.f32 v30, v28;
	v36 =	vsub.s32 $0x5F3759DF, v46  }
0x175: {  	v27 =	vmul.f32 v39, v26;
	v37 =	vadd.f32 $6.670089900e-03, v47;
	v48 =	vmul.f32 v36, v35  }
0x176: {  	v32 =	vmul.f32 v32, v21;
	v34 =	vmul.f32 v30, v44  }
0x177: {  	v27 =	vsub.f32 $1.500000000e+00, v27;
	v37 =	vmul.f32 v37, v31;
	v51 =	vmul.f32 v36, v48  }
0x178: {  	v5 =	vmul.f32 v5, v9;
	v32 =	vadd.f32 $-1.708812640e-02, v32;
	v50 =	vsub.f32 $1.500000000e+00, v34  }
0x179: {  	v49 =	vmul.f32 v27, v26;
	v54 =	vadd.f32 $-1.708812640e-02, v37;
	v53 =	vsub.f32 $1.500000000e+00, v51  }
0x17a: {  	v52 =	vmul.f32 v32, v21;
	v27 =	vmul.f32 v30, v50  }
0x17b: {  	vm0 =	vge.f32 v12, $0.0e+00;
	v34 =	vmul.f32 v54, v31;
	v32 =	vmul.f32 v36, v53  }
0x17c: {  	v29 =	vmul.f32 v41, v20;
	v30 =	vadd.f32 $3.089188040e-02, v52;
	v56 =	vmul.f32 v27, v28  }
0x17d: {  	v55 =	vmul.f32 v49, v22;
	v34 =	vadd.f32 $3.089188040e-02, v34;
	v58 =	vmul.f32 v32, v35  }
0x17e: {  	v29 =	vadd.f32 $-5.017430340e-02, v29;
	v30 =	vmul.f32 v30, v21;
	v57 =	vmul.f32 v56, v27  }
0x17f: {  	v0 =	vadd.f32 v1, v0;
	v34 =	vmul.f32 v34, v31;
	v37 =	vmul.f32 v58, v32  }
0x180: {  	v29 =	vmul.f32 v29, v20;
	v30 =	vadd.f32 $-5.017430340e-02, v30;
	v36 =	vsub.f32 $1.500000000e+00, v57  }
0x181: {  	v22 =	vmul.f32 v55, v49;
	v34 =	vadd.f32 $-5.017430340e-02, v34;
	v61 =	vsub.f32 $1.500000000e+00, v37  }
0x182: {  	v29 =	vadd.f32 $8.897899090e-02, v29;
	v60 =	vmul.f32 v30, v21;
	v59 =	vmul.f32 v36, v27  }
0x183: {  	v22 =	vsub.f32 $1.500000000e+00, v22;
	v36 =	vmul.f32 v34, v31;
	v63 =	vmul.f32 v61, v32  }
0x184: {  	v29 =	vmul.f32 v29, v20;
	v27 =	vadd.f32 $8.897899090e-02, v60;
	v28 =	vmul.f32 v59, v28  }
0x185: {  	v22 =	vmul.f32 v22, v49;
	v30 =	vadd.f32 $8.897899090e-02, v36;
	v38 =	vmul.f32 v63, v35  }
0x186: {  	v29 =	vadd.f32 $-2.145988050e-01, v29;
	v27 =	vmul.f32 v27, v21;
	v37 =	vmul.f32 v28, v59  }
0x187: {  	v5 =	vadd.f32 v5, v7;
	v42 =	vmul.f32 v30, v31;
	v41 =	vmul.f32 v38, v63  }
0x188: {  	v62 =	vmul.f32 v29, v20;
	v40 =	vadd.f32 $-2.145988050e-01, v27;
	v39 =	vsub.f32 $1.500000000e+00, v37  }
0x189: {  	v18 =	vmul.f32 v22, v18;
	v46 =	vadd.f32 $-2.145988050e-01, v42;
	v45 =	vsub.f32 $1.500000000e+00, v41  }
0x18a: {  	v20 =	vadd.f32 $1.570796250e+00, v62;
	v44 =	vmul.f32 v40, v21;
	v43 =	vmul.f32 v39, v59  }
0x18b: {  	v0 =	vadd.f32 v3, v0;
	v50 =	vmul.f32 v46, v31;
	v49 =	vmul.f32 v45, v63  }
0x18c: {  	v18 =	vmul.f32 v18, v20;
	v48 =	vadd.f32 $1.570796250e+00, v44;
	v47 =	vmul.f32 v43, v19  }
0x18d: {  	v5 =	vadd.f32 v6, v5;
	v53 =	vadd.f32 $1.570796250e+00, v50;
	v52 =	vmul.f32 v49, v33  }
0x18e: {  	v56 =	vmul.f32 v23, v14;
	v51 =	vsub.f32 $3.141592740e+00, v18;
	v1 =	vmul.f32 v47, v48  }
0x18f: {  	vm13 =	vgt.f32 v0, $0.0e+00;
	v57 =	vmul.f32 v13, v24;
	v2 =	vmul.f32 v52, v53  }
0x190: {  	vm11 =	vge.f32 v15, $0.0e+00;
	v54 =	vsel vm0, v18, v51;
	v55 =	vsub.f32 $3.141592740e+00, v1  }
0x191: {  	v3 =	vadd.f32 v57, v56;
	v59 =	vmul.f32 v17, v25;
	v58 =	vsub.f32 $3.141592740e+00, v2  }
0x192: {  	vm12 =	vge.f32 v16, $0.0e+00;
	v60 =	vsub.f32 $0.0e+00, v54;
	v1 =	vsel vm11, v1, v55  }
0x193: {  	v3 =	vadd.f32 v59, v3;
	v61 =	vsub.f32 $0.0e+00, v1;
	v2 =	vsel vm12, v2, v58  }
0x194: {  	vm14 =	vgt.f32 v5, $0.0e+00;
	v4 =	vsel vm13, v54, v60;
	v62 =	vsub.f32 $0.0e+00, v2  }
0x195: {  	s13 =	smul.u32 $0x32, s9;
	[tilespmem:s10+$0x1D6E8] =	vst v4;
	vm15 =	vgt.f32 v3, $0.0e+00;
	v0 =	vsel vm14, v1, v61  }
0x196: {  	p1 =	sgt.u32 s9, $0x983;
	[tilespmem:s11+$0x1D6E8] =	vst v0;
	v63 =	vsel vm15, v2, v62  }
.Ltmp10:
0x197: {  	s19 =	sadd.s32 s6, s13;
	[tilespmem:s7+$0x1D6E8] =	vst v63;
	(pc) =	sbr.rel @p1 .LBB2_17-.Ltmp10, $4  }
0x198: {  	[hbm4b:s19+s3] =	stream.linear.scatter [tilespmem:s21], [sflag:$0xA], $0x190, $0x38;
	[tilespmem:$0x1D878] =	vst v63  }
0x199: {  	_ =	swait.ge [sflag:s29], $0x190  }
0x19a: {  	[sflag:s29] =	ssyncset.done $0x0  }
0x19b: {  	[sflag:s29] =	ssyncadd.s32 $0xFFFFFE70  }
0x19c: {  	s7 =	smul.u32 $0x190, s9;
	_ =	sdelay $0x1  }
0x19d: {  	s7 =	sshrl.u32 s7, $0x3  }
0x19e: {  	s7 =	sadd.s32 s5, s7  }
0x19f: {  	s10 =	simm.s32 $0x0;
	s12 =	sadd.s32 $0xC80, s7  }
0x1a0: {  	[tilespmem:s14], [sflag:$0xA] =	stream.linear.gather [hbm4b:s12+s10], $0x190, $0x38;
	[tilespmem:$0x1D878] =	vst v63  }
0x1a1: {  	_ =	swait.ge [sflag:s29], $0x190  }
0x1a2: {  	[sflag:s29] =	ssyncset.done $0x0  }
0x1a3: {  	s13 =	sadd.s32 $0x1F4C8, s7;
	[sflag:s29] =	ssyncadd.s32 $0xFFFFFE70  }
0x1a4: {  	[tilespmem:s16], [sflag:$0xA] =	stream.linear.gather [hbm4b:s13+s10], $0x190, $0x38;
	[tilespmem:$0x1D878] =	vst v63  }
0x1a5: {  	_ =	swait.ge [sflag:s29], $0x190  }
0x1a6: {  	[sflag:s29] =	ssyncset.done $0x0  }
0x1a7: {  	s19 =	sadd.s32 $0x3DD10, s7;
	[sflag:s29] =	ssyncadd.s32 $0xFFFFFE70  }
0x1a8: {  	[tilespmem:s17], [sflag:$0xA] =	stream.linear.gather [hbm4b:s19+s10], $0x190, $0x38;
	[tilespmem:$0x1D878] =	vst v63  }
0x1a9: {  	_ =	swait.ge [sflag:s29], $0x190  }
0x1aa: {  	[sflag:s29] =	ssyncset.done $0x0  }
0x1ab: {  	s7 =	sadd.s32 $0x5C558, s7;
	[sflag:s29] =	ssyncadd.s32 $0xFFFFFE70  }
0x1ac: {  	[tilespmem:s18], [sflag:$0xA] =	stream.linear.gather [hbm4b:s7+s10], $0x190, $0x38;
	[tilespmem:$0x1D878] =	vst v63  }
0x1ad: {  	_ =	swait.ge [sflag:s29], $0x190  }
0x1ae: {  	[sflag:s29] =	ssyncset.done $0x0  }
0x1af: {  	s7 =	simm.s32 $0x0;
	[sflag:s29] =	ssyncadd.s32 $0xFFFFFE70  }
0x1b0: {  	v3 =	vld [tilespmem:s7+$0x172E8]  }
0x1b1: {  	v0 =	vld [tilespmem:s7+$0x16E38];
	_ =	sdelay $0x1  }
0x1b2: {  	v1 =	vld [tilespmem:s7+$0x16FC8];
	_ =	sdelay $0x1  }
0x1b3: {  	v2 =	vld [tilespmem:s7+$0x17158];
	[tilespmem:s7+$0x18288] =	vst v3;
	v4 =	vadd.s32 $0xF4240, v3  }
0x1b4: {  	v5 =	vadd.s32 $0x7A120, v0;
	[tilespmem:s7+$0x185A8] =	vst v4  }
0x1b5: {  	v4 =	vadd.s32 $0xF4240, v0;
	[tilespmem:s7+$0x17608] =	vst v5  }
0x1b6: {  	v5 =	vadd.s32 $0x7A120, v1;
	[tilespmem:s7+$0x17798] =	vst v4  }
0x1b7: {  	v4 =	vadd.s32 $0xF4240, v1;
	[tilespmem:s7+$0x17AB8] =	vst v5  }
0x1b8: {  	v5 =	vadd.s32 $0x7A120, v2;
	[tilespmem:s7+$0x17C48] =	vst v4  }
0x1b9: {  	s9 =	simm.s32 $0x10;
	s10 =	simm.s32 $0x80;
	v3 =	vadd.s32 $0x7A120, v3;
	v4 =	vadd.s32 $0xF4240, v2;
	[tilespmem:s7+$0x17F68] =	vst v5  }
.LBB2_15:
0x1ba: {  	p0 =	seq.s32 s10, $0x600;
	v5 =	vld [tilespmem:s9+$0x172E8];
	[tilespmem:s7+$0x180F8] =	vst v4  }
0x1bb: {  	v4 =	vld [tilespmem:s9+$0x16E38];
	[tilespmem:s7+$0x18418] =	vst v3  }
0x1bc: {  	v6 =	vld [tilespmem:s9+$0x16FC8];
	[tilespmem:s7+$0x17478] =	vst v0  }
0x1bd: {  	v7 =	vld [tilespmem:s9+$0x17158];
	[tilespmem:s7+$0x17928] =	vst v1  }
0x1be: {  	[tilespmem:s7+$0x17DD8] =	vst v2;
	s7 =	smov.u32 s9  }
0x1bf: {  	[tilespmem:s7+$0x18288] =	vst v5;
	v3 =	vadd.s32 $0x7A120, v5;
	v5 =	vadd.s32 $0xF4240, v5  }
0x1c0: {  	v9 =	vadd.s32 $0x7A120, v4;
	v10 =	vadd.s32 $0xF4240, v4;
	[tilespmem:s7+$0x185A8] =	vst v5;
	v0 =	vmov v4  }
.Ltmp11:
0x1c1: {  	[tilespmem:s7+$0x17608] =	vst v9;
	v5 =	vadd.s32 $0x7A120, v6;
	v8 =	vadd.s32 $0xF4240, v6;
	v1 =	vmov v6;
	(pc) =	sbr.rel @!p0 .LBB2_15-.Ltmp11, $4  }
0x1c2: {  	[tilespmem:s7+$0x17798] =	vst v10;
	v6 =	vadd.s32 $0x7A120, v7;
	v4 =	vadd.s32 $0xF4240, v7;
	v2 =	vmov v7  }
0x1c3: {  	[tilespmem:s7+$0x17AB8] =	vst v5  }
0x1c4: {  	[tilespmem:s7+$0x17C48] =	vst v8  }
0x1c5: {  	s9 =	sshra.s32 s10, $0x2;
	s10 =	sadd.s32 $0x40, s10;
	[tilespmem:s7+$0x17F68] =	vst v6  }
0x1c6: {  	v5 =	vld [tilespmem:s9+$0x172E8];
	[tilespmem:s7+$0x180F8] =	vst v4  }
0x1c7: {  	v4 =	vld [tilespmem:s9+$0x16E38];
	[tilespmem:s7+$0x18418] =	vst v3  }
0x1c8: {  	v3 =	vld [tilespmem:s9+$0x16FC8];
	[tilespmem:s7+$0x17478] =	vst v0  }
0x1c9: {  	v0 =	vld [tilespmem:s9+$0x17158];
	[tilespmem:s7+$0x17928] =	vst v1  }
0x1ca: {  	[tilespmem:s7+$0x17DD8] =	vst v2  }
0x1cb: {  	[tilespmem:s9+$0x18288] =	vst v5;
	v56 =	vadd.s32 $0xF4240, v5  }
0x1cc: {  	v63 =	vadd.s32 $0x7A120, v5;
	[tilespmem:s9+$0x185A8] =	vst v56  }
0x1cd: {  	[tilespmem:s9+$0x18418] =	vst v63  }
0x1ce: {  	v57 =	vadd.s32 $0x7A120, v4;
	[tilespmem:s9+$0x17478] =	vst v4  }
0x1cf: {  	v58 =	vadd.s32 $0xF4240, v4;
	[tilespmem:s9+$0x17608] =	vst v57  }
0x1d0: {  	[tilespmem:s9+$0x17798] =	vst v58  }
0x1d1: {  	v59 =	vadd.s32 $0x7A120, v3;
	[tilespmem:s9+$0x17928] =	vst v3  }
.Ltmp12:
0x1d2: {  	v60 =	vadd.s32 $0xF4240, v3;
	[tilespmem:s9+$0x17AB8] =	vst v59;
	(pc) =	sbr.rel .LBB2_18-.Ltmp12, $4  }
0x1d3: {  	[tilespmem:s9+$0x17C48] =	vst v60  }
0x1d4: {  	v61 =	vadd.s32 $0x7A120, v0;
	[tilespmem:s9+$0x17DD8] =	vst v0  }
0x1d5: {  	v62 =	vadd.s32 $0xF4240, v0;
	[tilespmem:s9+$0x17F68] =	vst v61  }
0x1d6: {  	[tilespmem:s9+$0x180F8] =	vst v62  }
.LBB2_17:
.Ltmp13:
0x1d7: {  	(pc) =	sbr.rel @p0 .LBB2_21-.Ltmp13, $1  }
0x1d8: {  	_ =	sdelay $0x3  }
.LBB2_18:
0x1d9: {  	_ =	swait.ge [sflag:s22], $0x4B0  }
0x1da: {  	[sflag:s22] =	ssyncset.done $0x0  }
0x1db: {  	[sflag:s22] =	ssyncadd.s32 $0xFFFFFB50  }
0x1dc: {  	_ =	swait.ge [sflag:s23], $0x4B0  }
0x1dd: {  	[sflag:s23] =	ssyncset.done $0x0  }
0x1de: {  	[sflag:s23] =	ssyncadd.s32 $0xFFFFFB50  }
0x1df: {  	_ =	swait.ge [sflag:s24], $0x4B0  }
0x1e0: {  	[sflag:s24] =	ssyncset.done $0x0  }
0x1e1: {  	[sflag:s24] =	ssyncadd.s32 $0xFFFFFB50  }
0x1e2: {  	_ =	swait.ge [sflag:s25], $0x4B0  }
0x1e3: {  	s7 =	simm.s32 @!p1 $0x4B0;
	[sflag:s25] =	ssyncset.done $0x0  }
0x1e4: {  	s9 =	simm.s32 @!p1 $0x17478;
	s10 =	simm.s32 @!p1 $0x199F8;
	[sflag:s25] =	ssyncadd.s32 $0xFFFFFB50  }
0x1e5: {  	[tilespmem:s10], [sflag:$0x1] =	stream.indirect.gather @!p1 [spmem:s2], $0x1, s9, s7, $0xb8;
	[tilespmem:$0x1D878] =	vst v63  }
0x1e6: {  	s9 =	simm.s32 @!p1 $0x17928;
	s10 =	simm.s32 @!p1 $0x19EA8  }
0x1e7: {  	[tilespmem:s10], [sflag:$0x2] =	stream.indirect.gather @!p1 [spmem:s2], $0x1, s9, s7, $0xb8;
	[tilespmem:$0x1D878] =	vst v63  }
0x1e8: {  	s9 =	simm.s32 @!p1 $0x17DD8;
	s10 =	simm.s32 @!p1 $0x1A358  }
0x1e9: {  	[tilespmem:s10], [sflag:$0x3] =	stream.indirect.gather @!p1 [spmem:s2], $0x1, s9, s7, $0xb8;
	[tilespmem:$0x1D878] =	vst v63  }
0x1ea: {  	s9 =	simm.s32 @!p1 $0x18288;
	s10 =	simm.s32 @!p1 $0x1A808  }
0x1eb: {  	[tilespmem:s10], [sflag:$0x4] =	stream.indirect.gather @!p1 [spmem:s2], $0x1, s9, s7, $0xb8;
	[tilespmem:$0x1D878] =	vst v63  }
0x1ec: {  	s9 =	simm.s32 $0x0  }
0x1ed: {  	v0 =	vld [tilespmem:s9+$0x1ACB8]  }
0x1ee: {  	v1 =	vld [tilespmem:s9+$0x1B168]  }
0x1ef: {  	v2 =	vld [tilespmem:s9+$0x1AE48]  }
0x1f0: {  	v3 =	vld [tilespmem:s9+$0x1B2F8]  }
0x1f1: {  	v4 =	vld [tilespmem:s9+$0x1B488]  }
0x1f2: {  	v5 =	vld [tilespmem:s9+$0x1B618]  }
0x1f3: {  	v6 =	vld [tilespmem:s9+$0x1B7A8]  }
0x1f4: {  	v7 =	vld [tilespmem:s9+$0x1B938]  }
0x1f5: {  	v8 =	vld [tilespmem:s9+$0x1AFD8]  }
0x1f6: {  	v9 =	vld [tilespmem:s9+$0x1BC58]  }
0x1f7: {  	v10 =	vld [tilespmem:s9+$0x1BDE8]  }
0x1f8: {  	v11 =	vld [tilespmem:s9+$0x1BAC8];
	v0 =	vsub.f32 v1, v0;
	v2 =	vsub.f32 v3, v2  }
0x1f9: {  	v12 =	vsub.f32 v5, v1;
	v3 =	vsub.f32 v6, v3  }
0x1fa: {  	v13 =	vsub.f32 v7, v4;
	v14 =	vsub.f32 v4, v8  }
0x1fb: {  	v1 =	vsub.f32 v9, v6;
	v6 =	vmul.f32 v3, v0;
	v9 =	vmul.f32 v12, v2  }
0x1fc: {  	v8 =	vsub.f32 v10, v7;
	v2 =	vmul.f32 v13, v2;
	v15 =	vmul.f32 v3, v14  }
0x1fd: {  	v4 =	vsub.f32 v11, v5;
	v5 =	vmul.f32 v12, v14;
	v7 =	vmul.f32 v13, v0  }
0x1fe: {  	v10 =	vmul.f32 v8, v3;
	v11 =	vmul.f32 v1, v13  }
0x1ff: {  	v13 =	vmul.f32 v4, v13;
	v14 =	vmul.f32 v8, v12  }
0x200: {  	v12 =	vmul.f32 v1, v12;
	v0 =	vsub.f32 v2, v15;
	v2 =	vsub.f32 v5, v7  }
0x201: {  	v17 =	vsub.f32 v10, v11;
	v5 =	vmul.f32 v4, v3;
	v13 =	vsub.f32 v13, v14  }
0x202: {  	v3 =	vsub.f32 v6, v9;
	v7 =	vmul.f32 v0, v0;
	v10 =	vmul.f32 v2, v2  }
0x203: {  	v11 =	vmul.f32 v17, v17;
	v6 =	vmul.f32 v13, v13;
	v12 =	vsub.f32 v12, v5  }
0x204: {  	v5 =	vadd.f32 v10, v7  }
0x205: {  	v7 =	vmul.f32 v3, v3;
	v6 =	vadd.f32 v6, v11;
	v9 =	vmul.f32 v12, v12;
	_ =	sdelay $0x1  }
0x206: {  	v5 =	vadd.f32 v5, v7;
	v6 =	vadd.f32 v6, v9;
	_ =	sdelay $0x1  }
0x207: {  	v11 =	vmul.f32 v6, v5;
	_ =	sdelay $0x1  }
0x208: {  	v5 =	vmax.f32 v11, $1.000000020e-35  }
0x209: {  	v6 =	vshra.s32 v5, $0x1;
	v7 =	vmul.f32 $5.000000000e-01, v5  }
0x20a: {  	s10 =	simm.s32 $0x10;
	v5 =	vsub.s32 $0x5F3759DF, v6  }
0x20b: {  	v16 =	vld [tilespmem:s10+$0x1B618];
	v6 =	vmul.f32 v5, v7  }
0x20c: {  	v19 =	vld [tilespmem:s10+$0x1B7A8]  }
0x20d: {  	v21 =	vld [tilespmem:s10+$0x1B938];
	v6 =	vmul.f32 v5, v6  }
0x20e: {  	v22 =	vld [tilespmem:s10+$0x1AFD8]  }
0x20f: {  	v14 =	vld [tilespmem:s10+$0x1AE48];
	v6 =	vsub.f32 $1.500000000e+00, v6  }
0x210: {  	v15 =	vld [tilespmem:s10+$0x1B2F8]  }
0x211: {  	v10 =	vld [tilespmem:s10+$0x1B168];
	v5 =	vmul.f32 v5, v6  }
0x212: {  	v9 =	vld [tilespmem:s10+$0x1ACB8]  }
0x213: {  	v6 =	vld [tilespmem:s10+$0x1B488];
	v18 =	vmul.f32 v5, v7  }
0x214: {  	v23 =	vld [tilespmem:s10+$0x1BDE8]  }
0x215: {  	v18 =	vmul.f32 v18, v5  }
0x216: {  	v14 =	vsub.f32 v15, v14;
	v15 =	vsub.f32 v19, v15  }
0x217: {  	v20 =	vld [tilespmem:s10+$0x1BC58];
	v25 =	vsub.f32 v16, v10;
	v18 =	vsub.f32 $1.500000000e+00, v18  }
0x218: {  	v9 =	vsub.f32 v10, v9;
	v10 =	vsub.f32 v21, v6  }
0x219: {  	v24 =	vld [tilespmem:s10+$0x1BAC8];
	v22 =	vsub.f32 v6, v22;
	v6 =	vsub.f32 v23, v21;
	v18 =	vmul.f32 v18, v5;
	_ =	sdelay $0x1  }
0x21a: {  	v23 =	vmul.f32 v6, v15;
	v7 =	vmul.f32 v18, v7  }
0x21b: {  	v5 =	vsub.f32 v20, v19;
	v19 =	vmul.f32 v15, v9;
	v20 =	vmul.f32 v25, v14  }
0x21c: {  	v14 =	vmul.f32 v10, v14;
	v21 =	vmul.f32 v7, v18  }
0x21d: {  	v9 =	vmul.f32 v10, v9;
	v26 =	vmul.f32 v5, v25;
	v7 =	vsub.f32 v24, v16  }
0x21e: {  	v16 =	vmul.f32 v15, v22;
	v22 =	vmul.f32 v25, v22;
	v21 =	vsub.f32 $1.500000000e+00, v21  }
0x21f: {  	v24 =	vmul.f32 v5, v10;
	v27 =	vmul.f32 v7, v10  }
0x220: {  	v10 =	vsub.f32 v14, v16;
	v14 =	vmul.f32 v6, v25;
	v18 =	vmul.f32 v21, v18  }
0x221: {  	v9 =	vsub.f32 v22, v9;
	v21 =	vmul.f32 v7, v15;
	v15 =	vsub.f32 v23, v24  }
0x222: {  	v22 =	vmul.f32 v10, v10;
	v16 =	vsub.f32 v27, v14;
	v14 =	vmul.f32 v18, v11  }
0x223: {  	v18 =	vmul.f32 v9, v9;
	v23 =	vmul.f32 v15, v15;
	v11 =	vsub.f32 v19, v20  }
0x224: {  	v20 =	vmul.f32 v16, v16;
	v19 =	vsub.f32 v26, v21;
	(erf) = vrcp.f32 v14  }
0x225: {  	v14 =	vadd.f32 v18, v22  }
0x226: {  	v18 =	vmul.f32 v11, v11;
	v20 =	vadd.f32 v20, v23;
	v21 =	vmul.f32 v19, v19  }
0x227: {  	s7 =	simm.s32 $0x20;
	v17 =	vmul.f32 v17, v0;
	v13 =	vmul.f32 v13, v2  }
0x228: {  	v37 =	vld [tilespmem:s7+$0x1B938];
	v14 =	vadd.f32 v14, v18;
	v20 =	vadd.f32 v20, v21  }
0x229: {  	v13 =	vadd.f32 v13, v17;
	v17 =	vld [tilespmem:s7+$0x1B488]  }
0x22a: {  	v12 =	vmul.f32 v12, v3;
	v25 =	vld [tilespmem:s7+$0x1B7A8];
	v21 =	vmul.f32 v20, v14  }
0x22b: {  	v26 =	vld [tilespmem:s7+$0x1B618]  }
0x22c: {  	v12 =	vadd.f32 v13, v12;
	v22 =	vld [tilespmem:s7+$0x1B168];
	v20 =	vmax.f32 v21, $1.000000020e-35  }
0x22d: {  	v18 =	vld [tilespmem:s7+$0x1ACB8];
	v24 =	vshra.s32 v20, $0x1;
	v35 =	vmul.f32 $5.000000000e-01, v20;
	v13 =	vpop (erf)  }
0x22e: {  	v23 =	vld [tilespmem:s7+$0x1AE48];
	v27 =	vsub.s32 $0x5F3759DF, v24;
	v12 =	vmul.f32 v13, v12  }
0x22f: {  	v14 =	vld [tilespmem:s7+$0x1B2F8];
	v13 =	vmul.f32 v27, v35  }
0x230: {  	v29 =	vld [tilespmem:s7+$0x1BC58];
	v12 =	vmax.f32 v12, $-1.000000000e+00  }
0x231: {  	v28 =	vsub.f32 v37, v17;
	v13 =	vmul.f32 v27, v13;
	v12 =	vmin.f32 v12, $1.000000000e+00  }
0x232: {  	v38 =	vsub.f32 v22, v18;
	v24 =	vsub.f32 v26, v22;
	v20 =	vand.u32 $0x7FFFFFFF, v12  }
0x233: {  	v22 =	vsub.f32 $1.500000000e+00, v13;
	v18 =	vsub.f32 $1.000000000e+00, v20  }
0x234: {  	v31 =	vld [tilespmem:s7+$0x1BAC8];
	v30 =	vsub.f32 v14, v23;
	v23 =	vsub.f32 v25, v14  }
0x235: {  	v32 =	vld [tilespmem:s7+$0x1AFD8];
	v13 =	vsub.f32 v29, v25;
	v39 =	vmul.f32 v27, v22;
	v14 =	vmax.f32 v18, $1.000000000e-30  }
0x236: {  	v27 =	vshra.s32 v14, $0x1;
	v22 =	vmul.f32 $5.000000000e-01, v14;
	v14 =	vmul.f32 $-1.262491100e-03, v20  }
0x237: {  	v25 =	vmul.f32 v23, v38;
	v33 =	vmul.f32 v39, v35;
	v40 =	vsub.s32 $0x5F3759DF, v27  }
0x238: {  	v29 =	vmul.f32 v13, v24;
	v34 =	vmul.f32 v40, v22;
	v36 =	vadd.f32 $6.670089900e-03, v14  }
0x239: {  	v41 =	vld [tilespmem:s7+$0x1BDE8];
	v27 =	vmul.f32 v24, v30;
	v14 =	vsub.f32 v31, v26;
	v26 =	vmul.f32 v33, v39  }
0x23a: {  	v17 =	vsub.f32 v17, v32;
	v31 =	vmul.f32 v40, v34;
	v63 =	vmul.f32 v36, v20  }
0x23b: {  	v33 =	vmul.f32 v28, v30;
	v30 =	vmul.f32 v14, v23;
	v26 =	vsub.f32 $1.500000000e+00, v26  }
0x23c: {  	v36 =	vmul.f32 v23, v17;
	v31 =	vsub.f32 $1.500000000e+00, v31;
	v42 =	vadd.f32 $-1.708812640e-02, v63  }
0x23d: {  	v34 =	vmul.f32 v24, v17;
	v32 =	vmul.f32 v26, v39  }
0x23e: {  	v17 =	vsub.f32 v41, v37;
	v26 =	vmul.f32 v40, v31;
	v31 =	vmul.f32 v42, v20  }
0x23f: {  	s11 =	simm.s32 $0xC0;
	v37 =	vmul.f32 v28, v38;
	v35 =	vmul.f32 v32, v35  }
.LBB2_19:
0x240: {  	p0 =	sne.s32 s11, $0x600;
	v23 =	vmul.f32 v17, v23;
	v38 =	vmul.f32 v26, v22;
	v31 =	vadd.f32 $3.089188040e-02, v31  }
0x241: {  	v39 =	vmul.f32 v13, v28;
	v35 =	vmul.f32 v35, v32  }
0x242: {  	v38 =	vmul.f32 v38, v26;
	v31 =	vmul.f32 v31, v20  }
0x243: {  	v33 =	vsub.f32 v33, v36;
	v28 =	vmul.f32 v14, v28;
	v35 =	vsub.f32 $1.500000000e+00, v35  }
0x244: {  	v24 =	vmul.f32 v17, v24;
	v36 =	vsub.f32 $1.500000000e+00, v38;
	v31 =	vadd.f32 $-5.017430340e-02, v31  }
0x245: {  	v34 =	vsub.f32 v34, v37;
	v37 =	vmul.f32 v33, v33;
	v32 =	vmul.f32 v35, v32  }
0x246: {  	v23 =	vsub.f32 v23, v39;
	v26 =	vmul.f32 v36, v26;
	v31 =	vmul.f32 v31, v20  }
0x247: {  	v24 =	vsub.f32 v28, v24;
	v28 =	vmul.f32 v34, v34;
	v21 =	vmul.f32 v32, v21  }
0x248: {  	v32 =	vmul.f32 v23, v23;
	v22 =	vmul.f32 v26, v22;
	v31 =	vadd.f32 $8.897899090e-02, v31  }
0x249: {  	v25 =	vsub.f32 v25, v27;
	v27 =	vmul.f32 v24, v24;
	(erf) = vrcp.f32 v21  }
0x24a: {  	s12 =	sshra.s32 s11, $0x2;
	v29 =	vsub.f32 v29, v30;
	v21 =	vmul.f32 v22, v26;
	v22 =	vmul.f32 v31, v20  }
0x24b: {  	v28 =	vadd.f32 v28, v37;
	v27 =	vadd.f32 v27, v32;
	v31 =	vmul.f32 v25, v25;
	v30 =	vld [tilespmem:s12+$0x1ACB8]  }
0x24c: {  	v35 =	vmul.f32 v29, v29;
	v32 =	vld [tilespmem:s12+$0x1B168];
	v21 =	vsub.f32 $1.500000000e+00, v21;
	v22 =	vadd.f32 $-2.145988050e-01, v22  }
0x24d: {  	v36 =	vmul.f32 v16, v9;
	v28 =	vadd.f32 v28, v31;
	v31 =	vmul.f32 v15, v10;
	v15 =	vmovc v23  }
0x24e: {  	v16 =	vmovc v24;
	v23 =	vadd.f32 v27, v35;
	v26 =	vmul.f32 v21, v26;
	v20 =	vmul.f32 v22, v20  }
0x24f: {  	v8 =	vmul.f32 v8, v3;
	v3 =	vmovc v11;
	v27 =	vmul.f32 v19, v11;
	v36 =	vadd.f32 v36, v31;
	v22 =	vld [tilespmem:s12+$0x1AE48]  }
0x250: {  	v11 =	vmovc v25;
	v19 =	vmovc v29;
	v21 =	vmul.f32 v23, v28;
	v31 =	vld [tilespmem:s12+$0x1B2F8];
	v18 =	vmul.f32 v26, v18;
	v20 =	vadd.f32 $1.570796250e+00, v20  }
0x251: {  	v4 =	vmul.f32 v0, v4;
	v0 =	vmovc v10;
	v37 =	vmul.f32 v1, v2;
	v35 =	vsub.f32 v32, v30  }
0x252: {  	v28 =	vmax.f32 v21, $1.000000020e-35;
	v23 =	vadd.f32 v36, v27;
	v26 =	vld [tilespmem:s12+$0x1B488];
	v24 =	vpop (erf);
	v18 =	vmul.f32 v18, v20  }
0x253: {  	v2 =	vmovc v9;
	v25 =	vadd.f32 v37, v4;
	v10 =	vmovc v33;
	v38 =	vmul.f32 $5.000000000e-01, v28;
	v20 =	vshra.s32 v28, $0x1;
	v29 =	vld [tilespmem:s12+$0x1B618]  }
0x254: {  	v1 =	vmovc v5;
	v9 =	vmovc v34;
	v30 =	vsub.s32 $0x5F3759DF, v20;
	v20 =	vmul.f32 v24, v23;
	v27 =	vld [tilespmem:s12+$0x1B7A8];
	v23 =	vsub.f32 $3.141592740e+00, v18  }
0x255: {  	vm0 =	vge.f32 v12, $0.0e+00;
	v5 =	vmovc v13;
	v4 =	vmovc v7;
	v37 =	vld [tilespmem:s12+$0x1B938];
	v33 =	vsub.f32 v31, v22;
	v22 =	vmul.f32 v30, v38  }
0x256: {  	v7 =	vmovc v14;
	v25 =	vadd.f32 v8, v25;
	v8 =	vmovc v6;
	v12 =	vmax.f32 v20, $-1.000000000e+00;
	v13 =	vld [tilespmem:s12+$0x1BC58];
	v23 =	vsel vm0, v18, v23  }
0x257: {  	v6 =	vmovc v17;
	v12 =	vmin.f32 v12, $1.000000000e+00;
	v14 =	vmul.f32 v30, v22;
	v22 =	vsub.f32 $0.0e+00, v23  }
0x258: {  	vm0 =	vgt.f32 v25, $0.0e+00;
	v20 =	vand.u32 $0x7FFFFFFF, v12;
	v24 =	vsub.f32 v29, v32  }
0x259: {  	v18 =	vsub.f32 $1.000000000e+00, v20;
	v14 =	vsub.f32 $1.500000000e+00, v14;
	v17 =	vsel vm0, v23, v22  }
0x25a: {  	v23 =	vsub.f32 v27, v31;
	v32 =	vld [tilespmem:s12+$0x1BAC8];
	v28 =	vsub.f32 v37, v26;
	[tilespmem:s9+$0x1D6E8] =	vst v17;
	s9 =	smov.u32 s10;
	s10 =	smov.u32 s7;
	s7 =	smov.u32 s12  }
0x25b: {  	v17 =	vld [tilespmem:s7+$0x1AFD8];
	v13 =	vsub.f32 v13, v27;
	v31 =	vmul.f32 v30, v14;
	v14 =	vmax.f32 v18, $1.000000000e-30  }
0x25c: {  	v27 =	vshra.s32 v14, $0x1;
	v22 =	vmul.f32 $5.000000000e-01, v14;
	v14 =	vmul.f32 $-1.262491100e-03, v20  }
0x25d: {  	v25 =	vmul.f32 v23, v35;
	v30 =	vmul.f32 v31, v38;
	v39 =	vsub.s32 $0x5F3759DF, v27  }
0x25e: {  	v27 =	vmul.f32 v24, v33;
	v34 =	vmul.f32 v39, v22;
	v36 =	vadd.f32 $6.670089900e-03, v14  }
0x25f: {  	v40 =	vld [tilespmem:s7+$0x1BDE8];
	v14 =	vsub.f32 v32, v29;
	v29 =	vmul.f32 v13, v24;
	v32 =	vmul.f32 v30, v31  }
0x260: {  	v17 =	vsub.f32 v26, v17;
	v26 =	vmul.f32 v39, v34;
	v34 =	vmul.f32 v36, v20  }
.Ltmp14:
0x261: {  	v33 =	vmul.f32 v28, v33;
	v30 =	vmul.f32 v14, v23;
	v32 =	vsub.f32 $1.500000000e+00, v32;
	(pc) =	sbr.rel @p0 .LBB2_19-.Ltmp14, $4  }
0x262: {  	v36 =	vmul.f32 v23, v17;
	v26 =	vsub.f32 $1.500000000e+00, v26;
	v41 =	vadd.f32 $-1.708812640e-02, v34  }
0x263: {  	v34 =	vmul.f32 v24, v17;
	v32 =	vmul.f32 v32, v31  }
0x264: {  	v17 =	vsub.f32 v40, v37;
	v26 =	vmul.f32 v39, v26;
	v31 =	vmul.f32 v41, v20  }
0x265: {  	s11 =	sadd.s32 $0x40, s11;
	v37 =	vmul.f32 v28, v35;
	v35 =	vmul.f32 v32, v38  }
0x266: {  	v38 =	vmul.f32 v17, v23;
	v39 =	vmul.f32 v13, v28  }
0x267: {  	v52 =	vmul.f32 v14, v28;
	v53 =	vmul.f32 v17, v24  }
0x268: {  	v23 =	vsub.f32 v33, v36;
	v24 =	vsub.f32 v34, v37  }
0x269: {  	v54 =	vsub.f32 v38, v39;
	v28 =	vsub.f32 v52, v53  }
0x26a: {  	v25 =	vsub.f32 v25, v27;
	v36 =	vmul.f32 v23, v23;
	v55 =	vmul.f32 v24, v24  }
0x26b: {  	v29 =	vsub.f32 v29, v30;
	v56 =	vmul.f32 v54, v54;
	v57 =	vmul.f32 v28, v28  }
0x26c: {  	v59 =	vmul.f32 v25, v25  }
0x26d: {  	v60 =	vmul.f32 v29, v29;
	v58 =	vadd.f32 v55, v36;
	v27 =	vadd.f32 v57, v56;
	_ =	sdelay $0x1  }
0x26e: {  	v30 =	vadd.f32 v58, v59;
	v27 =	vadd.f32 v27, v60;
	_ =	sdelay $0x1  }
0x26f: {  	v27 =	vmul.f32 v27, v30;
	_ =	sdelay $0x1  }
0x270: {  	v30 =	vmax.f32 v27, $1.000000020e-35  }
0x271: {  	v61 =	vshra.s32 v30, $0x1;
	v30 =	vmul.f32 $5.000000000e-01, v30  }
0x272: {  	v33 =	vsub.s32 $0x5F3759DF, v61  }
0x273: {  	v62 =	vmul.f32 v33, v30;
	_ =	sdelay $0x1  }
0x274: {  	v36 =	vmul.f32 v33, v62;
	_ =	sdelay $0x1  }
0x275: {  	v36 =	vsub.f32 $1.500000000e+00, v36;
	_ =	sdelay $0x1  }
0x276: {  	v33 =	vmul.f32 v33, v36;
	_ =	sdelay $0x1  }
0x277: {  	v36 =	vmul.f32 v33, v30;
	_ =	sdelay $0x1  }
0x278: {  	v36 =	vmul.f32 v36, v33;
	_ =	sdelay $0x1  }
0x279: {  	v36 =	vsub.f32 $1.500000000e+00, v36;
	_ =	sdelay $0x1  }
0x27a: {  	v33 =	vmul.f32 v36, v33;
	_ =	sdelay $0x1  }
0x27b: {  	v35 =	vmul.f32 v35, v32;
	v30 =	vmul.f32 v33, v30;
	_ =	sdelay $0x1  }
0x27c: {  	v35 =	vsub.f32 $1.500000000e+00, v35;
	v30 =	vmul.f32 v30, v33;
	_ =	sdelay $0x1  }
0x27d: {  	v63 =	vmul.f32 v35, v32;
	v30 =	vsub.f32 $1.500000000e+00, v30;
	_ =	sdelay $0x1  }
0x27e: {  	v21 =	vmul.f32 v63, v21;
	v32 =	vmul.f32 v30, v33;
	_ =	sdelay $0x1  }
0x27f: {  	(erf) = vrcp.f32 v21;
	v21 =	vmul.f32 v32, v27;
	_ =	sdelay $0x1  }
0x280: {  	(erf) = vrcp.f32 v21;
	_ =	sdelay $0x1  }
0x281: {  	v15 =	vmul.f32 v15, v10;
	v16 =	vmul.f32 v16, v9  }
0x282: {  	v34 =	vmul.f32 v54, v23  }
0x283: {  	v15 =	vadd.f32 v16, v15;
	v35 =	vmul.f32 v28, v24;
	v33 =	vmul.f32 v19, v11;
	_ =	sdelay $0x1  }
0x284: {  	v37 =	vmul.f32 v29, v25;
	v16 =	vadd.f32 v35, v34;
	v15 =	vadd.f32 v15, v33  }
0x285: {  	v36 =	vpop (erf)  }
0x286: {  	v16 =	vadd.f32 v16, v37;
	v15 =	vmul.f32 v36, v15  }
0x287: {  	v38 =	vpop (erf)  }
0x288: {  	v15 =	vmax.f32 v15, $-1.000000000e+00;
	v16 =	vmul.f32 v38, v16  }
0x289: {  	v41 =	vadd.f32 $3.089188040e-02, v31;
	v15 =	vmin.f32 v15, $1.000000000e+00  }
0x28a: {  	v3 =	vmul.f32 v8, v3;
	v21 =	vand.u32 $0x7FFFFFFF, v15;
	v16 =	vmax.f32 v16, $-1.000000000e+00  }
0x28b: {  	v0 =	vmul.f32 v0, v4;
	v19 =	vsub.f32 $1.000000000e+00, v21;
	v16 =	vmin.f32 v16, $1.000000000e+00  }
0x28c: {  	v1 =	vmul.f32 v1, v2;
	v6 =	vmul.f32 v6, v11;
	v31 =	vand.u32 $0x7FFFFFFF, v16  }
0x28d: {  	v7 =	vmul.f32 v10, v7;
	v40 =	vmax.f32 v19, $1.000000000e-30;
	v33 =	vsub.f32 $1.000000000e+00, v31  }
0x28e: {  	v39 =	vmul.f32 v26, v22;
	v43 =	vmul.f32 $-1.262491100e-03, v21;
	v42 =	vshra.s32 v40, $0x1  }
0x28f: {  	v28 =	vmul.f32 $5.000000000e-01, v40;
	v30 =	vsub.s32 $0x5F3759DF, v42;
	v45 =	vmax.f32 v33, $1.000000000e-30  }
0x290: {  	v47 =	vmul.f32 $-1.262491100e-03, v31;
	v46 =	vshra.s32 v45, $0x1;
	v35 =	vmul.f32 $5.000000000e-01, v45  }
0x291: {  	v32 =	vadd.f32 $6.670089900e-03, v43;
	v44 =	vmul.f32 v30, v28;
	v36 =	vsub.s32 $0x5F3759DF, v46  }
0x292: {  	v27 =	vmul.f32 v39, v26;
	v37 =	vadd.f32 $6.670089900e-03, v47;
	v48 =	vmul.f32 v36, v35  }
0x293: {  	v32 =	vmul.f32 v32, v21;
	v34 =	vmul.f32 v30, v44  }
0x294: {  	v27 =	vsub.f32 $1.500000000e+00, v27;
	v37 =	vmul.f32 v37, v31;
	v51 =	vmul.f32 v36, v48  }
0x295: {  	v5 =	vmul.f32 v5, v9;
	v32 =	vadd.f32 $-1.708812640e-02, v32;
	v50 =	vsub.f32 $1.500000000e+00, v34  }
0x296: {  	v49 =	vmul.f32 v27, v26;
	v54 =	vadd.f32 $-1.708812640e-02, v37;
	v53 =	vsub.f32 $1.500000000e+00, v51  }
0x297: {  	v52 =	vmul.f32 v32, v21;
	v27 =	vmul.f32 v30, v50  }
0x298: {  	vm0 =	vge.f32 v12, $0.0e+00;
	v34 =	vmul.f32 v54, v31;
	v32 =	vmul.f32 v36, v53  }
0x299: {  	v29 =	vmul.f32 v41, v20;
	v30 =	vadd.f32 $3.089188040e-02, v52;
	v56 =	vmul.f32 v27, v28  }
0x29a: {  	v55 =	vmul.f32 v49, v22;
	v34 =	vadd.f32 $3.089188040e-02, v34;
	v58 =	vmul.f32 v32, v35  }
0x29b: {  	v29 =	vadd.f32 $-5.017430340e-02, v29;
	v30 =	vmul.f32 v30, v21;
	v57 =	vmul.f32 v56, v27  }
0x29c: {  	v0 =	vadd.f32 v1, v0;
	v34 =	vmul.f32 v34, v31;
	v37 =	vmul.f32 v58, v32  }
0x29d: {  	v29 =	vmul.f32 v29, v20;
	v30 =	vadd.f32 $-5.017430340e-02, v30;
	v36 =	vsub.f32 $1.500000000e+00, v57  }
0x29e: {  	v22 =	vmul.f32 v55, v49;
	v34 =	vadd.f32 $-5.017430340e-02, v34;
	v61 =	vsub.f32 $1.500000000e+00, v37  }
0x29f: {  	v29 =	vadd.f32 $8.897899090e-02, v29;
	v60 =	vmul.f32 v30, v21;
	v59 =	vmul.f32 v36, v27  }
0x2a0: {  	v22 =	vsub.f32 $1.500000000e+00, v22;
	v36 =	vmul.f32 v34, v31;
	v63 =	vmul.f32 v61, v32  }
0x2a1: {  	v29 =	vmul.f32 v29, v20;
	v27 =	vadd.f32 $8.897899090e-02, v60;
	v28 =	vmul.f32 v59, v28  }
0x2a2: {  	v22 =	vmul.f32 v22, v49;
	v30 =	vadd.f32 $8.897899090e-02, v36;
	v38 =	vmul.f32 v63, v35  }
0x2a3: {  	v29 =	vadd.f32 $-2.145988050e-01, v29;
	v27 =	vmul.f32 v27, v21;
	v37 =	vmul.f32 v28, v59  }
0x2a4: {  	v5 =	vadd.f32 v5, v7;
	v42 =	vmul.f32 v30, v31;
	v41 =	vmul.f32 v38, v63  }
0x2a5: {  	v62 =	vmul.f32 v29, v20;
	v40 =	vadd.f32 $-2.145988050e-01, v27;
	v39 =	vsub.f32 $1.500000000e+00, v37  }
0x2a6: {  	v18 =	vmul.f32 v22, v18;
	v46 =	vadd.f32 $-2.145988050e-01, v42;
	v45 =	vsub.f32 $1.500000000e+00, v41  }
0x2a7: {  	v20 =	vadd.f32 $1.570796250e+00, v62;
	v44 =	vmul.f32 v40, v21;
	v43 =	vmul.f32 v39, v59  }
0x2a8: {  	v0 =	vadd.f32 v3, v0;
	v50 =	vmul.f32 v46, v31;
	v49 =	vmul.f32 v45, v63  }
0x2a9: {  	v18 =	vmul.f32 v18, v20;
	v48 =	vadd.f32 $1.570796250e+00, v44;
	v47 =	vmul.f32 v43, v19  }
0x2aa: {  	v5 =	vadd.f32 v6, v5;
	v53 =	vadd.f32 $1.570796250e+00, v50;
	v52 =	vmul.f32 v49, v33  }
0x2ab: {  	v56 =	vmul.f32 v23, v14;
	v51 =	vsub.f32 $3.141592740e+00, v18;
	v1 =	vmul.f32 v47, v48  }
0x2ac: {  	vm13 =	vgt.f32 v0, $0.0e+00;
	v57 =	vmul.f32 v13, v24;
	v2 =	vmul.f32 v52, v53  }
0x2ad: {  	vm11 =	vge.f32 v15, $0.0e+00;
	v54 =	vsel vm0, v18, v51;
	v55 =	vsub.f32 $3.141592740e+00, v1  }
0x2ae: {  	v3 =	vadd.f32 v57, v56;
	v59 =	vmul.f32 v17, v25;
	v58 =	vsub.f32 $3.141592740e+00, v2  }
0x2af: {  	vm12 =	vge.f32 v16, $0.0e+00;
	v60 =	vsub.f32 $0.0e+00, v54;
	v1 =	vsel vm11, v1, v55  }
0x2b0: {  	v3 =	vadd.f32 v59, v3;
	v61 =	vsub.f32 $0.0e+00, v1;
	v2 =	vsel vm12, v2, v58  }
0x2b1: {  	vm14 =	vgt.f32 v5, $0.0e+00;
	v4 =	vsel vm13, v54, v60;
	v62 =	vsub.f32 $0.0e+00, v2  }
0x2b2: {  	s8 =	smul.u32 $0x32, s8;
	[tilespmem:s9+$0x1D6E8] =	vst v4;
	vm15 =	vgt.f32 v3, $0.0e+00;
	v0 =	vsel vm14, v1, v61  }
0x2b3: {  	[tilespmem:s10+$0x1D6E8] =	vst v0;
	v63 =	vsel vm15, v2, v62  }
.Ltmp15:
0x2b4: {  	s19 =	sadd.s32 s6, s8;
	[tilespmem:s7+$0x1D6E8] =	vst v63;
	(pc) =	sbr.rel .LBB2_21-.Ltmp15, $4  }
0x2b5: {  	[hbm4b:s19+s3] =	stream.linear.scatter [tilespmem:s21], [sflag:$0x9], $0x190, $0x38;
	[tilespmem:$0x1D878] =	vst v63  }
0x2b6: {  	_ =	swait.ge [sflag:s15], $0x190  }
0x2b7: {  	[sflag:s15] =	ssyncset.done $0x0  }
0x2b8: {  	[sflag:s15] =	ssyncadd.s32 $0xFFFFFE70  }
.LBB2_23:
0x2b9: {  	_ =	sfence.sel $0x180000  }
0x2ba: {  	[bflag:$0x0] =	sbarrier.arrive $0xFFFF  }
0x2bb: {  	_ =	strace $0x9000004A  }
0x2bc: {  	[bflag:$0x2] =	sbarrier.arrive $0xFFFF  }
0x2bd: {  	p0 =	sne.s32 s0, $0x0;
	s0 =	rddreg [dreg:$0x3]  }
0x2be: {  	s0 =	sadd.s32 @!p0 $0x100000, s0  }
0x2bf: {  	[sflag:s0] =	ssyncadd.tile.s32 @!p0 $0x1;
	_ =	shalt  }
.Lfunc_end2:
_tile_overlayer_lowered:
.L_overlay_start_2:
0x2c0: {  	(tag) =	ssettag $0x2  }
0x2c1: {  	s0 =	rddreg [dreg:$0x0];
	s2 =	stileid.u32  }
0x2c2: {  	s1 =	rddreg [dreg:$0x1];
	p0 =	sne.s32 s2, $0x0  }
0x2c3: {  	s3 =	rddreg [dreg:$0x2];
	[bflag:$0x3] =	sbarrier.arrive $0xFFFF;
	s2 =	simm.s32 @!p0 $0x1C09  }
0x2c4: {  	[timem:s3], [sflag:s2] =	dma.local @!p0 [hbm:s0], s1  }
0x2c5: {  	s0 =	simm.s32 @!p0 $0x9  }
0x2c6: {  	_ =	swait.ge @!p0 [sflag:s0], s1  }
0x2c7: {  	s1 =	ssub.s32 @!p0 $0x0, s1;
	[sflag:s0] =	ssyncset.done @!p0 $0x0  }
0x2c8: {  	[sflag:s0] =	ssyncadd.s32 @!p0 s1  }
0x2c9: {  	[bflag:$0x3] =	sbarrier.arrive $0xFFFF  }
0x2ca: {  	_ =	shalt  }

// kernel: kernel.7.cloned.1.call-start
scs
__scs_entry_jumppad:
0x0: {  	(pc) =	sbr.rel $0x88, $3  }
0x1: {  	(tag) =	ssettag $0x0;
	lr =	simm.s32 $0x1  }
0x2: {  	[smem:$0x3F9F] =	sst lr;
	_ =	strace $0xD0000000  }
0x3: {  	_ = 	snop  }
0x4: {  	_ = 	snop  }
0x5: {  	_ = 	snop  }
0x6: {  	_ = 	snop  }
0x7: {  	_ = 	snop  }
__scs_overlays_trampoline_lowered:
0x8: {  	[smem:$0x3FAE] =	sst s0  }
0x9: {  	[smem:$0x3FAF] =	sst s1  }
0xa: {  	[smem:$0x3FB0] =	sst s2  }
0xb: {  	[smem:$0x3FB1] =	sst s3  }
0xc: {  	[smem:$0x3FB2] =	sst s4  }
0xd: {  	[smem:$0x3FB3] =	sst s5  }
0xe: {  	[smem:$0x3FB4] =	sst s6  }
0xf: {  	[smem:$0x3FB5] =	sst s7  }
0x10: {  	[smem:$0x3FB6] =	sst s8  }
0x11: {  	[smem:$0x3FB7] =	sst s9;
	s0 =	simm.s32 @!p0 $0x0  }
0x12: {  	s1 =	sld [smem:$0x3F9D];
	s0 =	simm.s32 @p0 $0x1  }
0x13: {  	[smem:$0x3FB8] =	sst s0;
	s0 =	simm.s32 @!p1 $0x0  }
0x14: {  	s2 =	sld [smem:$0x3F9C];
	s0 =	simm.s32 @p1 $0x1  }
0x15: {  	[smem:$0x3FB9] =	sst s0;
	s0 =	simm.s32 @!p2 $0x0  }
0x16: {  	s3 =	sld [smem:$0x3FDB];
	s0 =	simm.s32 @p2 $0x1  }
0x17: {  	s4 =	simm.s32 $0x1BF5;
	[smem:$0x3FBB] =	sst s0  }
0x18: {  	s0 =	sld [smem:$0x3F9E];
	_ =	swait.ge [sflag:s4], $0x0  }
0x19: {  	s7 =	sld [smem:$0x3F9F]  }
0x1a: {  	s8 =	sadd.s32 $0xFFFFE003, lr  }
0x1b: {  	s9 =	sadd.s32 $0xFFFFFEF7, lr;
	s5 =	simm.s32 $0xFFFFFFFF;
	p2 =	slt.u32 s8, $0xFFFFF086  }
0x1c: {  	p1 =	slt.u32 s9, $0xF7A;
	s5 =	simm.s32 @!p2 $0x0  }
0x1d: {  	s5 =	simm.s32 @p1 $0x1;
	p0 =	seq.s32 s7, s2  }
0x1e: {  	s7 =	smul.u32 @!p0 $0xF7A, s2;
	p2 =	seq.s32 @!p0 s5, $0x0  }
0x1f: {  	s9 =	smul.u32 $0xF7A, s1;
	s8 =	simm.s32 @!p0 $0x1BF5;
	p2 =	por !p2, p0  }
0x20: {  	[sflag:s8] =	ssyncset.s32 @!p0 $0xFFFFF086;
	s6 =	sadd.s32 @!p0 s3, s7;
	s7 =	simm.s32 @!p0 $0x108  }
0x21: {  	s3 =	sadd.s32 s3, s9;
	s6 =	sadd.s32 @!p0 $0x88, s6;
	s7 =	simm.s32 @p2 $0x1082  }
0x22: {  	[simem:s7], [sflag:s8] =	dma.local @!p0 [hbm:s6], $0xF7A  }
0x23: {  	s9 =	sor.u32 $0xD0000000, s2;
	s6 =	simm.s32 $0x108;
	_ =	swait.ge @!p0 [sflag:s8], $0x0  }
0x24: {  	s3 =	sadd.s32 $0x88, s3;
	s6 =	simm.s32 @!p1 $0x1082;
	[sflag:s4] =	ssyncset.s32 $0xFFFFF086  }
0x25: {  	[simem:s6], [sflag:s4] =	dma.local [hbm:s3], $0xF7A  }
0x26: {  	[smem:$0x3F9F] =	sst s1;
	(tag) =	ssettag s2;
	_ =	strace s9  }
0x27: {  	s1 =	sld [smem:$0x3FAF]  }
0x28: {  	s2 =	sld [smem:$0x3FB0]  }
0x29: {  	s4 =	sld [smem:$0x3FB2]  }
0x2a: {  	p0 =	seq.s32 s5, $0x0;
	s5 =	sld [smem:$0x3FB3]  }
0x2b: {  	s6 =	sld [smem:$0x3FB4]  }
0x2c: {  	s7 =	sld [smem:$0x3FB5]  }
0x2d: {  	s3 =	simm.s32 $0x108;
	s8 =	sld [smem:$0x3FB6]  }
0x2e: {  	s3 =	simm.s32 @!p0 $0x1082;
	s9 =	sld [smem:$0x3FB7]  }
0x2f: {  	lr =	sadd.s32 s0, s3;
	s0 =	sld [smem:$0x3FAE]  }
0x30: {  	s3 =	sld [smem:$0x3FB1]  }
0x31: {  	[smem:$0x3FBA] =	sst s10  }
0x32: {  	s10 =	sld [smem:$0x3FB8];
	_ =	sdelay $0x3  }
0x33: {  	p0 =	seq.s32 s10, $0x1;
	s10 =	sld [smem:$0x3FBA];
	_ =	sdelay $0x3  }
0x34: {  	[smem:$0x3FBA] =	sst s10  }
0x35: {  	s10 =	sld [smem:$0x3FB9];
	_ =	sdelay $0x3  }
0x36: {  	p1 =	seq.s32 s10, $0x1;
	s10 =	sld [smem:$0x3FBA];
	_ =	sdelay $0x3  }
0x37: {  	[smem:$0x3FBA] =	sst s10  }
0x38: {  	s10 =	sld [smem:$0x3FBB]  }
0x39: {  	_ = 	snop;
	(pc) =	sbr.ind lr, $3  }
0x3a: {  	_ = 	snop  }
0x3b: {  	_ = 	snop  }
0x3c: {  	p2 =	seq.s32 s10, $0x1;
	s10 =	sld [smem:$0x3FBA]  }
0x3d: {  	_ =	shalt  }
0x3e: {  	_ =	shalt  }
0x3f: {  	_ =	shalt  }
0x40: {  	_ =	shalt  }
0x41: {  	_ =	shalt  }
0x42: {  	_ =	shalt  }
0x43: {  	_ =	shalt  }
0x44: {  	_ =	shalt  }
0x45: {  	_ =	shalt  }
0x46: {  	_ =	shalt  }
0x47: {  	_ =	shalt  }
0x48: {  	_ =	shalt  }
0x49: {  	_ =	shalt  }
0x4a: {  	_ =	shalt  }
0x4b: {  	_ =	shalt  }
0x4c: {  	_ =	shalt  }
0x4d: {  	_ =	shalt  }
0x4e: {  	_ =	shalt  }
0x4f: {  	_ =	shalt  }
0x50: {  	_ =	shalt  }
0x51: {  	_ =	shalt  }
0x52: {  	_ =	shalt  }
0x53: {  	_ =	shalt  }
0x54: {  	_ =	shalt  }
0x55: {  	_ =	shalt  }
0x56: {  	_ =	shalt  }
0x57: {  	_ =	shalt  }
0x58: {  	_ =	shalt  }
0x59: {  	_ =	shalt  }
0x5a: {  	_ =	shalt  }
0x5b: {  	_ =	shalt  }
0x5c: {  	_ =	shalt  }
0x5d: {  	_ =	shalt  }
0x5e: {  	_ =	shalt  }
0x5f: {  	_ =	shalt  }
0x60: {  	_ =	shalt  }
0x61: {  	_ =	shalt  }
0x62: {  	_ =	shalt  }
0x63: {  	_ =	shalt  }
0x64: {  	_ =	shalt  }
0x65: {  	_ =	shalt  }
0x66: {  	_ =	shalt  }
0x67: {  	_ =	shalt  }
0x68: {  	_ =	shalt  }
0x69: {  	_ =	shalt  }
0x6a: {  	_ =	shalt  }
0x6b: {  	_ =	shalt  }
0x6c: {  	_ =	shalt  }
0x6d: {  	_ =	shalt  }
0x6e: {  	_ =	shalt  }
0x6f: {  	_ =	shalt  }
0x70: {  	_ =	shalt  }
0x71: {  	_ =	shalt  }
0x72: {  	_ =	shalt  }
0x73: {  	_ =	shalt  }
0x74: {  	_ =	shalt  }
0x75: {  	_ =	shalt  }
0x76: {  	_ =	shalt  }
0x77: {  	_ =	shalt  }
0x78: {  	_ =	shalt  }
0x79: {  	_ =	shalt  }
0x7a: {  	_ =	shalt  }
0x7b: {  	_ =	shalt  }
0x7c: {  	_ =	shalt  }
0x7d: {  	_ =	shalt  }
0x7e: {  	_ =	shalt  }
0x7f: {  	_ =	shalt  }
0x80: {  	_ =	shalt  }
0x81: {  	_ =	shalt  }
0x82: {  	_ =	shalt  }
0x83: {  	_ =	shalt  }
0x84: {  	_ =	shalt  }
0x85: {  	_ =	shalt  }
0x86: {  	_ =	shalt  }
0x87: {  	_ =	shalt  }
.Lfunc_end0:
.L_simem_size_0:
called_computation.1_lowered:
.L_overlay_start_0:
0x88: {  	s2 =	sld [smem:$0x3FD9]  }
0x89: {  	s3 =	sld [smem:$0x3FFE];
	_ =	sdelay $0x1  }
0x8a: {  	s1 =	srdreg.scid  }
0x8b: {  	s0 =	sand.u32 $0x1, s1  }
0x8c: {  	s17 =	sshll.u32 s0, $0xA;
	s2 =	sadd.s32 s3, s2  }
0x8d: {  	s2 =	sadd.s32 s2, s17  }
0x8e: {  	[smem:$0x3FC6] =	sst s2  }
0x8f: {  	_ = 	snop  }
0x90: {  	s2 =	sld [smem:$0x3FD0];
	(tm) =	ssettm $0x1  }
0x91: {  	s18 =	sld [smem:$0x3FFB];
	_ =	sdelay $0x3  }
0x92: {  	_ =	strace s18  }
0x93: {  	s3 =	sld [smem:$0x3FFC];
	_ =	sdelay $0x3  }
0x94: {  	_ =	strace s3  }
0x95: {  	s3 =	sld [smem:$0x3FFD];
	_ =	sdelay $0x3  }
0x96: {  	_ =	strace s3  }
0x97: {  	_ =	strace $0x8FFFFFFF  }
0x98: {  	s19 =	sld [smem:$0x3FDB];
	_ =	sdelay $0x1  }
0x99: {  	s4 =	simm.s32 $_scs_section_size  }
0x9a: {  	s5 =	simm.s32 $_size__tile_overlayer_lowered;
	s6 =	simm.s32 $_tile_overlayer_lowered  }
0x9b: {  	s22 =	simm.s32 $0x1BFF;
	s21 =	sshll.u32 s6, $0x1;
	s3 =	sadd.s32 s4, s19  }
0x9c: {  	s7 =	simm.s32 $0x0;
	s20 =	sshll.u32 s5, $0x1;
	s5 =	sadd.s32 s21, s3  }
0x9d: {  	[timem:s7], [sflag:s22] =	dma.local [hbm:s5], s20  }
0x9e: {  	_ =	swait.ge [sflag:s22], s20  }
0x9f: {  	s4 =	ssub.s32 $0x0, s20;
	[sflag:s22] =	ssyncset.done $0x0  }
0xa0: {  	[sflag:s22] =	ssyncadd.s32 s4;
	_ =	sdelay $0x1  }
0xa1: {  	s23 =	simm.s32 $0x1B8B  }
0xa2: {  	_ =	swait.ge [sflag:s23], $0x1  }
0xa3: {  	[sflag:s23] =	ssyncset.done $0x0  }
0xa4: {  	s25 =	simm.s32 $0x1B8E;
	s24 =	sld [smem:$0x3FFE];
	[sflag:s23] =	ssyncadd.s32 $0xFFFFFFFF  }
0xa5: {  	s26 =	simm.s32 $execute0_lowered;
	[smem:$0x3FD2] =	sst s25  }
0xa6: {  	s5 =	sshll.u32 s26, $0x1;
	_ =	strace $0x80000046;
	[dreg:$0x1] =	wrdreg $0xFFFFFFFF  }
0xa7: {  	s28 =	simm.s32 $_size_execute0_lowered;
	s3 =	sadd.s32 s3, s5;
	[dreg:$0x0] =	wrdreg $0x0  }
0xa8: {  	s5 =	sshll.u32 s28, $0x1;
	[dreg:$0x2] =	wrdreg s3  }
0xa9: {  	[dreg:$0x3] =	wrdreg s5  }
0xaa: {  	[dreg:$0x4] =	wrdreg $0xC0  }
0xab: {  	_ =	task [dreg:s7], $0x5FFFF  }
0xac: {  	[dreg:$0x1] =	wrdreg $0xFFFFFFFF  }
0xad: {  	[dreg:$0x0] =	wrdreg $0x60  }
0xae: {  	[dreg:$0x2] =	wrdreg s24  }
0xaf: {  	[dreg:$0x3] =	wrdreg s2  }
0xb0: {  	[dreg:$0x4] =	wrdreg $0x0  }
0xb1: {  	[dreg:$0x5] =	wrdreg $0xA  }
0xb2: {  	_ =	task.clear_ibuf [dreg:s7], $0x6FFFF;
	_ =	strace $0x90000046  }
0xb3: {  	s29 =	simm.s32 $0xA;
	_ =	strace $0x80000048  }
0xb4: {  	_ =	swait.ge [sflag:s29], $0x1  }
0xb5: {  	[sflag:s29] =	ssyncadd.s32 $0xFFFFFFFF  }
0xb6: {  	_ =	strace $0x90000048  }
0xb7: {  	_ =	sfence  }
0xb8: {  	s30 =	sld [smem:$0x0];
	_ =	sdelay $0x2  }
0xb9: {  	s31 =	sshll.u32 s1, $0xD;
	s1 =	sshrl.u32 s1, $0x2  }
0xba: {  	s3 =	sand.u32 $0x4000, s31;
	s1 =	sadd.s32 s1, s30  }
0xbb: {  	s0 =	sor.u32 s3, s0;
	s1 =	sshll.u32 s1, $0x11  }
0xbc: {  	s0 =	sor.u32 s1, s0  }
0xbd: {  	s0 =	sadd.s32 $0x8F2B, s0  }
0xbe: {  	[sflag:s0] =	ssyncadd.remote.s32 $0x1  }
0xbf: {  	_ =	sfence.sel $0xFFFF  }
0xc0: {  	[dreg:$0x0] =	wrdreg $0xFFFFFFFF;
	(pc) =	sbr.abs _section_cstart, $3  }
0xc1: {  	[dreg:$0x1] =	wrdreg $0xFFFFFFFF  }
0xc2: {  	_ =	task.clear_ibuf [dreg:s7], $0x2FFFF;
	_ =	strace $0x9FFFFFFF  }
0xc3: {  	(tm) =	ssettm $0x7FFFFFFF  }
tec
execute0_lowered:
.L_overlay_start_1:
0x0: {  	(tag) =	ssettag $0x1  }
0x1: {  	s1 =	rddreg [dreg:$0x0]  }
0x2: {  	s7 =	rddreg [dreg:$0x1]  }
0x3: {  	s3 =	srdreg.scid;
	s0 =	stileid.u32  }
0x4: {  	s2 =	rddreg [dreg:$0x2];
	s14 =	simm.s32 $0x16E38;
	s15 =	simm.s32 $0x9  }
0x5: {  	s16 =	simm.s32 $0x16FC8;
	s17 =	simm.s32 $0x17158;
	s18 =	simm.s32 $0x172E8  }
0x6: {  	s29 =	simm.s32 $0xA;
	s30 =	simm.s32 $0x1;
	s31 =	simm.s32 $0x2  }
0x7: {  	s20 =	simm.s32 $0x4;
	s21 =	simm.s32 $0x1D6E8;
	s6 =	sand.u32 $0x1, s3  }
0x8: {  	s4 =	sshll.u32 s0, $0x1;
	s3 =	simm.s32 $0x0;
	s23 =	smul.u32 $0x5DC0, s0  }
0x9: {  	s5 =	sadd.s32 $0xA00, s1;
	s26 =	smul.u32 $0x2EE, s0;
	s4 =	sor.u32 s6, s4  }
0xa: {  	[smem:$0x7FF] =	sst s3;
	s9 =	ssub.s32 $0x2, s6;
	s6 =	sadd.s32 $0x7AC00, s1  }
0xb: {  	s8 =	smul.u32 $0x190, s4;
	_ =	strace $0x80000047;
	s22 =	sshrl.u32 s9, $0x1  }
0xc: {  	s28 =	sshrl.u32 s23, $0x2;
	s7 =	sadd.s32 s26, s7;
	s1 =	ssub.s32 s9, s22  }
0xd: {  	[dreg:$0x9] =	wrdreg s7;
	s8 =	sshrl.u32 s8, $0x3;
	s1 =	smax.u32 s1, $0x1  }
0xe: {  	s23 =	simm.s32 $0x6;
	s10 =	sadd.s32 s5, s8;
	[dreg:$0x8] =	wrdreg s1  }
.Ltmp0:
0xf: {  	s1 =	sadd.s32 s28, s2;
	[dreg:$0x4] =	wrdreg s10;
	(pc) =	sbr.rel .LBB2_1-.Ltmp0, $4  }
0x10: {  	s26 =	simm.s32 $0x0;
	s24 =	sadd.s32 $0x1E848, s10;
	[dreg:$0xa] =	wrdreg s1  }
0x11: {  	s22 =	simm.s32 $0x5;
	s25 =	sadd.s32 $0x3D090, s10;
	[dreg:$0x5] =	wrdreg s24  }
0x12: {  	s10 =	sadd.s32 $0x5B8D8, s10;
	s1 =	simm.s32 $0x3;
	[dreg:$0x6] =	wrdreg s25  }
0x13: {  	[dreg:$0x7] =	wrdreg s10;
	s24 =	simm.s32 $0x7;
	s25 =	simm.s32 $0x8  }
.LBB2_22:
0x14: {  	s26 =	sadd.s32 $0x1, s26;
	s7 =	rddreg [dreg:$0x8]  }
0x15: {  	p0 =	sne.s32 s26, s7  }
.Ltmp1:
0x16: {  	_ = 	snop;
	(pc) =	sbr.rel @!p0 .LBB2_23-.Ltmp1, $1  }
0x17: {  	_ =	sdelay $0x3  }
.LBB2_1:
0x18: {  	s7 =	sadd.s32 $0x0, s0  }
0x19: {  	s11 =	rddreg [dreg:$0x9];
	p0 =	sgt.u32 s7, $0xF9  }
0x1a: {  	s7 =	simm.s32 @!p0 $0x0;
	s9 =	simm.s32 @!p0 $0x1BF78;
	s10 =	simm.s32 @!p0 $0xA  }
0x1b: {  	[tilespmem:s9], [sflag:$0xA] =	stream.linear.gather @!p0 [hbm4b:s11+s7], $0x1770, $0x38;
	[tilespmem:$0x1D878] =	vst v63  }
0x1c: {  	s8 =	simm.s32 $0x20;
	s28 =	sadd.s32 $0x10, s0;
	_ =	swait.ge @!p0 [sflag:s10], $0x1770  }
0x1d: {  	p1 =	sgt.u32 s28, $0xF9;
	[sflag:s10] =	ssyncset.done @!p0 $0x0;
	p0 =	por p0, p0  }
0x1e: {  	s7 =	rddreg [dreg:$0xa];
	[sflag:s10] =	ssyncadd.s32 @!p0 $0xFFFFE890;
	s10 =	simm.s32 @!p0 $0x9  }
0x1f: {  	[spmem:s7] =	stream.linear.scatter @!p0 [tilespmem:s9], [sflag:$0x9], $0x1770, $0x38;
	[tilespmem:$0x1D878] =	vst v63  }
0x20: {  	s7 =	sadd.s32 $0x17700, s7;
	s9 =	sadd.s32 $0x2EE0, s11;
	_ =	swait.ge @!p0 [sflag:s10], $0x1770  }
.LBB2_2:
0x21: {  	s11 =	simm.s32 @!p1 $0x0;
	s12 =	simm.s32 @!p1 $0x1BF78;
	[sflag:s10] =	ssyncset.done @!p0 $0x0  }
0x22: {  	s19 =	smov.u32 s8;
	s28 =	smov.u32 s7;
	s8 =	sadd.s32 $0x10, s8  }
0x23: {  	s13 =	simm.s32 @!p1 $0xA;
	[sflag:s10] =	ssyncadd.s32 @!p0 $0xFFFFE890;
	p2 =	sne.s32 s8, $0x100  }
0x24: {  	[tilespmem:s12], [sflag:$0xA] =	stream.linear.gather @!p1 [hbm4b:s9+s11], $0x1770, $0x38;
	[tilespmem:$0x1D878] =	vst v63  }
.Ltmp2:
0x25: {  	_ =	swait.ge @!p1 [sflag:s13], $0x1770;
	(pc) =	sbr.rel @p2 .LBB2_2-.Ltmp2, $4  }
0x26: {  	s7 =	sadd.s32 $0x17700, s7;
	p0 =	por p1, p1;
	[sflag:s13] =	ssyncset.done @!p1 $0x0  }
0x27: {  	s11 =	sadd.s32 s19, s0;
	s10 =	simm.s32 @!p0 $0x9;
	[sflag:s13] =	ssyncadd.s32 @!p0 $0xFFFFE890  }
0x28: {  	[spmem:s28] =	stream.linear.scatter @!p0 [tilespmem:s12], [sflag:$0x9], $0x1770, $0x38;
	[tilespmem:$0x1D878] =	vst v63  }
0x29: {  	s9 =	sadd.s32 $0x2EE0, s9;
	p1 =	sgt.u32 s11, $0xF9;
	_ =	swait.ge @!p0 [sflag:s10], $0x1770  }
0x2a: {  	s8 =	simm.s32 @!p1 $0x0;
	[sflag:s10] =	ssyncset.done @!p0 $0x0  }
0x2b: {  	s11 =	simm.s32 @!p1 $0x1BF78;
	s12 =	simm.s32 @!p1 $0xA;
	[sflag:s10] =	ssyncadd.s32 @!p0 $0xFFFFE890  }
0x2c: {  	[tilespmem:s11], [sflag:$0xA] =	stream.linear.gather @!p1 [hbm4b:s9+s8], $0x1770, $0x38;
	[tilespmem:$0x1D878] =	vst v63  }
0x2d: {  	_ =	swait.ge @!p1 [sflag:s12], $0x1770  }
0x2e: {  	p0 =	por p1, p1;
	[sflag:s12] =	ssyncset.done @!p1 $0x0  }
0x2f: {  	s8 =	simm.s32 @!p0 $0x9;
	[sflag:s12] =	ssyncadd.s32 @!p0 $0xFFFFE890  }
0x30: {  	[spmem:s7] =	stream.linear.scatter @!p0 [tilespmem:s11], [sflag:$0x9], $0x1770, $0x38;
	[tilespmem:$0x1D878] =	vst v63  }
0x31: {  	_ =	swait.ge @!p0 [sflag:s8], $0x1770  }
0x32: {  	[sflag:s8] =	ssyncset.done @!p0 $0x0  }
0x33: {  	[sflag:s8] =	ssyncadd.s32 @!p0 $0xFFFFE890  }
0x34: {  	[bflag:$0x0] =	sbarrier.arrive $0xFFFF  }
0x35: {  	s11 =	simm.s32 $0x0;
	s12 =	rddreg [dreg:$0x4]  }
0x36: {  	[tilespmem:s14], [sflag:$0x9] =	stream.linear.gather [hbm4b:s12+s11], $0x190, $0x38;
	[tilespmem:$0x1D878] =	vst v63  }
0x37: {  	_ =	swait.ge [sflag:s15], $0x190  }
0x38: {  	[sflag:s15] =	ssyncset.done $0x0  }
0x39: {  	s13 =	rddreg [dreg:$0x5];
	[sflag:s15] =	ssyncadd.s32 $0xFFFFFE70  }
0x3a: {  	[tilespmem:s16], [sflag:$0x9] =	stream.linear.gather [hbm4b:s13+s11], $0x190, $0x38;
	[tilespmem:$0x1D878] =	vst v63  }
0x3b: {  	_ =	swait.ge [sflag:s15], $0x190  }
0x3c: {  	[sflag:s15] =	ssyncset.done $0x0  }
0x3d: {  	s19 =	rddreg [dreg:$0x6];
	[sflag:s15] =	ssyncadd.s32 $0xFFFFFE70  }
0x3e: {  	[tilespmem:s17], [sflag:$0x9] =	stream.linear.gather [hbm4b:s19+s11], $0x190, $0x38;
	[tilespmem:$0x1D878] =	vst v63  }
0x3f: {  	_ =	swait.ge [sflag:s15], $0x190  }
0x40: {  	[sflag:s15] =	ssyncset.done $0x0  }
0x41: {  	s28 =	rddreg [dreg:$0x7];
	[sflag:s15] =	ssyncadd.s32 $0xFFFFFE70  }
0x42: {  	[tilespmem:s18], [sflag:$0x9] =	stream.linear.gather [hbm4b:s28+s11], $0x190, $0x38;
	[tilespmem:$0x1D878] =	vst v63  }
0x43: {  	_ =	swait.ge [sflag:s15], $0x190  }
0x44: {  	[sflag:s15] =	ssyncset.done $0x0  }
0x45: {  	s7 =	simm.s32 $0x0;
	[sflag:s15] =	ssyncadd.s32 $0xFFFFFE70  }
0x46: {  	v3 =	vld [tilespmem:s7+$0x172E8]  }
0x47: {  	v0 =	vld [tilespmem:s7+$0x16E38];
	_ =	sdelay $0x1  }
0x48: {  	v1 =	vld [tilespmem:s7+$0x16FC8];
	_ =	sdelay $0x1  }
0x49: {  	v2 =	vld [tilespmem:s7+$0x17158];
	[tilespmem:s7+$0x18288] =	vst v3;
	v4 =	vadd.s32 $0xF4240, v3  }
0x4a: {  	v5 =	vadd.s32 $0x7A120, v0;
	[tilespmem:s7+$0x185A8] =	vst v4  }
0x4b: {  	v4 =	vadd.s32 $0xF4240, v0;
	[tilespmem:s7+$0x17608] =	vst v5  }
0x4c: {  	v5 =	vadd.s32 $0x7A120, v1;
	[tilespmem:s7+$0x17798] =	vst v4  }
0x4d: {  	v4 =	vadd.s32 $0xF4240, v1;
	[tilespmem:s7+$0x17AB8] =	vst v5  }
0x4e: {  	v5 =	vadd.s32 $0x7A120, v2;
	[tilespmem:s7+$0x17C48] =	vst v4  }
0x4f: {  	s9 =	simm.s32 $0x80;
	s8 =	simm.s32 $0x10;
	v3 =	vadd.s32 $0x7A120, v3;
	v4 =	vadd.s32 $0xF4240, v2;
	[tilespmem:s7+$0x17F68] =	vst v5  }
.LBB2_4:
0x50: {  	p0 =	sne.s32 s9, $0x600;
	v5 =	vld [tilespmem:s8+$0x172E8];
	[tilespmem:s7+$0x180F8] =	vst v4  }
0x51: {  	v4 =	vld [tilespmem:s8+$0x16E38];
	[tilespmem:s7+$0x18418] =	vst v3  }
0x52: {  	v6 =	vld [tilespmem:s8+$0x16FC8];
	[tilespmem:s7+$0x17478] =	vst v0  }
0x53: {  	v7 =	vld [tilespmem:s8+$0x17158];
	[tilespmem:s7+$0x17928] =	vst v1  }
0x54: {  	[tilespmem:s7+$0x17DD8] =	vst v2;
	s7 =	smov.u32 s8  }
0x55: {  	[tilespmem:s7+$0x18288] =	vst v5;
	v3 =	vadd.s32 $0x7A120, v5;
	v5 =	vadd.s32 $0xF4240, v5  }
0x56: {  	v9 =	vadd.s32 $0x7A120, v4;
	v10 =	vadd.s32 $0xF4240, v4;
	[tilespmem:s7+$0x185A8] =	vst v5;
	v0 =	vmov v4  }
.Ltmp3:
0x57: {  	[tilespmem:s7+$0x17608] =	vst v9;
	v5 =	vadd.s32 $0x7A120, v6;
	v8 =	vadd.s32 $0xF4240, v6;
	v1 =	vmov v6;
	(pc) =	sbr.rel @p0 .LBB2_4-.Ltmp3, $4  }
0x58: {  	[tilespmem:s7+$0x17798] =	vst v10;
	v6 =	vadd.s32 $0x7A120, v7;
	v4 =	vadd.s32 $0xF4240, v7;
	v2 =	vmov v7  }
0x59: {  	[tilespmem:s7+$0x17AB8] =	vst v5  }
0x5a: {  	[tilespmem:s7+$0x17C48] =	vst v8  }
0x5b: {  	s8 =	sshra.s32 s9, $0x2;
	s9 =	sadd.s32 $0x40, s9;
	[tilespmem:s7+$0x17F68] =	vst v6  }
0x5c: {  	v5 =	vld [tilespmem:s8+$0x172E8];
	[tilespmem:s7+$0x180F8] =	vst v4  }
0x5d: {  	v4 =	vld [tilespmem:s8+$0x16E38];
	[tilespmem:s7+$0x18418] =	vst v3  }
0x5e: {  	v3 =	vld [tilespmem:s8+$0x16FC8];
	[tilespmem:s7+$0x17478] =	vst v0  }
0x5f: {  	v0 =	vld [tilespmem:s8+$0x17158];
	[tilespmem:s7+$0x17928] =	vst v1  }
0x60: {  	[tilespmem:s7+$0x17DD8] =	vst v2  }
0x61: {  	[tilespmem:s8+$0x18288] =	vst v5;
	v56 =	vadd.s32 $0xF4240, v5  }
0x62: {  	v63 =	vadd.s32 $0x7A120, v5;
	[tilespmem:s8+$0x185A8] =	vst v56  }
0x63: {  	[tilespmem:s8+$0x18418] =	vst v63  }
0x64: {  	v57 =	vadd.s32 $0x7A120, v4;
	[tilespmem:s8+$0x17478] =	vst v4  }
0x65: {  	v58 =	vadd.s32 $0xF4240, v4;
	[tilespmem:s8+$0x17608] =	vst v57  }
0x66: {  	[tilespmem:s8+$0x17798] =	vst v58  }
0x67: {  	v59 =	vadd.s32 $0x7A120, v3;
	[tilespmem:s8+$0x17928] =	vst v3  }
0x68: {  	v60 =	vadd.s32 $0xF4240, v3;
	[tilespmem:s8+$0x17AB8] =	vst v59  }
0x69: {  	[tilespmem:s8+$0x17C48] =	vst v60  }
0x6a: {  	v61 =	vadd.s32 $0x7A120, v0;
	[tilespmem:s8+$0x17DD8] =	vst v0  }
0x6b: {  	v62 =	vadd.s32 $0xF4240, v0;
	[tilespmem:s8+$0x17F68] =	vst v61  }
0x6c: {  	s19 =	simm.s32 $0x17478;
	s9 =	simm.s32 $0x199F8;
	s7 =	simm.s32 $0x4B0;
	[tilespmem:s8+$0x180F8] =	vst v62  }
0x6d: {  	[tilespmem:s9], [sflag:$0x1] =	stream.indirect.gather [spmem:s2], $0x1, s19, s7, $0xb8;
	[tilespmem:$0x1D878] =	vst v63  }
0x6e: {  	s10 =	simm.s32 $0x19EA8;
	s9 =	simm.s32 $0x17928  }
0x6f: {  	[tilespmem:s10], [sflag:$0x2] =	stream.indirect.gather [spmem:s2], $0x1, s9, s7, $0xb8;
	[tilespmem:$0x1D878] =	vst v63  }
.Ltmp4:
0x70: {  	_ = 	snop;
	(pc) =	sbr.rel .LBB2_6-.Ltmp4, $4  }
0x71: {  	s11 =	simm.s32 $0x17DD8;
	s12 =	simm.s32 $0x1A358  }
0x72: {  	[tilespmem:s12], [sflag:$0x3] =	stream.indirect.gather [spmem:s2], $0x1, s11, s7, $0xb8;
	[tilespmem:$0x1D878] =	vst v63  }
0x73: {  	s13 =	simm.s32 $0x18288;
	s28 =	simm.s32 $0x0;
	s19 =	simm.s32 $0x1A808  }
0x74: {  	[tilespmem:s19], [sflag:$0x4] =	stream.indirect.gather [spmem:s2], $0x1, s13, s7, $0xb8;
	[tilespmem:$0x1D878] =	vst v63  }
.LBB2_21:
0x75: {  	s28 =	sadd.s32 $0x1, s28  }
0x76: {  	p0 =	sne.s32 s28, $0x28  }
.Ltmp5:
0x77: {  	_ = 	snop;
	(pc) =	sbr.rel @!p0 .LBB2_22-.Ltmp5, $1  }
0x78: {  	_ =	sdelay $0x3  }
.LBB2_6:
0x79: {  	s7 =	sshll.u32 s28, $0x6  }
0x7a: {  	s9 =	sor.u32 s4, s7  }
0x7b: {  	s8 =	sor.u32 $0x20, s9  }
0x7c: {  	p0 =	sgt.u32 s8, $0x9C3  }
.Ltmp6:
0x7d: {  	_ = 	snop;
	(pc) =	sbr.rel @p0 .LBB2_10-.Ltmp6, $1  }
0x7e: {  	_ =	sdelay $0x3  }
0x7f: {  	s7 =	smul.u32 $0x190, s8;
	_ =	sdelay $0x1  }
0x80: {  	s7 =	sshrl.u32 s7, $0x3  }
0x81: {  	s10 =	simm.s32 $0x0;
	s7 =	sadd.s32 s5, s7  }
0x82: {  	[tilespmem:s14], [sflag:$0xA] =	stream.linear.gather [hbm4b:s7+s10], $0x190, $0x38;
	[tilespmem:$0x1D878] =	vst v63  }
0x83: {  	_ =	swait.ge [sflag:s29], $0x190  }
0x84: {  	[sflag:s29] =	ssyncset.done $0x0  }
0x85: {  	s11 =	sadd.s32 $0x1E848, s7;
	[sflag:s29] =	ssyncadd.s32 $0xFFFFFE70  }
0x86: {  	[tilespmem:s16], [sflag:$0xA] =	stream.linear.gather [hbm4b:s11+s10], $0x190, $0x38;
	[tilespmem:$0x1D878] =	vst v63  }
0x87: {  	_ =	swait.ge [sflag:s29], $0x190  }
0x88: {  	[sflag:s29] =	ssyncset.done $0x0  }
0x89: {  	s19 =	sadd.s32 $0x3D090, s7;
	[sflag:s29] =	ssyncadd.s32 $0xFFFFFE70  }
0x8a: {  	[tilespmem:s17], [sflag:$0xA] =	stream.linear.gather [hbm4b:s19+s10], $0x190, $0x38;
	[tilespmem:$0x1D878] =	vst v63  }
0x8b: {  	_ =	swait.ge [sflag:s29], $0x190  }
0x8c: {  	[sflag:s29] =	ssyncset.done $0x0  }
0x8d: {  	s7 =	sadd.s32 $0x5B8D8, s7;
	[sflag:s29] =	ssyncadd.s32 $0xFFFFFE70  }
0x8e: {  	[tilespmem:s18], [sflag:$0xA] =	stream.linear.gather [hbm4b:s7+s10], $0x190, $0x38;
	[tilespmem:$0x1D878] =	vst v63  }
0x8f: {  	_ =	swait.ge [sflag:s29], $0x190  }
0x90: {  	[sflag:s29] =	ssyncset.done $0x0  }
0x91: {  	s7 =	simm.s32 $0x0;
	[sflag:s29] =	ssyncadd.s32 $0xFFFFFE70  }
0x92: {  	v3 =	vld [tilespmem:s7+$0x172E8]  }
0x93: {  	v0 =	vld [tilespmem:s7+$0x16E38];
	_ =	sdelay $0x1  }
0x94: {  	v1 =	vld [tilespmem:s7+$0x16FC8];
	_ =	sdelay $0x1  }
0x95: {  	v2 =	vld [tilespmem:s7+$0x17158];
	[tilespmem:s7+$0x19548] =	vst v3;
	v4 =	vadd.s32 $0xF4240, v3  }
0x96: {  	v5 =	vadd.s32 $0x7A120, v0;
	[tilespmem:s7+$0x19868] =	vst v4  }
0x97: {  	v4 =	vadd.s32 $0xF4240, v0;
	[tilespmem:s7+$0x188C8] =	vst v5  }
0x98: {  	v5 =	vadd.s32 $0x7A120, v1;
	[tilespmem:s7+$0x18A58] =	vst v4  }
0x99: {  	v4 =	vadd.s32 $0xF4240, v1;
	[tilespmem:s7+$0x18D78] =	vst v5  }
0x9a: {  	v5 =	vadd.s32 $0x7A120, v2;
	[tilespmem:s7+$0x18F08] =	vst v4  }
0x9b: {  	s11 =	simm.s32 $0x80;
	s10 =	simm.s32 $0x10;
	v3 =	vadd.s32 $0x7A120, v3;
	v4 =	vadd.s32 $0xF4240, v2;
	[tilespmem:s7+$0x19228] =	vst v5  }
.LBB2_8:
0x9c: {  	p1 =	sne.s32 s11, $0x600;
	v5 =	vld [tilespmem:s10+$0x172E8];
	[tilespmem:s7+$0x193B8] =	vst v4  }
0x9d: {  	v4 =	vld [tilespmem:s10+$0x16E38];
	[tilespmem:s7+$0x196D8] =	vst v3  }
0x9e: {  	v6 =	vld [tilespmem:s10+$0x16FC8];
	[tilespmem:s7+$0x18738] =	vst v0  }
0x9f: {  	v7 =	vld [tilespmem:s10+$0x17158];
	[tilespmem:s7+$0x18BE8] =	vst v1  }
0xa0: {  	[tilespmem:s7+$0x19098] =	vst v2;
	s7 =	smov.u32 s10  }
0xa1: {  	[tilespmem:s7+$0x19548] =	vst v5;
	v3 =	vadd.s32 $0x7A120, v5;
	v5 =	vadd.s32 $0xF4240, v5  }
0xa2: {  	v9 =	vadd.s32 $0x7A120, v4;
	v10 =	vadd.s32 $0xF4240, v4;
	[tilespmem:s7+$0x19868] =	vst v5;
	v0 =	vmov v4  }
.Ltmp7:
0xa3: {  	[tilespmem:s7+$0x188C8] =	vst v9;
	v5 =	vadd.s32 $0x7A120, v6;
	v8 =	vadd.s32 $0xF4240, v6;
	v1 =	vmov v6;
	(pc) =	sbr.rel @p1 .LBB2_8-.Ltmp7, $4  }
0xa4: {  	[tilespmem:s7+$0x18A58] =	vst v10;
	v6 =	vadd.s32 $0x7A120, v7;
	v4 =	vadd.s32 $0xF4240, v7;
	v2 =	vmov v7  }
0xa5: {  	[tilespmem:s7+$0x18D78] =	vst v5  }
0xa6: {  	[tilespmem:s7+$0x18F08] =	vst v8  }
0xa7: {  	s10 =	sshra.s32 s11, $0x2;
	s11 =	sadd.s32 $0x40, s11;
	[tilespmem:s7+$0x19228] =	vst v6  }
0xa8: {  	v5 =	vld [tilespmem:s10+$0x172E8];
	[tilespmem:s7+$0x193B8] =	vst v4  }
0xa9: {  	v4 =	vld [tilespmem:s10+$0x16E38];
	[tilespmem:s7+$0x196D8] =	vst v3  }
0xaa: {  	v3 =	vld [tilespmem:s10+$0x16FC8];
	[tilespmem:s7+$0x18738] =	vst v0  }
0xab: {  	v0 =	vld [tilespmem:s10+$0x17158];
	[tilespmem:s7+$0x18BE8] =	vst v1  }
0xac: {  	[tilespmem:s7+$0x19098] =	vst v2  }
0xad: {  	[tilespmem:s10+$0x19548] =	vst v5;
	v56 =	vadd.s32 $0xF4240, v5  }
0xae: {  	v63 =	vadd.s32 $0x7A120, v5;
	[tilespmem:s10+$0x19868] =	vst v56  }
0xaf: {  	[tilespmem:s10+$0x196D8] =	vst v63  }
0xb0: {  	v57 =	vadd.s32 $0x7A120, v4;
	[tilespmem:s10+$0x18738] =	vst v4  }
0xb1: {  	v58 =	vadd.s32 $0xF4240, v4;
	[tilespmem:s10+$0x188C8] =	vst v57  }
0xb2: {  	[tilespmem:s10+$0x18A58] =	vst v58  }
0xb3: {  	v59 =	vadd.s32 $0x7A120, v3;
	[tilespmem:s10+$0x18BE8] =	vst v3  }
0xb4: {  	v60 =	vadd.s32 $0xF4240, v3;
	[tilespmem:s10+$0x18D78] =	vst v59  }
0xb5: {  	[tilespmem:s10+$0x18F08] =	vst v60  }
0xb6: {  	v61 =	vadd.s32 $0x7A120, v0;
	[tilespmem:s10+$0x19098] =	vst v0  }
0xb7: {  	v62 =	vadd.s32 $0xF4240, v0;
	[tilespmem:s10+$0x19228] =	vst v61  }
0xb8: {  	[tilespmem:s10+$0x193B8] =	vst v62  }
.LBB2_10:
0xb9: {  	p1 =	sgt.u32 s9, $0x9C3  }
.Ltmp8:
0xba: {  	_ = 	snop;
	(pc) =	sbr.rel @p1 .LBB2_21-.Ltmp8, $1  }
0xbb: {  	_ =	sdelay $0x3  }
0xbc: {  	_ =	swait.ge [sflag:s30], $0x4B0  }
0xbd: {  	[sflag:s30] =	ssyncset.done $0x0  }
0xbe: {  	[sflag:s30] =	ssyncadd.s32 $0xFFFFFB50  }
0xbf: {  	_ =	swait.ge [sflag:s31], $0x4B0  }
0xc0: {  	[sflag:s31] =	ssyncset.done $0x0  }
0xc1: {  	[sflag:s31] =	ssyncadd.s32 $0xFFFFFB50  }
0xc2: {  	_ =	swait.ge [sflag:s1], $0x4B0  }
0xc3: {  	[sflag:s1] =	ssyncset.done $0x0  }
0xc4: {  	[sflag:s1] =	ssyncadd.s32 $0xFFFFFB50  }
0xc5: {  	_ =	swait.ge [sflag:s20], $0x4B0  }
0xc6: {  	s7 =	simm.s32 @!p0 $0x4B0;
	[sflag:s20] =	ssyncset.done $0x0  }
0xc7: {  	s10 =	simm.s32 @!p0 $0x18738;
	s11 =	simm.s32 @!p0 $0x1ACB8;
	[sflag:s20] =	ssyncadd.s32 $0xFFFFFB50  }
0xc8: {  	[tilespmem:s11], [sflag:$0x5] =	stream.indirect.gather @!p0 [spmem:s2], $0x1, s10, s7, $0xb8;
	[tilespmem:$0x1D878] =	vst v63  }
0xc9: {  	s10 =	simm.s32 @!p0 $0x18BE8;
	s11 =	simm.s32 @!p0 $0x1B168  }
0xca: {  	[tilespmem:s11], [sflag:$0x6] =	stream.indirect.gather @!p0 [spmem:s2], $0x1, s10, s7, $0xb8;
	[tilespmem:$0x1D878] =	vst v63  }
0xcb: {  	s10 =	simm.s32 @!p0 $0x19098;
	s11 =	simm.s32 @!p0 $0x1B618  }
0xcc: {  	[tilespmem:s11], [sflag:$0x7] =	stream.indirect.gather @!p0 [spmem:s2], $0x1, s10, s7, $0xb8;
	[tilespmem:$0x1D878] =	vst v63  }
0xcd: {  	s10 =	simm.s32 @!p0 $0x19548;
	s11 =	simm.s32 @!p0 $0x1BAC8  }
0xce: {  	[tilespmem:s11], [sflag:$0x8] =	stream.indirect.gather @!p0 [spmem:s2], $0x1, s10, s7, $0xb8;
	[tilespmem:$0x1D878] =	vst v63  }
0xcf: {  	s10 =	simm.s32 $0x0  }
0xd0: {  	v0 =	vld [tilespmem:s10+$0x199F8]  }
0xd1: {  	v1 =	vld [tilespmem:s10+$0x19EA8]  }
0xd2: {  	v2 =	vld [tilespmem:s10+$0x19B88]  }
0xd3: {  	v3 =	vld [tilespmem:s10+$0x1A038]  }
0xd4: {  	v4 =	vld [tilespmem:s10+$0x1A1C8]  }
0xd5: {  	v5 =	vld [tilespmem:s10+$0x1A358]  }
0xd6: {  	v6 =	vld [tilespmem:s10+$0x1A4E8]  }
0xd7: {  	v7 =	vld [tilespmem:s10+$0x1A678]  }
0xd8: {  	v8 =	vld [tilespmem:s10+$0x19D18]  }
0xd9: {  	v9 =	vld [tilespmem:s10+$0x1A998]  }
0xda: {  	v10 =	vld [tilespmem:s10+$0x1AB28]  }
0xdb: {  	v11 =	vld [tilespmem:s10+$0x1A808];
	v0 =	vsub.f32 v1, v0;
	v2 =	vsub.f32 v3, v2  }
0xdc: {  	v12 =	vsub.f32 v5, v1;
	v3 =	vsub.f32 v6, v3  }
0xdd: {  	v13 =	vsub.f32 v7, v4;
	v14 =	vsub.f32 v4, v8  }
0xde: {  	v1 =	vsub.f32 v9, v6;
	v6 =	vmul.f32 v3, v0;
	v9 =	vmul.f32 v12, v2  }
0xdf: {  	v8 =	vsub.f32 v10, v7;
	v2 =	vmul.f32 v13, v2;
	v15 =	vmul.f32 v3, v14  }
0xe0: {  	v4 =	vsub.f32 v11, v5;
	v5 =	vmul.f32 v12, v14;
	v7 =	vmul.f32 v13, v0  }
0xe1: {  	v10 =	vmul.f32 v8, v3;
	v11 =	vmul.f32 v1, v13  }
0xe2: {  	v13 =	vmul.f32 v4, v13;
	v14 =	vmul.f32 v8, v12  }
0xe3: {  	v12 =	vmul.f32 v1, v12;
	v0 =	vsub.f32 v2, v15;
	v2 =	vsub.f32 v5, v7  }
0xe4: {  	v17 =	vsub.f32 v10, v11;
	v5 =	vmul.f32 v4, v3;
	v13 =	vsub.f32 v13, v14  }
0xe5: {  	v3 =	vsub.f32 v6, v9;
	v7 =	vmul.f32 v0, v0;
	v10 =	vmul.f32 v2, v2  }
0xe6: {  	v11 =	vmul.f32 v17, v17;
	v6 =	vmul.f32 v13, v13;
	v12 =	vsub.f32 v12, v5  }
0xe7: {  	v5 =	vadd.f32 v10, v7  }
0xe8: {  	v7 =	vmul.f32 v3, v3;
	v6 =	vadd.f32 v6, v11;
	v9 =	vmul.f32 v12, v12;
	_ =	sdelay $0x1  }
0xe9: {  	v5 =	vadd.f32 v5, v7;
	v6 =	vadd.f32 v6, v9;
	_ =	sdelay $0x1  }
0xea: {  	v11 =	vmul.f32 v6, v5;
	_ =	sdelay $0x1  }
0xeb: {  	v5 =	vmax.f32 v11, $1.000000020e-35  }
0xec: {  	v6 =	vshra.s32 v5, $0x1;
	v7 =	vmul.f32 $5.000000000e-01, v5  }
0xed: {  	s11 =	simm.s32 $0x10;
	v5 =	vsub.s32 $0x5F3759DF, v6  }
0xee: {  	v16 =	vld [tilespmem:s11+$0x1A358];
	v6 =	vmul.f32 v5, v7  }
0xef: {  	v19 =	vld [tilespmem:s11+$0x1A4E8]  }
0xf0: {  	v21 =	vld [tilespmem:s11+$0x1A678];
	v6 =	vmul.f32 v5, v6  }
0xf1: {  	v22 =	vld [tilespmem:s11+$0x19D18]  }
0xf2: {  	v14 =	vld [tilespmem:s11+$0x19B88];
	v6 =	vsub.f32 $1.500000000e+00, v6  }
0xf3: {  	v15 =	vld [tilespmem:s11+$0x1A038]  }
0xf4: {  	v10 =	vld [tilespmem:s11+$0x19EA8];
	v5 =	vmul.f32 v5, v6  }
0xf5: {  	v9 =	vld [tilespmem:s11+$0x199F8]  }
0xf6: {  	v6 =	vld [tilespmem:s11+$0x1A1C8];
	v18 =	vmul.f32 v5, v7  }
0xf7: {  	v23 =	vld [tilespmem:s11+$0x1AB28]  }
0xf8: {  	v18 =	vmul.f32 v18, v5  }
0xf9: {  	v14 =	vsub.f32 v15, v14;
	v15 =	vsub.f32 v19, v15  }
0xfa: {  	v20 =	vld [tilespmem:s11+$0x1A998];
	v25 =	vsub.f32 v16, v10;
	v18 =	vsub.f32 $1.500000000e+00, v18  }
0xfb: {  	v9 =	vsub.f32 v10, v9;
	v10 =	vsub.f32 v21, v6  }
0xfc: {  	v24 =	vld [tilespmem:s11+$0x1A808];
	v22 =	vsub.f32 v6, v22;
	v6 =	vsub.f32 v23, v21;
	v18 =	vmul.f32 v18, v5;
	_ =	sdelay $0x1  }
0xfd: {  	v23 =	vmul.f32 v6, v15;
	v7 =	vmul.f32 v18, v7  }
0xfe: {  	v5 =	vsub.f32 v20, v19;
	v19 =	vmul.f32 v15, v9;
	v20 =	vmul.f32 v25, v14  }
0xff: {  	v14 =	vmul.f32 v10, v14;
	v21 =	vmul.f32 v7, v18  }
0x100: {  	v9 =	vmul.f32 v10, v9;
	v26 =	vmul.f32 v5, v25;
	v7 =	vsub.f32 v24, v16  }
0x101: {  	v16 =	vmul.f32 v15, v22;
	v22 =	vmul.f32 v25, v22;
	v21 =	vsub.f32 $1.500000000e+00, v21  }
0x102: {  	v24 =	vmul.f32 v5, v10;
	v27 =	vmul.f32 v7, v10  }
0x103: {  	v10 =	vsub.f32 v14, v16;
	v14 =	vmul.f32 v6, v25;
	v18 =	vmul.f32 v21, v18  }
0x104: {  	v9 =	vsub.f32 v22, v9;
	v21 =	vmul.f32 v7, v15;
	v15 =	vsub.f32 v23, v24  }
0x105: {  	v22 =	vmul.f32 v10, v10;
	v16 =	vsub.f32 v27, v14;
	v14 =	vmul.f32 v18, v11  }
0x106: {  	v18 =	vmul.f32 v9, v9;
	v23 =	vmul.f32 v15, v15;
	v11 =	vsub.f32 v19, v20  }
0x107: {  	v20 =	vmul.f32 v16, v16;
	v19 =	vsub.f32 v26, v21;
	(erf) = vrcp.f32 v14  }
0x108: {  	v14 =	vadd.f32 v18, v22  }
0x109: {  	v18 =	vmul.f32 v11, v11;
	v20 =	vadd.f32 v20, v23;
	v21 =	vmul.f32 v19, v19  }
0x10a: {  	s7 =	simm.s32 $0x20;
	v17 =	vmul.f32 v17, v0;
	v13 =	vmul.f32 v13, v2  }
0x10b: {  	v37 =	vld [tilespmem:s7+$0x1A678];
	v14 =	vadd.f32 v14, v18;
	v20 =	vadd.f32 v20, v21  }
0x10c: {  	v13 =	vadd.f32 v13, v17;
	v17 =	vld [tilespmem:s7+$0x1A1C8]  }
0x10d: {  	v12 =	vmul.f32 v12, v3;
	v25 =	vld [tilespmem:s7+$0x1A4E8];
	v21 =	vmul.f32 v20, v14  }
0x10e: {  	v26 =	vld [tilespmem:s7+$0x1A358]  }
0x10f: {  	v12 =	vadd.f32 v13, v12;
	v22 =	vld [tilespmem:s7+$0x19EA8];
	v20 =	vmax.f32 v21, $1.000000020e-35  }
0x110: {  	v18 =	vld [tilespmem:s7+$0x199F8];
	v24 =	vshra.s32 v20, $0x1;
	v35 =	vmul.f32 $5.000000000e-01, v20;
	v13 =	vpop (erf)  }
0x111: {  	v23 =	vld [tilespmem:s7+$0x19B88];
	v27 =	vsub.s32 $0x5F3759DF, v24;
	v12 =	vmul.f32 v13, v12  }
0x112: {  	v14 =	vld [tilespmem:s7+$0x1A038];
	v13 =	vmul.f32 v27, v35  }
0x113: {  	v29 =	vld [tilespmem:s7+$0x1A998];
	v12 =	vmax.f32 v12, $-1.000000000e+00  }
0x114: {  	v28 =	vsub.f32 v37, v17;
	v13 =	vmul.f32 v27, v13;
	v12 =	vmin.f32 v12, $1.000000000e+00  }
0x115: {  	v38 =	vsub.f32 v22, v18;
	v24 =	vsub.f32 v26, v22;
	v20 =	vand.u32 $0x7FFFFFFF, v12  }
0x116: {  	v22 =	vsub.f32 $1.500000000e+00, v13;
	v18 =	vsub.f32 $1.000000000e+00, v20  }
0x117: {  	v31 =	vld [tilespmem:s7+$0x1A808];
	v30 =	vsub.f32 v14, v23;
	v23 =	vsub.f32 v25, v14  }
0x118: {  	v32 =	vld [tilespmem:s7+$0x19D18];
	v13 =	vsub.f32 v29, v25;
	v39 =	vmul.f32 v27, v22;
	v14 =	vmax.f32 v18, $1.000000000e-30  }
0x119: {  	v27 =	vshra.s32 v14, $0x1;
	v22 =	vmul.f32 $5.000000000e-01, v14;
	v14 =	vmul.f32 $-1.262491100e-03, v20  }
0x11a: {  	v25 =	vmul.f32 v23, v38;
	v33 =	vmul.f32 v39, v35;
	v40 =	vsub.s32 $0x5F3759DF, v27  }
0x11b: {  	v29 =	vmul.f32 v13, v24;
	v34 =	vmul.f32 v40, v22;
	v36 =	vadd.f32 $6.670089900e-03, v14  }
0x11c: {  	v41 =	vld [tilespmem:s7+$0x1AB28];
	v27 =	vmul.f32 v24, v30;
	v14 =	vsub.f32 v31, v26;
	v26 =	vmul.f32 v33, v39  }
0x11d: {  	v17 =	vsub.f32 v17, v32;
	v31 =	vmul.f32 v40, v34;
	v63 =	vmul.f32 v36, v20  }
0x11e: {  	v33 =	vmul.f32 v28, v30;
	v30 =	vmul.f32 v14, v23;
	v26 =	vsub.f32 $1.500000000e+00, v26  }
0x11f: {  	v36 =	vmul.f32 v23, v17;
	v31 =	vsub.f32 $1.500000000e+00, v31;
	v42 =	vadd.f32 $-1.708812640e-02, v63  }
0x120: {  	v34 =	vmul.f32 v24, v17;
	v32 =	vmul.f32 v26, v39  }
0x121: {  	v17 =	vsub.f32 v41, v37;
	v26 =	vmul.f32 v40, v31;
	v31 =	vmul.f32 v42, v20  }
0x122: {  	s19 =	simm.s32 $0xC0;
	v37 =	vmul.f32 v28, v38;
	v35 =	vmul.f32 v32, v35  }
.LBB2_12:
0x123: {  	p1 =	sne.s32 s19, $0x600;
	v23 =	vmul.f32 v17, v23;
	v38 =	vmul.f32 v26, v22;
	v31 =	vadd.f32 $3.089188040e-02, v31  }
0x124: {  	v39 =	vmul.f32 v13, v28;
	v35 =	vmul.f32 v35, v32  }
0x125: {  	v38 =	vmul.f32 v38, v26;
	v31 =	vmul.f32 v31, v20  }
0x126: {  	v33 =	vsub.f32 v33, v36;
	v28 =	vmul.f32 v14, v28;
	v35 =	vsub.f32 $1.500000000e+00, v35  }
0x127: {  	v24 =	vmul.f32 v17, v24;
	v36 =	vsub.f32 $1.500000000e+00, v38;
	v31 =	vadd.f32 $-5.017430340e-02, v31  }
0x128: {  	v34 =	vsub.f32 v34, v37;
	v37 =	vmul.f32 v33, v33;
	v32 =	vmul.f32 v35, v32  }
0x129: {  	v23 =	vsub.f32 v23, v39;
	v26 =	vmul.f32 v36, v26;
	v31 =	vmul.f32 v31, v20  }
0x12a: {  	v24 =	vsub.f32 v28, v24;
	v28 =	vmul.f32 v34, v34;
	v21 =	vmul.f32 v32, v21  }
0x12b: {  	v32 =	vmul.f32 v23, v23;
	v22 =	vmul.f32 v26, v22;
	v31 =	vadd.f32 $8.897899090e-02, v31  }
0x12c: {  	v25 =	vsub.f32 v25, v27;
	v27 =	vmul.f32 v24, v24;
	(erf) = vrcp.f32 v21  }
0x12d: {  	s12 =	sshra.s32 s19, $0x2;
	v29 =	vsub.f32 v29, v30;
	v21 =	vmul.f32 v22, v26;
	v22 =	vmul.f32 v31, v20  }
0x12e: {  	v28 =	vadd.f32 v28, v37;
	v27 =	vadd.f32 v27, v32;
	v31 =	vmul.f32 v25, v25;
	v30 =	vld [tilespmem:s12+$0x199F8]  }
0x12f: {  	v35 =	vmul.f32 v29, v29;
	v32 =	vld [tilespmem:s12+$0x19EA8];
	v21 =	vsub.f32 $1.500000000e+00, v21;
	v22 =	vadd.f32 $-2.145988050e-01, v22  }
0x130: {  	v36 =	vmul.f32 v16, v9;
	v28 =	vadd.f32 v28, v31;
	v31 =	vmul.f32 v15, v10;
	v15 =	vmovc v23  }
0x131: {  	v16 =	vmovc v24;
	v23 =	vadd.f32 v27, v35;
	v26 =	vmul.f32 v21, v26;
	v20 =	vmul.f32 v22, v20  }
0x132: {  	v8 =	vmul.f32 v8, v3;
	v3 =	vmovc v11;
	v27 =	vmul.f32 v19, v11;
	v36 =	vadd.f32 v36, v31;
	v22 =	vld [tilespmem:s12+$0x19B88]  }
0x133: {  	v11 =	vmovc v25;
	v19 =	vmovc v29;
	v21 =	vmul.f32 v23, v28;
	v31 =	vld [tilespmem:s12+$0x1A038];
	v18 =	vmul.f32 v26, v18;
	v20 =	vadd.f32 $1.570796250e+00, v20  }
0x134: {  	v4 =	vmul.f32 v0, v4;
	v0 =	vmovc v10;
	v37 =	vmul.f32 v1, v2;
	v35 =	vsub.f32 v32, v30  }
0x135: {  	v28 =	vmax.f32 v21, $1.000000020e-35;
	v23 =	vadd.f32 v36, v27;
	v26 =	vld [tilespmem:s12+$0x1A1C8];
	v24 =	vpop (erf);
	v18 =	vmul.f32 v18, v20  }
0x136: {  	v2 =	vmovc v9;
	v25 =	vadd.f32 v37, v4;
	v10 =	vmovc v33;
	v38 =	vmul.f32 $5.000000000e-01, v28;
	v20 =	vshra.s32 v28, $0x1;
	v29 =	vld [tilespmem:s12+$0x1A358]  }
0x137: {  	v1 =	vmovc v5;
	v9 =	vmovc v34;
	v30 =	vsub.s32 $0x5F3759DF, v20;
	v20 =	vmul.f32 v24, v23;
	v27 =	vld [tilespmem:s12+$0x1A4E8];
	v23 =	vsub.f32 $3.141592740e+00, v18  }
0x138: {  	vm0 =	vge.f32 v12, $0.0e+00;
	v5 =	vmovc v13;
	v4 =	vmovc v7;
	v37 =	vld [tilespmem:s12+$0x1A678];
	v33 =	vsub.f32 v31, v22;
	v22 =	vmul.f32 v30, v38  }
0x139: {  	v7 =	vmovc v14;
	v25 =	vadd.f32 v8, v25;
	v8 =	vmovc v6;
	v12 =	vmax.f32 v20, $-1.000000000e+00;
	v13 =	vld [tilespmem:s12+$0x1A998];
	v23 =	vsel vm0, v18, v23  }
0x13a: {  	v6 =	vmovc v17;
	v12 =	vmin.f32 v12, $1.000000000e+00;
	v14 =	vmul.f32 v30, v22;
	v22 =	vsub.f32 $0.0e+00, v23  }
0x13b: {  	vm0 =	vgt.f32 v25, $0.0e+00;
	v20 =	vand.u32 $0x7FFFFFFF, v12;
	v24 =	vsub.f32 v29, v32  }
0x13c: {  	v18 =	vsub.f32 $1.000000000e+00, v20;
	v14 =	vsub.f32 $1.500000000e+00, v14;
	v17 =	vsel vm0, v23, v22  }
0x13d: {  	v23 =	vsub.f32 v27, v31;
	v32 =	vld [tilespmem:s12+$0x1A808];
	v28 =	vsub.f32 v37, v26;
	[tilespmem:s10+$0x1D6E8] =	vst v17;
	s10 =	smov.u32 s11;
	s11 =	smov.u32 s7;
	s7 =	smov.u32 s12  }
0x13e: {  	v17 =	vld [tilespmem:s7+$0x19D18];
	v13 =	vsub.f32 v13, v27;
	v31 =	vmul.f32 v30, v14;
	v14 =	vmax.f32 v18, $1.000000000e-30  }
0x13f: {  	v27 =	vshra.s32 v14, $0x1;
	v22 =	vmul.f32 $5.000000000e-01, v14;
	v14 =	vmul.f32 $-1.262491100e-03, v20  }
0x140: {  	v25 =	vmul.f32 v23, v35;
	v30 =	vmul.f32 v31, v38;
	v39 =	vsub.s32 $0x5F3759DF, v27  }
0x141: {  	v27 =	vmul.f32 v24, v33;
	v34 =	vmul.f32 v39, v22;
	v36 =	vadd.f32 $6.670089900e-03, v14  }
0x142: {  	v40 =	vld [tilespmem:s7+$0x1AB28];
	v14 =	vsub.f32 v32, v29;
	v29 =	vmul.f32 v13, v24;
	v32 =	vmul.f32 v30, v31  }
0x143: {  	v17 =	vsub.f32 v26, v17;
	v26 =	vmul.f32 v39, v34;
	v34 =	vmul.f32 v36, v20  }
.Ltmp9:
0x144: {  	v33 =	vmul.f32 v28, v33;
	v30 =	vmul.f32 v14, v23;
	v32 =	vsub.f32 $1.500000000e+00, v32;
	(pc) =	sbr.rel @p1 .LBB2_12-.Ltmp9, $4  }
0x145: {  	v36 =	vmul.f32 v23, v17;
	v26 =	vsub.f32 $1.500000000e+00, v26;
	v41 =	vadd.f32 $-1.708812640e-02, v34  }
0x146: {  	v34 =	vmul.f32 v24, v17;
	v32 =	vmul.f32 v32, v31  }
0x147: {  	v17 =	vsub.f32 v40, v37;
	v26 =	vmul.f32 v39, v26;
	v31 =	vmul.f32 v41, v20  }
0x148: {  	s19 =	sadd.s32 $0x40, s19;
	v37 =	vmul.f32 v28, v35;
	v35 =	vmul.f32 v32, v38  }
0x149: {  	v38 =	vmul.f32 v17, v23;
	v39 =	vmul.f32 v13, v28  }
0x14a: {  	v52 =	vmul.f32 v14, v28;
	v53 =	vmul.f32 v17, v24  }
0x14b: {  	v23 =	vsub.f32 v33, v36;
	v24 =	vsub.f32 v34, v37  }
0x14c: {  	v54 =	vsub.f32 v38, v39;
	v28 =	vsub.f32 v52, v53  }
0x14d: {  	v25 =	vsub.f32 v25, v27;
	v36 =	vmul.f32 v23, v23;
	v55 =	vmul.f32 v24, v24  }
0x14e: {  	v29 =	vsub.f32 v29, v30;
	v56 =	vmul.f32 v54, v54;
	v57 =	vmul.f32 v28, v28  }
0x14f: {  	v59 =	vmul.f32 v25, v25  }
0x150: {  	v60 =	vmul.f32 v29, v29;
	v58 =	vadd.f32 v55, v36;
	v27 =	vadd.f32 v57, v56;
	_ =	sdelay $0x1  }
0x151: {  	v30 =	vadd.f32 v58, v59;
	v27 =	vadd.f32 v27, v60;
	_ =	sdelay $0x1  }
0x152: {  	v27 =	vmul.f32 v27, v30;
	_ =	sdelay $0x1  }
0x153: {  	v30 =	vmax.f32 v27, $1.000000020e-35  }
0x154: {  	v61 =	vshra.s32 v30, $0x1;
	v30 =	vmul.f32 $5.000000000e-01, v30  }
0x155: {  	v33 =	vsub.s32 $0x5F3759DF, v61  }
0x156: {  	v62 =	vmul.f32 v33, v30;
	_ =	sdelay $0x1  }
0x157: {  	v36 =	vmul.f32 v33, v62;
	_ =	sdelay $0x1  }
0x158: {  	v36 =	vsub.f32 $1.500000000e+00, v36;
	_ =	sdelay $0x1  }
0x159: {  	v33 =	vmul.f32 v33, v36;
	_ =	sdelay $0x1  }
0x15a: {  	v36 =	vmul.f32 v33, v30;
	_ =	sdelay $0x1  }
0x15b: {  	v36 =	vmul.f32 v36, v33;
	_ =	sdelay $0x1  }
0x15c: {  	v36 =	vsub.f32 $1.500000000e+00, v36;
	_ =	sdelay $0x1  }
0x15d: {  	v33 =	vmul.f32 v36, v33;
	_ =	sdelay $0x1  }
0x15e: {  	v35 =	vmul.f32 v35, v32;
	v30 =	vmul.f32 v33, v30;
	_ =	sdelay $0x1  }
0x15f: {  	v35 =	vsub.f32 $1.500000000e+00, v35;
	v30 =	vmul.f32 v30, v33;
	_ =	sdelay $0x1  }
0x160: {  	v63 =	vmul.f32 v35, v32;
	v30 =	vsub.f32 $1.500000000e+00, v30;
	_ =	sdelay $0x1  }
0x161: {  	v21 =	vmul.f32 v63, v21;
	v32 =	vmul.f32 v30, v33;
	_ =	sdelay $0x1  }
0x162: {  	(erf) = vrcp.f32 v21;
	v21 =	vmul.f32 v32, v27;
	_ =	sdelay $0x1  }
0x163: {  	(erf) = vrcp.f32 v21;
	_ =	sdelay $0x1  }
0x164: {  	v15 =	vmul.f32 v15, v10;
	v16 =	vmul.f32 v16, v9  }
0x165: {  	v34 =	vmul.f32 v54, v23  }
0x166: {  	v15 =	vadd.f32 v16, v15;
	v35 =	vmul.f32 v28, v24;
	v33 =	vmul.f32 v19, v11;
	_ =	sdelay $0x1  }
0x167: {  	v37 =	vmul.f32 v29, v25;
	v16 =	vadd.f32 v35, v34;
	v15 =	vadd.f32 v15, v33  }
0x168: {  	v36 =	vpop (erf)  }
0x169: {  	v16 =	vadd.f32 v16, v37;
	v15 =	vmul.f32 v36, v15  }
0x16a: {  	v38 =	vpop (erf)  }
0x16b: {  	v15 =	vmax.f32 v15, $-1.000000000e+00;
	v16 =	vmul.f32 v38, v16  }
0x16c: {  	v41 =	vadd.f32 $3.089188040e-02, v31;
	v15 =	vmin.f32 v15, $1.000000000e+00  }
0x16d: {  	v3 =	vmul.f32 v8, v3;
	v21 =	vand.u32 $0x7FFFFFFF, v15;
	v16 =	vmax.f32 v16, $-1.000000000e+00  }
0x16e: {  	v0 =	vmul.f32 v0, v4;
	v19 =	vsub.f32 $1.000000000e+00, v21;
	v16 =	vmin.f32 v16, $1.000000000e+00  }
0x16f: {  	v1 =	vmul.f32 v1, v2;
	v6 =	vmul.f32 v6, v11;
	v31 =	vand.u32 $0x7FFFFFFF, v16  }
0x170: {  	v7 =	vmul.f32 v10, v7;
	v40 =	vmax.f32 v19, $1.000000000e-30;
	v33 =	vsub.f32 $1.000000000e+00, v31  }
0x171: {  	v39 =	vmul.f32 v26, v22;
	v43 =	vmul.f32 $-1.262491100e-03, v21;
	v42 =	vshra.s32 v40, $0x1  }
0x172: {  	v28 =	vmul.f32 $5.000000000e-01, v40;
	v30 =	vsub.s32 $0x5F3759DF, v42;
	v45 =	vmax.f32 v33, $1.000000000e-30  }
0x173: {  	v47 =	vmul.f32 $-1.262491100e-03, v31;
	v46 =	vshra.s32 v45, $0x1;
	v35 =	vmul.f32 $5.000000000e-01, v45  }
0x174: {  	v32 =	vadd.f32 $6.670089900e-03, v43;
	v44 =	vmul.f32 v30, v28;
	v36 =	vsub.s32 $0x5F3759DF, v46  }
0x175: {  	v27 =	vmul.f32 v39, v26;
	v37 =	vadd.f32 $6.670089900e-03, v47;
	v48 =	vmul.f32 v36, v35  }
0x176: {  	v32 =	vmul.f32 v32, v21;
	v34 =	vmul.f32 v30, v44  }
0x177: {  	v27 =	vsub.f32 $1.500000000e+00, v27;
	v37 =	vmul.f32 v37, v31;
	v51 =	vmul.f32 v36, v48  }
0x178: {  	v5 =	vmul.f32 v5, v9;
	v32 =	vadd.f32 $-1.708812640e-02, v32;
	v50 =	vsub.f32 $1.500000000e+00, v34  }
0x179: {  	v49 =	vmul.f32 v27, v26;
	v54 =	vadd.f32 $-1.708812640e-02, v37;
	v53 =	vsub.f32 $1.500000000e+00, v51  }
0x17a: {  	v52 =	vmul.f32 v32, v21;
	v27 =	vmul.f32 v30, v50  }
0x17b: {  	vm0 =	vge.f32 v12, $0.0e+00;
	v34 =	vmul.f32 v54, v31;
	v32 =	vmul.f32 v36, v53  }
0x17c: {  	v29 =	vmul.f32 v41, v20;
	v30 =	vadd.f32 $3.089188040e-02, v52;
	v56 =	vmul.f32 v27, v28  }
0x17d: {  	v55 =	vmul.f32 v49, v22;
	v34 =	vadd.f32 $3.089188040e-02, v34;
	v58 =	vmul.f32 v32, v35  }
0x17e: {  	v29 =	vadd.f32 $-5.017430340e-02, v29;
	v30 =	vmul.f32 v30, v21;
	v57 =	vmul.f32 v56, v27  }
0x17f: {  	v0 =	vadd.f32 v1, v0;
	v34 =	vmul.f32 v34, v31;
	v37 =	vmul.f32 v58, v32  }
0x180: {  	v29 =	vmul.f32 v29, v20;
	v30 =	vadd.f32 $-5.017430340e-02, v30;
	v36 =	vsub.f32 $1.500000000e+00, v57  }
0x181: {  	v22 =	vmul.f32 v55, v49;
	v34 =	vadd.f32 $-5.017430340e-02, v34;
	v61 =	vsub.f32 $1.500000000e+00, v37  }
0x182: {  	v29 =	vadd.f32 $8.897899090e-02, v29;
	v60 =	vmul.f32 v30, v21;
	v59 =	vmul.f32 v36, v27  }
0x183: {  	v22 =	vsub.f32 $1.500000000e+00, v22;
	v36 =	vmul.f32 v34, v31;
	v63 =	vmul.f32 v61, v32  }
0x184: {  	v29 =	vmul.f32 v29, v20;
	v27 =	vadd.f32 $8.897899090e-02, v60;
	v28 =	vmul.f32 v59, v28  }
0x185: {  	v22 =	vmul.f32 v22, v49;
	v30 =	vadd.f32 $8.897899090e-02, v36;
	v38 =	vmul.f32 v63, v35  }
0x186: {  	v29 =	vadd.f32 $-2.145988050e-01, v29;
	v27 =	vmul.f32 v27, v21;
	v37 =	vmul.f32 v28, v59  }
0x187: {  	v5 =	vadd.f32 v5, v7;
	v42 =	vmul.f32 v30, v31;
	v41 =	vmul.f32 v38, v63  }
0x188: {  	v62 =	vmul.f32 v29, v20;
	v40 =	vadd.f32 $-2.145988050e-01, v27;
	v39 =	vsub.f32 $1.500000000e+00, v37  }
0x189: {  	v18 =	vmul.f32 v22, v18;
	v46 =	vadd.f32 $-2.145988050e-01, v42;
	v45 =	vsub.f32 $1.500000000e+00, v41  }
0x18a: {  	v20 =	vadd.f32 $1.570796250e+00, v62;
	v44 =	vmul.f32 v40, v21;
	v43 =	vmul.f32 v39, v59  }
0x18b: {  	v0 =	vadd.f32 v3, v0;
	v50 =	vmul.f32 v46, v31;
	v49 =	vmul.f32 v45, v63  }
0x18c: {  	v18 =	vmul.f32 v18, v20;
	v48 =	vadd.f32 $1.570796250e+00, v44;
	v47 =	vmul.f32 v43, v19  }
0x18d: {  	v5 =	vadd.f32 v6, v5;
	v53 =	vadd.f32 $1.570796250e+00, v50;
	v52 =	vmul.f32 v49, v33  }
0x18e: {  	v56 =	vmul.f32 v23, v14;
	v51 =	vsub.f32 $3.141592740e+00, v18;
	v1 =	vmul.f32 v47, v48  }
0x18f: {  	vm13 =	vgt.f32 v0, $0.0e+00;
	v57 =	vmul.f32 v13, v24;
	v2 =	vmul.f32 v52, v53  }
0x190: {  	vm11 =	vge.f32 v15, $0.0e+00;
	v54 =	vsel vm0, v18, v51;
	v55 =	vsub.f32 $3.141592740e+00, v1  }
0x191: {  	v3 =	vadd.f32 v57, v56;
	v59 =	vmul.f32 v17, v25;
	v58 =	vsub.f32 $3.141592740e+00, v2  }
0x192: {  	vm12 =	vge.f32 v16, $0.0e+00;
	v60 =	vsub.f32 $0.0e+00, v54;
	v1 =	vsel vm11, v1, v55  }
0x193: {  	v3 =	vadd.f32 v59, v3;
	v61 =	vsub.f32 $0.0e+00, v1;
	v2 =	vsel vm12, v2, v58  }
0x194: {  	vm14 =	vgt.f32 v5, $0.0e+00;
	v4 =	vsel vm13, v54, v60;
	v62 =	vsub.f32 $0.0e+00, v2  }
0x195: {  	s13 =	smul.u32 $0x32, s9;
	[tilespmem:s10+$0x1D6E8] =	vst v4;
	vm15 =	vgt.f32 v3, $0.0e+00;
	v0 =	vsel vm14, v1, v61  }
0x196: {  	p1 =	sgt.u32 s9, $0x983;
	[tilespmem:s11+$0x1D6E8] =	vst v0;
	v63 =	vsel vm15, v2, v62  }
.Ltmp10:
0x197: {  	s19 =	sadd.s32 s6, s13;
	[tilespmem:s7+$0x1D6E8] =	vst v63;
	(pc) =	sbr.rel @p1 .LBB2_17-.Ltmp10, $4  }
0x198: {  	[hbm4b:s19+s3] =	stream.linear.scatter [tilespmem:s21], [sflag:$0xA], $0x190, $0x38;
	[tilespmem:$0x1D878] =	vst v63  }
0x199: {  	_ =	swait.ge [sflag:s29], $0x190  }
0x19a: {  	[sflag:s29] =	ssyncset.done $0x0  }
0x19b: {  	[sflag:s29] =	ssyncadd.s32 $0xFFFFFE70  }
0x19c: {  	s7 =	smul.u32 $0x190, s9;
	_ =	sdelay $0x1  }
0x19d: {  	s7 =	sshrl.u32 s7, $0x3  }
0x19e: {  	s7 =	sadd.s32 s5, s7  }
0x19f: {  	s10 =	simm.s32 $0x0;
	s12 =	sadd.s32 $0xC80, s7  }
0x1a0: {  	[tilespmem:s14], [sflag:$0xA] =	stream.linear.gather [hbm4b:s12+s10], $0x190, $0x38;
	[tilespmem:$0x1D878] =	vst v63  }
0x1a1: {  	_ =	swait.ge [sflag:s29], $0x190  }
0x1a2: {  	[sflag:s29] =	ssyncset.done $0x0  }
0x1a3: {  	s13 =	sadd.s32 $0x1F4C8, s7;
	[sflag:s29] =	ssyncadd.s32 $0xFFFFFE70  }
0x1a4: {  	[tilespmem:s16], [sflag:$0xA] =	stream.linear.gather [hbm4b:s13+s10], $0x190, $0x38;
	[tilespmem:$0x1D878] =	vst v63  }
0x1a5: {  	_ =	swait.ge [sflag:s29], $0x190  }
0x1a6: {  	[sflag:s29] =	ssyncset.done $0x0  }
0x1a7: {  	s19 =	sadd.s32 $0x3DD10, s7;
	[sflag:s29] =	ssyncadd.s32 $0xFFFFFE70  }
0x1a8: {  	[tilespmem:s17], [sflag:$0xA] =	stream.linear.gather [hbm4b:s19+s10], $0x190, $0x38;
	[tilespmem:$0x1D878] =	vst v63  }
0x1a9: {  	_ =	swait.ge [sflag:s29], $0x190  }
0x1aa: {  	[sflag:s29] =	ssyncset.done $0x0  }
0x1ab: {  	s7 =	sadd.s32 $0x5C558, s7;
	[sflag:s29] =	ssyncadd.s32 $0xFFFFFE70  }
0x1ac: {  	[tilespmem:s18], [sflag:$0xA] =	stream.linear.gather [hbm4b:s7+s10], $0x190, $0x38;
	[tilespmem:$0x1D878] =	vst v63  }
0x1ad: {  	_ =	swait.ge [sflag:s29], $0x190  }
0x1ae: {  	[sflag:s29] =	ssyncset.done $0x0  }
0x1af: {  	s7 =	simm.s32 $0x0;
	[sflag:s29] =	ssyncadd.s32 $0xFFFFFE70  }
0x1b0: {  	v3 =	vld [tilespmem:s7+$0x172E8]  }
0x1b1: {  	v0 =	vld [tilespmem:s7+$0x16E38];
	_ =	sdelay $0x1  }
0x1b2: {  	v1 =	vld [tilespmem:s7+$0x16FC8];
	_ =	sdelay $0x1  }
0x1b3: {  	v2 =	vld [tilespmem:s7+$0x17158];
	[tilespmem:s7+$0x18288] =	vst v3;
	v4 =	vadd.s32 $0xF4240, v3  }
0x1b4: {  	v5 =	vadd.s32 $0x7A120, v0;
	[tilespmem:s7+$0x185A8] =	vst v4  }
0x1b5: {  	v4 =	vadd.s32 $0xF4240, v0;
	[tilespmem:s7+$0x17608] =	vst v5  }
0x1b6: {  	v5 =	vadd.s32 $0x7A120, v1;
	[tilespmem:s7+$0x17798] =	vst v4  }
0x1b7: {  	v4 =	vadd.s32 $0xF4240, v1;
	[tilespmem:s7+$0x17AB8] =	vst v5  }
0x1b8: {  	v5 =	vadd.s32 $0x7A120, v2;
	[tilespmem:s7+$0x17C48] =	vst v4  }
0x1b9: {  	s9 =	simm.s32 $0x10;
	s10 =	simm.s32 $0x80;
	v3 =	vadd.s32 $0x7A120, v3;
	v4 =	vadd.s32 $0xF4240, v2;
	[tilespmem:s7+$0x17F68] =	vst v5  }
.LBB2_15:
0x1ba: {  	p0 =	seq.s32 s10, $0x600;
	v5 =	vld [tilespmem:s9+$0x172E8];
	[tilespmem:s7+$0x180F8] =	vst v4  }
0x1bb: {  	v4 =	vld [tilespmem:s9+$0x16E38];
	[tilespmem:s7+$0x18418] =	vst v3  }
0x1bc: {  	v6 =	vld [tilespmem:s9+$0x16FC8];
	[tilespmem:s7+$0x17478] =	vst v0  }
0x1bd: {  	v7 =	vld [tilespmem:s9+$0x17158];
	[tilespmem:s7+$0x17928] =	vst v1  }
0x1be: {  	[tilespmem:s7+$0x17DD8] =	vst v2;
	s7 =	smov.u32 s9  }
0x1bf: {  	[tilespmem:s7+$0x18288] =	vst v5;
	v3 =	vadd.s32 $0x7A120, v5;
	v5 =	vadd.s32 $0xF4240, v5  }
0x1c0: {  	v9 =	vadd.s32 $0x7A120, v4;
	v10 =	vadd.s32 $0xF4240, v4;
	[tilespmem:s7+$0x185A8] =	vst v5;
	v0 =	vmov v4  }
.Ltmp11:
0x1c1: {  	[tilespmem:s7+$0x17608] =	vst v9;
	v5 =	vadd.s32 $0x7A120, v6;
	v8 =	vadd.s32 $0xF4240, v6;
	v1 =	vmov v6;
	(pc) =	sbr.rel @!p0 .LBB2_15-.Ltmp11, $4  }
0x1c2: {  	[tilespmem:s7+$0x17798] =	vst v10;
	v6 =	vadd.s32 $0x7A120, v7;
	v4 =	vadd.s32 $0xF4240, v7;
	v2 =	vmov v7  }
0x1c3: {  	[tilespmem:s7+$0x17AB8] =	vst v5  }
0x1c4: {  	[tilespmem:s7+$0x17C48] =	vst v8  }
0x1c5: {  	s9 =	sshra.s32 s10, $0x2;
	s10 =	sadd.s32 $0x40, s10;
	[tilespmem:s7+$0x17F68] =	vst v6  }
0x1c6: {  	v5 =	vld [tilespmem:s9+$0x172E8];
	[tilespmem:s7+$0x180F8] =	vst v4  }
0x1c7: {  	v4 =	vld [tilespmem:s9+$0x16E38];
	[tilespmem:s7+$0x18418] =	vst v3  }
0x1c8: {  	v3 =	vld [tilespmem:s9+$0x16FC8];
	[tilespmem:s7+$0x17478] =	vst v0  }
0x1c9: {  	v0 =	vld [tilespmem:s9+$0x17158];
	[tilespmem:s7+$0x17928] =	vst v1  }
0x1ca: {  	[tilespmem:s7+$0x17DD8] =	vst v2  }
0x1cb: {  	[tilespmem:s9+$0x18288] =	vst v5;
	v56 =	vadd.s32 $0xF4240, v5  }
0x1cc: {  	v63 =	vadd.s32 $0x7A120, v5;
	[tilespmem:s9+$0x185A8] =	vst v56  }
0x1cd: {  	[tilespmem:s9+$0x18418] =	vst v63  }
0x1ce: {  	v57 =	vadd.s32 $0x7A120, v4;
	[tilespmem:s9+$0x17478] =	vst v4  }
0x1cf: {  	v58 =	vadd.s32 $0xF4240, v4;
	[tilespmem:s9+$0x17608] =	vst v57  }
0x1d0: {  	[tilespmem:s9+$0x17798] =	vst v58  }
0x1d1: {  	v59 =	vadd.s32 $0x7A120, v3;
	[tilespmem:s9+$0x17928] =	vst v3  }
.Ltmp12:
0x1d2: {  	v60 =	vadd.s32 $0xF4240, v3;
	[tilespmem:s9+$0x17AB8] =	vst v59;
	(pc) =	sbr.rel .LBB2_18-.Ltmp12, $4  }
0x1d3: {  	[tilespmem:s9+$0x17C48] =	vst v60  }
0x1d4: {  	v61 =	vadd.s32 $0x7A120, v0;
	[tilespmem:s9+$0x17DD8] =	vst v0  }
0x1d5: {  	v62 =	vadd.s32 $0xF4240, v0;
	[tilespmem:s9+$0x17F68] =	vst v61  }
0x1d6: {  	[tilespmem:s9+$0x180F8] =	vst v62  }
.LBB2_17:
.Ltmp13:
0x1d7: {  	(pc) =	sbr.rel @p0 .LBB2_21-.Ltmp13, $1  }
0x1d8: {  	_ =	sdelay $0x3  }
.LBB2_18:
0x1d9: {  	_ =	swait.ge [sflag:s22], $0x4B0  }
0x1da: {  	[sflag:s22] =	ssyncset.done $0x0  }
0x1db: {  	[sflag:s22] =	ssyncadd.s32 $0xFFFFFB50  }
0x1dc: {  	_ =	swait.ge [sflag:s23], $0x4B0  }
0x1dd: {  	[sflag:s23] =	ssyncset.done $0x0  }
0x1de: {  	[sflag:s23] =	ssyncadd.s32 $0xFFFFFB50  }
0x1df: {  	_ =	swait.ge [sflag:s24], $0x4B0  }
0x1e0: {  	[sflag:s24] =	ssyncset.done $0x0  }
0x1e1: {  	[sflag:s24] =	ssyncadd.s32 $0xFFFFFB50  }
0x1e2: {  	_ =	swait.ge [sflag:s25], $0x4B0  }
0x1e3: {  	s7 =	simm.s32 @!p1 $0x4B0;
	[sflag:s25] =	ssyncset.done $0x0  }
0x1e4: {  	s9 =	simm.s32 @!p1 $0x17478;
	s10 =	simm.s32 @!p1 $0x199F8;
	[sflag:s25] =	ssyncadd.s32 $0xFFFFFB50  }
0x1e5: {  	[tilespmem:s10], [sflag:$0x1] =	stream.indirect.gather @!p1 [spmem:s2], $0x1, s9, s7, $0xb8;
	[tilespmem:$0x1D878] =	vst v63  }
0x1e6: {  	s9 =	simm.s32 @!p1 $0x17928;
	s10 =	simm.s32 @!p1 $0x19EA8  }
0x1e7: {  	[tilespmem:s10], [sflag:$0x2] =	stream.indirect.gather @!p1 [spmem:s2], $0x1, s9, s7, $0xb8;
	[tilespmem:$0x1D878] =	vst v63  }
0x1e8: {  	s9 =	simm.s32 @!p1 $0x17DD8;
	s10 =	simm.s32 @!p1 $0x1A358  }
0x1e9: {  	[tilespmem:s10], [sflag:$0x3] =	stream.indirect.gather @!p1 [spmem:s2], $0x1, s9, s7, $0xb8;
	[tilespmem:$0x1D878] =	vst v63  }
0x1ea: {  	s9 =	simm.s32 @!p1 $0x18288;
	s10 =	simm.s32 @!p1 $0x1A808  }
0x1eb: {  	[tilespmem:s10], [sflag:$0x4] =	stream.indirect.gather @!p1 [spmem:s2], $0x1, s9, s7, $0xb8;
	[tilespmem:$0x1D878] =	vst v63  }
0x1ec: {  	s9 =	simm.s32 $0x0  }
0x1ed: {  	v0 =	vld [tilespmem:s9+$0x1ACB8]  }
0x1ee: {  	v1 =	vld [tilespmem:s9+$0x1B168]  }
0x1ef: {  	v2 =	vld [tilespmem:s9+$0x1AE48]  }
0x1f0: {  	v3 =	vld [tilespmem:s9+$0x1B2F8]  }
0x1f1: {  	v4 =	vld [tilespmem:s9+$0x1B488]  }
0x1f2: {  	v5 =	vld [tilespmem:s9+$0x1B618]  }
0x1f3: {  	v6 =	vld [tilespmem:s9+$0x1B7A8]  }
0x1f4: {  	v7 =	vld [tilespmem:s9+$0x1B938]  }
0x1f5: {  	v8 =	vld [tilespmem:s9+$0x1AFD8]  }
0x1f6: {  	v9 =	vld [tilespmem:s9+$0x1BC58]  }
0x1f7: {  	v10 =	vld [tilespmem:s9+$0x1BDE8]  }
0x1f8: {  	v11 =	vld [tilespmem:s9+$0x1BAC8];
	v0 =	vsub.f32 v1, v0;
	v2 =	vsub.f32 v3, v2  }
0x1f9: {  	v12 =	vsub.f32 v5, v1;
	v3 =	vsub.f32 v6, v3  }
0x1fa: {  	v13 =	vsub.f32 v7, v4;
	v14 =	vsub.f32 v4, v8  }
0x1fb: {  	v1 =	vsub.f32 v9, v6;
	v6 =	vmul.f32 v3, v0;
	v9 =	vmul.f32 v12, v2  }
0x1fc: {  	v8 =	vsub.f32 v10, v7;
	v2 =	vmul.f32 v13, v2;
	v15 =	vmul.f32 v3, v14  }
0x1fd: {  	v4 =	vsub.f32 v11, v5;
	v5 =	vmul.f32 v12, v14;
	v7 =	vmul.f32 v13, v0  }
0x1fe: {  	v10 =	vmul.f32 v8, v3;
	v11 =	vmul.f32 v1, v13  }
0x1ff: {  	v13 =	vmul.f32 v4, v13;
	v14 =	vmul.f32 v8, v12  }
0x200: {  	v12 =	vmul.f32 v1, v12;
	v0 =	vsub.f32 v2, v15;
	v2 =	vsub.f32 v5, v7  }
0x201: {  	v17 =	vsub.f32 v10, v11;
	v5 =	vmul.f32 v4, v3;
	v13 =	vsub.f32 v13, v14  }
0x202: {  	v3 =	vsub.f32 v6, v9;
	v7 =	vmul.f32 v0, v0;
	v10 =	vmul.f32 v2, v2  }
0x203: {  	v11 =	vmul.f32 v17, v17;
	v6 =	vmul.f32 v13, v13;
	v12 =	vsub.f32 v12, v5  }
0x204: {  	v5 =	vadd.f32 v10, v7  }
0x205: {  	v7 =	vmul.f32 v3, v3;
	v6 =	vadd.f32 v6, v11;
	v9 =	vmul.f32 v12, v12;
	_ =	sdelay $0x1  }
0x206: {  	v5 =	vadd.f32 v5, v7;
	v6 =	vadd.f32 v6, v9;
	_ =	sdelay $0x1  }
0x207: {  	v11 =	vmul.f32 v6, v5;
	_ =	sdelay $0x1  }
0x208: {  	v5 =	vmax.f32 v11, $1.000000020e-35  }
0x209: {  	v6 =	vshra.s32 v5, $0x1;
	v7 =	vmul.f32 $5.000000000e-01, v5  }
0x20a: {  	s10 =	simm.s32 $0x10;
	v5 =	vsub.s32 $0x5F3759DF, v6  }
0x20b: {  	v16 =	vld [tilespmem:s10+$0x1B618];
	v6 =	vmul.f32 v5, v7  }
0x20c: {  	v19 =	vld [tilespmem:s10+$0x1B7A8]  }
0x20d: {  	v21 =	vld [tilespmem:s10+$0x1B938];
	v6 =	vmul.f32 v5, v6  }
0x20e: {  	v22 =	vld [tilespmem:s10+$0x1AFD8]  }
0x20f: {  	v14 =	vld [tilespmem:s10+$0x1AE48];
	v6 =	vsub.f32 $1.500000000e+00, v6  }
0x210: {  	v15 =	vld [tilespmem:s10+$0x1B2F8]  }
0x211: {  	v10 =	vld [tilespmem:s10+$0x1B168];
	v5 =	vmul.f32 v5, v6  }
0x212: {  	v9 =	vld [tilespmem:s10+$0x1ACB8]  }
0x213: {  	v6 =	vld [tilespmem:s10+$0x1B488];
	v18 =	vmul.f32 v5, v7  }
0x214: {  	v23 =	vld [tilespmem:s10+$0x1BDE8]  }
0x215: {  	v18 =	vmul.f32 v18, v5  }
0x216: {  	v14 =	vsub.f32 v15, v14;
	v15 =	vsub.f32 v19, v15  }
0x217: {  	v20 =	vld [tilespmem:s10+$0x1BC58];
	v25 =	vsub.f32 v16, v10;
	v18 =	vsub.f32 $1.500000000e+00, v18  }
0x218: {  	v9 =	vsub.f32 v10, v9;
	v10 =	vsub.f32 v21, v6  }
0x219: {  	v24 =	vld [tilespmem:s10+$0x1BAC8];
	v22 =	vsub.f32 v6, v22;
	v6 =	vsub.f32 v23, v21;
	v18 =	vmul.f32 v18, v5;
	_ =	sdelay $0x1  }
0x21a: {  	v23 =	vmul.f32 v6, v15;
	v7 =	vmul.f32 v18, v7  }
0x21b: {  	v5 =	vsub.f32 v20, v19;
	v19 =	vmul.f32 v15, v9;
	v20 =	vmul.f32 v25, v14  }
0x21c: {  	v14 =	vmul.f32 v10, v14;
	v21 =	vmul.f32 v7, v18  }
0x21d: {  	v9 =	vmul.f32 v10, v9;
	v26 =	vmul.f32 v5, v25;
	v7 =	vsub.f32 v24, v16  }
0x21e: {  	v16 =	vmul.f32 v15, v22;
	v22 =	vmul.f32 v25, v22;
	v21 =	vsub.f32 $1.500000000e+00, v21  }
0x21f: {  	v24 =	vmul.f32 v5, v10;
	v27 =	vmul.f32 v7, v10  }
0x220: {  	v10 =	vsub.f32 v14, v16;
	v14 =	vmul.f32 v6, v25;
	v18 =	vmul.f32 v21, v18  }
0x221: {  	v9 =	vsub.f32 v22, v9;
	v21 =	vmul.f32 v7, v15;
	v15 =	vsub.f32 v23, v24  }
0x222: {  	v22 =	vmul.f32 v10, v10;
	v16 =	vsub.f32 v27, v14;
	v14 =	vmul.f32 v18, v11  }
0x223: {  	v18 =	vmul.f32 v9, v9;
	v23 =	vmul.f32 v15, v15;
	v11 =	vsub.f32 v19, v20  }
0x224: {  	v20 =	vmul.f32 v16, v16;
	v19 =	vsub.f32 v26, v21;
	(erf) = vrcp.f32 v14  }
0x225: {  	v14 =	vadd.f32 v18, v22  }
0x226: {  	v18 =	vmul.f32 v11, v11;
	v20 =	vadd.f32 v20, v23;
	v21 =	vmul.f32 v19, v19  }
0x227: {  	s7 =	simm.s32 $0x20;
	v17 =	vmul.f32 v17, v0;
	v13 =	vmul.f32 v13, v2  }
0x228: {  	v37 =	vld [tilespmem:s7+$0x1B938];
	v14 =	vadd.f32 v14, v18;
	v20 =	vadd.f32 v20, v21  }
0x229: {  	v13 =	vadd.f32 v13, v17;
	v17 =	vld [tilespmem:s7+$0x1B488]  }
0x22a: {  	v12 =	vmul.f32 v12, v3;
	v25 =	vld [tilespmem:s7+$0x1B7A8];
	v21 =	vmul.f32 v20, v14  }
0x22b: {  	v26 =	vld [tilespmem:s7+$0x1B618]  }
0x22c: {  	v12 =	vadd.f32 v13, v12;
	v22 =	vld [tilespmem:s7+$0x1B168];
	v20 =	vmax.f32 v21, $1.000000020e-35  }
0x22d: {  	v18 =	vld [tilespmem:s7+$0x1ACB8];
	v24 =	vshra.s32 v20, $0x1;
	v35 =	vmul.f32 $5.000000000e-01, v20;
	v13 =	vpop (erf)  }
0x22e: {  	v23 =	vld [tilespmem:s7+$0x1AE48];
	v27 =	vsub.s32 $0x5F3759DF, v24;
	v12 =	vmul.f32 v13, v12  }
0x22f: {  	v14 =	vld [tilespmem:s7+$0x1B2F8];
	v13 =	vmul.f32 v27, v35  }
0x230: {  	v29 =	vld [tilespmem:s7+$0x1BC58];
	v12 =	vmax.f32 v12, $-1.000000000e+00  }
0x231: {  	v28 =	vsub.f32 v37, v17;
	v13 =	vmul.f32 v27, v13;
	v12 =	vmin.f32 v12, $1.000000000e+00  }
0x232: {  	v38 =	vsub.f32 v22, v18;
	v24 =	vsub.f32 v26, v22;
	v20 =	vand.u32 $0x7FFFFFFF, v12  }
0x233: {  	v22 =	vsub.f32 $1.500000000e+00, v13;
	v18 =	vsub.f32 $1.000000000e+00, v20  }
0x234: {  	v31 =	vld [tilespmem:s7+$0x1BAC8];
	v30 =	vsub.f32 v14, v23;
	v23 =	vsub.f32 v25, v14  }
0x235: {  	v32 =	vld [tilespmem:s7+$0x1AFD8];
	v13 =	vsub.f32 v29, v25;
	v39 =	vmul.f32 v27, v22;
	v14 =	vmax.f32 v18, $1.000000000e-30  }
0x236: {  	v27 =	vshra.s32 v14, $0x1;
	v22 =	vmul.f32 $5.000000000e-01, v14;
	v14 =	vmul.f32 $-1.262491100e-03, v20  }
0x237: {  	v25 =	vmul.f32 v23, v38;
	v33 =	vmul.f32 v39, v35;
	v40 =	vsub.s32 $0x5F3759DF, v27  }
0x238: {  	v29 =	vmul.f32 v13, v24;
	v34 =	vmul.f32 v40, v22;
	v36 =	vadd.f32 $6.670089900e-03, v14  }
0x239: {  	v41 =	vld [tilespmem:s7+$0x1BDE8];
	v27 =	vmul.f32 v24, v30;
	v14 =	vsub.f32 v31, v26;
	v26 =	vmul.f32 v33, v39  }
0x23a: {  	v17 =	vsub.f32 v17, v32;
	v31 =	vmul.f32 v40, v34;
	v63 =	vmul.f32 v36, v20  }
0x23b: {  	v33 =	vmul.f32 v28, v30;
	v30 =	vmul.f32 v14, v23;
	v26 =	vsub.f32 $1.500000000e+00, v26  }
0x23c: {  	v36 =	vmul.f32 v23, v17;
	v31 =	vsub.f32 $1.500000000e+00, v31;
	v42 =	vadd.f32 $-1.708812640e-02, v63  }
0x23d: {  	v34 =	vmul.f32 v24, v17;
	v32 =	vmul.f32 v26, v39  }
0x23e: {  	v17 =	vsub.f32 v41, v37;
	v26 =	vmul.f32 v40, v31;
	v31 =	vmul.f32 v42, v20  }
0x23f: {  	s11 =	simm.s32 $0xC0;
	v37 =	vmul.f32 v28, v38;
	v35 =	vmul.f32 v32, v35  }
.LBB2_19:
0x240: {  	p0 =	sne.s32 s11, $0x600;
	v23 =	vmul.f32 v17, v23;
	v38 =	vmul.f32 v26, v22;
	v31 =	vadd.f32 $3.089188040e-02, v31  }
0x241: {  	v39 =	vmul.f32 v13, v28;
	v35 =	vmul.f32 v35, v32  }
0x242: {  	v38 =	vmul.f32 v38, v26;
	v31 =	vmul.f32 v31, v20  }
0x243: {  	v33 =	vsub.f32 v33, v36;
	v28 =	vmul.f32 v14, v28;
	v35 =	vsub.f32 $1.500000000e+00, v35  }
0x244: {  	v24 =	vmul.f32 v17, v24;
	v36 =	vsub.f32 $1.500000000e+00, v38;
	v31 =	vadd.f32 $-5.017430340e-02, v31  }
0x245: {  	v34 =	vsub.f32 v34, v37;
	v37 =	vmul.f32 v33, v33;
	v32 =	vmul.f32 v35, v32  }
0x246: {  	v23 =	vsub.f32 v23, v39;
	v26 =	vmul.f32 v36, v26;
	v31 =	vmul.f32 v31, v20  }
0x247: {  	v24 =	vsub.f32 v28, v24;
	v28 =	vmul.f32 v34, v34;
	v21 =	vmul.f32 v32, v21  }
0x248: {  	v32 =	vmul.f32 v23, v23;
	v22 =	vmul.f32 v26, v22;
	v31 =	vadd.f32 $8.897899090e-02, v31  }
0x249: {  	v25 =	vsub.f32 v25, v27;
	v27 =	vmul.f32 v24, v24;
	(erf) = vrcp.f32 v21  }
0x24a: {  	s12 =	sshra.s32 s11, $0x2;
	v29 =	vsub.f32 v29, v30;
	v21 =	vmul.f32 v22, v26;
	v22 =	vmul.f32 v31, v20  }
0x24b: {  	v28 =	vadd.f32 v28, v37;
	v27 =	vadd.f32 v27, v32;
	v31 =	vmul.f32 v25, v25;
	v30 =	vld [tilespmem:s12+$0x1ACB8]  }
0x24c: {  	v35 =	vmul.f32 v29, v29;
	v32 =	vld [tilespmem:s12+$0x1B168];
	v21 =	vsub.f32 $1.500000000e+00, v21;
	v22 =	vadd.f32 $-2.145988050e-01, v22  }
0x24d: {  	v36 =	vmul.f32 v16, v9;
	v28 =	vadd.f32 v28, v31;
	v31 =	vmul.f32 v15, v10;
	v15 =	vmovc v23  }
0x24e: {  	v16 =	vmovc v24;
	v23 =	vadd.f32 v27, v35;
	v26 =	vmul.f32 v21, v26;
	v20 =	vmul.f32 v22, v20  }
0x24f: {  	v8 =	vmul.f32 v8, v3;
	v3 =	vmovc v11;
	v27 =	vmul.f32 v19, v11;
	v36 =	vadd.f32 v36, v31;
	v22 =	vld [tilespmem:s12+$0x1AE48]  }
0x250: {  	v11 =	vmovc v25;
	v19 =	vmovc v29;
	v21 =	vmul.f32 v23, v28;
	v31 =	vld [tilespmem:s12+$0x1B2F8];
	v18 =	vmul.f32 v26, v18;
	v20 =	vadd.f32 $1.570796250e+00, v20  }
0x251: {  	v4 =	vmul.f32 v0, v4;
	v0 =	vmovc v10;
	v37 =	vmul.f32 v1, v2;
	v35 =	vsub.f32 v32, v30  }
0x252: {  	v28 =	vmax.f32 v21, $1.000000020e-35;
	v23 =	vadd.f32 v36, v27;
	v26 =	vld [tilespmem:s12+$0x1B488];
	v24 =	vpop (erf);
	v18 =	vmul.f32 v18, v20  }
0x253: {  	v2 =	vmovc v9;
	v25 =	vadd.f32 v37, v4;
	v10 =	vmovc v33;
	v38 =	vmul.f32 $5.000000000e-01, v28;
	v20 =	vshra.s32 v28, $0x1;
	v29 =	vld [tilespmem:s12+$0x1B618]  }
0x254: {  	v1 =	vmovc v5;
	v9 =	vmovc v34;
	v30 =	vsub.s32 $0x5F3759DF, v20;
	v20 =	vmul.f32 v24, v23;
	v27 =	vld [tilespmem:s12+$0x1B7A8];
	v23 =	vsub.f32 $3.141592740e+00, v18  }
0x255: {  	vm0 =	vge.f32 v12, $0.0e+00;
	v5 =	vmovc v13;
	v4 =	vmovc v7;
	v37 =	vld [tilespmem:s12+$0x1B938];
	v33 =	vsub.f32 v31, v22;
	v22 =	vmul.f32 v30, v38  }
0x256: {  	v7 =	vmovc v14;
	v25 =	vadd.f32 v8, v25;
	v8 =	vmovc v6;
	v12 =	vmax.f32 v20, $-1.000000000e+00;
	v13 =	vld [tilespmem:s12+$0x1BC58];
	v23 =	vsel vm0, v18, v23  }
0x257: {  	v6 =	vmovc v17;
	v12 =	vmin.f32 v12, $1.000000000e+00;
	v14 =	vmul.f32 v30, v22;
	v22 =	vsub.f32 $0.0e+00, v23  }
0x258: {  	vm0 =	vgt.f32 v25, $0.0e+00;
	v20 =	vand.u32 $0x7FFFFFFF, v12;
	v24 =	vsub.f32 v29, v32  }
0x259: {  	v18 =	vsub.f32 $1.000000000e+00, v20;
	v14 =	vsub.f32 $1.500000000e+00, v14;
	v17 =	vsel vm0, v23, v22  }
0x25a: {  	v23 =	vsub.f32 v27, v31;
	v32 =	vld [tilespmem:s12+$0x1BAC8];
	v28 =	vsub.f32 v37, v26;
	[tilespmem:s9+$0x1D6E8] =	vst v17;
	s9 =	smov.u32 s10;
	s10 =	smov.u32 s7;
	s7 =	smov.u32 s12  }
0x25b: {  	v17 =	vld [tilespmem:s7+$0x1AFD8];
	v13 =	vsub.f32 v13, v27;
	v31 =	vmul.f32 v30, v14;
	v14 =	vmax.f32 v18, $1.000000000e-30  }
0x25c: {  	v27 =	vshra.s32 v14, $0x1;
	v22 =	vmul.f32 $5.000000000e-01, v14;
	v14 =	vmul.f32 $-1.262491100e-03, v20  }
0x25d: {  	v25 =	vmul.f32 v23, v35;
	v30 =	vmul.f32 v31, v38;
	v39 =	vsub.s32 $0x5F3759DF, v27  }
0x25e: {  	v27 =	vmul.f32 v24, v33;
	v34 =	vmul.f32 v39, v22;
	v36 =	vadd.f32 $6.670089900e-03, v14  }
0x25f: {  	v40 =	vld [tilespmem:s7+$0x1BDE8];
	v14 =	vsub.f32 v32, v29;
	v29 =	vmul.f32 v13, v24;
	v32 =	vmul.f32 v30, v31  }
0x260: {  	v17 =	vsub.f32 v26, v17;
	v26 =	vmul.f32 v39, v34;
	v34 =	vmul.f32 v36, v20  }
.Ltmp14:
0x261: {  	v33 =	vmul.f32 v28, v33;
	v30 =	vmul.f32 v14, v23;
	v32 =	vsub.f32 $1.500000000e+00, v32;
	(pc) =	sbr.rel @p0 .LBB2_19-.Ltmp14, $4  }
0x262: {  	v36 =	vmul.f32 v23, v17;
	v26 =	vsub.f32 $1.500000000e+00, v26;
	v41 =	vadd.f32 $-1.708812640e-02, v34  }
0x263: {  	v34 =	vmul.f32 v24, v17;
	v32 =	vmul.f32 v32, v31  }
0x264: {  	v17 =	vsub.f32 v40, v37;
	v26 =	vmul.f32 v39, v26;
	v31 =	vmul.f32 v41, v20  }
0x265: {  	s11 =	sadd.s32 $0x40, s11;
	v37 =	vmul.f32 v28, v35;
	v35 =	vmul.f32 v32, v38  }
0x266: {  	v38 =	vmul.f32 v17, v23;
	v39 =	vmul.f32 v13, v28  }
0x267: {  	v52 =	vmul.f32 v14, v28;
	v53 =	vmul.f32 v17, v24  }
0x268: {  	v23 =	vsub.f32 v33, v36;
	v24 =	vsub.f32 v34, v37  }
0x269: {  	v54 =	vsub.f32 v38, v39;
	v28 =	vsub.f32 v52, v53  }
0x26a: {  	v25 =	vsub.f32 v25, v27;
	v36 =	vmul.f32 v23, v23;
	v55 =	vmul.f32 v24, v24  }
0x26b: {  	v29 =	vsub.f32 v29, v30;
	v56 =	vmul.f32 v54, v54;
	v57 =	vmul.f32 v28, v28  }
0x26c: {  	v59 =	vmul.f32 v25, v25  }
0x26d: {  	v60 =	vmul.f32 v29, v29;
	v58 =	vadd.f32 v55, v36;
	v27 =	vadd.f32 v57, v56;
	_ =	sdelay $0x1  }
0x26e: {  	v30 =	vadd.f32 v58, v59;
	v27 =	vadd.f32 v27, v60;
	_ =	sdelay $0x1  }
0x26f: {  	v27 =	vmul.f32 v27, v30;
	_ =	sdelay $0x1  }
0x270: {  	v30 =	vmax.f32 v27, $1.000000020e-35  }
0x271: {  	v61 =	vshra.s32 v30, $0x1;
	v30 =	vmul.f32 $5.000000000e-01, v30  }
0x272: {  	v33 =	vsub.s32 $0x5F3759DF, v61  }
0x273: {  	v62 =	vmul.f32 v33, v30;
	_ =	sdelay $0x1  }
0x274: {  	v36 =	vmul.f32 v33, v62;
	_ =	sdelay $0x1  }
0x275: {  	v36 =	vsub.f32 $1.500000000e+00, v36;
	_ =	sdelay $0x1  }
0x276: {  	v33 =	vmul.f32 v33, v36;
	_ =	sdelay $0x1  }
0x277: {  	v36 =	vmul.f32 v33, v30;
	_ =	sdelay $0x1  }
0x278: {  	v36 =	vmul.f32 v36, v33;
	_ =	sdelay $0x1  }
0x279: {  	v36 =	vsub.f32 $1.500000000e+00, v36;
	_ =	sdelay $0x1  }
0x27a: {  	v33 =	vmul.f32 v36, v33;
	_ =	sdelay $0x1  }
0x27b: {  	v35 =	vmul.f32 v35, v32;
	v30 =	vmul.f32 v33, v30;
	_ =	sdelay $0x1  }
0x27c: {  	v35 =	vsub.f32 $1.500000000e+00, v35;
	v30 =	vmul.f32 v30, v33;
	_ =	sdelay $0x1  }
0x27d: {  	v63 =	vmul.f32 v35, v32;
	v30 =	vsub.f32 $1.500000000e+00, v30;
	_ =	sdelay $0x1  }
0x27e: {  	v21 =	vmul.f32 v63, v21;
	v32 =	vmul.f32 v30, v33;
	_ =	sdelay $0x1  }
0x27f: {  	(erf) = vrcp.f32 v21;
	v21 =	vmul.f32 v32, v27;
	_ =	sdelay $0x1  }
0x280: {  	(erf) = vrcp.f32 v21;
	_ =	sdelay $0x1  }
0x281: {  	v15 =	vmul.f32 v15, v10;
	v16 =	vmul.f32 v16, v9  }
0x282: {  	v34 =	vmul.f32 v54, v23  }
0x283: {  	v15 =	vadd.f32 v16, v15;
	v35 =	vmul.f32 v28, v24;
	v33 =	vmul.f32 v19, v11;
	_ =	sdelay $0x1  }
0x284: {  	v37 =	vmul.f32 v29, v25;
	v16 =	vadd.f32 v35, v34;
	v15 =	vadd.f32 v15, v33  }
0x285: {  	v36 =	vpop (erf)  }
0x286: {  	v16 =	vadd.f32 v16, v37;
	v15 =	vmul.f32 v36, v15  }
0x287: {  	v38 =	vpop (erf)  }
0x288: {  	v15 =	vmax.f32 v15, $-1.000000000e+00;
	v16 =	vmul.f32 v38, v16  }
0x289: {  	v41 =	vadd.f32 $3.089188040e-02, v31;
	v15 =	vmin.f32 v15, $1.000000000e+00  }
0x28a: {  	v3 =	vmul.f32 v8, v3;
	v21 =	vand.u32 $0x7FFFFFFF, v15;
	v16 =	vmax.f32 v16, $-1.000000000e+00  }
0x28b: {  	v0 =	vmul.f32 v0, v4;
	v19 =	vsub.f32 $1.000000000e+00, v21;
	v16 =	vmin.f32 v16, $1.000000000e+00  }
0x28c: {  	v1 =	vmul.f32 v1, v2;
	v6 =	vmul.f32 v6, v11;
	v31 =	vand.u32 $0x7FFFFFFF, v16  }
0x28d: {  	v7 =	vmul.f32 v10, v7;
	v40 =	vmax.f32 v19, $1.000000000e-30;
	v33 =	vsub.f32 $1.000000000e+00, v31  }
0x28e: {  	v39 =	vmul.f32 v26, v22;
	v43 =	vmul.f32 $-1.262491100e-03, v21;
	v42 =	vshra.s32 v40, $0x1  }
0x28f: {  	v28 =	vmul.f32 $5.000000000e-01, v40;
	v30 =	vsub.s32 $0x5F3759DF, v42;
	v45 =	vmax.f32 v33, $1.000000000e-30  }
0x290: {  	v47 =	vmul.f32 $-1.262491100e-03, v31;
	v46 =	vshra.s32 v45, $0x1;
	v35 =	vmul.f32 $5.000000000e-01, v45  }
0x291: {  	v32 =	vadd.f32 $6.670089900e-03, v43;
	v44 =	vmul.f32 v30, v28;
	v36 =	vsub.s32 $0x5F3759DF, v46  }
0x292: {  	v27 =	vmul.f32 v39, v26;
	v37 =	vadd.f32 $6.670089900e-03, v47;
	v48 =	vmul.f32 v36, v35  }
0x293: {  	v32 =	vmul.f32 v32, v21;
	v34 =	vmul.f32 v30, v44  }
0x294: {  	v27 =	vsub.f32 $1.500000000e+00, v27;
	v37 =	vmul.f32 v37, v31;
	v51 =	vmul.f32 v36, v48  }
0x295: {  	v5 =	vmul.f32 v5, v9;
	v32 =	vadd.f32 $-1.708812640e-02, v32;
	v50 =	vsub.f32 $1.500000000e+00, v34  }
0x296: {  	v49 =	vmul.f32 v27, v26;
	v54 =	vadd.f32 $-1.708812640e-02, v37;
	v53 =	vsub.f32 $1.500000000e+00, v51  }
0x297: {  	v52 =	vmul.f32 v32, v21;
	v27 =	vmul.f32 v30, v50  }
0x298: {  	vm0 =	vge.f32 v12, $0.0e+00;
	v34 =	vmul.f32 v54, v31;
	v32 =	vmul.f32 v36, v53  }
0x299: {  	v29 =	vmul.f32 v41, v20;
	v30 =	vadd.f32 $3.089188040e-02, v52;
	v56 =	vmul.f32 v27, v28  }
0x29a: {  	v55 =	vmul.f32 v49, v22;
	v34 =	vadd.f32 $3.089188040e-02, v34;
	v58 =	vmul.f32 v32, v35  }
0x29b: {  	v29 =	vadd.f32 $-5.017430340e-02, v29;
	v30 =	vmul.f32 v30, v21;
	v57 =	vmul.f32 v56, v27  }
0x29c: {  	v0 =	vadd.f32 v1, v0;
	v34 =	vmul.f32 v34, v31;
	v37 =	vmul.f32 v58, v32  }
0x29d: {  	v29 =	vmul.f32 v29, v20;
	v30 =	vadd.f32 $-5.017430340e-02, v30;
	v36 =	vsub.f32 $1.500000000e+00, v57  }
0x29e: {  	v22 =	vmul.f32 v55, v49;
	v34 =	vadd.f32 $-5.017430340e-02, v34;
	v61 =	vsub.f32 $1.500000000e+00, v37  }
0x29f: {  	v29 =	vadd.f32 $8.897899090e-02, v29;
	v60 =	vmul.f32 v30, v21;
	v59 =	vmul.f32 v36, v27  }
0x2a0: {  	v22 =	vsub.f32 $1.500000000e+00, v22;
	v36 =	vmul.f32 v34, v31;
	v63 =	vmul.f32 v61, v32  }
0x2a1: {  	v29 =	vmul.f32 v29, v20;
	v27 =	vadd.f32 $8.897899090e-02, v60;
	v28 =	vmul.f32 v59, v28  }
0x2a2: {  	v22 =	vmul.f32 v22, v49;
	v30 =	vadd.f32 $8.897899090e-02, v36;
	v38 =	vmul.f32 v63, v35  }
0x2a3: {  	v29 =	vadd.f32 $-2.145988050e-01, v29;
	v27 =	vmul.f32 v27, v21;
	v37 =	vmul.f32 v28, v59  }
0x2a4: {  	v5 =	vadd.f32 v5, v7;
	v42 =	vmul.f32 v30, v31;
	v41 =	vmul.f32 v38, v63  }
0x2a5: {  	v62 =	vmul.f32 v29, v20;
	v40 =	vadd.f32 $-2.145988050e-01, v27;
	v39 =	vsub.f32 $1.500000000e+00, v37  }
0x2a6: {  	v18 =	vmul.f32 v22, v18;
	v46 =	vadd.f32 $-2.145988050e-01, v42;
	v45 =	vsub.f32 $1.500000000e+00, v41  }
0x2a7: {  	v20 =	vadd.f32 $1.570796250e+00, v62;
	v44 =	vmul.f32 v40, v21;
	v43 =	vmul.f32 v39, v59  }
0x2a8: {  	v0 =	vadd.f32 v3, v0;
	v50 =	vmul.f32 v46, v31;
	v49 =	vmul.f32 v45, v63  }
0x2a9: {  	v18 =	vmul.f32 v18, v20;
	v48 =	vadd.f32 $1.570796250e+00, v44;
	v47 =	vmul.f32 v43, v19  }
0x2aa: {  	v5 =	vadd.f32 v6, v5;
	v53 =	vadd.f32 $1.570796250e+00, v50;
	v52 =	vmul.f32 v49, v33  }
0x2ab: {  	v56 =	vmul.f32 v23, v14;
	v51 =	vsub.f32 $3.141592740e+00, v18;
	v1 =	vmul.f32 v47, v48  }
0x2ac: {  	vm13 =	vgt.f32 v0, $0.0e+00;
	v57 =	vmul.f32 v13, v24;
	v2 =	vmul.f32 v52, v53  }
0x2ad: {  	vm11 =	vge.f32 v15, $0.0e+00;
	v54 =	vsel vm0, v18, v51;
	v55 =	vsub.f32 $3.141592740e+00, v1  }
0x2ae: {  	v3 =	vadd.f32 v57, v56;
	v59 =	vmul.f32 v17, v25;
	v58 =	vsub.f32 $3.141592740e+00, v2  }
0x2af: {  	vm12 =	vge.f32 v16, $0.0e+00;
	v60 =	vsub.f32 $0.0e+00, v54;
	v1 =	vsel vm11, v1, v55  }
0x2b0: {  	v3 =	vadd.f32 v59, v3;
	v61 =	vsub.f32 $0.0e+00, v1;
	v2 =	vsel vm12, v2, v58  }
0x2b1: {  	vm14 =	vgt.f32 v5, $0.0e+00;
	v4 =	vsel vm13, v54, v60;
	v62 =	vsub.f32 $0.0e+00, v2  }
0x2b2: {  	s8 =	smul.u32 $0x32, s8;
	[tilespmem:s9+$0x1D6E8] =	vst v4;
	vm15 =	vgt.f32 v3, $0.0e+00;
	v0 =	vsel vm14, v1, v61  }
0x2b3: {  	[tilespmem:s10+$0x1D6E8] =	vst v0;
	v63 =	vsel vm15, v2, v62  }
.Ltmp15:
0x2b4: {  	s19 =	sadd.s32 s6, s8;
	[tilespmem:s7+$0x1D6E8] =	vst v63;
	(pc) =	sbr.rel .LBB2_21-.Ltmp15, $4  }
0x2b5: {  	[hbm4b:s19+s3] =	stream.linear.scatter [tilespmem:s21], [sflag:$0x9], $0x190, $0x38;
	[tilespmem:$0x1D878] =	vst v63  }
0x2b6: {  	_ =	swait.ge [sflag:s15], $0x190  }
0x2b7: {  	[sflag:s15] =	ssyncset.done $0x0  }
0x2b8: {  	[sflag:s15] =	ssyncadd.s32 $0xFFFFFE70  }
.LBB2_23:
0x2b9: {  	_ =	sfence.sel $0x180000  }
0x2ba: {  	[bflag:$0x0] =	sbarrier.arrive $0xFFFF  }
0x2bb: {  	_ =	strace $0x90000047  }
0x2bc: {  	[bflag:$0x2] =	sbarrier.arrive $0xFFFF  }
0x2bd: {  	p0 =	sne.s32 s0, $0x0;
	s0 =	rddreg [dreg:$0x3]  }
0x2be: {  	s0 =	sadd.s32 @!p0 $0x100000, s0  }
0x2bf: {  	[sflag:s0] =	ssyncadd.tile.s32 @!p0 $0x1;
	_ =	shalt  }
.Lfunc_end2:
_tile_overlayer_lowered:
.L_overlay_start_2:
0x2c0: {  	(tag) =	ssettag $0x2  }
0x2c1: {  	s0 =	rddreg [dreg:$0x0];
	s2 =	stileid.u32  }
0x2c2: {  	s1 =	rddreg [dreg:$0x1];
	p0 =	sne.s32 s2, $0x0  }
0x2c3: {  	s3 =	rddreg [dreg:$0x2];
	[bflag:$0x3] =	sbarrier.arrive $0xFFFF;
	s2 =	simm.s32 @!p0 $0x1C09  }
0x2c4: {  	[timem:s3], [sflag:s2] =	dma.local @!p0 [hbm:s0], s1  }
0x2c5: {  	s0 =	simm.s32 @!p0 $0x9  }
0x2c6: {  	_ =	swait.ge @!p0 [sflag:s0], s1  }
0x2c7: {  	s1 =	ssub.s32 @!p0 $0x0, s1;
	[sflag:s0] =	ssyncset.done @!p0 $0x0  }
0x2c8: {  	[sflag:s0] =	ssyncadd.s32 @!p0 s1  }
0x2c9: {  	[bflag:$0x3] =	sbarrier.arrive $0xFFFF  }
0x2ca: {  	_ =	shalt  }

</sc_bundles>
